<compile_context>
chip_gen: v7x
topology: tpu7x:2x2x1
jax: 0.10.2.dev20260603
libtpu: 0.0.44.dev20260713+nightly
codegen_flags: <defaults>
</compile_context>

<pallas_src>
import jax
import jax.numpy as jnp
from jax import lax
from jax.experimental import pallas as pl
from jax.experimental.pallas import tpu as pltpu
from jax.experimental.pallas import tpu_sc as plsc

B, Np1, D, K = 8, 2048, 128, 16
NW = 32
NBLK = 4
DB = D // NBLK
G = 16
NG = Np1 // G


def _sc_body(psiT_hbm, idxT_hbm, qb_hbm, ctx_hbm, intf_hbm,
             tbl_v, idx_v, qb_v, ctx_v, intf_v):
    cid = lax.axis_index("c")
    sid = lax.axis_index("s")
    wid = sid * 2 + cid
    b = wid // NBLK
    pltpu.sync_copy(psiT_hbm.at[wid], tbl_v)
    pltpu.sync_copy(idxT_hbm.at[b], idx_v)
    pltpu.sync_copy(qb_hbm.at[wid], qb_v)

    def group(g, carry):
        sl = pl.ds(g * G, G)
        idxs = [idx_v[k, sl] for k in range(K)]
        iv = jnp.zeros((G,), jnp.float32)
        cv = jnp.zeros((G,), jnp.float32)
        for d in range(DB):
            dfull = jnp.full((G,), d, jnp.int32)
            vals = [plsc.load_gather(tbl_v, [dfull, idxs[k]]) for k in range(K)]
            while len(vals) > 1:
                vals = [vals[2 * m] + vals[2 * m + 1]
                        for m in range(len(vals) // 2)]
            own = tbl_v[d, sl]
            iv = iv + own * vals[0]
            cv = cv + own * qb_v[d]
        ctx_v[sl] = cv
        intf_v[sl] = iv
        return carry

    lax.fori_loop(0, NG, group, 0)
    pltpu.sync_copy(ctx_v, ctx_hbm.at[wid])
    pltpu.sync_copy(intf_v, intf_hbm.at[wid])


def _make_sc_pool():
    return pl.kernel(
        _sc_body,
        out_type=[
            jax.ShapeDtypeStruct((NW, Np1), jnp.float32),
            jax.ShapeDtypeStruct((NW, Np1), jnp.float32),
        ],
        mesh=plsc.VectorSubcoreMesh(core_axis_name="c", subcore_axis_name="s"),
        compiler_params=pltpu.CompilerParams(needs_layout_passes=False),
        scratch_types=[
            pltpu.VMEM((DB, Np1), jnp.float32),
            pltpu.VMEM((K, Np1), jnp.int32),
            pltpu.VMEM((DB, G), jnp.float32),
            pltpu.VMEM((Np1,), jnp.float32),
            pltpu.VMEM((Np1,), jnp.float32),
        ],
    )


_sc_cache = []


def _sc_pool(psiT, idxT, qb):
    if not _sc_cache:
        _sc_cache.append(_make_sc_pool())
    return _sc_cache[0](psiT, idxT, qb)


def _tc_body(ctxp_ref, intfp_ref, ax_ref, cur_ref, maskf_ref, par_ref,
             out_ref):
    lam = jnp.clip(par_ref[0], -0.5, 3.0)
    mu = jnp.clip(par_ref[1], 0.0, 10.0)
    ctx = jnp.sum(ctxp_ref[...], axis=1)
    intf = jnp.sum(intfp_ref[...], axis=1)
    d0 = ax_ref[0] - cur_ref[0]
    d1 = ax_ref[1] - cur_ref[1]
    dist = jnp.sqrt(d0 * d0 + d1 * d1)
    s = ctx + lam * intf - mu * dist
    s = jnp.where(maskf_ref[...] != 0.0, -1000000000.0, s)
    m = jnp.max(s, axis=1, keepdims=True)
    ls = s - m
    z = jnp.sum(jnp.exp(ls), axis=1, keepdims=True)
    out_ref[...] = ls - jnp.log(z)


def kernel(query, psi_prime, knn_indices, mask, current_coords, all_coords,
           lambda_param, mu_param):
    psiT = (psi_prime.reshape(B, Np1, NBLK, DB)
            .transpose(0, 2, 3, 1)
            .reshape(NW, DB, Np1))
    idxT = knn_indices.astype(jnp.int32).transpose(0, 2, 1)
    qb = jnp.broadcast_to(query.reshape(NW, DB, 1), (NW, DB, G))

    ctxp, intfp = _sc_pool(psiT, idxT, qb)
    ctxp = ctxp.reshape(B, NBLK, Np1)
    intfp = intfp.reshape(B, NBLK, Np1)

    ax_t = all_coords.transpose(2, 0, 1)
    cur_t = current_coords.T[:, :, None]
    maskf = mask.astype(jnp.float32)
    par = jnp.stack([lambda_param.astype(jnp.float32),
                     mu_param.astype(jnp.float32)])

    return pl.pallas_call(
        _tc_body,
        out_shape=jax.ShapeDtypeStruct((B, Np1), jnp.float32),
        in_specs=[
            pl.BlockSpec(memory_space=pltpu.VMEM),
            pl.BlockSpec(memory_space=pltpu.VMEM),
            pl.BlockSpec(memory_space=pltpu.VMEM),
            pl.BlockSpec(memory_space=pltpu.VMEM),
            pl.BlockSpec(memory_space=pltpu.VMEM),
            pl.BlockSpec(memory_space=pltpu.SMEM),
        ],
        out_specs=pl.BlockSpec(memory_space=pltpu.VMEM),
    )(ctxp, intfp, ax_t, cur_t, maskf, par)

# --- scband reference (transcript-rebuilt; emitter-appended) ---
"""Pipeline reference for scband-hybrid-scoring-87076166960129 (READ-ONLY COPY).

The authoritative reference and input builder live on the scoring server;
editing this copy changes nothing except your own understanding.
"""

import jax, jax.numpy as jnp
import numpy as np

B, Np1, D, K, CD = 8, 2048, 128, 16, 2


def setup_inputs(seed: int = 0) -> dict:
    key = jax.random.key(seed)
    ks = jax.random.split(key, 6)
    query = jax.random.normal(ks[0], (B, Np1, D), dtype=jnp.float32)
    # query is used as query.unsqueeze(1) in torch -> query is [B, D]
    query = jax.random.normal(ks[0], (B, D), dtype=jnp.float32)
    psi_prime = jax.random.normal(ks[1], (B, Np1, D), dtype=jnp.float32)
    knn_indices = jax.random.randint(ks[2], (B, Np1, K), 0, Np1)
    mask = jnp.zeros((B, Np1), dtype=bool)
    current_coords = jax.random.normal(ks[3], (B, CD), dtype=jnp.float32)
    all_coords = jax.random.normal(ks[4], (B, Np1, CD), dtype=jnp.float32)
    lambda_param = jnp.array(0.1, dtype=jnp.float32)
    mu_param = jnp.array(0.5, dtype=jnp.float32)
    return {
        "query": query,
        "psi_prime": psi_prime,
        "knn_indices": knn_indices,
        "mask": mask,
        "current_coords": current_coords,
        "all_coords": all_coords,
        "lambda_param": lambda_param,
        "mu_param": mu_param,
    }


def _eknn(psi_prime, knn_indices):
    b, np1, k = knn_indices.shape
    d = psi_prime.shape[-1]
    flat_idx = knn_indices.reshape(b, np1 * k)
    neighbors = jnp.take_along_axis(psi_prime, flat_idx[:, :, None], axis=1)
    neighbors = neighbors.reshape(b, np1, k, d)
    dots = (psi_prime[:, :, None, :] * neighbors).sum(axis=-1)
    return dots.sum(axis=-1)


def reference(query, psi_prime, knn_indices, mask, current_coords, all_coords, lambda_param, mu_param):
    context_scores = (psi_prime * query[:, None, :]).sum(axis=-1)
    interference = _eknn(psi_prime, knn_indices)
    diff = all_coords - current_coords[:, None, :]
    dist_to_nodes = jnp.sqrt((diff * diff).sum(axis=-1))
    mu_eff = jnp.clip(mu_param, 0.0, 10.0)
    lam_eff = jnp.clip(lambda_param, -0.5, 3.0)
    scores = context_scores + lam_eff * interference - mu_eff * dist_to_nodes
    scores = jnp.where(mask, -1000000000.0, scores)
    log_probs = jax.nn.log_softmax(scores, axis=-1)
    return log_probs

if __name__ == "__main__":
    import jax
    _d = setup_inputs()
    print(jax.jit(kernel)(*tuple(_d.values())))

</pallas_src>

<mosaic_0001>
#map = affine_map<(d0, d1) -> (0, 0, 0)>
#map1 = affine_map<(d0, d1) -> (0, 0)>
module attributes {stable_mosaic.version = 14 : i64} {
  func.func @_sc_body(%arg0: i32, %arg1: i32, %arg2: memref<32x32x2048xf32, #tpu.memory_space<hbm>>, %arg3: memref<8x16x2048xi32, #tpu.memory_space<hbm>>, %arg4: memref<32x32x16xf32, #tpu.memory_space<hbm>>, %arg5: memref<32x2048xf32, #tpu.memory_space<hbm>>, %arg6: memref<32x2048xf32, #tpu.memory_space<hbm>>, %arg7: memref<32x2048xf32, #tpu.memory_space<vmem>>, %arg8: memref<16x2048xi32, #tpu.memory_space<vmem>>, %arg9: memref<32x16xf32, #tpu.memory_space<vmem>>, %arg10: memref<2048xf32, #tpu.memory_space<vmem>>, %arg11: memref<2048xf32, #tpu.memory_space<vmem>>) attributes {dimension_semantics = [#tpu.dimension_semantics<core_parallel>, #tpu.dimension_semantics<subcore_parallel>], iteration_bounds = array<i64: 2, 16>, scalar_prefetch = 0 : i64, scratch_operands = 5 : i64, tpu.core_type = #tpu.core_type<sc_vector_subcore>, window_params = [{transform_indices = #map}, {transform_indices = #map}, {transform_indices = #map}, {transform_indices = #map1}, {transform_indices = #map1}]} {
    %mul3A = arith.constant 2 : i32
    %mul3A_0 = arith.muli %arg1, %mul3A : i32
    %add3A = arith.addi %mul3A_0, %arg0 : i32
    %jit3A = arith.constant 4 : i32
    %div3A = arith.divsi %add3A, %jit3A : i32
    %sign3A = arith.constant 0 : i32
    %sign3A_1 = arith.cmpi sgt, %add3A, %sign3A : i32
    %sign3A_2 = arith.extui %sign3A_1 : i1 to i32
    %sign3A_3 = arith.constant 0 : i32
    %sign3A_4 = arith.cmpi slt, %add3A, %sign3A_3 : i32
    %sign3A_5 = arith.extui %sign3A_4 : i1 to i32
    %sign3A_6 = arith.subi %sign3A_2, %sign3A_5 : i32
    %sign3A_7 = arith.constant 0 : i32
    %sign3A_8 = arith.cmpi sgt, %jit3A, %sign3A_7 : i32
    %sign3A_9 = arith.extui %sign3A_8 : i1 to i32
    %sign3A_10 = arith.constant 0 : i32
    %sign3A_11 = arith.cmpi slt, %jit3A, %sign3A_10 : i32
    %sign3A_12 = arith.extui %sign3A_11 : i1 to i32
    %sign3A_13 = arith.subi %sign3A_9, %sign3A_12 : i32
    %ne3A = arith.cmpi ne, %sign3A_6, %sign3A_13 : i32
    %rem3A = arith.remsi %add3A, %jit3A : i32
    %ne3A_14 = arith.constant 0 : i32
    %ne3A_15 = arith.cmpi ne, %rem3A, %ne3A_14 : i32
    %and3A = arith.andi %ne3A, %ne3A_15 : i1
    %sub3A = arith.constant 1 : i32
    %sub3A_16 = arith.subi %div3A, %sub3A : i32
    %select_n3A = arith.select %and3A, %sub3A_16, %div3A : i32
    "tpu.region"() ({
      %run_scoped3A = tpu.sem_alloc : memref<!tpu.dma_semaphore, #tpu.memory_space<semaphore_mem>>
      %dma_start3A = arith.constant 0 : i32
      %dma_start3A_22 = arith.constant 0 : i32
      %dma_start3A_23 = tpu.memref_slice %arg2[%add3A, %dma_start3A, %dma_start3A_22] : memref<32x32x2048xf32, #tpu.memory_space<hbm>> -> memref<1x32x2048xf32, #tpu.memory_space<hbm>>
      %dma_start3A_24 = tpu.memref_squeeze %dma_start3A_23 : memref<1x32x2048xf32, #tpu.memory_space<hbm>> -> memref<32x2048xf32, #tpu.memory_space<hbm>>
      %dma_start3A_25 = arith.constant 0 : i32
      %dma_start3A_26 = arith.constant 0 : i32
      %dma_start3A_27 = tpu.memref_slice %arg2[%add3A, %dma_start3A_25, %dma_start3A_26] : memref<32x32x2048xf32, #tpu.memory_space<hbm>> -> memref<1x32x2048xf32, #tpu.memory_space<hbm>>
      %dma_start3A_28 = tpu.memref_squeeze %dma_start3A_27 : memref<1x32x2048xf32, #tpu.memory_space<hbm>> -> memref<32x2048xf32, #tpu.memory_space<hbm>>
      tpu.enqueue_dma source(%dma_start3A_28 : memref<32x2048xf32, #tpu.memory_space<hbm>>) target(%arg7 : memref<32x2048xf32, #tpu.memory_space<vmem>>) target_semaphore(%run_scoped3A : memref<!tpu.dma_semaphore, #tpu.memory_space<semaphore_mem>>)
      %dma_wait3A = arith.constant 0 : i32
      %dma_wait3A_29 = arith.constant 0 : i32
      %dma_wait3A_30 = tpu.memref_slice %arg2[%add3A, %dma_wait3A, %dma_wait3A_29] : memref<32x32x2048xf32, #tpu.memory_space<hbm>> -> memref<1x32x2048xf32, #tpu.memory_space<hbm>>
      %dma_wait3A_31 = tpu.memref_squeeze %dma_wait3A_30 : memref<1x32x2048xf32, #tpu.memory_space<hbm>> -> memref<32x2048xf32, #tpu.memory_space<hbm>>
      %dma_wait3A_32 = arith.constant 0 : i32
      %dma_wait3A_33 = arith.constant 0 : i32
      %dma_wait3A_34 = tpu.memref_slice %arg2[%add3A, %dma_wait3A_32, %dma_wait3A_33] : memref<32x32x2048xf32, #tpu.memory_space<hbm>> -> memref<1x32x2048xf32, #tpu.memory_space<hbm>>
      %dma_wait3A_35 = tpu.memref_squeeze %dma_wait3A_34 : memref<1x32x2048xf32, #tpu.memory_space<hbm>> -> memref<32x2048xf32, #tpu.memory_space<hbm>>
      tpu.wait_dma2 semaphore(%run_scoped3A : memref<!tpu.dma_semaphore, #tpu.memory_space<semaphore_mem>>) src(%dma_wait3A_35 : memref<32x2048xf32, #tpu.memory_space<hbm>>) dst(%arg7 : memref<32x2048xf32, #tpu.memory_space<vmem>>)
      tpu.yield
    }) : () -> ()
    "tpu.region"() ({
      %run_scoped3A = tpu.sem_alloc : memref<!tpu.dma_semaphore, #tpu.memory_space<semaphore_mem>>
      %dma_start3A = arith.constant 0 : i32
      %dma_start3A_22 = arith.constant 0 : i32
      %dma_start3A_23 = tpu.memref_slice %arg3[%select_n3A, %dma_start3A, %dma_start3A_22] : memref<8x16x2048xi32, #tpu.memory_space<hbm>> -> memref<1x16x2048xi32, #tpu.memory_space<hbm>>
      %dma_start3A_24 = tpu.memref_squeeze %dma_start3A_23 : memref<1x16x2048xi32, #tpu.memory_space<hbm>> -> memref<16x2048xi32, #tpu.memory_space<hbm>>
      %dma_start3A_25 = arith.constant 0 : i32
      %dma_start3A_26 = arith.constant 0 : i32
      %dma_start3A_27 = tpu.memref_slice %arg3[%select_n3A, %dma_start3A_25, %dma_start3A_26] : memref<8x16x2048xi32, #tpu.memory_space<hbm>> -> memref<1x16x2048xi32, #tpu.memory_space<hbm>>
      %dma_start3A_28 = tpu.memref_squeeze %dma_start3A_27 : memref<1x16x2048xi32, #tpu.memory_space<hbm>> -> memref<16x2048xi32, #tpu.memory_space<hbm>>
      tpu.enqueue_dma source(%dma_start3A_28 : memref<16x2048xi32, #tpu.memory_space<hbm>>) target(%arg8 : memref<16x2048xi32, #tpu.memory_space<vmem>>) target_semaphore(%run_scoped3A : memref<!tpu.dma_semaphore, #tpu.memory_space<semaphore_mem>>)
      %dma_wait3A = arith.constant 0 : i32
      %dma_wait3A_29 = arith.constant 0 : i32
      %dma_wait3A_30 = tpu.memref_slice %arg3[%select_n3A, %dma_wait3A, %dma_wait3A_29] : memref<8x16x2048xi32, #tpu.memory_space<hbm>> -> memref<1x16x2048xi32, #tpu.memory_space<hbm>>
      %dma_wait3A_31 = tpu.memref_squeeze %dma_wait3A_30 : memref<1x16x2048xi32, #tpu.memory_space<hbm>> -> memref<16x2048xi32, #tpu.memory_space<hbm>>
      %dma_wait3A_32 = arith.constant 0 : i32
      %dma_wait3A_33 = arith.constant 0 : i32
      %dma_wait3A_34 = tpu.memref_slice %arg3[%select_n3A, %dma_wait3A_32, %dma_wait3A_33] : memref<8x16x2048xi32, #tpu.memory_space<hbm>> -> memref<1x16x2048xi32, #tpu.memory_space<hbm>>
      %dma_wait3A_35 = tpu.memref_squeeze %dma_wait3A_34 : memref<1x16x2048xi32, #tpu.memory_space<hbm>> -> memref<16x2048xi32, #tpu.memory_space<hbm>>
      tpu.wait_dma2 semaphore(%run_scoped3A : memref<!tpu.dma_semaphore, #tpu.memory_space<semaphore_mem>>) src(%dma_wait3A_35 : memref<16x2048xi32, #tpu.memory_space<hbm>>) dst(%arg8 : memref<16x2048xi32, #tpu.memory_space<vmem>>)
      tpu.yield
    }) : () -> ()
    "tpu.region"() ({
      %run_scoped3A = tpu.sem_alloc : memref<!tpu.dma_semaphore, #tpu.memory_space<semaphore_mem>>
      %dma_start3A = arith.constant 0 : i32
      %dma_start3A_22 = arith.constant 0 : i32
      %dma_start3A_23 = tpu.memref_slice %arg4[%add3A, %dma_start3A, %dma_start3A_22] : memref<32x32x16xf32, #tpu.memory_space<hbm>> -> memref<1x32x16xf32, #tpu.memory_space<hbm>>
      %dma_start3A_24 = tpu.memref_squeeze %dma_start3A_23 : memref<1x32x16xf32, #tpu.memory_space<hbm>> -> memref<32x16xf32, #tpu.memory_space<hbm>>
      %dma_start3A_25 = arith.constant 0 : i32
      %dma_start3A_26 = arith.constant 0 : i32
      %dma_start3A_27 = tpu.memref_slice %arg4[%add3A, %dma_start3A_25, %dma_start3A_26] : memref<32x32x16xf32, #tpu.memory_space<hbm>> -> memref<1x32x16xf32, #tpu.memory_space<hbm>>
      %dma_start3A_28 = tpu.memref_squeeze %dma_start3A_27 : memref<1x32x16xf32, #tpu.memory_space<hbm>> -> memref<32x16xf32, #tpu.memory_space<hbm>>
      tpu.enqueue_dma source(%dma_start3A_28 : memref<32x16xf32, #tpu.memory_space<hbm>>) target(%arg9 : memref<32x16xf32, #tpu.memory_space<vmem>>) target_semaphore(%run_scoped3A : memref<!tpu.dma_semaphore, #tpu.memory_space<semaphore_mem>>)
      %dma_wait3A = arith.constant 0 : i32
      %dma_wait3A_29 = arith.constant 0 : i32
      %dma_wait3A_30 = tpu.memref_slice %arg4[%add3A, %dma_wait3A, %dma_wait3A_29] : memref<32x32x16xf32, #tpu.memory_space<hbm>> -> memref<1x32x16xf32, #tpu.memory_space<hbm>>
      %dma_wait3A_31 = tpu.memref_squeeze %dma_wait3A_30 : memref<1x32x16xf32, #tpu.memory_space<hbm>> -> memref<32x16xf32, #tpu.memory_space<hbm>>
      %dma_wait3A_32 = arith.constant 0 : i32
      %dma_wait3A_33 = arith.constant 0 : i32
      %dma_wait3A_34 = tpu.memref_slice %arg4[%add3A, %dma_wait3A_32, %dma_wait3A_33] : memref<32x32x16xf32, #tpu.memory_space<hbm>> -> memref<1x32x16xf32, #tpu.memory_space<hbm>>
      %dma_wait3A_35 = tpu.memref_squeeze %dma_wait3A_34 : memref<1x32x16xf32, #tpu.memory_space<hbm>> -> memref<32x16xf32, #tpu.memory_space<hbm>>
      tpu.wait_dma2 semaphore(%run_scoped3A : memref<!tpu.dma_semaphore, #tpu.memory_space<semaphore_mem>>) src(%dma_wait3A_35 : memref<32x16xf32, #tpu.memory_space<hbm>>) dst(%arg9 : memref<32x16xf32, #tpu.memory_space<vmem>>)
      tpu.yield
    }) : () -> ()
    %scan3A = arith.constant 0 : i32
    %scan3A_17 = arith.constant 0 : i32
    %scan3A_18 = arith.constant 128 : i32
    %scan3A_19 = arith.addi %scan3A_17, %scan3A_18 : i32
    %scan3A_20 = arith.constant 1 : i32
    scf.for %scan3A_22 = %scan3A_17 to %scan3A_19 step %scan3A_20  : i32 {
      %mul3A_23 = arith.constant 16 : i32
      %mul3A_24 = arith.muli %scan3A_22, %mul3A_23 : i32
      %get3A = arith.constant 0 : i32
      %get3A_25 = arith.index_cast %get3A : i32 to index
      %get3A_26 = arith.index_cast %mul3A_24 : i32 to index
      %get3A_27 = tpu.vector_load %arg8[%get3A_25, %get3A_26] {strides = array<i32>} : memref<16x2048xi32, #tpu.memory_space<vmem>>, vector<16xi32>,
      %get3A_28 = arith.constant 1 : i32
      %get3A_29 = arith.index_cast %get3A_28 : i32 to index
      %get3A_30 = arith.index_cast %mul3A_24 : i32 to index
      %get3A_31 = tpu.vector_load %arg8[%get3A_29, %get3A_30] {strides = array<i32>} : memref<16x2048xi32, #tpu.memory_space<vmem>>, vector<16xi32>,
      %get3A_32 = arith.constant 2 : i32
      %get3A_33 = arith.index_cast %get3A_32 : i32 to index
      %get3A_34 = arith.index_cast %mul3A_24 : i32 to index
      %get3A_35 = tpu.vector_load %arg8[%get3A_33, %get3A_34] {strides = array<i32>} : memref<16x2048xi32, #tpu.memory_space<vmem>>, vector<16xi32>,
      %get3A_36 = arith.constant 3 : i32
      %get3A_37 = arith.index_cast %get3A_36 : i32 to index
      %get3A_38 = arith.index_cast %mul3A_24 : i32 to index
      %get3A_39 = tpu.vector_load %arg8[%get3A_37, %get3A_38] {strides = array<i32>} : memref<16x2048xi32, #tpu.memory_space<vmem>>, vector<16xi32>,
      %get3A_40 = arith.constant 4 : i32
      %get3A_41 = arith.index_cast %get3A_40 : i32 to index
      %get3A_42 = arith.index_cast %mul3A_24 : i32 to index
      %get3A_43 = tpu.vector_load %arg8[%get3A_41, %get3A_42] {strides = array<i32>} : memref<16x2048xi32, #tpu.memory_space<vmem>>, vector<16xi32>,
      %get3A_44 = arith.constant 5 : i32
      %get3A_45 = arith.index_cast %get3A_44 : i32 to index
      %get3A_46 = arith.index_cast %mul3A_24 : i32 to index
      %get3A_47 = tpu.vector_load %arg8[%get3A_45, %get3A_46] {strides = array<i32>} : memref<16x2048xi32, #tpu.memory_space<vmem>>, vector<16xi32>,
      %get3A_48 = arith.constant 6 : i32
      %get3A_49 = arith.index_cast %get3A_48 : i32 to index
      %get3A_50 = arith.index_cast %mul3A_24 : i32 to index
      %get3A_51 = tpu.vector_load %arg8[%get3A_49, %get3A_50] {strides = array<i32>} : memref<16x2048xi32, #tpu.memory_space<vmem>>, vector<16xi32>,
      %get3A_52 = arith.constant 7 : i32
      %get3A_53 = arith.index_cast %get3A_52 : i32 to index
      %get3A_54 = arith.index_cast %mul3A_24 : i32 to index
      %get3A_55 = tpu.vector_load %arg8[%get3A_53, %get3A_54] {strides = array<i32>} : memref<16x2048xi32, #tpu.memory_space<vmem>>, vector<16xi32>,
      %get3A_56 = arith.constant 8 : i32
      %get3A_57 = arith.index_cast %get3A_56 : i32 to index
      %get3A_58 = arith.index_cast %mul3A_24 : i32 to index
      %get3A_59 = tpu.vector_load %arg8[%get3A_57, %get3A_58] {strides = array<i32>} : memref<16x2048xi32, #tpu.memory_space<vmem>>, vector<16xi32>,
      %get3A_60 = arith.constant 9 : i32
      %get3A_61 = arith.index_cast %get3A_60 : i32 to index
      %get3A_62 = arith.index_cast %mul3A_24 : i32 to index
      %get3A_63 = tpu.vector_load %arg8[%get3A_61, %get3A_62] {strides = array<i32>} : memref<16x2048xi32, #tpu.memory_space<vmem>>, vector<16xi32>,
      %get3A_64 = arith.constant 10 : i32
      %get3A_65 = arith.index_cast %get3A_64 : i32 to index
      %get3A_66 = arith.index_cast %mul3A_24 : i32 to index
      %get3A_67 = tpu.vector_load %arg8[%get3A_65, %get3A_66] {strides = array<i32>} : memref<16x2048xi32, #tpu.memory_space<vmem>>, vector<16xi32>,
      %get3A_68 = arith.constant 11 : i32
      %get3A_69 = arith.index_cast %get3A_68 : i32 to index
      %get3A_70 = arith.index_cast %mul3A_24 : i32 to index
      %get3A_71 = tpu.vector_load %arg8[%get3A_69, %get3A_70] {strides = array<i32>} : memref<16x2048xi32, #tpu.memory_space<vmem>>, vector<16xi32>,
      %get3A_72 = arith.constant 12 : i32
      %get3A_73 = arith.index_cast %get3A_72 : i32 to index
      %get3A_74 = arith.index_cast %mul3A_24 : i32 to index
      %get3A_75 = tpu.vector_load %arg8[%get3A_73, %get3A_74] {strides = array<i32>} : memref<16x2048xi32, #tpu.memory_space<vmem>>, vector<16xi32>,
      %get3A_76 = arith.constant 13 : i32
      %get3A_77 = arith.index_cast %get3A_76 : i32 to index
      %get3A_78 = arith.index_cast %mul3A_24 : i32 to index
      %get3A_79 = tpu.vector_load %arg8[%get3A_77, %get3A_78] {strides = array<i32>} : memref<16x2048xi32, #tpu.memory_space<vmem>>, vector<16xi32>,
      %get3A_80 = arith.constant 14 : i32
      %get3A_81 = arith.index_cast %get3A_80 : i32 to index
      %get3A_82 = arith.index_cast %mul3A_24 : i32 to index
      %get3A_83 = tpu.vector_load %arg8[%get3A_81, %get3A_82] {strides = array<i32>} : memref<16x2048xi32, #tpu.memory_space<vmem>>, vector<16xi32>,
      %get3A_84 = arith.constant 15 : i32
      %get3A_85 = arith.index_cast %get3A_84 : i32 to index
      %get3A_86 = arith.index_cast %mul3A_24 : i32 to index
      %get3A_87 = tpu.vector_load %arg8[%get3A_85, %get3A_86] {strides = array<i32>} : memref<16x2048xi32, #tpu.memory_space<vmem>>, vector<16xi32>,
      %broadcast_in_dim3A = arith.constant 0.000000e+00 : f32
      %broadcast_in_dim3A_88 = vector.broadcast %broadcast_in_dim3A : f32 to vector<16xf32>
      %broadcast_in_dim3A_89 = arith.constant 0.000000e+00 : f32
      %broadcast_in_dim3A_90 = vector.broadcast %broadcast_in_dim3A_89 : f32 to vector<16xf32>
      %broadcast_in_dim3A_91 = arith.constant 0 : i32
      %broadcast_in_dim3A_92 = vector.broadcast %broadcast_in_dim3A_91 : i32 to vector<16xi32>
      %gather3A = tpu.vector_load_idx %arg7[%broadcast_in_dim3A_92, %get3A_27] : memref<32x2048xf32, #tpu.memory_space<vmem>>[vector<16xi32>, vector<16xi32>], vector<16xf32>,
      %gather3A_93 = tpu.vector_load_idx %arg7[%broadcast_in_dim3A_92, %get3A_31] : memref<32x2048xf32, #tpu.memory_space<vmem>>[vector<16xi32>, vector<16xi32>], vector<16xf32>,
      %gather3A_94 = tpu.vector_load_idx %arg7[%broadcast_in_dim3A_92, %get3A_35] : memref<32x2048xf32, #tpu.memory_space<vmem>>[vector<16xi32>, vector<16xi32>], vector<16xf32>,
      %gather3A_95 = tpu.vector_load_idx %arg7[%broadcast_in_dim3A_92, %get3A_39] : memref<32x2048xf32, #tpu.memory_space<vmem>>[vector<16xi32>, vector<16xi32>], vector<16xf32>,
      %gather3A_96 = tpu.vector_load_idx %arg7[%broadcast_in_dim3A_92, %get3A_43] : memref<32x2048xf32, #tpu.memory_space<vmem>>[vector<16xi32>, vector<16xi32>], vector<16xf32>,
      %gather3A_97 = tpu.vector_load_idx %arg7[%broadcast_in_dim3A_92, %get3A_47] : memref<32x2048xf32, #tpu.memory_space<vmem>>[vector<16xi32>, vector<16xi32>], vector<16xf32>,
      %gather3A_98 = tpu.vector_load_idx %arg7[%broadcast_in_dim3A_92, %get3A_51] : memref<32x2048xf32, #tpu.memory_space<vmem>>[vector<16xi32>, vector<16xi32>], vector<16xf32>,
      %gather3A_99 = tpu.vector_load_idx %arg7[%broadcast_in_dim3A_92, %get3A_55] : memref<32x2048xf32, #tpu.memory_space<vmem>>[vector<16xi32>, vector<16xi32>], vector<16xf32>,
      %gather3A_100 = tpu.vector_load_idx %arg7[%broadcast_in_dim3A_92, %get3A_59] : memref<32x2048xf32, #tpu.memory_space<vmem>>[vector<16xi32>, vector<16xi32>], vector<16xf32>,
      %gather3A_101 = tpu.vector_load_idx %arg7[%broadcast_in_dim3A_92, %get3A_63] : memref<32x2048xf32, #tpu.memory_space<vmem>>[vector<16xi32>, vector<16xi32>], vector<16xf32>,
      %gather3A_102 = tpu.vector_load_idx %arg7[%broadcast_in_dim3A_92, %get3A_67] : memref<32x2048xf32, #tpu.memory_space<vmem>>[vector<16xi32>, vector<16xi32>], vector<16xf32>,
      %gather3A_103 = tpu.vector_load_idx %arg7[%broadcast_in_dim3A_92, %get3A_71] : memref<32x2048xf32, #tpu.memory_space<vmem>>[vector<16xi32>, vector<16xi32>], vector<16xf32>,
      %gather3A_104 = tpu.vector_load_idx %arg7[%broadcast_in_dim3A_92, %get3A_75] : memref<32x2048xf32, #tpu.memory_space<vmem>>[vector<16xi32>, vector<16xi32>], vector<16xf32>,
      %gather3A_105 = tpu.vector_load_idx %arg7[%broadcast_in_dim3A_92, %get3A_79] : memref<32x2048xf32, #tpu.memory_space<vmem>>[vector<16xi32>, vector<16xi32>], vector<16xf32>,
      %gather3A_106 = tpu.vector_load_idx %arg7[%broadcast_in_dim3A_92, %get3A_83] : memref<32x2048xf32, #tpu.memory_space<vmem>>[vector<16xi32>, vector<16xi32>], vector<16xf32>,
      %gather3A_107 = tpu.vector_load_idx %arg7[%broadcast_in_dim3A_92, %get3A_87] : memref<32x2048xf32, #tpu.memory_space<vmem>>[vector<16xi32>, vector<16xi32>], vector<16xf32>,
      %add3A_108 = arith.addf %gather3A, %gather3A_93 : vector<16xf32>
      %add3A_109 = arith.addf %gather3A_94, %gather3A_95 : vector<16xf32>
      %add3A_110 = arith.addf %gather3A_96, %gather3A_97 : vector<16xf32>
      %add3A_111 = arith.addf %gather3A_98, %gather3A_99 : vector<16xf32>
      %add3A_112 = arith.addf %gather3A_100, %gather3A_101 : vector<16xf32>
      %add3A_113 = arith.addf %gather3A_102, %gather3A_103 : vector<16xf32>
      %add3A_114 = arith.addf %gather3A_104, %gather3A_105 : vector<16xf32>
      %add3A_115 = arith.addf %gather3A_106, %gather3A_107 : vector<16xf32>
      %add3A_116 = arith.addf %add3A_108, %add3A_109 : vector<16xf32>
      %add3A_117 = arith.addf %add3A_110, %add3A_111 : vector<16xf32>
      %add3A_118 = arith.addf %add3A_112, %add3A_113 : vector<16xf32>
      %add3A_119 = arith.addf %add3A_114, %add3A_115 : vector<16xf32>
      %add3A_120 = arith.addf %add3A_116, %add3A_117 : vector<16xf32>
      %add3A_121 = arith.addf %add3A_118, %add3A_119 : vector<16xf32>
      %add3A_122 = arith.addf %add3A_120, %add3A_121 : vector<16xf32>
      %get3A_123 = arith.constant 0 : i32
      %get3A_124 = arith.index_cast %get3A_123 : i32 to index
      %get3A_125 = arith.index_cast %mul3A_24 : i32 to index
      %get3A_126 = tpu.vector_load %arg7[%get3A_124, %get3A_125] {strides = array<i32>} : memref<32x2048xf32, #tpu.memory_space<vmem>>, vector<16xf32>,
      %mul3A_127 = arith.mulf %get3A_126, %add3A_122 : vector<16xf32>
      %add3A_128 = arith.addf %broadcast_in_dim3A_88, %mul3A_127 : vector<16xf32>
      %get3A_129 = arith.constant 0 : i32
      %get3A_130 = arith.index_cast %get3A_129 : i32 to index
      %get3A_131 = arith.constant 0 : index
      %get3A_132 = tpu.vector_load %arg9[%get3A_130, %get3A_131] {strides = array<i32>} : memref<32x16xf32, #tpu.memory_space<vmem>>, vector<16xf32>,
      %mul3A_133 = arith.mulf %get3A_126, %get3A_132 : vector<16xf32>
      %add3A_134 = arith.addf %broadcast_in_dim3A_90, %mul3A_133 : vector<16xf32>
      %broadcast_in_dim3A_135 = arith.constant 1 : i32
      %broadcast_in_dim3A_136 = vector.broadcast %broadcast_in_dim3A_135 : i32 to vector<16xi32>
      %gather3A_137 = tpu.vector_load_idx %arg7[%broadcast_in_dim3A_136, %get3A_27] : memref<32x2048xf32, #tpu.memory_space<vmem>>[vector<16xi32>, vector<16xi32>], vector<16xf32>,
      %gather3A_138 = tpu.vector_load_idx %arg7[%broadcast_in_dim3A_136, %get3A_31] : memref<32x2048xf32, #tpu.memory_space<vmem>>[vector<16xi32>, vector<16xi32>], vector<16xf32>,
      %gather3A_139 = tpu.vector_load_idx %arg7[%broadcast_in_dim3A_136, %get3A_35] : memref<32x2048xf32, #tpu.memory_space<vmem>>[vector<16xi32>, vector<16xi32>], vector<16xf32>,
      %gather3A_140 = tpu.vector_load_idx %arg7[%broadcast_in_dim3A_136, %get3A_39] : memref<32x2048xf32, #tpu.memory_space<vmem>>[vector<16xi32>, vector<16xi32>], vector<16xf32>,
      %gather3A_141 = tpu.vector_load_idx %arg7[%broadcast_in_dim3A_136, %get3A_43] : memref<32x2048xf32, #tpu.memory_space<vmem>>[vector<16xi32>, vector<16xi32>], vector<16xf32>,
      %gather3A_142 = tpu.vector_load_idx %arg7[%broadcast_in_dim3A_136, %get3A_47] : memref<32x2048xf32, #tpu.memory_space<vmem>>[vector<16xi32>, vector<16xi32>], vector<16xf32>,
      %gather3A_143 = tpu.vector_load_idx %arg7[%broadcast_in_dim3A_136, %get3A_51] : memref<32x2048xf32, #tpu.memory_space<vmem>>[vector<16xi32>, vector<16xi32>], vector<16xf32>,
      %gather3A_144 = tpu.vector_load_idx %arg7[%broadcast_in_dim3A_136, %get3A_55] : memref<32x2048xf32, #tpu.memory_space<vmem>>[vector<16xi32>, vector<16xi32>], vector<16xf32>,
      %gather3A_145 = tpu.vector_load_idx %arg7[%broadcast_in_dim3A_136, %get3A_59] : memref<32x2048xf32, #tpu.memory_space<vmem>>[vector<16xi32>, vector<16xi32>], vector<16xf32>,
      %gather3A_146 = tpu.vector_load_idx %arg7[%broadcast_in_dim3A_136, %get3A_63] : memref<32x2048xf32, #tpu.memory_space<vmem>>[vector<16xi32>, vector<16xi32>], vector<16xf32>,
      %gather3A_147 = tpu.vector_load_idx %arg7[%broadcast_in_dim3A_136, %get3A_67] : memref<32x2048xf32, #tpu.memory_space<vmem>>[vector<16xi32>, vector<16xi32>], vector<16xf32>,
      %gather3A_148 = tpu.vector_load_idx %arg7[%broadcast_in_dim3A_136, %get3A_71] : memref<32x2048xf32, #tpu.memory_space<vmem>>[vector<16xi32>, vector<16xi32>], vector<16xf32>,
      %gather3A_149 = tpu.vector_load_idx %arg7[%broadcast_in_dim3A_136, %get3A_75] : memref<32x2048xf32, #tpu.memory_space<vmem>>[vector<16xi32>, vector<16xi32>], vector<16xf32>,
      %gather3A_150 = tpu.vector_load_idx %arg7[%broadcast_in_dim3A_136, %get3A_79] : memref<32x2048xf32, #tpu.memory_space<vmem>>[vector<16xi32>, vector<16xi32>], vector<16xf32>,
      %gather3A_151 = tpu.vector_load_idx %arg7[%broadcast_in_dim3A_136, %get3A_83] : memref<32x2048xf32, #tpu.memory_space<vmem>>[vector<16xi32>, vector<16xi32>], vector<16xf32>,
      %gather3A_152 = tpu.vector_load_idx %arg7[%broadcast_in_dim3A_136, %get3A_87] : memref<32x2048xf32, #tpu.memory_space<vmem>>[vector<16xi32>, vector<16xi32>], vector<16xf32>,
      %add3A_153 = arith.addf %gather3A_137, %gather3A_138 : vector<16xf32>
      %add3A_154 = arith.addf %gather3A_139, %gather3A_140 : vector<16xf32>
      %add3A_155 = arith.addf %gather3A_141, %gather3A_142 : vector<16xf32>
      %add3A_156 = arith.addf %gather3A_143, %gather3A_144 : vector<16xf32>
      %add3A_157 = arith.addf %gather3A_145, %gather3A_146 : vector<16xf32>
      %add3A_158 = arith.addf %gather3A_147, %gather3A_148 : vector<16xf32>
      %add3A_159 = arith.addf %gather3A_149, %gather3A_150 : vector<16xf32>
      %add3A_160 = arith.addf %gather3A_151, %gather3A_152 : vector<16xf32>
      %add3A_161 = arith.addf %add3A_153, %add3A_154 : vector<16xf32>
      %add3A_162 = arith.addf %add3A_155, %add3A_156 : vector<16xf32>
      %add3A_163 = arith.addf %add3A_157, %add3A_158 : vector<16xf32>
      %add3A_164 = arith.addf %add3A_159, %add3A_160 : vector<16xf32>
      %add3A_165 = arith.addf %add3A_161, %add3A_162 : vector<16xf32>
      %add3A_166 = arith.addf %add3A_163, %add3A_164 : vector<16xf32>
      %add3A_167 = arith.addf %add3A_165, %add3A_166 : vector<16xf32>
      %get3A_168 = arith.constant 1 : i32
      %get3A_169 = arith.index_cast %get3A_168 : i32 to index
      %get3A_170 = arith.index_cast %mul3A_24 : i32 to index
      %get3A_171 = tpu.vector_load %arg7[%get3A_169, %get3A_170] {strides = array<i32>} : memref<32x2048xf32, #tpu.memory_space<vmem>>, vector<16xf32>,
      %mul3A_172 = arith.mulf %get3A_171, %add3A_167 : vector<16xf32>
      %add3A_173 = arith.addf %add3A_128, %mul3A_172 : vector<16xf32>
      %get3A_174 = arith.constant 1 : i32
      %get3A_175 = arith.index_cast %get3A_174 : i32 to index
      %get3A_176 = arith.constant 0 : index
      %get3A_177 = tpu.vector_load %arg9[%get3A_175, %get3A_176] {strides = array<i32>} : memref<32x16xf32, #tpu.memory_space<vmem>>, vector<16xf32>,
      %mul3A_178 = arith.mulf %get3A_171, %get3A_177 : vector<16xf32>
      %add3A_179 = arith.addf %add3A_134, %mul3A_178 : vector<16xf32>
      %broadcast_in_dim3A_180 = arith.constant 2 : i32
      %broadcast_in_dim3A_181 = vector.broadcast %broadcast_in_dim3A_180 : i32 to vector<16xi32>
      %gather3A_182 = tpu.vector_load_idx %arg7[%broadcast_in_dim3A_181, %get3A_27] : memref<32x2048xf32, #tpu.memory_space<vmem>>[vector<16xi32>, vector<16xi32>], vector<16xf32>,
      %gather3A_183 = tpu.vector_load_idx %arg7[%broadcast_in_dim3A_181, %get3A_31] : memref<32x2048xf32, #tpu.memory_space<vmem>>[vector<16xi32>, vector<16xi32>], vector<16xf32>,
      %gather3A_184 = tpu.vector_load_idx %arg7[%broadcast_in_dim3A_181, %get3A_35] : memref<32x2048xf32, #tpu.memory_space<vmem>>[vector<16xi32>, vector<16xi32>], vector<16xf32>,
      %gather3A_185 = tpu.vector_load_idx %arg7[%broadcast_in_dim3A_181, %get3A_39] : memref<32x2048xf32, #tpu.memory_space<vmem>>[vector<16xi32>, vector<16xi32>], vector<16xf32>,
      %gather3A_186 = tpu.vector_load_idx %arg7[%broadcast_in_dim3A_181, %get3A_43] : memref<32x2048xf32, #tpu.memory_space<vmem>>[vector<16xi32>, vector<16xi32>], vector<16xf32>,
      %gather3A_187 = tpu.vector_load_idx %arg7[%broadcast_in_dim3A_181, %get3A_47] : memref<32x2048xf32, #tpu.memory_space<vmem>>[vector<16xi32>, vector<16xi32>], vector<16xf32>,
      %gather3A_188 = tpu.vector_load_idx %arg7[%broadcast_in_dim3A_181, %get3A_51] : memref<32x2048xf32, #tpu.memory_space<vmem>>[vector<16xi32>, vector<16xi32>], vector<16xf32>,
      %gather3A_189 = tpu.vector_load_idx %arg7[%broadcast_in_dim3A_181, %get3A_55] : memref<32x2048xf32, #tpu.memory_space<vmem>>[vector<16xi32>, vector<16xi32>], vector<16xf32>,
      %gather3A_190 = tpu.vector_load_idx %arg7[%broadcast_in_dim3A_181, %get3A_59] : memref<32x2048xf32, #tpu.memory_space<vmem>>[vector<16xi32>, vector<16xi32>], vector<16xf32>,
      %gather3A_191 = tpu.vector_load_idx %arg7[%broadcast_in_dim3A_181, %get3A_63] : memref<32x2048xf32, #tpu.memory_space<vmem>>[vector<16xi32>, vector<16xi32>], vector<16xf32>,
      %gather3A_192 = tpu.vector_load_idx %arg7[%broadcast_in_dim3A_181, %get3A_67] : memref<32x2048xf32, #tpu.memory_space<vmem>>[vector<16xi32>, vector<16xi32>], vector<16xf32>,
      %gather3A_193 = tpu.vector_load_idx %arg7[%broadcast_in_dim3A_181, %get3A_71] : memref<32x2048xf32, #tpu.memory_space<vmem>>[vector<16xi32>, vector<16xi32>], vector<16xf32>,
      %gather3A_194 = tpu.vector_load_idx %arg7[%broadcast_in_dim3A_181, %get3A_75] : memref<32x2048xf32, #tpu.memory_space<vmem>>[vector<16xi32>, vector<16xi32>], vector<16xf32>,
      %gather3A_195 = tpu.vector_load_idx %arg7[%broadcast_in_dim3A_181, %get3A_79] : memref<32x2048xf32, #tpu.memory_space<vmem>>[vector<16xi32>, vector<16xi32>], vector<16xf32>,
      %gather3A_196 = tpu.vector_load_idx %arg7[%broadcast_in_dim3A_181, %get3A_83] : memref<32x2048xf32, #tpu.memory_space<vmem>>[vector<16xi32>, vector<16xi32>], vector<16xf32>,
      %gather3A_197 = tpu.vector_load_idx %arg7[%broadcast_in_dim3A_181, %get3A_87] : memref<32x2048xf32, #tpu.memory_space<vmem>>[vector<16xi32>, vector<16xi32>], vector<16xf32>,
      %add3A_198 = arith.addf %gather3A_182, %gather3A_183 : vector<16xf32>
      %add3A_199 = arith.addf %gather3A_184, %gather3A_185 : vector<16xf32>
      %add3A_200 = arith.addf %gather3A_186, %gather3A_187 : vector<16xf32>
      %add3A_201 = arith.addf %gather3A_188, %gather3A_189 : vector<16xf32>
      %add3A_202 = arith.addf %gather3A_190, %gather3A_191 : vector<16xf32>
      %add3A_203 = arith.addf %gather3A_192, %gather3A_193 : vector<16xf32>
      %add3A_204 = arith.addf %gather3A_194, %gather3A_195 : vector<16xf32>
      %add3A_205 = arith.addf %gather3A_196, %gather3A_197 : vector<16xf32>
      %add3A_206 = arith.addf %add3A_198, %add3A_199 : vector<16xf32>
      %add3A_207 = arith.addf %add3A_200, %add3A_201 : vector<16xf32>
      %add3A_208 = arith.addf %add3A_202, %add3A_203 : vector<16xf32>
      %add3A_209 = arith.addf %add3A_204, %add3A_205 : vector<16xf32>
      %add3A_210 = arith.addf %add3A_206, %add3A_207 : vector<16xf32>
      %add3A_211 = arith.addf %add3A_208, %add3A_209 : vector<16xf32>
      %add3A_212 = arith.addf %add3A_210, %add3A_211 : vector<16xf32>
      %get3A_213 = arith.constant 2 : i32
      %get3A_214 = arith.index_cast %get3A_213 : i32 to index
      %get3A_215 = arith.index_cast %mul3A_24 : i32 to index
      %get3A_216 = tpu.vector_load %arg7[%get3A_214, %get3A_215] {strides = array<i32>} : memref<32x2048xf32, #tpu.memory_space<vmem>>, vector<16xf32>,
      %mul3A_217 = arith.mulf %get3A_216, %add3A_212 : vector<16xf32>
      %add3A_218 = arith.addf %add3A_173, %mul3A_217 : vector<16xf32>
      %get3A_219 = arith.constant 2 : i32
      %get3A_220 = arith.index_cast %get3A_219 : i32 to index
      %get3A_221 = arith.constant 0 : index
      %get3A_222 = tpu.vector_load %arg9[%get3A_220, %get3A_221] {strides = array<i32>} : memref<32x16xf32, #tpu.memory_space<vmem>>, vector<16xf32>,
      %mul3A_223 = arith.mulf %get3A_216, %get3A_222 : vector<16xf32>
      %add3A_224 = arith.addf %add3A_179, %mul3A_223 : vector<16xf32>
      %broadcast_in_dim3A_225 = arith.constant 3 : i32
      %broadcast_in_dim3A_226 = vector.broadcast %broadcast_in_dim3A_225 : i32 to vector<16xi32>
      %gather3A_227 = tpu.vector_load_idx %arg7[%broadcast_in_dim3A_226, %get3A_27] : memref<32x2048xf32, #tpu.memory_space<vmem>>[vector<16xi32>, vector<16xi32>], vector<16xf32>,
      %gather3A_228 = tpu.vector_load_idx %arg7[%broadcast_in_dim3A_226, %get3A_31] : memref<32x2048xf32, #tpu.memory_space<vmem>>[vector<16xi32>, vector<16xi32>], vector<16xf32>,
      %gather3A_229 = tpu.vector_load_idx %arg7[%broadcast_in_dim3A_226, %get3A_35] : memref<32x2048xf32, #tpu.memory_space<vmem>>[vector<16xi32>, vector<16xi32>], vector<16xf32>,
      %gather3A_230 = tpu.vector_load_idx %arg7[%broadcast_in_dim3A_226, %get3A_39] : memref<32x2048xf32, #tpu.memory_space<vmem>>[vector<16xi32>, vector<16xi32>], vector<16xf32>,
      %gather3A_231 = tpu.vector_load_idx %arg7[%broadcast_in_dim3A_226, %get3A_43] : memref<32x2048xf32, #tpu.memory_space<vmem>>[vector<16xi32>, vector<16xi32>], vector<16xf32>,
      %gather3A_232 = tpu.vector_load_idx %arg7[%broadcast_in_dim3A_226, %get3A_47] : memref<32x2048xf32, #tpu.memory_space<vmem>>[vector<16xi32>, vector<16xi32>], vector<16xf32>,
      %gather3A_233 = tpu.vector_load_idx %arg7[%broadcast_in_dim3A_226, %get3A_51] : memref<32x2048xf32, #tpu.memory_space<vmem>>[vector<16xi32>, vector<16xi32>], vector<16xf32>,
      %gather3A_234 = tpu.vector_load_idx %arg7[%broadcast_in_dim3A_226, %get3A_55] : memref<32x2048xf32, #tpu.memory_space<vmem>>[vector<16xi32>, vector<16xi32>], vector<16xf32>,
      %gather3A_235 = tpu.vector_load_idx %arg7[%broadcast_in_dim3A_226, %get3A_59] : memref<32x2048xf32, #tpu.memory_space<vmem>>[vector<16xi32>, vector<16xi32>], vector<16xf32>,
      %gather3A_236 = tpu.vector_load_idx %arg7[%broadcast_in_dim3A_226, %get3A_63] : memref<32x2048xf32, #tpu.memory_space<vmem>>[vector<16xi32>, vector<16xi32>], vector<16xf32>,
      %gather3A_237 = tpu.vector_load_idx %arg7[%broadcast_in_dim3A_226, %get3A_67] : memref<32x2048xf32, #tpu.memory_space<vmem>>[vector<16xi32>, vector<16xi32>], vector<16xf32>,
      %gather3A_238 = tpu.vector_load_idx %arg7[%broadcast_in_dim3A_226, %get3A_71] : memref<32x2048xf32, #tpu.memory_space<vmem>>[vector<16xi32>, vector<16xi32>], vector<16xf32>,
      %gather3A_239 = tpu.vector_load_idx %arg7[%broadcast_in_dim3A_226, %get3A_75] : memref<32x2048xf32, #tpu.memory_space<vmem>>[vector<16xi32>, vector<16xi32>], vector<16xf32>,
      %gather3A_240 = tpu.vector_load_idx %arg7[%broadcast_in_dim3A_226, %get3A_79] : memref<32x2048xf32, #tpu.memory_space<vmem>>[vector<16xi32>, vector<16xi32>], vector<16xf32>,
      %gather3A_241 = tpu.vector_load_idx %arg7[%broadcast_in_dim3A_226, %get3A_83] : memref<32x2048xf32, #tpu.memory_space<vmem>>[vector<16xi32>, vector<16xi32>], vector<16xf32>,
      %gather3A_242 = tpu.vector_load_idx %arg7[%broadcast_in_dim3A_226, %get3A_87] : memref<32x2048xf32, #tpu.memory_space<vmem>>[vector<16xi32>, vector<16xi32>], vector<16xf32>,
      %add3A_243 = arith.addf %gather3A_227, %gather3A_228 : vector<16xf32>
      %add3A_244 = arith.addf %gather3A_229, %gather3A_230 : vector<16xf32>
      %add3A_245 = arith.addf %gather3A_231, %gather3A_232 : vector<16xf32>
      %add3A_246 = arith.addf %gather3A_233, %gather3A_234 : vector<16xf32>
      %add3A_247 = arith.addf %gather3A_235, %gather3A_236 : vector<16xf32>
      %add3A_248 = arith.addf %gather3A_237, %gather3A_238 : vector<16xf32>
      %add3A_249 = arith.addf %gather3A_239, %gather3A_240 : vector<16xf32>
      %add3A_250 = arith.addf %gather3A_241, %gather3A_242 : vector<16xf32>
      %add3A_251 = arith.addf %add3A_243, %add3A_244 : vector<16xf32>
      %add3A_252 = arith.addf %add3A_245, %add3A_246 : vector<16xf32>
      %add3A_253 = arith.addf %add3A_247, %add3A_248 : vector<16xf32>
      %add3A_254 = arith.addf %add3A_249, %add3A_250 : vector<16xf32>
      %add3A_255 = arith.addf %add3A_251, %add3A_252 : vector<16xf32>
      %add3A_256 = arith.addf %add3A_253, %add3A_254 : vector<16xf32>
      %add3A_257 = arith.addf %add3A_255, %add3A_256 : vector<16xf32>
      %get3A_258 = arith.constant 3 : i32
      %get3A_259 = arith.index_cast %get3A_258 : i32 to index
      %get3A_260 = arith.index_cast %mul3A_24 : i32 to index
      %get3A_261 = tpu.vector_load %arg7[%get3A_259, %get3A_260] {strides = array<i32>} : memref<32x2048xf32, #tpu.memory_space<vmem>>, vector<16xf32>,
      %mul3A_262 = arith.mulf %get3A_261, %add3A_257 : vector<16xf32>
      %add3A_263 = arith.addf %add3A_218, %mul3A_262 : vector<16xf32>
      %get3A_264 = arith.constant 3 : i32
      %get3A_265 = arith.index_cast %get3A_264 : i32 to index
      %get3A_266 = arith.constant 0 : index
      %get3A_267 = tpu.vector_load %arg9[%get3A_265, %get3A_266] {strides = array<i32>} : memref<32x16xf32, #tpu.memory_space<vmem>>, vector<16xf32>,
      %mul3A_268 = arith.mulf %get3A_261, %get3A_267 : vector<16xf32>
      %add3A_269 = arith.addf %add3A_224, %mul3A_268 : vector<16xf32>
      %broadcast_in_dim3A_270 = arith.constant 4 : i32
      %broadcast_in_dim3A_271 = vector.broadcast %broadcast_in_dim3A_270 : i32 to vector<16xi32>
      %gather3A_272 = tpu.vector_load_idx %arg7[%broadcast_in_dim3A_271, %get3A_27] : memref<32x2048xf32, #tpu.memory_space<vmem>>[vector<16xi32>, vector<16xi32>], vector<16xf32>,
      %gather3A_273 = tpu.vector_load_idx %arg7[%broadcast_in_dim3A_271, %get3A_31] : memref<32x2048xf32, #tpu.memory_space<vmem>>[vector<16xi32>, vector<16xi32>], vector<16xf32>,
      %gather3A_274 = tpu.vector_load_idx %arg7[%broadcast_in_dim3A_271, %get3A_35] : memref<32x2048xf32, #tpu.memory_space<vmem>>[vector<16xi32>, vector<16xi32>], vector<16xf32>,
      %gather3A_275 = tpu.vector_load_idx %arg7[%broadcast_in_dim3A_271, %get3A_39] : memref<32x2048xf32, #tpu.memory_space<vmem>>[vector<16xi32>, vector<16xi32>], vector<16xf32>,
      %gather3A_276 = tpu.vector_load_idx %arg7[%broadcast_in_dim3A_271, %get3A_43] : memref<32x2048xf32, #tpu.memory_space<vmem>>[vector<16xi32>, vector<16xi32>], vector<16xf32>,
      %gather3A_277 = tpu.vector_load_idx %arg7[%broadcast_in_dim3A_271, %get3A_47] : memref<32x2048xf32, #tpu.memory_space<vmem>>[vector<16xi32>, vector<16xi32>], vector<16xf32>,
      %gather3A_278 = tpu.vector_load_idx %arg7[%broadcast_in_dim3A_271, %get3A_51] : memref<32x2048xf32, #tpu.memory_space<vmem>>[vector<16xi32>, vector<16xi32>], vector<16xf32>,
      %gather3A_279 = tpu.vector_load_idx %arg7[%broadcast_in_dim3A_271, %get3A_55] : memref<32x2048xf32, #tpu.memory_space<vmem>>[vector<16xi32>, vector<16xi32>], vector<16xf32>,
      %gather3A_280 = tpu.vector_load_idx %arg7[%broadcast_in_dim3A_271, %get3A_59] : memref<32x2048xf32, #tpu.memory_space<vmem>>[vector<16xi32>, vector<16xi32>], vector<16xf32>,
      %gather3A_281 = tpu.vector_load_idx %arg7[%broadcast_in_dim3A_271, %get3A_63] : memref<32x2048xf32, #tpu.memory_space<vmem>>[vector<16xi32>, vector<16xi32>], vector<16xf32>,
      %gather3A_282 = tpu.vector_load_idx %arg7[%broadcast_in_dim3A_271, %get3A_67] : memref<32x2048xf32, #tpu.memory_space<vmem>>[vector<16xi32>, vector<16xi32>], vector<16xf32>,
      %gather3A_283 = tpu.vector_load_idx %arg7[%broadcast_in_dim3A_271, %get3A_71] : memref<32x2048xf32, #tpu.memory_space<vmem>>[vector<16xi32>, vector<16xi32>], vector<16xf32>,
      %gather3A_284 = tpu.vector_load_idx %arg7[%broadcast_in_dim3A_271, %get3A_75] : memref<32x2048xf32, #tpu.memory_space<vmem>>[vector<16xi32>, vector<16xi32>], vector<16xf32>,
      %gather3A_285 = tpu.vector_load_idx %arg7[%broadcast_in_dim3A_271, %get3A_79] : memref<32x2048xf32, #tpu.memory_space<vmem>>[vector<16xi32>, vector<16xi32>], vector<16xf32>,
      %gather3A_286 = tpu.vector_load_idx %arg7[%broadcast_in_dim3A_271, %get3A_83] : memref<32x2048xf32, #tpu.memory_space<vmem>>[vector<16xi32>, vector<16xi32>], vector<16xf32>,
      %gather3A_287 = tpu.vector_load_idx %arg7[%broadcast_in_dim3A_271, %get3A_87] : memref<32x2048xf32, #tpu.memory_space<vmem>>[vector<16xi32>, vector<16xi32>], vector<16xf32>,
      %add3A_288 = arith.addf %gather3A_272, %gather3A_273 : vector<16xf32>
      %add3A_289 = arith.addf %gather3A_274, %gather3A_275 : vector<16xf32>
      %add3A_290 = arith.addf %gather3A_276, %gather3A_277 : vector<16xf32>
      %add3A_291 = arith.addf %gather3A_278, %gather3A_279 : vector<16xf32>
      %add3A_292 = arith.addf %gather3A_280, %gather3A_281 : vector<16xf32>
      %add3A_293 = arith.addf %gather3A_282, %gather3A_283 : vector<16xf32>
      %add3A_294 = arith.addf %gather3A_284, %gather3A_285 : vector<16xf32>
      %add3A_295 = arith.addf %gather3A_286, %gather3A_287 : vector<16xf32>
      %add3A_296 = arith.addf %add3A_288, %add3A_289 : vector<16xf32>
      %add3A_297 = arith.addf %add3A_290, %add3A_291 : vector<16xf32>
      %add3A_298 = arith.addf %add3A_292, %add3A_293 : vector<16xf32>
      %add3A_299 = arith.addf %add3A_294, %add3A_295 : vector<16xf32>
      %add3A_300 = arith.addf %add3A_296, %add3A_297 : vector<16xf32>
      %add3A_301 = arith.addf %add3A_298, %add3A_299 : vector<16xf32>
      %add3A_302 = arith.addf %add3A_300, %add3A_301 : vector<16xf32>
      %get3A_303 = arith.constant 4 : i32
      %get3A_304 = arith.index_cast %get3A_303 : i32 to index
      %get3A_305 = arith.index_cast %mul3A_24 : i32 to index
      %get3A_306 = tpu.vector_load %arg7[%get3A_304, %get3A_305] {strides = array<i32>} : memref<32x2048xf32, #tpu.memory_space<vmem>>, vector<16xf32>,
      %mul3A_307 = arith.mulf %get3A_306, %add3A_302 : vector<16xf32>
      %add3A_308 = arith.addf %add3A_263, %mul3A_307 : vector<16xf32>
      %get3A_309 = arith.constant 4 : i32
      %get3A_310 = arith.index_cast %get3A_309 : i32 to index
      %get3A_311 = arith.constant 0 : index
      %get3A_312 = tpu.vector_load %arg9[%get3A_310, %get3A_311] {strides = array<i32>} : memref<32x16xf32, #tpu.memory_space<vmem>>, vector<16xf32>,
      %mul3A_313 = arith.mulf %get3A_306, %get3A_312 : vector<16xf32>
      %add3A_314 = arith.addf %add3A_269, %mul3A_313 : vector<16xf32>
      %broadcast_in_dim3A_315 = arith.constant 5 : i32
      %broadcast_in_dim3A_316 = vector.broadcast %broadcast_in_dim3A_315 : i32 to vector<16xi32>
      %gather3A_317 = tpu.vector_load_idx %arg7[%broadcast_in_dim3A_316, %get3A_27] : memref<32x2048xf32, #tpu.memory_space<vmem>>[vector<16xi32>, vector<16xi32>], vector<16xf32>,
      %gather3A_318 = tpu.vector_load_idx %arg7[%broadcast_in_dim3A_316, %get3A_31] : memref<32x2048xf32, #tpu.memory_space<vmem>>[vector<16xi32>, vector<16xi32>], vector<16xf32>,
      %gather3A_319 = tpu.vector_load_idx %arg7[%broadcast_in_dim3A_316, %get3A_35] : memref<32x2048xf32, #tpu.memory_space<vmem>>[vector<16xi32>, vector<16xi32>], vector<16xf32>,
      %gather3A_320 = tpu.vector_load_idx %arg7[%broadcast_in_dim3A_316, %get3A_39] : memref<32x2048xf32, #tpu.memory_space<vmem>>[vector<16xi32>, vector<16xi32>], vector<16xf32>,
      %gather3A_321 = tpu.vector_load_idx %arg7[%broadcast_in_dim3A_316, %get3A_43] : memref<32x2048xf32, #tpu.memory_space<vmem>>[vector<16xi32>, vector<16xi32>], vector<16xf32>,
      %gather3A_322 = tpu.vector_load_idx %arg7[%broadcast_in_dim3A_316, %get3A_47] : memref<32x2048xf32, #tpu.memory_space<vmem>>[vector<16xi32>, vector<16xi32>], vector<16xf32>,
      %gather3A_323 = tpu.vector_load_idx %arg7[%broadcast_in_dim3A_316, %get3A_51] : memref<32x2048xf32, #tpu.memory_space<vmem>>[vector<16xi32>, vector<16xi32>], vector<16xf32>,
      %gather3A_324 = tpu.vector_load_idx %arg7[%broadcast_in_dim3A_316, %get3A_55] : memref<32x2048xf32, #tpu.memory_space<vmem>>[vector<16xi32>, vector<16xi32>], vector<16xf32>,
      %gather3A_325 = tpu.vector_load_idx %arg7[%broadcast_in_dim3A_316, %get3A_59] : memref<32x2048xf32, #tpu.memory_space<vmem>>[vector<16xi32>, vector<16xi32>], vector<16xf32>,
      %gather3A_326 = tpu.vector_load_idx %arg7[%broadcast_in_dim3A_316, %get3A_63] : memref<32x2048xf32, #tpu.memory_space<vmem>>[vector<16xi32>, vector<16xi32>], vector<16xf32>,
      %gather3A_327 = tpu.vector_load_idx %arg7[%broadcast_in_dim3A_316, %get3A_67] : memref<32x2048xf32, #tpu.memory_space<vmem>>[vector<16xi32>, vector<16xi32>], vector<16xf32>,
      %gather3A_328 = tpu.vector_load_idx %arg7[%broadcast_in_dim3A_316, %get3A_71] : memref<32x2048xf32, #tpu.memory_space<vmem>>[vector<16xi32>, vector<16xi32>], vector<16xf32>,
      %gather3A_329 = tpu.vector_load_idx %arg7[%broadcast_in_dim3A_316, %get3A_75] : memref<32x2048xf32, #tpu.memory_space<vmem>>[vector<16xi32>, vector<16xi32>], vector<16xf32>,
      %gather3A_330 = tpu.vector_load_idx %arg7[%broadcast_in_dim3A_316, %get3A_79] : memref<32x2048xf32, #tpu.memory_space<vmem>>[vector<16xi32>, vector<16xi32>], vector<16xf32>,
      %gather3A_331 = tpu.vector_load_idx %arg7[%broadcast_in_dim3A_316, %get3A_83] : memref<32x2048xf32, #tpu.memory_space<vmem>>[vector<16xi32>, vector<16xi32>], vector<16xf32>,
      %gather3A_332 = tpu.vector_load_idx %arg7[%broadcast_in_dim3A_316, %get3A_87] : memref<32x2048xf32, #tpu.memory_space<vmem>>[vector<16xi32>, vector<16xi32>], vector<16xf32>,
      %add3A_333 = arith.addf %gather3A_317, %gather3A_318 : vector<16xf32>
      %add3A_334 = arith.addf %gather3A_319, %gather3A_320 : vector<16xf32>
      %add3A_335 = arith.addf %gather3A_321, %gather3A_322 : vector<16xf32>
      %add3A_336 = arith.addf %gather3A_323, %gather3A_324 : vector<16xf32>
      %add3A_337 = arith.addf %gather3A_325, %gather3A_326 : vector<16xf32>
      %add3A_338 = arith.addf %gather3A_327, %gather3A_328 : vector<16xf32>
      %add3A_339 = arith.addf %gather3A_329, %gather3A_330 : vector<16xf32>
      %add3A_340 = arith.addf %gather3A_331, %gather3A_332 : vector<16xf32>
      %add3A_341 = arith.addf %add3A_333, %add3A_334 : vector<16xf32>
      %add3A_342 = arith.addf %add3A_335, %add3A_336 : vector<16xf32>
      %add3A_343 = arith.addf %add3A_337, %add3A_338 : vector<16xf32>
      %add3A_344 = arith.addf %add3A_339, %add3A_340 : vector<16xf32>
      %add3A_345 = arith.addf %add3A_341, %add3A_342 : vector<16xf32>
      %add3A_346 = arith.addf %add3A_343, %add3A_344 : vector<16xf32>
      %add3A_347 = arith.addf %add3A_345, %add3A_346 : vector<16xf32>
      %get3A_348 = arith.constant 5 : i32
      %get3A_349 = arith.index_cast %get3A_348 : i32 to index
      %get3A_350 = arith.index_cast %mul3A_24 : i32 to index
      %get3A_351 = tpu.vector_load %arg7[%get3A_349, %get3A_350] {strides = array<i32>} : memref<32x2048xf32, #tpu.memory_space<vmem>>, vector<16xf32>,
      %mul3A_352 = arith.mulf %get3A_351, %add3A_347 : vector<16xf32>
      %add3A_353 = arith.addf %add3A_308, %mul3A_352 : vector<16xf32>
      %get3A_354 = arith.constant 5 : i32
      %get3A_355 = arith.index_cast %get3A_354 : i32 to index
      %get3A_356 = arith.constant 0 : index
      %get3A_357 = tpu.vector_load %arg9[%get3A_355, %get3A_356] {strides = array<i32>} : memref<32x16xf32, #tpu.memory_space<vmem>>, vector<16xf32>,
      %mul3A_358 = arith.mulf %get3A_351, %get3A_357 : vector<16xf32>
      %add3A_359 = arith.addf %add3A_314, %mul3A_358 : vector<16xf32>
      %broadcast_in_dim3A_360 = arith.constant 6 : i32
      %broadcast_in_dim3A_361 = vector.broadcast %broadcast_in_dim3A_360 : i32 to vector<16xi32>
      %gather3A_362 = tpu.vector_load_idx %arg7[%broadcast_in_dim3A_361, %get3A_27] : memref<32x2048xf32, #tpu.memory_space<vmem>>[vector<16xi32>, vector<16xi32>], vector<16xf32>,
      %gather3A_363 = tpu.vector_load_idx %arg7[%broadcast_in_dim3A_361, %get3A_31] : memref<32x2048xf32, #tpu.memory_space<vmem>>[vector<16xi32>, vector<16xi32>], vector<16xf32>,
      %gather3A_364 = tpu.vector_load_idx %arg7[%broadcast_in_dim3A_361, %get3A_35] : memref<32x2048xf32, #tpu.memory_space<vmem>>[vector<16xi32>, vector<16xi32>], vector<16xf32>,
      %gather3A_365 = tpu.vector_load_idx %arg7[%broadcast_in_dim3A_361, %get3A_39] : memref<32x2048xf32, #tpu.memory_space<vmem>>[vector<16xi32>, vector<16xi32>], vector<16xf32>,
      %gather3A_366 = tpu.vector_load_idx %arg7[%broadcast_in_dim3A_361, %get3A_43] : memref<32x2048xf32, #tpu.memory_space<vmem>>[vector<16xi32>, vector<16xi32>], vector<16xf32>,
      %gather3A_367 = tpu.vector_load_idx %arg7[%broadcast_in_dim3A_361, %get3A_47] : memref<32x2048xf32, #tpu.memory_space<vmem>>[vector<16xi32>, vector<16xi32>], vector<16xf32>,
      %gather3A_368 = tpu.vector_load_idx %arg7[%broadcast_in_dim3A_361, %get3A_51] : memref<32x2048xf32, #tpu.memory_space<vmem>>[vector<16xi32>, vector<16xi32>], vector<16xf32>,
      %gather3A_369 = tpu.vector_load_idx %arg7[%broadcast_in_dim3A_361, %get3A_55] : memref<32x2048xf32, #tpu.memory_space<vmem>>[vector<16xi32>, vector<16xi32>], vector<16xf32>,
      %gather3A_370 = tpu.vector_load_idx %arg7[%broadcast_in_dim3A_361, %get3A_59] : memref<32x2048xf32, #tpu.memory_space<vmem>>[vector<16xi32>, vector<16xi32>], vector<16xf32>,
      %gather3A_371 = tpu.vector_load_idx %arg7[%broadcast_in_dim3A_361, %get3A_63] : memref<32x2048xf32, #tpu.memory_space<vmem>>[vector<16xi32>, vector<16xi32>], vector<16xf32>,
      %gather3A_372 = tpu.vector_load_idx %arg7[%broadcast_in_dim3A_361, %get3A_67] : memref<32x2048xf32, #tpu.memory_space<vmem>>[vector<16xi32>, vector<16xi32>], vector<16xf32>,
      %gather3A_373 = tpu.vector_load_idx %arg7[%broadcast_in_dim3A_361, %get3A_71] : memref<32x2048xf32, #tpu.memory_space<vmem>>[vector<16xi32>, vector<16xi32>], vector<16xf32>,
      %gather3A_374 = tpu.vector_load_idx %arg7[%broadcast_in_dim3A_361, %get3A_75] : memref<32x2048xf32, #tpu.memory_space<vmem>>[vector<16xi32>, vector<16xi32>], vector<16xf32>,
      %gather3A_375 = tpu.vector_load_idx %arg7[%broadcast_in_dim3A_361, %get3A_79] : memref<32x2048xf32, #tpu.memory_space<vmem>>[vector<16xi32>, vector<16xi32>], vector<16xf32>,
      %gather3A_376 = tpu.vector_load_idx %arg7[%broadcast_in_dim3A_361, %get3A_83] : memref<32x2048xf32, #tpu.memory_space<vmem>>[vector<16xi32>, vector<16xi32>], vector<16xf32>,
      %gather3A_377 = tpu.vector_load_idx %arg7[%broadcast_in_dim3A_361, %get3A_87] : memref<32x2048xf32, #tpu.memory_space<vmem>>[vector<16xi32>, vector<16xi32>], vector<16xf32>,
      %add3A_378 = arith.addf %gather3A_362, %gather3A_363 : vector<16xf32>
      %add3A_379 = arith.addf %gather3A_364, %gather3A_365 : vector<16xf32>
      %add3A_380 = arith.addf %gather3A_366, %gather3A_367 : vector<16xf32>
      %add3A_381 = arith.addf %gather3A_368, %gather3A_369 : vector<16xf32>
      %add3A_382 = arith.addf %gather3A_370, %gather3A_371 : vector<16xf32>
      %add3A_383 = arith.addf %gather3A_372, %gather3A_373 : vector<16xf32>
      %add3A_384 = arith.addf %gather3A_374, %gather3A_375 : vector<16xf32>
      %add3A_385 = arith.addf %gather3A_376, %gather3A_377 : vector<16xf32>
      %add3A_386 = arith.addf %add3A_378, %add3A_379 : vector<16xf32>
      %add3A_387 = arith.addf %add3A_380, %add3A_381 : vector<16xf32>
      %add3A_388 = arith.addf %add3A_382, %add3A_383 : vector<16xf32>
      %add3A_389 = arith.addf %add3A_384, %add3A_385 : vector<16xf32>
      %add3A_390 = arith.addf %add3A_386, %add3A_387 : vector<16xf32>
      %add3A_391 = arith.addf %add3A_388, %add3A_389 : vector<16xf32>
      %add3A_392 = arith.addf %add3A_390, %add3A_391 : vector<16xf32>
      %get3A_393 = arith.constant 6 : i32
      %get3A_394 = arith.index_cast %get3A_393 : i32 to index
      %get3A_395 = arith.index_cast %mul3A_24 : i32 to index
      %get3A_396 = tpu.vector_load %arg7[%get3A_394, %get3A_395] {strides = array<i32>} : memref<32x2048xf32, #tpu.memory_space<vmem>>, vector<16xf32>,
      %mul3A_397 = arith.mulf %get3A_396, %add3A_392 : vector<16xf32>
      %add3A_398 = arith.addf %add3A_353, %mul3A_397 : vector<16xf32>
      %get3A_399 = arith.constant 6 : i32
      %get3A_400 = arith.index_cast %get3A_399 : i32 to index
      %get3A_401 = arith.constant 0 : index
      %get3A_402 = tpu.vector_load %arg9[%get3A_400, %get3A_401] {strides = array<i32>} : memref<32x16xf32, #tpu.memory_space<vmem>>, vector<16xf32>,
      %mul3A_403 = arith.mulf %get3A_396, %get3A_402 : vector<16xf32>
      %add3A_404 = arith.addf %add3A_359, %mul3A_403 : vector<16xf32>
      %broadcast_in_dim3A_405 = arith.constant 7 : i32
      %broadcast_in_dim3A_406 = vector.broadcast %broadcast_in_dim3A_405 : i32 to vector<16xi32>
      %gather3A_407 = tpu.vector_load_idx %arg7[%broadcast_in_dim3A_406, %get3A_27] : memref<32x2048xf32, #tpu.memory_space<vmem>>[vector<16xi32>, vector<16xi32>], vector<16xf32>,
      %gather3A_408 = tpu.vector_load_idx %arg7[%broadcast_in_dim3A_406, %get3A_31] : memref<32x2048xf32, #tpu.memory_space<vmem>>[vector<16xi32>, vector<16xi32>], vector<16xf32>,
      %gather3A_409 = tpu.vector_load_idx %arg7[%broadcast_in_dim3A_406, %get3A_35] : memref<32x2048xf32, #tpu.memory_space<vmem>>[vector<16xi32>, vector<16xi32>], vector<16xf32>,
      %gather3A_410 = tpu.vector_load_idx %arg7[%broadcast_in_dim3A_406, %get3A_39] : memref<32x2048xf32, #tpu.memory_space<vmem>>[vector<16xi32>, vector<16xi32>], vector<16xf32>,
      %gather3A_411 = tpu.vector_load_idx %arg7[%broadcast_in_dim3A_406, %get3A_43] : memref<32x2048xf32, #tpu.memory_space<vmem>>[vector<16xi32>, vector<16xi32>], vector<16xf32>,
      %gather3A_412 = tpu.vector_load_idx %arg7[%broadcast_in_dim3A_406, %get3A_47] : memref<32x2048xf32, #tpu.memory_space<vmem>>[vector<16xi32>, vector<16xi32>], vector<16xf32>,
      %gather3A_413 = tpu.vector_load_idx %arg7[%broadcast_in_dim3A_406, %get3A_51] : memref<32x2048xf32, #tpu.memory_space<vmem>>[vector<16xi32>, vector<16xi32>], vector<16xf32>,
      %gather3A_414 = tpu.vector_load_idx %arg7[%broadcast_in_dim3A_406, %get3A_55] : memref<32x2048xf32, #tpu.memory_space<vmem>>[vector<16xi32>, vector<16xi32>], vector<16xf32>,
      %gather3A_415 = tpu.vector_load_idx %arg7[%broadcast_in_dim3A_406, %get3A_59] : memref<32x2048xf32, #tpu.memory_space<vmem>>[vector<16xi32>, vector<16xi32>], vector<16xf32>,
      %gather3A_416 = tpu.vector_load_idx %arg7[%broadcast_in_dim3A_406, %get3A_63] : memref<32x2048xf32, #tpu.memory_space<vmem>>[vector<16xi32>, vector<16xi32>], vector<16xf32>,
      %gather3A_417 = tpu.vector_load_idx %arg7[%broadcast_in_dim3A_406, %get3A_67] : memref<32x2048xf32, #tpu.memory_space<vmem>>[vector<16xi32>, vector<16xi32>], vector<16xf32>,
      %gather3A_418 = tpu.vector_load_idx %arg7[%broadcast_in_dim3A_406, %get3A_71] : memref<32x2048xf32, #tpu.memory_space<vmem>>[vector<16xi32>, vector<16xi32>], vector<16xf32>,
      %gather3A_419 = tpu.vector_load_idx %arg7[%broadcast_in_dim3A_406, %get3A_75] : memref<32x2048xf32, #tpu.memory_space<vmem>>[vector<16xi32>, vector<16xi32>], vector<16xf32>,
      %gather3A_420 = tpu.vector_load_idx %arg7[%broadcast_in_dim3A_406, %get3A_79] : memref<32x2048xf32, #tpu.memory_space<vmem>>[vector<16xi32>, vector<16xi32>], vector<16xf32>,
      %gather3A_421 = tpu.vector_load_idx %arg7[%broadcast_in_dim3A_406, %get3A_83] : memref<32x2048xf32, #tpu.memory_space<vmem>>[vector<16xi32>, vector<16xi32>], vector<16xf32>,
      %gather3A_422 = tpu.vector_load_idx %arg7[%broadcast_in_dim3A_406, %get3A_87] : memref<32x2048xf32, #tpu.memory_space<vmem>>[vector<16xi32>, vector<16xi32>], vector<16xf32>,
      %add3A_423 = arith.addf %gather3A_407, %gather3A_408 : vector<16xf32>
      %add3A_424 = arith.addf %gather3A_409, %gather3A_410 : vector<16xf32>
      %add3A_425 = arith.addf %gather3A_411, %gather3A_412 : vector<16xf32>
      %add3A_426 = arith.addf %gather3A_413, %gather3A_414 : vector<16xf32>
      %add3A_427 = arith.addf %gather3A_415, %gather3A_416 : vector<16xf32>
      %add3A_428 = arith.addf %gather3A_417, %gather3A_418 : vector<16xf32>
      %add3A_429 = arith.addf %gather3A_419, %gather3A_420 : vector<16xf32>
      %add3A_430 = arith.addf %gather3A_421, %gather3A_422 : vector<16xf32>
      %add3A_431 = arith.addf %add3A_423, %add3A_424 : vector<16xf32>
      %add3A_432 = arith.addf %add3A_425, %add3A_426 : vector<16xf32>
      %add3A_433 = arith.addf %add3A_427, %add3A_428 : vector<16xf32>
      %add3A_434 = arith.addf %add3A_429, %add3A_430 : vector<16xf32>
      %add3A_435 = arith.addf %add3A_431, %add3A_432 : vector<16xf32>
      %add3A_436 = arith.addf %add3A_433, %add3A_434 : vector<16xf32>
      %add3A_437 = arith.addf %add3A_435, %add3A_436 : vector<16xf32>
      %get3A_438 = arith.constant 7 : i32
      %get3A_439 = arith.index_cast %get3A_438 : i32 to index
      %get3A_440 = arith.index_cast %mul3A_24 : i32 to index
      %get3A_441 = tpu.vector_load %arg7[%get3A_439, %get3A_440] {strides = array<i32>} : memref<32x2048xf32, #tpu.memory_space<vmem>>, vector<16xf32>,
      %mul3A_442 = arith.mulf %get3A_441, %add3A_437 : vector<16xf32>
      %add3A_443 = arith.addf %add3A_398, %mul3A_442 : vector<16xf32>
      %get3A_444 = arith.constant 7 : i32
      %get3A_445 = arith.index_cast %get3A_444 : i32 to index
      %get3A_446 = arith.constant 0 : index
      %get3A_447 = tpu.vector_load %arg9[%get3A_445, %get3A_446] {strides = array<i32>} : memref<32x16xf32, #tpu.memory_space<vmem>>, vector<16xf32>,
      %mul3A_448 = arith.mulf %get3A_441, %get3A_447 : vector<16xf32>
      %add3A_449 = arith.addf %add3A_404, %mul3A_448 : vector<16xf32>
      %broadcast_in_dim3A_450 = arith.constant 8 : i32
      %broadcast_in_dim3A_451 = vector.broadcast %broadcast_in_dim3A_450 : i32 to vector<16xi32>
      %gather3A_452 = tpu.vector_load_idx %arg7[%broadcast_in_dim3A_451, %get3A_27] : memref<32x2048xf32, #tpu.memory_space<vmem>>[vector<16xi32>, vector<16xi32>], vector<16xf32>,
      %gather3A_453 = tpu.vector_load_idx %arg7[%broadcast_in_dim3A_451, %get3A_31] : memref<32x2048xf32, #tpu.memory_space<vmem>>[vector<16xi32>, vector<16xi32>], vector<16xf32>,
      %gather3A_454 = tpu.vector_load_idx %arg7[%broadcast_in_dim3A_451, %get3A_35] : memref<32x2048xf32, #tpu.memory_space<vmem>>[vector<16xi32>, vector<16xi32>], vector<16xf32>,
      %gather3A_455 = tpu.vector_load_idx %arg7[%broadcast_in_dim3A_451, %get3A_39] : memref<32x2048xf32, #tpu.memory_space<vmem>>[vector<16xi32>, vector<16xi32>], vector<16xf32>,
      %gather3A_456 = tpu.vector_load_idx %arg7[%broadcast_in_dim3A_451, %get3A_43] : memref<32x2048xf32, #tpu.memory_space<vmem>>[vector<16xi32>, vector<16xi32>], vector<16xf32>,
      %gather3A_457 = tpu.vector_load_idx %arg7[%broadcast_in_dim3A_451, %get3A_47] : memref<32x2048xf32, #tpu.memory_space<vmem>>[vector<16xi32>, vector<16xi32>], vector<16xf32>,
      %gather3A_458 = tpu.vector_load_idx %arg7[%broadcast_in_dim3A_451, %get3A_51] : memref<32x2048xf32, #tpu.memory_space<vmem>>[vector<16xi32>, vector<16xi32>], vector<16xf32>,
      %gather3A_459 = tpu.vector_load_idx %arg7[%broadcast_in_dim3A_451, %get3A_55] : memref<32x2048xf32, #tpu.memory_space<vmem>>[vector<16xi32>, vector<16xi32>], vector<16xf32>,
      %gather3A_460 = tpu.vector_load_idx %arg7[%broadcast_in_dim3A_451, %get3A_59] : memref<32x2048xf32, #tpu.memory_space<vmem>>[vector<16xi32>, vector<16xi32>], vector<16xf32>,
      %gather3A_461 = tpu.vector_load_idx %arg7[%broadcast_in_dim3A_451, %get3A_63] : memref<32x2048xf32, #tpu.memory_space<vmem>>[vector<16xi32>, vector<16xi32>], vector<16xf32>,
      %gather3A_462 = tpu.vector_load_idx %arg7[%broadcast_in_dim3A_451, %get3A_67] : memref<32x2048xf32, #tpu.memory_space<vmem>>[vector<16xi32>, vector<16xi32>], vector<16xf32>,
      %gather3A_463 = tpu.vector_load_idx %arg7[%broadcast_in_dim3A_451, %get3A_71] : memref<32x2048xf32, #tpu.memory_space<vmem>>[vector<16xi32>, vector<16xi32>], vector<16xf32>,
      %gather3A_464 = tpu.vector_load_idx %arg7[%broadcast_in_dim3A_451, %get3A_75] : memref<32x2048xf32, #tpu.memory_space<vmem>>[vector<16xi32>, vector<16xi32>], vector<16xf32>,
      %gather3A_465 = tpu.vector_load_idx %arg7[%broadcast_in_dim3A_451, %get3A_79] : memref<32x2048xf32, #tpu.memory_space<vmem>>[vector<16xi32>, vector<16xi32>], vector<16xf32>,
      %gather3A_466 = tpu.vector_load_idx %arg7[%broadcast_in_dim3A_451, %get3A_83] : memref<32x2048xf32, #tpu.memory_space<vmem>>[vector<16xi32>, vector<16xi32>], vector<16xf32>,
      %gather3A_467 = tpu.vector_load_idx %arg7[%broadcast_in_dim3A_451, %get3A_87] : memref<32x2048xf32, #tpu.memory_space<vmem>>[vector<16xi32>, vector<16xi32>], vector<16xf32>,
      %add3A_468 = arith.addf %gather3A_452, %gather3A_453 : vector<16xf32>
      %add3A_469 = arith.addf %gather3A_454, %gather3A_455 : vector<16xf32>
      %add3A_470 = arith.addf %gather3A_456, %gather3A_457 : vector<16xf32>
      %add3A_471 = arith.addf %gather3A_458, %gather3A_459 : vector<16xf32>
      %add3A_472 = arith.addf %gather3A_460, %gather3A_461 : vector<16xf32>
      %add3A_473 = arith.addf %gather3A_462, %gather3A_463 : vector<16xf32>
      %add3A_474 = arith.addf %gather3A_464, %gather3A_465 : vector<16xf32>
      %add3A_475 = arith.addf %gather3A_466, %gather3A_467 : vector<16xf32>
      %add3A_476 = arith.addf %add3A_468, %add3A_469 : vector<16xf32>
      %add3A_477 = arith.addf %add3A_470, %add3A_471 : vector<16xf32>
      %add3A_478 = arith.addf %add3A_472, %add3A_473 : vector<16xf32>
      %add3A_479 = arith.addf %add3A_474, %add3A_475 : vector<16xf32>
      %add3A_480 = arith.addf %add3A_476, %add3A_477 : vector<16xf32>
      %add3A_481 = arith.addf %add3A_478, %add3A_479 : vector<16xf32>
      %add3A_482 = arith.addf %add3A_480, %add3A_481 : vector<16xf32>
      %get3A_483 = arith.constant 8 : i32
      %get3A_484 = arith.index_cast %get3A_483 : i32 to index
      %get3A_485 = arith.index_cast %mul3A_24 : i32 to index
      %get3A_486 = tpu.vector_load %arg7[%get3A_484, %get3A_485] {strides = array<i32>} : memref<32x2048xf32, #tpu.memory_space<vmem>>, vector<16xf32>,
      %mul3A_487 = arith.mulf %get3A_486, %add3A_482 : vector<16xf32>
      %add3A_488 = arith.addf %add3A_443, %mul3A_487 : vector<16xf32>
      %get3A_489 = arith.constant 8 : i32
      %get3A_490 = arith.index_cast %get3A_489 : i32 to index
      %get3A_491 = arith.constant 0 : index
      %get3A_492 = tpu.vector_load %arg9[%get3A_490, %get3A_491] {strides = array<i32>} : memref<32x16xf32, #tpu.memory_space<vmem>>, vector<16xf32>,
      %mul3A_493 = arith.mulf %get3A_486, %get3A_492 : vector<16xf32>
      %add3A_494 = arith.addf %add3A_449, %mul3A_493 : vector<16xf32>
      %broadcast_in_dim3A_495 = arith.constant 9 : i32
      %broadcast_in_dim3A_496 = vector.broadcast %broadcast_in_dim3A_495 : i32 to vector<16xi32>
      %gather3A_497 = tpu.vector_load_idx %arg7[%broadcast_in_dim3A_496, %get3A_27] : memref<32x2048xf32, #tpu.memory_space<vmem>>[vector<16xi32>, vector<16xi32>], vector<16xf32>,
      %gather3A_498 = tpu.vector_load_idx %arg7[%broadcast_in_dim3A_496, %get3A_31] : memref<32x2048xf32, #tpu.memory_space<vmem>>[vector<16xi32>, vector<16xi32>], vector<16xf32>,
      %gather3A_499 = tpu.vector_load_idx %arg7[%broadcast_in_dim3A_496, %get3A_35] : memref<32x2048xf32, #tpu.memory_space<vmem>>[vector<16xi32>, vector<16xi32>], vector<16xf32>,
      %gather3A_500 = tpu.vector_load_idx %arg7[%broadcast_in_dim3A_496, %get3A_39] : memref<32x2048xf32, #tpu.memory_space<vmem>>[vector<16xi32>, vector<16xi32>], vector<16xf32>,
      %gather3A_501 = tpu.vector_load_idx %arg7[%broadcast_in_dim3A_496, %get3A_43] : memref<32x2048xf32, #tpu.memory_space<vmem>>[vector<16xi32>, vector<16xi32>], vector<16xf32>,
      %gather3A_502 = tpu.vector_load_idx %arg7[%broadcast_in_dim3A_496, %get3A_47] : memref<32x2048xf32, #tpu.memory_space<vmem>>[vector<16xi32>, vector<16xi32>], vector<16xf32>,
      %gather3A_503 = tpu.vector_load_idx %arg7[%broadcast_in_dim3A_496, %get3A_51] : memref<32x2048xf32, #tpu.memory_space<vmem>>[vector<16xi32>, vector<16xi32>], vector<16xf32>,
      %gather3A_504 = tpu.vector_load_idx %arg7[%broadcast_in_dim3A_496, %get3A_55] : memref<32x2048xf32, #tpu.memory_space<vmem>>[vector<16xi32>, vector<16xi32>], vector<16xf32>,
      %gather3A_505 = tpu.vector_load_idx %arg7[%broadcast_in_dim3A_496, %get3A_59] : memref<32x2048xf32, #tpu.memory_space<vmem>>[vector<16xi32>, vector<16xi32>], vector<16xf32>,
      %gather3A_506 = tpu.vector_load_idx %arg7[%broadcast_in_dim3A_496, %get3A_63] : memref<32x2048xf32, #tpu.memory_space<vmem>>[vector<16xi32>, vector<16xi32>], vector<16xf32>,
      %gather3A_507 = tpu.vector_load_idx %arg7[%broadcast_in_dim3A_496, %get3A_67] : memref<32x2048xf32, #tpu.memory_space<vmem>>[vector<16xi32>, vector<16xi32>], vector<16xf32>,
      %gather3A_508 = tpu.vector_load_idx %arg7[%broadcast_in_dim3A_496, %get3A_71] : memref<32x2048xf32, #tpu.memory_space<vmem>>[vector<16xi32>, vector<16xi32>], vector<16xf32>,
      %gather3A_509 = tpu.vector_load_idx %arg7[%broadcast_in_dim3A_496, %get3A_75] : memref<32x2048xf32, #tpu.memory_space<vmem>>[vector<16xi32>, vector<16xi32>], vector<16xf32>,
      %gather3A_510 = tpu.vector_load_idx %arg7[%broadcast_in_dim3A_496, %get3A_79] : memref<32x2048xf32, #tpu.memory_space<vmem>>[vector<16xi32>, vector<16xi32>], vector<16xf32>,
      %gather3A_511 = tpu.vector_load_idx %arg7[%broadcast_in_dim3A_496, %get3A_83] : memref<32x2048xf32, #tpu.memory_space<vmem>>[vector<16xi32>, vector<16xi32>], vector<16xf32>,
      %gather3A_512 = tpu.vector_load_idx %arg7[%broadcast_in_dim3A_496, %get3A_87] : memref<32x2048xf32, #tpu.memory_space<vmem>>[vector<16xi32>, vector<16xi32>], vector<16xf32>,
      %add3A_513 = arith.addf %gather3A_497, %gather3A_498 : vector<16xf32>
      %add3A_514 = arith.addf %gather3A_499, %gather3A_500 : vector<16xf32>
      %add3A_515 = arith.addf %gather3A_501, %gather3A_502 : vector<16xf32>
      %add3A_516 = arith.addf %gather3A_503, %gather3A_504 : vector<16xf32>
      %add3A_517 = arith.addf %gather3A_505, %gather3A_506 : vector<16xf32>
      %add3A_518 = arith.addf %gather3A_507, %gather3A_508 : vector<16xf32>
      %add3A_519 = arith.addf %gather3A_509, %gather3A_510 : vector<16xf32>
      %add3A_520 = arith.addf %gather3A_511, %gather3A_512 : vector<16xf32>
      %add3A_521 = arith.addf %add3A_513, %add3A_514 : vector<16xf32>
      %add3A_522 = arith.addf %add3A_515, %add3A_516 : vector<16xf32>
      %add3A_523 = arith.addf %add3A_517, %add3A_518 : vector<16xf32>
      %add3A_524 = arith.addf %add3A_519, %add3A_520 : vector<16xf32>
      %add3A_525 = arith.addf %add3A_521, %add3A_522 : vector<16xf32>
      %add3A_526 = arith.addf %add3A_523, %add3A_524 : vector<16xf32>
      %add3A_527 = arith.addf %add3A_525, %add3A_526 : vector<16xf32>
      %get3A_528 = arith.constant 9 : i32
      %get3A_529 = arith.index_cast %get3A_528 : i32 to index
      %get3A_530 = arith.index_cast %mul3A_24 : i32 to index
      %get3A_531 = tpu.vector_load %arg7[%get3A_529, %get3A_530] {strides = array<i32>} : memref<32x2048xf32, #tpu.memory_space<vmem>>, vector<16xf32>,
      %mul3A_532 = arith.mulf %get3A_531, %add3A_527 : vector<16xf32>
      %add3A_533 = arith.addf %add3A_488, %mul3A_532 : vector<16xf32>
      %get3A_534 = arith.constant 9 : i32
      %get3A_535 = arith.index_cast %get3A_534 : i32 to index
      %get3A_536 = arith.constant 0 : index
      %get3A_537 = tpu.vector_load %arg9[%get3A_535, %get3A_536] {strides = array<i32>} : memref<32x16xf32, #tpu.memory_space<vmem>>, vector<16xf32>,
      %mul3A_538 = arith.mulf %get3A_531, %get3A_537 : vector<16xf32>
      %add3A_539 = arith.addf %add3A_494, %mul3A_538 : vector<16xf32>
      %broadcast_in_dim3A_540 = arith.constant 10 : i32
      %broadcast_in_dim3A_541 = vector.broadcast %broadcast_in_dim3A_540 : i32 to vector<16xi32>
      %gather3A_542 = tpu.vector_load_idx %arg7[%broadcast_in_dim3A_541, %get3A_27] : memref<32x2048xf32, #tpu.memory_space<vmem>>[vector<16xi32>, vector<16xi32>], vector<16xf32>,
      %gather3A_543 = tpu.vector_load_idx %arg7[%broadcast_in_dim3A_541, %get3A_31] : memref<32x2048xf32, #tpu.memory_space<vmem>>[vector<16xi32>, vector<16xi32>], vector<16xf32>,
      %gather3A_544 = tpu.vector_load_idx %arg7[%broadcast_in_dim3A_541, %get3A_35] : memref<32x2048xf32, #tpu.memory_space<vmem>>[vector<16xi32>, vector<16xi32>], vector<16xf32>,
      %gather3A_545 = tpu.vector_load_idx %arg7[%broadcast_in_dim3A_541, %get3A_39] : memref<32x2048xf32, #tpu.memory_space<vmem>>[vector<16xi32>, vector<16xi32>], vector<16xf32>,
      %gather3A_546 = tpu.vector_load_idx %arg7[%broadcast_in_dim3A_541, %get3A_43] : memref<32x2048xf32, #tpu.memory_space<vmem>>[vector<16xi32>, vector<16xi32>], vector<16xf32>,
      %gather3A_547 = tpu.vector_load_idx %arg7[%broadcast_in_dim3A_541, %get3A_47] : memref<32x2048xf32, #tpu.memory_space<vmem>>[vector<16xi32>, vector<16xi32>], vector<16xf32>,
      %gather3A_548 = tpu.vector_load_idx %arg7[%broadcast_in_dim3A_541, %get3A_51] : memref<32x2048xf32, #tpu.memory_space<vmem>>[vector<16xi32>, vector<16xi32>], vector<16xf32>,
      %gather3A_549 = tpu.vector_load_idx %arg7[%broadcast_in_dim3A_541, %get3A_55] : memref<32x2048xf32, #tpu.memory_space<vmem>>[vector<16xi32>, vector<16xi32>], vector<16xf32>,
      %gather3A_550 = tpu.vector_load_idx %arg7[%broadcast_in_dim3A_541, %get3A_59] : memref<32x2048xf32, #tpu.memory_space<vmem>>[vector<16xi32>, vector<16xi32>], vector<16xf32>,
      %gather3A_551 = tpu.vector_load_idx %arg7[%broadcast_in_dim3A_541, %get3A_63] : memref<32x2048xf32, #tpu.memory_space<vmem>>[vector<16xi32>, vector<16xi32>], vector<16xf32>,
      %gather3A_552 = tpu.vector_load_idx %arg7[%broadcast_in_dim3A_541, %get3A_67] : memref<32x2048xf32, #tpu.memory_space<vmem>>[vector<16xi32>, vector<16xi32>], vector<16xf32>,
      %gather3A_553 = tpu.vector_load_idx %arg7[%broadcast_in_dim3A_541, %get3A_71] : memref<32x2048xf32, #tpu.memory_space<vmem>>[vector<16xi32>, vector<16xi32>], vector<16xf32>,
      %gather3A_554 = tpu.vector_load_idx %arg7[%broadcast_in_dim3A_541, %get3A_75] : memref<32x2048xf32, #tpu.memory_space<vmem>>[vector<16xi32>, vector<16xi32>], vector<16xf32>,
      %gather3A_555 = tpu.vector_load_idx %arg7[%broadcast_in_dim3A_541, %get3A_79] : memref<32x2048xf32, #tpu.memory_space<vmem>>[vector<16xi32>, vector<16xi32>], vector<16xf32>,
      %gather3A_556 = tpu.vector_load_idx %arg7[%broadcast_in_dim3A_541, %get3A_83] : memref<32x2048xf32, #tpu.memory_space<vmem>>[vector<16xi32>, vector<16xi32>], vector<16xf32>,
      %gather3A_557 = tpu.vector_load_idx %arg7[%broadcast_in_dim3A_541, %get3A_87] : memref<32x2048xf32, #tpu.memory_space<vmem>>[vector<16xi32>, vector<16xi32>], vector<16xf32>,
      %add3A_558 = arith.addf %gather3A_542, %gather3A_543 : vector<16xf32>
      %add3A_559 = arith.addf %gather3A_544, %gather3A_545 : vector<16xf32>
      %add3A_560 = arith.addf %gather3A_546, %gather3A_547 : vector<16xf32>
      %add3A_561 = arith.addf %gather3A_548, %gather3A_549 : vector<16xf32>
      %add3A_562 = arith.addf %gather3A_550, %gather3A_551 : vector<16xf32>
      %add3A_563 = arith.addf %gather3A_552, %gather3A_553 : vector<16xf32>
      %add3A_564 = arith.addf %gather3A_554, %gather3A_555 : vector<16xf32>
      %add3A_565 = arith.addf %gather3A_556, %gather3A_557 : vector<16xf32>
      %add3A_566 = arith.addf %add3A_558, %add3A_559 : vector<16xf32>
      %add3A_567 = arith.addf %add3A_560, %add3A_561 : vector<16xf32>
      %add3A_568 = arith.addf %add3A_562, %add3A_563 : vector<16xf32>
      %add3A_569 = arith.addf %add3A_564, %add3A_565 : vector<16xf32>
      %add3A_570 = arith.addf %add3A_566, %add3A_567 : vector<16xf32>
      %add3A_571 = arith.addf %add3A_568, %add3A_569 : vector<16xf32>
      %add3A_572 = arith.addf %add3A_570, %add3A_571 : vector<16xf32>
      %get3A_573 = arith.constant 10 : i32
      %get3A_574 = arith.index_cast %get3A_573 : i32 to index
      %get3A_575 = arith.index_cast %mul3A_24 : i32 to index
      %get3A_576 = tpu.vector_load %arg7[%get3A_574, %get3A_575] {strides = array<i32>} : memref<32x2048xf32, #tpu.memory_space<vmem>>, vector<16xf32>,
      %mul3A_577 = arith.mulf %get3A_576, %add3A_572 : vector<16xf32>
      %add3A_578 = arith.addf %add3A_533, %mul3A_577 : vector<16xf32>
      %get3A_579 = arith.constant 10 : i32
      %get3A_580 = arith.index_cast %get3A_579 : i32 to index
      %get3A_581 = arith.constant 0 : index
      %get3A_582 = tpu.vector_load %arg9[%get3A_580, %get3A_581] {strides = array<i32>} : memref<32x16xf32, #tpu.memory_space<vmem>>, vector<16xf32>,
      %mul3A_583 = arith.mulf %get3A_576, %get3A_582 : vector<16xf32>
      %add3A_584 = arith.addf %add3A_539, %mul3A_583 : vector<16xf32>
      %broadcast_in_dim3A_585 = arith.constant 11 : i32
      %broadcast_in_dim3A_586 = vector.broadcast %broadcast_in_dim3A_585 : i32 to vector<16xi32>
      %gather3A_587 = tpu.vector_load_idx %arg7[%broadcast_in_dim3A_586, %get3A_27] : memref<32x2048xf32, #tpu.memory_space<vmem>>[vector<16xi32>, vector<16xi32>], vector<16xf32>,
      %gather3A_588 = tpu.vector_load_idx %arg7[%broadcast_in_dim3A_586, %get3A_31] : memref<32x2048xf32, #tpu.memory_space<vmem>>[vector<16xi32>, vector<16xi32>], vector<16xf32>,
      %gather3A_589 = tpu.vector_load_idx %arg7[%broadcast_in_dim3A_586, %get3A_35] : memref<32x2048xf32, #tpu.memory_space<vmem>>[vector<16xi32>, vector<16xi32>], vector<16xf32>,
      %gather3A_590 = tpu.vector_load_idx %arg7[%broadcast_in_dim3A_586, %get3A_39] : memref<32x2048xf32, #tpu.memory_space<vmem>>[vector<16xi32>, vector<16xi32>], vector<16xf32>,
      %gather3A_591 = tpu.vector_load_idx %arg7[%broadcast_in_dim3A_586, %get3A_43] : memref<32x2048xf32, #tpu.memory_space<vmem>>[vector<16xi32>, vector<16xi32>], vector<16xf32>,
      %gather3A_592 = tpu.vector_load_idx %arg7[%broadcast_in_dim3A_586, %get3A_47] : memref<32x2048xf32, #tpu.memory_space<vmem>>[vector<16xi32>, vector<16xi32>], vector<16xf32>,
      %gather3A_593 = tpu.vector_load_idx %arg7[%broadcast_in_dim3A_586, %get3A_51] : memref<32x2048xf32, #tpu.memory_space<vmem>>[vector<16xi32>, vector<16xi32>], vector<16xf32>,
      %gather3A_594 = tpu.vector_load_idx %arg7[%broadcast_in_dim3A_586, %get3A_55] : memref<32x2048xf32, #tpu.memory_space<vmem>>[vector<16xi32>, vector<16xi32>], vector<16xf32>,
      %gather3A_595 = tpu.vector_load_idx %arg7[%broadcast_in_dim3A_586, %get3A_59] : memref<32x2048xf32, #tpu.memory_space<vmem>>[vector<16xi32>, vector<16xi32>], vector<16xf32>,
      %gather3A_596 = tpu.vector_load_idx %arg7[%broadcast_in_dim3A_586, %get3A_63] : memref<32x2048xf32, #tpu.memory_space<vmem>>[vector<16xi32>, vector<16xi32>], vector<16xf32>,
      %gather3A_597 = tpu.vector_load_idx %arg7[%broadcast_in_dim3A_586, %get3A_67] : memref<32x2048xf32, #tpu.memory_space<vmem>>[vector<16xi32>, vector<16xi32>], vector<16xf32>,
      %gather3A_598 = tpu.vector_load_idx %arg7[%broadcast_in_dim3A_586, %get3A_71] : memref<32x2048xf32, #tpu.memory_space<vmem>>[vector<16xi32>, vector<16xi32>], vector<16xf32>,
      %gather3A_599 = tpu.vector_load_idx %arg7[%broadcast_in_dim3A_586, %get3A_75] : memref<32x2048xf32, #tpu.memory_space<vmem>>[vector<16xi32>, vector<16xi32>], vector<16xf32>,
      %gather3A_600 = tpu.vector_load_idx %arg7[%broadcast_in_dim3A_586, %get3A_79] : memref<32x2048xf32, #tpu.memory_space<vmem>>[vector<16xi32>, vector<16xi32>], vector<16xf32>,
      %gather3A_601 = tpu.vector_load_idx %arg7[%broadcast_in_dim3A_586, %get3A_83] : memref<32x2048xf32, #tpu.memory_space<vmem>>[vector<16xi32>, vector<16xi32>], vector<16xf32>,
      %gather3A_602 = tpu.vector_load_idx %arg7[%broadcast_in_dim3A_586, %get3A_87] : memref<32x2048xf32, #tpu.memory_space<vmem>>[vector<16xi32>, vector<16xi32>], vector<16xf32>,
      %add3A_603 = arith.addf %gather3A_587, %gather3A_588 : vector<16xf32>
      %add3A_604 = arith.addf %gather3A_589, %gather3A_590 : vector<16xf32>
      %add3A_605 = arith.addf %gather3A_591, %gather3A_592 : vector<16xf32>
      %add3A_606 = arith.addf %gather3A_593, %gather3A_594 : vector<16xf32>
      %add3A_607 = arith.addf %gather3A_595, %gather3A_596 : vector<16xf32>
      %add3A_608 = arith.addf %gather3A_597, %gather3A_598 : vector<16xf32>
      %add3A_609 = arith.addf %gather3A_599, %gather3A_600 : vector<16xf32>
      %add3A_610 = arith.addf %gather3A_601, %gather3A_602 : vector<16xf32>
      %add3A_611 = arith.addf %add3A_603, %add3A_604 : vector<16xf32>
      %add3A_612 = arith.addf %add3A_605, %add3A_606 : vector<16xf32>
      %add3A_613 = arith.addf %add3A_607, %add3A_608 : vector<16xf32>
      %add3A_614 = arith.addf %add3A_609, %add3A_610 : vector<16xf32>
      %add3A_615 = arith.addf %add3A_611, %add3A_612 : vector<16xf32>
      %add3A_616 = arith.addf %add3A_613, %add3A_614 : vector<16xf32>
      %add3A_617 = arith.addf %add3A_615, %add3A_616 : vector<16xf32>
      %get3A_618 = arith.constant 11 : i32
      %get3A_619 = arith.index_cast %get3A_618 : i32 to index
      %get3A_620 = arith.index_cast %mul3A_24 : i32 to index
      %get3A_621 = tpu.vector_load %arg7[%get3A_619, %get3A_620] {strides = array<i32>} : memref<32x2048xf32, #tpu.memory_space<vmem>>, vector<16xf32>,
      %mul3A_622 = arith.mulf %get3A_621, %add3A_617 : vector<16xf32>
      %add3A_623 = arith.addf %add3A_578, %mul3A_622 : vector<16xf32>
      %get3A_624 = arith.constant 11 : i32
      %get3A_625 = arith.index_cast %get3A_624 : i32 to index
      %get3A_626 = arith.constant 0 : index
      %get3A_627 = tpu.vector_load %arg9[%get3A_625, %get3A_626] {strides = array<i32>} : memref<32x16xf32, #tpu.memory_space<vmem>>, vector<16xf32>,
      %mul3A_628 = arith.mulf %get3A_621, %get3A_627 : vector<16xf32>
      %add3A_629 = arith.addf %add3A_584, %mul3A_628 : vector<16xf32>
      %broadcast_in_dim3A_630 = arith.constant 12 : i32
      %broadcast_in_dim3A_631 = vector.broadcast %broadcast_in_dim3A_630 : i32 to vector<16xi32>
      %gather3A_632 = tpu.vector_load_idx %arg7[%broadcast_in_dim3A_631, %get3A_27] : memref<32x2048xf32, #tpu.memory_space<vmem>>[vector<16xi32>, vector<16xi32>], vector<16xf32>,
      %gather3A_633 = tpu.vector_load_idx %arg7[%broadcast_in_dim3A_631, %get3A_31] : memref<32x2048xf32, #tpu.memory_space<vmem>>[vector<16xi32>, vector<16xi32>], vector<16xf32>,
      %gather3A_634 = tpu.vector_load_idx %arg7[%broadcast_in_dim3A_631, %get3A_35] : memref<32x2048xf32, #tpu.memory_space<vmem>>[vector<16xi32>, vector<16xi32>], vector<16xf32>,
      %gather3A_635 = tpu.vector_load_idx %arg7[%broadcast_in_dim3A_631, %get3A_39] : memref<32x2048xf32, #tpu.memory_space<vmem>>[vector<16xi32>, vector<16xi32>], vector<16xf32>,
      %gather3A_636 = tpu.vector_load_idx %arg7[%broadcast_in_dim3A_631, %get3A_43] : memref<32x2048xf32, #tpu.memory_space<vmem>>[vector<16xi32>, vector<16xi32>], vector<16xf32>,
      %gather3A_637 = tpu.vector_load_idx %arg7[%broadcast_in_dim3A_631, %get3A_47] : memref<32x2048xf32, #tpu.memory_space<vmem>>[vector<16xi32>, vector<16xi32>], vector<16xf32>,
      %gather3A_638 = tpu.vector_load_idx %arg7[%broadcast_in_dim3A_631, %get3A_51] : memref<32x2048xf32, #tpu.memory_space<vmem>>[vector<16xi32>, vector<16xi32>], vector<16xf32>,
      %gather3A_639 = tpu.vector_load_idx %arg7[%broadcast_in_dim3A_631, %get3A_55] : memref<32x2048xf32, #tpu.memory_space<vmem>>[vector<16xi32>, vector<16xi32>], vector<16xf32>,
      %gather3A_640 = tpu.vector_load_idx %arg7[%broadcast_in_dim3A_631, %get3A_59] : memref<32x2048xf32, #tpu.memory_space<vmem>>[vector<16xi32>, vector<16xi32>], vector<16xf32>,
      %gather3A_641 = tpu.vector_load_idx %arg7[%broadcast_in_dim3A_631, %get3A_63] : memref<32x2048xf32, #tpu.memory_space<vmem>>[vector<16xi32>, vector<16xi32>], vector<16xf32>,
      %gather3A_642 = tpu.vector_load_idx %arg7[%broadcast_in_dim3A_631, %get3A_67] : memref<32x2048xf32, #tpu.memory_space<vmem>>[vector<16xi32>, vector<16xi32>], vector<16xf32>,
      %gather3A_643 = tpu.vector_load_idx %arg7[%broadcast_in_dim3A_631, %get3A_71] : memref<32x2048xf32, #tpu.memory_space<vmem>>[vector<16xi32>, vector<16xi32>], vector<16xf32>,
      %gather3A_644 = tpu.vector_load_idx %arg7[%broadcast_in_dim3A_631, %get3A_75] : memref<32x2048xf32, #tpu.memory_space<vmem>>[vector<16xi32>, vector<16xi32>], vector<16xf32>,
      %gather3A_645 = tpu.vector_load_idx %arg7[%broadcast_in_dim3A_631, %get3A_79] : memref<32x2048xf32, #tpu.memory_space<vmem>>[vector<16xi32>, vector<16xi32>], vector<16xf32>,
      %gather3A_646 = tpu.vector_load_idx %arg7[%broadcast_in_dim3A_631, %get3A_83] : memref<32x2048xf32, #tpu.memory_space<vmem>>[vector<16xi32>, vector<16xi32>], vector<16xf32>,
      %gather3A_647 = tpu.vector_load_idx %arg7[%broadcast_in_dim3A_631, %get3A_87] : memref<32x2048xf32, #tpu.memory_space<vmem>>[vector<16xi32>, vector<16xi32>], vector<16xf32>,
      %add3A_648 = arith.addf %gather3A_632, %gather3A_633 : vector<16xf32>
      %add3A_649 = arith.addf %gather3A_634, %gather3A_635 : vector<16xf32>
      %add3A_650 = arith.addf %gather3A_636, %gather3A_637 : vector<16xf32>
      %add3A_651 = arith.addf %gather3A_638, %gather3A_639 : vector<16xf32>
      %add3A_652 = arith.addf %gather3A_640, %gather3A_641 : vector<16xf32>
      %add3A_653 = arith.addf %gather3A_642, %gather3A_643 : vector<16xf32>
      %add3A_654 = arith.addf %gather3A_644, %gather3A_645 : vector<16xf32>
      %add3A_655 = arith.addf %gather3A_646, %gather3A_647 : vector<16xf32>
      %add3A_656 = arith.addf %add3A_648, %add3A_649 : vector<16xf32>
      %add3A_657 = arith.addf %add3A_650, %add3A_651 : vector<16xf32>
      %add3A_658 = arith.addf %add3A_652, %add3A_653 : vector<16xf32>
      %add3A_659 = arith.addf %add3A_654, %add3A_655 : vector<16xf32>
      %add3A_660 = arith.addf %add3A_656, %add3A_657 : vector<16xf32>
      %add3A_661 = arith.addf %add3A_658, %add3A_659 : vector<16xf32>
      %add3A_662 = arith.addf %add3A_660, %add3A_661 : vector<16xf32>
      %get3A_663 = arith.constant 12 : i32
      %get3A_664 = arith.index_cast %get3A_663 : i32 to index
      %get3A_665 = arith.index_cast %mul3A_24 : i32 to index
      %get3A_666 = tpu.vector_load %arg7[%get3A_664, %get3A_665] {strides = array<i32>} : memref<32x2048xf32, #tpu.memory_space<vmem>>, vector<16xf32>,
      %mul3A_667 = arith.mulf %get3A_666, %add3A_662 : vector<16xf32>
      %add3A_668 = arith.addf %add3A_623, %mul3A_667 : vector<16xf32>
      %get3A_669 = arith.constant 12 : i32
      %get3A_670 = arith.index_cast %get3A_669 : i32 to index
      %get3A_671 = arith.constant 0 : index
      %get3A_672 = tpu.vector_load %arg9[%get3A_670, %get3A_671] {strides = array<i32>} : memref<32x16xf32, #tpu.memory_space<vmem>>, vector<16xf32>,
      %mul3A_673 = arith.mulf %get3A_666, %get3A_672 : vector<16xf32>
      %add3A_674 = arith.addf %add3A_629, %mul3A_673 : vector<16xf32>
      %broadcast_in_dim3A_675 = arith.constant 13 : i32
      %broadcast_in_dim3A_676 = vector.broadcast %broadcast_in_dim3A_675 : i32 to vector<16xi32>
      %gather3A_677 = tpu.vector_load_idx %arg7[%broadcast_in_dim3A_676, %get3A_27] : memref<32x2048xf32, #tpu.memory_space<vmem>>[vector<16xi32>, vector<16xi32>], vector<16xf32>,
      %gather3A_678 = tpu.vector_load_idx %arg7[%broadcast_in_dim3A_676, %get3A_31] : memref<32x2048xf32, #tpu.memory_space<vmem>>[vector<16xi32>, vector<16xi32>], vector<16xf32>,
      %gather3A_679 = tpu.vector_load_idx %arg7[%broadcast_in_dim3A_676, %get3A_35] : memref<32x2048xf32, #tpu.memory_space<vmem>>[vector<16xi32>, vector<16xi32>], vector<16xf32>,
      %gather3A_680 = tpu.vector_load_idx %arg7[%broadcast_in_dim3A_676, %get3A_39] : memref<32x2048xf32, #tpu.memory_space<vmem>>[vector<16xi32>, vector<16xi32>], vector<16xf32>,
      %gather3A_681 = tpu.vector_load_idx %arg7[%broadcast_in_dim3A_676, %get3A_43] : memref<32x2048xf32, #tpu.memory_space<vmem>>[vector<16xi32>, vector<16xi32>], vector<16xf32>,
      %gather3A_682 = tpu.vector_load_idx %arg7[%broadcast_in_dim3A_676, %get3A_47] : memref<32x2048xf32, #tpu.memory_space<vmem>>[vector<16xi32>, vector<16xi32>], vector<16xf32>,
      %gather3A_683 = tpu.vector_load_idx %arg7[%broadcast_in_dim3A_676, %get3A_51] : memref<32x2048xf32, #tpu.memory_space<vmem>>[vector<16xi32>, vector<16xi32>], vector<16xf32>,
      %gather3A_684 = tpu.vector_load_idx %arg7[%broadcast_in_dim3A_676, %get3A_55] : memref<32x2048xf32, #tpu.memory_space<vmem>>[vector<16xi32>, vector<16xi32>], vector<16xf32>,
      %gather3A_685 = tpu.vector_load_idx %arg7[%broadcast_in_dim3A_676, %get3A_59] : memref<32x2048xf32, #tpu.memory_space<vmem>>[vector<16xi32>, vector<16xi32>], vector<16xf32>,
      %gather3A_686 = tpu.vector_load_idx %arg7[%broadcast_in_dim3A_676, %get3A_63] : memref<32x2048xf32, #tpu.memory_space<vmem>>[vector<16xi32>, vector<16xi32>], vector<16xf32>,
      %gather3A_687 = tpu.vector_load_idx %arg7[%broadcast_in_dim3A_676, %get3A_67] : memref<32x2048xf32, #tpu.memory_space<vmem>>[vector<16xi32>, vector<16xi32>], vector<16xf32>,
      %gather3A_688 = tpu.vector_load_idx %arg7[%broadcast_in_dim3A_676, %get3A_71] : memref<32x2048xf32, #tpu.memory_space<vmem>>[vector<16xi32>, vector<16xi32>], vector<16xf32>,
      %gather3A_689 = tpu.vector_load_idx %arg7[%broadcast_in_dim3A_676, %get3A_75] : memref<32x2048xf32, #tpu.memory_space<vmem>>[vector<16xi32>, vector<16xi32>], vector<16xf32>,
      %gather3A_690 = tpu.vector_load_idx %arg7[%broadcast_in_dim3A_676, %get3A_79] : memref<32x2048xf32, #tpu.memory_space<vmem>>[vector<16xi32>, vector<16xi32>], vector<16xf32>,
      %gather3A_691 = tpu.vector_load_idx %arg7[%broadcast_in_dim3A_676, %get3A_83] : memref<32x2048xf32, #tpu.memory_space<vmem>>[vector<16xi32>, vector<16xi32>], vector<16xf32>,
      %gather3A_692 = tpu.vector_load_idx %arg7[%broadcast_in_dim3A_676, %get3A_87] : memref<32x2048xf32, #tpu.memory_space<vmem>>[vector<16xi32>, vector<16xi32>], vector<16xf32>,
      %add3A_693 = arith.addf %gather3A_677, %gather3A_678 : vector<16xf32>
      %add3A_694 = arith.addf %gather3A_679, %gather3A_680 : vector<16xf32>
      %add3A_695 = arith.addf %gather3A_681, %gather3A_682 : vector<16xf32>
      %add3A_696 = arith.addf %gather3A_683, %gather3A_684 : vector<16xf32>
      %add3A_697 = arith.addf %gather3A_685, %gather3A_686 : vector<16xf32>
      %add3A_698 = arith.addf %gather3A_687, %gather3A_688 : vector<16xf32>
      %add3A_699 = arith.addf %gather3A_689, %gather3A_690 : vector<16xf32>
      %add3A_700 = arith.addf %gather3A_691, %gather3A_692 : vector<16xf32>
      %add3A_701 = arith.addf %add3A_693, %add3A_694 : vector<16xf32>
      %add3A_702 = arith.addf %add3A_695, %add3A_696 : vector<16xf32>
      %add3A_703 = arith.addf %add3A_697, %add3A_698 : vector<16xf32>
      %add3A_704 = arith.addf %add3A_699, %add3A_700 : vector<16xf32>
      %add3A_705 = arith.addf %add3A_701, %add3A_702 : vector<16xf32>
      %add3A_706 = arith.addf %add3A_703, %add3A_704 : vector<16xf32>
      %add3A_707 = arith.addf %add3A_705, %add3A_706 : vector<16xf32>
      %get3A_708 = arith.constant 13 : i32
      %get3A_709 = arith.index_cast %get3A_708 : i32 to index
      %get3A_710 = arith.index_cast %mul3A_24 : i32 to index
      %get3A_711 = tpu.vector_load %arg7[%get3A_709, %get3A_710] {strides = array<i32>} : memref<32x2048xf32, #tpu.memory_space<vmem>>, vector<16xf32>,
      %mul3A_712 = arith.mulf %get3A_711, %add3A_707 : vector<16xf32>
      %add3A_713 = arith.addf %add3A_668, %mul3A_712 : vector<16xf32>
      %get3A_714 = arith.constant 13 : i32
      %get3A_715 = arith.index_cast %get3A_714 : i32 to index
      %get3A_716 = arith.constant 0 : index
      %get3A_717 = tpu.vector_load %arg9[%get3A_715, %get3A_716] {strides = array<i32>} : memref<32x16xf32, #tpu.memory_space<vmem>>, vector<16xf32>,
      %mul3A_718 = arith.mulf %get3A_711, %get3A_717 : vector<16xf32>
      %add3A_719 = arith.addf %add3A_674, %mul3A_718 : vector<16xf32>
      %broadcast_in_dim3A_720 = arith.constant 14 : i32
      %broadcast_in_dim3A_721 = vector.broadcast %broadcast_in_dim3A_720 : i32 to vector<16xi32>
      %gather3A_722 = tpu.vector_load_idx %arg7[%broadcast_in_dim3A_721, %get3A_27] : memref<32x2048xf32, #tpu.memory_space<vmem>>[vector<16xi32>, vector<16xi32>], vector<16xf32>,
      %gather3A_723 = tpu.vector_load_idx %arg7[%broadcast_in_dim3A_721, %get3A_31] : memref<32x2048xf32, #tpu.memory_space<vmem>>[vector<16xi32>, vector<16xi32>], vector<16xf32>,
      %gather3A_724 = tpu.vector_load_idx %arg7[%broadcast_in_dim3A_721, %get3A_35] : memref<32x2048xf32, #tpu.memory_space<vmem>>[vector<16xi32>, vector<16xi32>], vector<16xf32>,
      %gather3A_725 = tpu.vector_load_idx %arg7[%broadcast_in_dim3A_721, %get3A_39] : memref<32x2048xf32, #tpu.memory_space<vmem>>[vector<16xi32>, vector<16xi32>], vector<16xf32>,
      %gather3A_726 = tpu.vector_load_idx %arg7[%broadcast_in_dim3A_721, %get3A_43] : memref<32x2048xf32, #tpu.memory_space<vmem>>[vector<16xi32>, vector<16xi32>], vector<16xf32>,
      %gather3A_727 = tpu.vector_load_idx %arg7[%broadcast_in_dim3A_721, %get3A_47] : memref<32x2048xf32, #tpu.memory_space<vmem>>[vector<16xi32>, vector<16xi32>], vector<16xf32>,
      %gather3A_728 = tpu.vector_load_idx %arg7[%broadcast_in_dim3A_721, %get3A_51] : memref<32x2048xf32, #tpu.memory_space<vmem>>[vector<16xi32>, vector<16xi32>], vector<16xf32>,
      %gather3A_729 = tpu.vector_load_idx %arg7[%broadcast_in_dim3A_721, %get3A_55] : memref<32x2048xf32, #tpu.memory_space<vmem>>[vector<16xi32>, vector<16xi32>], vector<16xf32>,
      %gather3A_730 = tpu.vector_load_idx %arg7[%broadcast_in_dim3A_721, %get3A_59] : memref<32x2048xf32, #tpu.memory_space<vmem>>[vector<16xi32>, vector<16xi32>], vector<16xf32>,
      %gather3A_731 = tpu.vector_load_idx %arg7[%broadcast_in_dim3A_721, %get3A_63] : memref<32x2048xf32, #tpu.memory_space<vmem>>[vector<16xi32>, vector<16xi32>], vector<16xf32>,
      %gather3A_732 = tpu.vector_load_idx %arg7[%broadcast_in_dim3A_721, %get3A_67] : memref<32x2048xf32, #tpu.memory_space<vmem>>[vector<16xi32>, vector<16xi32>], vector<16xf32>,
      %gather3A_733 = tpu.vector_load_idx %arg7[%broadcast_in_dim3A_721, %get3A_71] : memref<32x2048xf32, #tpu.memory_space<vmem>>[vector<16xi32>, vector<16xi32>], vector<16xf32>,
      %gather3A_734 = tpu.vector_load_idx %arg7[%broadcast_in_dim3A_721, %get3A_75] : memref<32x2048xf32, #tpu.memory_space<vmem>>[vector<16xi32>, vector<16xi32>], vector<16xf32>,
      %gather3A_735 = tpu.vector_load_idx %arg7[%broadcast_in_dim3A_721, %get3A_79] : memref<32x2048xf32, #tpu.memory_space<vmem>>[vector<16xi32>, vector<16xi32>], vector<16xf32>,
      %gather3A_736 = tpu.vector_load_idx %arg7[%broadcast_in_dim3A_721, %get3A_83] : memref<32x2048xf32, #tpu.memory_space<vmem>>[vector<16xi32>, vector<16xi32>], vector<16xf32>,
      %gather3A_737 = tpu.vector_load_idx %arg7[%broadcast_in_dim3A_721, %get3A_87] : memref<32x2048xf32, #tpu.memory_space<vmem>>[vector<16xi32>, vector<16xi32>], vector<16xf32>,
      %add3A_738 = arith.addf %gather3A_722, %gather3A_723 : vector<16xf32>
      %add3A_739 = arith.addf %gather3A_724, %gather3A_725 : vector<16xf32>
      %add3A_740 = arith.addf %gather3A_726, %gather3A_727 : vector<16xf32>
      %add3A_741 = arith.addf %gather3A_728, %gather3A_729 : vector<16xf32>
      %add3A_742 = arith.addf %gather3A_730, %gather3A_731 : vector<16xf32>
      %add3A_743 = arith.addf %gather3A_732, %gather3A_733 : vector<16xf32>
      %add3A_744 = arith.addf %gather3A_734, %gather3A_735 : vector<16xf32>
      %add3A_745 = arith.addf %gather3A_736, %gather3A_737 : vector<16xf32>
      %add3A_746 = arith.addf %add3A_738, %add3A_739 : vector<16xf32>
      %add3A_747 = arith.addf %add3A_740, %add3A_741 : vector<16xf32>
      %add3A_748 = arith.addf %add3A_742, %add3A_743 : vector<16xf32>
      %add3A_749 = arith.addf %add3A_744, %add3A_745 : vector<16xf32>
      %add3A_750 = arith.addf %add3A_746, %add3A_747 : vector<16xf32>
      %add3A_751 = arith.addf %add3A_748, %add3A_749 : vector<16xf32>
      %add3A_752 = arith.addf %add3A_750, %add3A_751 : vector<16xf32>
      %get3A_753 = arith.constant 14 : i32
      %get3A_754 = arith.index_cast %get3A_753 : i32 to index
      %get3A_755 = arith.index_cast %mul3A_24 : i32 to index
      %get3A_756 = tpu.vector_load %arg7[%get3A_754, %get3A_755] {strides = array<i32>} : memref<32x2048xf32, #tpu.memory_space<vmem>>, vector<16xf32>,
      %mul3A_757 = arith.mulf %get3A_756, %add3A_752 : vector<16xf32>
      %add3A_758 = arith.addf %add3A_713, %mul3A_757 : vector<16xf32>
      %get3A_759 = arith.constant 14 : i32
      %get3A_760 = arith.index_cast %get3A_759 : i32 to index
      %get3A_761 = arith.constant 0 : index
      %get3A_762 = tpu.vector_load %arg9[%get3A_760, %get3A_761] {strides = array<i32>} : memref<32x16xf32, #tpu.memory_space<vmem>>, vector<16xf32>,
      %mul3A_763 = arith.mulf %get3A_756, %get3A_762 : vector<16xf32>
      %add3A_764 = arith.addf %add3A_719, %mul3A_763 : vector<16xf32>
      %broadcast_in_dim3A_765 = arith.constant 15 : i32
      %broadcast_in_dim3A_766 = vector.broadcast %broadcast_in_dim3A_765 : i32 to vector<16xi32>
      %gather3A_767 = tpu.vector_load_idx %arg7[%broadcast_in_dim3A_766, %get3A_27] : memref<32x2048xf32, #tpu.memory_space<vmem>>[vector<16xi32>, vector<16xi32>], vector<16xf32>,
      %gather3A_768 = tpu.vector_load_idx %arg7[%broadcast_in_dim3A_766, %get3A_31] : memref<32x2048xf32, #tpu.memory_space<vmem>>[vector<16xi32>, vector<16xi32>], vector<16xf32>,
      %gather3A_769 = tpu.vector_load_idx %arg7[%broadcast_in_dim3A_766, %get3A_35] : memref<32x2048xf32, #tpu.memory_space<vmem>>[vector<16xi32>, vector<16xi32>], vector<16xf32>,
      %gather3A_770 = tpu.vector_load_idx %arg7[%broadcast_in_dim3A_766, %get3A_39] : memref<32x2048xf32, #tpu.memory_space<vmem>>[vector<16xi32>, vector<16xi32>], vector<16xf32>,
      %gather3A_771 = tpu.vector_load_idx %arg7[%broadcast_in_dim3A_766, %get3A_43] : memref<32x2048xf32, #tpu.memory_space<vmem>>[vector<16xi32>, vector<16xi32>], vector<16xf32>,
      %gather3A_772 = tpu.vector_load_idx %arg7[%broadcast_in_dim3A_766, %get3A_47] : memref<32x2048xf32, #tpu.memory_space<vmem>>[vector<16xi32>, vector<16xi32>], vector<16xf32>,
      %gather3A_773 = tpu.vector_load_idx %arg7[%broadcast_in_dim3A_766, %get3A_51] : memref<32x2048xf32, #tpu.memory_space<vmem>>[vector<16xi32>, vector<16xi32>], vector<16xf32>,
      %gather3A_774 = tpu.vector_load_idx %arg7[%broadcast_in_dim3A_766, %get3A_55] : memref<32x2048xf32, #tpu.memory_space<vmem>>[vector<16xi32>, vector<16xi32>], vector<16xf32>,
      %gather3A_775 = tpu.vector_load_idx %arg7[%broadcast_in_dim3A_766, %get3A_59] : memref<32x2048xf32, #tpu.memory_space<vmem>>[vector<16xi32>, vector<16xi32>], vector<16xf32>,
      %gather3A_776 = tpu.vector_load_idx %arg7[%broadcast_in_dim3A_766, %get3A_63] : memref<32x2048xf32, #tpu.memory_space<vmem>>[vector<16xi32>, vector<16xi32>], vector<16xf32>,
      %gather3A_777 = tpu.vector_load_idx %arg7[%broadcast_in_dim3A_766, %get3A_67] : memref<32x2048xf32, #tpu.memory_space<vmem>>[vector<16xi32>, vector<16xi32>], vector<16xf32>,
      %gather3A_778 = tpu.vector_load_idx %arg7[%broadcast_in_dim3A_766, %get3A_71] : memref<32x2048xf32, #tpu.memory_space<vmem>>[vector<16xi32>, vector<16xi32>], vector<16xf32>,
      %gather3A_779 = tpu.vector_load_idx %arg7[%broadcast_in_dim3A_766, %get3A_75] : memref<32x2048xf32, #tpu.memory_space<vmem>>[vector<16xi32>, vector<16xi32>], vector<16xf32>,
      %gather3A_780 = tpu.vector_load_idx %arg7[%broadcast_in_dim3A_766, %get3A_79] : memref<32x2048xf32, #tpu.memory_space<vmem>>[vector<16xi32>, vector<16xi32>], vector<16xf32>,
      %gather3A_781 = tpu.vector_load_idx %arg7[%broadcast_in_dim3A_766, %get3A_83] : memref<32x2048xf32, #tpu.memory_space<vmem>>[vector<16xi32>, vector<16xi32>], vector<16xf32>,
      %gather3A_782 = tpu.vector_load_idx %arg7[%broadcast_in_dim3A_766, %get3A_87] : memref<32x2048xf32, #tpu.memory_space<vmem>>[vector<16xi32>, vector<16xi32>], vector<16xf32>,
      %add3A_783 = arith.addf %gather3A_767, %gather3A_768 : vector<16xf32>
      %add3A_784 = arith.addf %gather3A_769, %gather3A_770 : vector<16xf32>
      %add3A_785 = arith.addf %gather3A_771, %gather3A_772 : vector<16xf32>
      %add3A_786 = arith.addf %gather3A_773, %gather3A_774 : vector<16xf32>
      %add3A_787 = arith.addf %gather3A_775, %gather3A_776 : vector<16xf32>
      %add3A_788 = arith.addf %gather3A_777, %gather3A_778 : vector<16xf32>
      %add3A_789 = arith.addf %gather3A_779, %gather3A_780 : vector<16xf32>
      %add3A_790 = arith.addf %gather3A_781, %gather3A_782 : vector<16xf32>
      %add3A_791 = arith.addf %add3A_783, %add3A_784 : vector<16xf32>
      %add3A_792 = arith.addf %add3A_785, %add3A_786 : vector<16xf32>
      %add3A_793 = arith.addf %add3A_787, %add3A_788 : vector<16xf32>
      %add3A_794 = arith.addf %add3A_789, %add3A_790 : vector<16xf32>
      %add3A_795 = arith.addf %add3A_791, %add3A_792 : vector<16xf32>
      %add3A_796 = arith.addf %add3A_793, %add3A_794 : vector<16xf32>
      %add3A_797 = arith.addf %add3A_795, %add3A_796 : vector<16xf32>
      %get3A_798 = arith.constant 15 : i32
      %get3A_799 = arith.index_cast %get3A_798 : i32 to index
      %get3A_800 = arith.index_cast %mul3A_24 : i32 to index
      %get3A_801 = tpu.vector_load %arg7[%get3A_799, %get3A_800] {strides = array<i32>} : memref<32x2048xf32, #tpu.memory_space<vmem>>, vector<16xf32>,
      %mul3A_802 = arith.mulf %get3A_801, %add3A_797 : vector<16xf32>
      %add3A_803 = arith.addf %add3A_758, %mul3A_802 : vector<16xf32>
      %get3A_804 = arith.constant 15 : i32
      %get3A_805 = arith.index_cast %get3A_804 : i32 to index
      %get3A_806 = arith.constant 0 : index
      %get3A_807 = tpu.vector_load %arg9[%get3A_805, %get3A_806] {strides = array<i32>} : memref<32x16xf32, #tpu.memory_space<vmem>>, vector<16xf32>,
      %mul3A_808 = arith.mulf %get3A_801, %get3A_807 : vector<16xf32>
      %add3A_809 = arith.addf %add3A_764, %mul3A_808 : vector<16xf32>
      %broadcast_in_dim3A_810 = arith.constant 16 : i32
      %broadcast_in_dim3A_811 = vector.broadcast %broadcast_in_dim3A_810 : i32 to vector<16xi32>
      %gather3A_812 = tpu.vector_load_idx %arg7[%broadcast_in_dim3A_811, %get3A_27] : memref<32x2048xf32, #tpu.memory_space<vmem>>[vector<16xi32>, vector<16xi32>], vector<16xf32>,
      %gather3A_813 = tpu.vector_load_idx %arg7[%broadcast_in_dim3A_811, %get3A_31] : memref<32x2048xf32, #tpu.memory_space<vmem>>[vector<16xi32>, vector<16xi32>], vector<16xf32>,
      %gather3A_814 = tpu.vector_load_idx %arg7[%broadcast_in_dim3A_811, %get3A_35] : memref<32x2048xf32, #tpu.memory_space<vmem>>[vector<16xi32>, vector<16xi32>], vector<16xf32>,
      %gather3A_815 = tpu.vector_load_idx %arg7[%broadcast_in_dim3A_811, %get3A_39] : memref<32x2048xf32, #tpu.memory_space<vmem>>[vector<16xi32>, vector<16xi32>], vector<16xf32>,
      %gather3A_816 = tpu.vector_load_idx %arg7[%broadcast_in_dim3A_811, %get3A_43] : memref<32x2048xf32, #tpu.memory_space<vmem>>[vector<16xi32>, vector<16xi32>], vector<16xf32>,
      %gather3A_817 = tpu.vector_load_idx %arg7[%broadcast_in_dim3A_811, %get3A_47] : memref<32x2048xf32, #tpu.memory_space<vmem>>[vector<16xi32>, vector<16xi32>], vector<16xf32>,
      %gather3A_818 = tpu.vector_load_idx %arg7[%broadcast_in_dim3A_811, %get3A_51] : memref<32x2048xf32, #tpu.memory_space<vmem>>[vector<16xi32>, vector<16xi32>], vector<16xf32>,
      %gather3A_819 = tpu.vector_load_idx %arg7[%broadcast_in_dim3A_811, %get3A_55] : memref<32x2048xf32, #tpu.memory_space<vmem>>[vector<16xi32>, vector<16xi32>], vector<16xf32>,
      %gather3A_820 = tpu.vector_load_idx %arg7[%broadcast_in_dim3A_811, %get3A_59] : memref<32x2048xf32, #tpu.memory_space<vmem>>[vector<16xi32>, vector<16xi32>], vector<16xf32>,
      %gather3A_821 = tpu.vector_load_idx %arg7[%broadcast_in_dim3A_811, %get3A_63] : memref<32x2048xf32, #tpu.memory_space<vmem>>[vector<16xi32>, vector<16xi32>], vector<16xf32>,
      %gather3A_822 = tpu.vector_load_idx %arg7[%broadcast_in_dim3A_811, %get3A_67] : memref<32x2048xf32, #tpu.memory_space<vmem>>[vector<16xi32>, vector<16xi32>], vector<16xf32>,
      %gather3A_823 = tpu.vector_load_idx %arg7[%broadcast_in_dim3A_811, %get3A_71] : memref<32x2048xf32, #tpu.memory_space<vmem>>[vector<16xi32>, vector<16xi32>], vector<16xf32>,
      %gather3A_824 = tpu.vector_load_idx %arg7[%broadcast_in_dim3A_811, %get3A_75] : memref<32x2048xf32, #tpu.memory_space<vmem>>[vector<16xi32>, vector<16xi32>], vector<16xf32>,
      %gather3A_825 = tpu.vector_load_idx %arg7[%broadcast_in_dim3A_811, %get3A_79] : memref<32x2048xf32, #tpu.memory_space<vmem>>[vector<16xi32>, vector<16xi32>], vector<16xf32>,
      %gather3A_826 = tpu.vector_load_idx %arg7[%broadcast_in_dim3A_811, %get3A_83] : memref<32x2048xf32, #tpu.memory_space<vmem>>[vector<16xi32>, vector<16xi32>], vector<16xf32>,
      %gather3A_827 = tpu.vector_load_idx %arg7[%broadcast_in_dim3A_811, %get3A_87] : memref<32x2048xf32, #tpu.memory_space<vmem>>[vector<16xi32>, vector<16xi32>], vector<16xf32>,
      %add3A_828 = arith.addf %gather3A_812, %gather3A_813 : vector<16xf32>
      %add3A_829 = arith.addf %gather3A_814, %gather3A_815 : vector<16xf32>
      %add3A_830 = arith.addf %gather3A_816, %gather3A_817 : vector<16xf32>
      %add3A_831 = arith.addf %gather3A_818, %gather3A_819 : vector<16xf32>
      %add3A_832 = arith.addf %gather3A_820, %gather3A_821 : vector<16xf32>
      %add3A_833 = arith.addf %gather3A_822, %gather3A_823 : vector<16xf32>
      %add3A_834 = arith.addf %gather3A_824, %gather3A_825 : vector<16xf32>
      %add3A_835 = arith.addf %gather3A_826, %gather3A_827 : vector<16xf32>
      %add3A_836 = arith.addf %add3A_828, %add3A_829 : vector<16xf32>
      %add3A_837 = arith.addf %add3A_830, %add3A_831 : vector<16xf32>
      %add3A_838 = arith.addf %add3A_832, %add3A_833 : vector<16xf32>
      %add3A_839 = arith.addf %add3A_834, %add3A_835 : vector<16xf32>
      %add3A_840 = arith.addf %add3A_836, %add3A_837 : vector<16xf32>
      %add3A_841 = arith.addf %add3A_838, %add3A_839 : vector<16xf32>
      %add3A_842 = arith.addf %add3A_840, %add3A_841 : vector<16xf32>
      %get3A_843 = arith.constant 16 : i32
      %get3A_844 = arith.index_cast %get3A_843 : i32 to index
      %get3A_845 = arith.index_cast %mul3A_24 : i32 to index
      %get3A_846 = tpu.vector_load %arg7[%get3A_844, %get3A_845] {strides = array<i32>} : memref<32x2048xf32, #tpu.memory_space<vmem>>, vector<16xf32>,
      %mul3A_847 = arith.mulf %get3A_846, %add3A_842 : vector<16xf32>
      %add3A_848 = arith.addf %add3A_803, %mul3A_847 : vector<16xf32>
      %get3A_849 = arith.constant 16 : i32
      %get3A_850 = arith.index_cast %get3A_849 : i32 to index
      %get3A_851 = arith.constant 0 : index
      %get3A_852 = tpu.vector_load %arg9[%get3A_850, %get3A_851] {strides = array<i32>} : memref<32x16xf32, #tpu.memory_space<vmem>>, vector<16xf32>,
      %mul3A_853 = arith.mulf %get3A_846, %get3A_852 : vector<16xf32>
      %add3A_854 = arith.addf %add3A_809, %mul3A_853 : vector<16xf32>
      %broadcast_in_dim3A_855 = arith.constant 17 : i32
      %broadcast_in_dim3A_856 = vector.broadcast %broadcast_in_dim3A_855 : i32 to vector<16xi32>
      %gather3A_857 = tpu.vector_load_idx %arg7[%broadcast_in_dim3A_856, %get3A_27] : memref<32x2048xf32, #tpu.memory_space<vmem>>[vector<16xi32>, vector<16xi32>], vector<16xf32>,
      %gather3A_858 = tpu.vector_load_idx %arg7[%broadcast_in_dim3A_856, %get3A_31] : memref<32x2048xf32, #tpu.memory_space<vmem>>[vector<16xi32>, vector<16xi32>], vector<16xf32>,
      %gather3A_859 = tpu.vector_load_idx %arg7[%broadcast_in_dim3A_856, %get3A_35] : memref<32x2048xf32, #tpu.memory_space<vmem>>[vector<16xi32>, vector<16xi32>], vector<16xf32>,
      %gather3A_860 = tpu.vector_load_idx %arg7[%broadcast_in_dim3A_856, %get3A_39] : memref<32x2048xf32, #tpu.memory_space<vmem>>[vector<16xi32>, vector<16xi32>], vector<16xf32>,
      %gather3A_861 = tpu.vector_load_idx %arg7[%broadcast_in_dim3A_856, %get3A_43] : memref<32x2048xf32, #tpu.memory_space<vmem>>[vector<16xi32>, vector<16xi32>], vector<16xf32>,
      %gather3A_862 = tpu.vector_load_idx %arg7[%broadcast_in_dim3A_856, %get3A_47] : memref<32x2048xf32, #tpu.memory_space<vmem>>[vector<16xi32>, vector<16xi32>], vector<16xf32>,
      %gather3A_863 = tpu.vector_load_idx %arg7[%broadcast_in_dim3A_856, %get3A_51] : memref<32x2048xf32, #tpu.memory_space<vmem>>[vector<16xi32>, vector<16xi32>], vector<16xf32>,
      %gather3A_864 = tpu.vector_load_idx %arg7[%broadcast_in_dim3A_856, %get3A_55] : memref<32x2048xf32, #tpu.memory_space<vmem>>[vector<16xi32>, vector<16xi32>], vector<16xf32>,
      %gather3A_865 = tpu.vector_load_idx %arg7[%broadcast_in_dim3A_856, %get3A_59] : memref<32x2048xf32, #tpu.memory_space<vmem>>[vector<16xi32>, vector<16xi32>], vector<16xf32>,
      %gather3A_866 = tpu.vector_load_idx %arg7[%broadcast_in_dim3A_856, %get3A_63] : memref<32x2048xf32, #tpu.memory_space<vmem>>[vector<16xi32>, vector<16xi32>], vector<16xf32>,
      %gather3A_867 = tpu.vector_load_idx %arg7[%broadcast_in_dim3A_856, %get3A_67] : memref<32x2048xf32, #tpu.memory_space<vmem>>[vector<16xi32>, vector<16xi32>], vector<16xf32>,
      %gather3A_868 = tpu.vector_load_idx %arg7[%broadcast_in_dim3A_856, %get3A_71] : memref<32x2048xf32, #tpu.memory_space<vmem>>[vector<16xi32>, vector<16xi32>], vector<16xf32>,
      %gather3A_869 = tpu.vector_load_idx %arg7[%broadcast_in_dim3A_856, %get3A_75] : memref<32x2048xf32, #tpu.memory_space<vmem>>[vector<16xi32>, vector<16xi32>], vector<16xf32>,
      %gather3A_870 = tpu.vector_load_idx %arg7[%broadcast_in_dim3A_856, %get3A_79] : memref<32x2048xf32, #tpu.memory_space<vmem>>[vector<16xi32>, vector<16xi32>], vector<16xf32>,
      %gather3A_871 = tpu.vector_load_idx %arg7[%broadcast_in_dim3A_856, %get3A_83] : memref<32x2048xf32, #tpu.memory_space<vmem>>[vector<16xi32>, vector<16xi32>], vector<16xf32>,
      %gather3A_872 = tpu.vector_load_idx %arg7[%broadcast_in_dim3A_856, %get3A_87] : memref<32x2048xf32, #tpu.memory_space<vmem>>[vector<16xi32>, vector<16xi32>], vector<16xf32>,
      %add3A_873 = arith.addf %gather3A_857, %gather3A_858 : vector<16xf32>
      %add3A_874 = arith.addf %gather3A_859, %gather3A_860 : vector<16xf32>
      %add3A_875 = arith.addf %gather3A_861, %gather3A_862 : vector<16xf32>
      %add3A_876 = arith.addf %gather3A_863, %gather3A_864 : vector<16xf32>
      %add3A_877 = arith.addf %gather3A_865, %gather3A_866 : vector<16xf32>
      %add3A_878 = arith.addf %gather3A_867, %gather3A_868 : vector<16xf32>
      %add3A_879 = arith.addf %gather3A_869, %gather3A_870 : vector<16xf32>
      %add3A_880 = arith.addf %gather3A_871, %gather3A_872 : vector<16xf32>
      %add3A_881 = arith.addf %add3A_873, %add3A_874 : vector<16xf32>
      %add3A_882 = arith.addf %add3A_875, %add3A_876 : vector<16xf32>
      %add3A_883 = arith.addf %add3A_877, %add3A_878 : vector<16xf32>
      %add3A_884 = arith.addf %add3A_879, %add3A_880 : vector<16xf32>
      %add3A_885 = arith.addf %add3A_881, %add3A_882 : vector<16xf32>
      %add3A_886 = arith.addf %add3A_883, %add3A_884 : vector<16xf32>
      %add3A_887 = arith.addf %add3A_885, %add3A_886 : vector<16xf32>
      %get3A_888 = arith.constant 17 : i32
      %get3A_889 = arith.index_cast %get3A_888 : i32 to index
      %get3A_890 = arith.index_cast %mul3A_24 : i32 to index
      %get3A_891 = tpu.vector_load %arg7[%get3A_889, %get3A_890] {strides = array<i32>} : memref<32x2048xf32, #tpu.memory_space<vmem>>, vector<16xf32>,
      %mul3A_892 = arith.mulf %get3A_891, %add3A_887 : vector<16xf32>
      %add3A_893 = arith.addf %add3A_848, %mul3A_892 : vector<16xf32>
      %get3A_894 = arith.constant 17 : i32
      %get3A_895 = arith.index_cast %get3A_894 : i32 to index
      %get3A_896 = arith.constant 0 : index
      %get3A_897 = tpu.vector_load %arg9[%get3A_895, %get3A_896] {strides = array<i32>} : memref<32x16xf32, #tpu.memory_space<vmem>>, vector<16xf32>,
      %mul3A_898 = arith.mulf %get3A_891, %get3A_897 : vector<16xf32>
      %add3A_899 = arith.addf %add3A_854, %mul3A_898 : vector<16xf32>
      %broadcast_in_dim3A_900 = arith.constant 18 : i32
      %broadcast_in_dim3A_901 = vector.broadcast %broadcast_in_dim3A_900 : i32 to vector<16xi32>
      %gather3A_902 = tpu.vector_load_idx %arg7[%broadcast_in_dim3A_901, %get3A_27] : memref<32x2048xf32, #tpu.memory_space<vmem>>[vector<16xi32>, vector<16xi32>], vector<16xf32>,
      %gather3A_903 = tpu.vector_load_idx %arg7[%broadcast_in_dim3A_901, %get3A_31] : memref<32x2048xf32, #tpu.memory_space<vmem>>[vector<16xi32>, vector<16xi32>], vector<16xf32>,
      %gather3A_904 = tpu.vector_load_idx %arg7[%broadcast_in_dim3A_901, %get3A_35] : memref<32x2048xf32, #tpu.memory_space<vmem>>[vector<16xi32>, vector<16xi32>], vector<16xf32>,
      %gather3A_905 = tpu.vector_load_idx %arg7[%broadcast_in_dim3A_901, %get3A_39] : memref<32x2048xf32, #tpu.memory_space<vmem>>[vector<16xi32>, vector<16xi32>], vector<16xf32>,
      %gather3A_906 = tpu.vector_load_idx %arg7[%broadcast_in_dim3A_901, %get3A_43] : memref<32x2048xf32, #tpu.memory_space<vmem>>[vector<16xi32>, vector<16xi32>], vector<16xf32>,
      %gather3A_907 = tpu.vector_load_idx %arg7[%broadcast_in_dim3A_901, %get3A_47] : memref<32x2048xf32, #tpu.memory_space<vmem>>[vector<16xi32>, vector<16xi32>], vector<16xf32>,
      %gather3A_908 = tpu.vector_load_idx %arg7[%broadcast_in_dim3A_901, %get3A_51] : memref<32x2048xf32, #tpu.memory_space<vmem>>[vector<16xi32>, vector<16xi32>], vector<16xf32>,
      %gather3A_909 = tpu.vector_load_idx %arg7[%broadcast_in_dim3A_901, %get3A_55] : memref<32x2048xf32, #tpu.memory_space<vmem>>[vector<16xi32>, vector<16xi32>], vector<16xf32>,
      %gather3A_910 = tpu.vector_load_idx %arg7[%broadcast_in_dim3A_901, %get3A_59] : memref<32x2048xf32, #tpu.memory_space<vmem>>[vector<16xi32>, vector<16xi32>], vector<16xf32>,
      %gather3A_911 = tpu.vector_load_idx %arg7[%broadcast_in_dim3A_901, %get3A_63] : memref<32x2048xf32, #tpu.memory_space<vmem>>[vector<16xi32>, vector<16xi32>], vector<16xf32>,
      %gather3A_912 = tpu.vector_load_idx %arg7[%broadcast_in_dim3A_901, %get3A_67] : memref<32x2048xf32, #tpu.memory_space<vmem>>[vector<16xi32>, vector<16xi32>], vector<16xf32>,
      %gather3A_913 = tpu.vector_load_idx %arg7[%broadcast_in_dim3A_901, %get3A_71] : memref<32x2048xf32, #tpu.memory_space<vmem>>[vector<16xi32>, vector<16xi32>], vector<16xf32>,
      %gather3A_914 = tpu.vector_load_idx %arg7[%broadcast_in_dim3A_901, %get3A_75] : memref<32x2048xf32, #tpu.memory_space<vmem>>[vector<16xi32>, vector<16xi32>], vector<16xf32>,
      %gather3A_915 = tpu.vector_load_idx %arg7[%broadcast_in_dim3A_901, %get3A_79] : memref<32x2048xf32, #tpu.memory_space<vmem>>[vector<16xi32>, vector<16xi32>], vector<16xf32>,
      %gather3A_916 = tpu.vector_load_idx %arg7[%broadcast_in_dim3A_901, %get3A_83] : memref<32x2048xf32, #tpu.memory_space<vmem>>[vector<16xi32>, vector<16xi32>], vector<16xf32>,
      %gather3A_917 = tpu.vector_load_idx %arg7[%broadcast_in_dim3A_901, %get3A_87] : memref<32x2048xf32, #tpu.memory_space<vmem>>[vector<16xi32>, vector<16xi32>], vector<16xf32>,
      %add3A_918 = arith.addf %gather3A_902, %gather3A_903 : vector<16xf32>
      %add3A_919 = arith.addf %gather3A_904, %gather3A_905 : vector<16xf32>
      %add3A_920 = arith.addf %gather3A_906, %gather3A_907 : vector<16xf32>
      %add3A_921 = arith.addf %gather3A_908, %gather3A_909 : vector<16xf32>
      %add3A_922 = arith.addf %gather3A_910, %gather3A_911 : vector<16xf32>
      %add3A_923 = arith.addf %gather3A_912, %gather3A_913 : vector<16xf32>
      %add3A_924 = arith.addf %gather3A_914, %gather3A_915 : vector<16xf32>
      %add3A_925 = arith.addf %gather3A_916, %gather3A_917 : vector<16xf32>
      %add3A_926 = arith.addf %add3A_918, %add3A_919 : vector<16xf32>
      %add3A_927 = arith.addf %add3A_920, %add3A_921 : vector<16xf32>
      %add3A_928 = arith.addf %add3A_922, %add3A_923 : vector<16xf32>
      %add3A_929 = arith.addf %add3A_924, %add3A_925 : vector<16xf32>
      %add3A_930 = arith.addf %add3A_926, %add3A_927 : vector<16xf32>
      %add3A_931 = arith.addf %add3A_928, %add3A_929 : vector<16xf32>
      %add3A_932 = arith.addf %add3A_930, %add3A_931 : vector<16xf32>
      %get3A_933 = arith.constant 18 : i32
      %get3A_934 = arith.index_cast %get3A_933 : i32 to index
      %get3A_935 = arith.index_cast %mul3A_24 : i32 to index
      %get3A_936 = tpu.vector_load %arg7[%get3A_934, %get3A_935] {strides = array<i32>} : memref<32x2048xf32, #tpu.memory_space<vmem>>, vector<16xf32>,
      %mul3A_937 = arith.mulf %get3A_936, %add3A_932 : vector<16xf32>
      %add3A_938 = arith.addf %add3A_893, %mul3A_937 : vector<16xf32>
      %get3A_939 = arith.constant 18 : i32
      %get3A_940 = arith.index_cast %get3A_939 : i32 to index
      %get3A_941 = arith.constant 0 : index
      %get3A_942 = tpu.vector_load %arg9[%get3A_940, %get3A_941] {strides = array<i32>} : memref<32x16xf32, #tpu.memory_space<vmem>>, vector<16xf32>,
      %mul3A_943 = arith.mulf %get3A_936, %get3A_942 : vector<16xf32>
      %add3A_944 = arith.addf %add3A_899, %mul3A_943 : vector<16xf32>
      %broadcast_in_dim3A_945 = arith.constant 19 : i32
      %broadcast_in_dim3A_946 = vector.broadcast %broadcast_in_dim3A_945 : i32 to vector<16xi32>
      %gather3A_947 = tpu.vector_load_idx %arg7[%broadcast_in_dim3A_946, %get3A_27] : memref<32x2048xf32, #tpu.memory_space<vmem>>[vector<16xi32>, vector<16xi32>], vector<16xf32>,
      %gather3A_948 = tpu.vector_load_idx %arg7[%broadcast_in_dim3A_946, %get3A_31] : memref<32x2048xf32, #tpu.memory_space<vmem>>[vector<16xi32>, vector<16xi32>], vector<16xf32>,
      %gather3A_949 = tpu.vector_load_idx %arg7[%broadcast_in_dim3A_946, %get3A_35] : memref<32x2048xf32, #tpu.memory_space<vmem>>[vector<16xi32>, vector<16xi32>], vector<16xf32>,
      %gather3A_950 = tpu.vector_load_idx %arg7[%broadcast_in_dim3A_946, %get3A_39] : memref<32x2048xf32, #tpu.memory_space<vmem>>[vector<16xi32>, vector<16xi32>], vector<16xf32>,
      %gather3A_951 = tpu.vector_load_idx %arg7[%broadcast_in_dim3A_946, %get3A_43] : memref<32x2048xf32, #tpu.memory_space<vmem>>[vector<16xi32>, vector<16xi32>], vector<16xf32>,
      %gather3A_952 = tpu.vector_load_idx %arg7[%broadcast_in_dim3A_946, %get3A_47] : memref<32x2048xf32, #tpu.memory_space<vmem>>[vector<16xi32>, vector<16xi32>], vector<16xf32>,
      %gather3A_953 = tpu.vector_load_idx %arg7[%broadcast_in_dim3A_946, %get3A_51] : memref<32x2048xf32, #tpu.memory_space<vmem>>[vector<16xi32>, vector<16xi32>], vector<16xf32>,
      %gather3A_954 = tpu.vector_load_idx %arg7[%broadcast_in_dim3A_946, %get3A_55] : memref<32x2048xf32, #tpu.memory_space<vmem>>[vector<16xi32>, vector<16xi32>], vector<16xf32>,
      %gather3A_955 = tpu.vector_load_idx %arg7[%broadcast_in_dim3A_946, %get3A_59] : memref<32x2048xf32, #tpu.memory_space<vmem>>[vector<16xi32>, vector<16xi32>], vector<16xf32>,
      %gather3A_956 = tpu.vector_load_idx %arg7[%broadcast_in_dim3A_946, %get3A_63] : memref<32x2048xf32, #tpu.memory_space<vmem>>[vector<16xi32>, vector<16xi32>], vector<16xf32>,
      %gather3A_957 = tpu.vector_load_idx %arg7[%broadcast_in_dim3A_946, %get3A_67] : memref<32x2048xf32, #tpu.memory_space<vmem>>[vector<16xi32>, vector<16xi32>], vector<16xf32>,
      %gather3A_958 = tpu.vector_load_idx %arg7[%broadcast_in_dim3A_946, %get3A_71] : memref<32x2048xf32, #tpu.memory_space<vmem>>[vector<16xi32>, vector<16xi32>], vector<16xf32>,
      %gather3A_959 = tpu.vector_load_idx %arg7[%broadcast_in_dim3A_946, %get3A_75] : memref<32x2048xf32, #tpu.memory_space<vmem>>[vector<16xi32>, vector<16xi32>], vector<16xf32>,
      %gather3A_960 = tpu.vector_load_idx %arg7[%broadcast_in_dim3A_946, %get3A_79] : memref<32x2048xf32, #tpu.memory_space<vmem>>[vector<16xi32>, vector<16xi32>], vector<16xf32>,
      %gather3A_961 = tpu.vector_load_idx %arg7[%broadcast_in_dim3A_946, %get3A_83] : memref<32x2048xf32, #tpu.memory_space<vmem>>[vector<16xi32>, vector<16xi32>], vector<16xf32>,
      %gather3A_962 = tpu.vector_load_idx %arg7[%broadcast_in_dim3A_946, %get3A_87] : memref<32x2048xf32, #tpu.memory_space<vmem>>[vector<16xi32>, vector<16xi32>], vector<16xf32>,
      %add3A_963 = arith.addf %gather3A_947, %gather3A_948 : vector<16xf32>
      %add3A_964 = arith.addf %gather3A_949, %gather3A_950 : vector<16xf32>
      %add3A_965 = arith.addf %gather3A_951, %gather3A_952 : vector<16xf32>
      %add3A_966 = arith.addf %gather3A_953, %gather3A_954 : vector<16xf32>
      %add3A_967 = arith.addf %gather3A_955, %gather3A_956 : vector<16xf32>
      %add3A_968 = arith.addf %gather3A_957, %gather3A_958 : vector<16xf32>
      %add3A_969 = arith.addf %gather3A_959, %gather3A_960 : vector<16xf32>
      %add3A_970 = arith.addf %gather3A_961, %gather3A_962 : vector<16xf32>
      %add3A_971 = arith.addf %add3A_963, %add3A_964 : vector<16xf32>
      %add3A_972 = arith.addf %add3A_965, %add3A_966 : vector<16xf32>
      %add3A_973 = arith.addf %add3A_967, %add3A_968 : vector<16xf32>
      %add3A_974 = arith.addf %add3A_969, %add3A_970 : vector<16xf32>
      %add3A_975 = arith.addf %add3A_971, %add3A_972 : vector<16xf32>
      %add3A_976 = arith.addf %add3A_973, %add3A_974 : vector<16xf32>
      %add3A_977 = arith.addf %add3A_975, %add3A_976 : vector<16xf32>
      %get3A_978 = arith.constant 19 : i32
      %get3A_979 = arith.index_cast %get3A_978 : i32 to index
      %get3A_980 = arith.index_cast %mul3A_24 : i32 to index
      %get3A_981 = tpu.vector_load %arg7[%get3A_979, %get3A_980] {strides = array<i32>} : memref<32x2048xf32, #tpu.memory_space<vmem>>, vector<16xf32>,
      %mul3A_982 = arith.mulf %get3A_981, %add3A_977 : vector<16xf32>
      %add3A_983 = arith.addf %add3A_938, %mul3A_982 : vector<16xf32>
      %get3A_984 = arith.constant 19 : i32
      %get3A_985 = arith.index_cast %get3A_984 : i32 to index
      %get3A_986 = arith.constant 0 : index
      %get3A_987 = tpu.vector_load %arg9[%get3A_985, %get3A_986] {strides = array<i32>} : memref<32x16xf32, #tpu.memory_space<vmem>>, vector<16xf32>,
      %mul3A_988 = arith.mulf %get3A_981, %get3A_987 : vector<16xf32>
      %add3A_989 = arith.addf %add3A_944, %mul3A_988 : vector<16xf32>
      %broadcast_in_dim3A_990 = arith.constant 20 : i32
      %broadcast_in_dim3A_991 = vector.broadcast %broadcast_in_dim3A_990 : i32 to vector<16xi32>
      %gather3A_992 = tpu.vector_load_idx %arg7[%broadcast_in_dim3A_991, %get3A_27] : memref<32x2048xf32, #tpu.memory_space<vmem>>[vector<16xi32>, vector<16xi32>], vector<16xf32>,
      %gather3A_993 = tpu.vector_load_idx %arg7[%broadcast_in_dim3A_991, %get3A_31] : memref<32x2048xf32, #tpu.memory_space<vmem>>[vector<16xi32>, vector<16xi32>], vector<16xf32>,
      %gather3A_994 = tpu.vector_load_idx %arg7[%broadcast_in_dim3A_991, %get3A_35] : memref<32x2048xf32, #tpu.memory_space<vmem>>[vector<16xi32>, vector<16xi32>], vector<16xf32>,
      %gather3A_995 = tpu.vector_load_idx %arg7[%broadcast_in_dim3A_991, %get3A_39] : memref<32x2048xf32, #tpu.memory_space<vmem>>[vector<16xi32>, vector<16xi32>], vector<16xf32>,
      %gather3A_996 = tpu.vector_load_idx %arg7[%broadcast_in_dim3A_991, %get3A_43] : memref<32x2048xf32, #tpu.memory_space<vmem>>[vector<16xi32>, vector<16xi32>], vector<16xf32>,
      %gather3A_997 = tpu.vector_load_idx %arg7[%broadcast_in_dim3A_991, %get3A_47] : memref<32x2048xf32, #tpu.memory_space<vmem>>[vector<16xi32>, vector<16xi32>], vector<16xf32>,
      %gather3A_998 = tpu.vector_load_idx %arg7[%broadcast_in_dim3A_991, %get3A_51] : memref<32x2048xf32, #tpu.memory_space<vmem>>[vector<16xi32>, vector<16xi32>], vector<16xf32>,
      %gather3A_999 = tpu.vector_load_idx %arg7[%broadcast_in_dim3A_991, %get3A_55] : memref<32x2048xf32, #tpu.memory_space<vmem>>[vector<16xi32>, vector<16xi32>], vector<16xf32>,
      %gather3A_1000 = tpu.vector_load_idx %arg7[%broadcast_in_dim3A_991, %get3A_59] : memref<32x2048xf32, #tpu.memory_space<vmem>>[vector<16xi32>, vector<16xi32>], vector<16xf32>,
      %gather3A_1001 = tpu.vector_load_idx %arg7[%broadcast_in_dim3A_991, %get3A_63] : memref<32x2048xf32, #tpu.memory_space<vmem>>[vector<16xi32>, vector<16xi32>], vector<16xf32>,
      %gather3A_1002 = tpu.vector_load_idx %arg7[%broadcast_in_dim3A_991, %get3A_67] : memref<32x2048xf32, #tpu.memory_space<vmem>>[vector<16xi32>, vector<16xi32>], vector<16xf32>,
      %gather3A_1003 = tpu.vector_load_idx %arg7[%broadcast_in_dim3A_991, %get3A_71] : memref<32x2048xf32, #tpu.memory_space<vmem>>[vector<16xi32>, vector<16xi32>], vector<16xf32>,
      %gather3A_1004 = tpu.vector_load_idx %arg7[%broadcast_in_dim3A_991, %get3A_75] : memref<32x2048xf32, #tpu.memory_space<vmem>>[vector<16xi32>, vector<16xi32>], vector<16xf32>,
      %gather3A_1005 = tpu.vector_load_idx %arg7[%broadcast_in_dim3A_991, %get3A_79] : memref<32x2048xf32, #tpu.memory_space<vmem>>[vector<16xi32>, vector<16xi32>], vector<16xf32>,
      %gather3A_1006 = tpu.vector_load_idx %arg7[%broadcast_in_dim3A_991, %get3A_83] : memref<32x2048xf32, #tpu.memory_space<vmem>>[vector<16xi32>, vector<16xi32>], vector<16xf32>,
      %gather3A_1007 = tpu.vector_load_idx %arg7[%broadcast_in_dim3A_991, %get3A_87] : memref<32x2048xf32, #tpu.memory_space<vmem>>[vector<16xi32>, vector<16xi32>], vector<16xf32>,
      %add3A_1008 = arith.addf %gather3A_992, %gather3A_993 : vector<16xf32>
      %add3A_1009 = arith.addf %gather3A_994, %gather3A_995 : vector<16xf32>
      %add3A_1010 = arith.addf %gather3A_996, %gather3A_997 : vector<16xf32>
      %add3A_1011 = arith.addf %gather3A_998, %gather3A_999 : vector<16xf32>
      %add3A_1012 = arith.addf %gather3A_1000, %gather3A_1001 : vector<16xf32>
      %add3A_1013 = arith.addf %gather3A_1002, %gather3A_1003 : vector<16xf32>
      %add3A_1014 = arith.addf %gather3A_1004, %gather3A_1005 : vector<16xf32>
      %add3A_1015 = arith.addf %gather3A_1006, %gather3A_1007 : vector<16xf32>
      %add3A_1016 = arith.addf %add3A_1008, %add3A_1009 : vector<16xf32>
      %add3A_1017 = arith.addf %add3A_1010, %add3A_1011 : vector<16xf32>
      %add3A_1018 = arith.addf %add3A_1012, %add3A_1013 : vector<16xf32>
      %add3A_1019 = arith.addf %add3A_1014, %add3A_1015 : vector<16xf32>
      %add3A_1020 = arith.addf %add3A_1016, %add3A_1017 : vector<16xf32>
      %add3A_1021 = arith.addf %add3A_1018, %add3A_1019 : vector<16xf32>
      %add3A_1022 = arith.addf %add3A_1020, %add3A_1021 : vector<16xf32>
      %get3A_1023 = arith.constant 20 : i32
      %get3A_1024 = arith.index_cast %get3A_1023 : i32 to index
      %get3A_1025 = arith.index_cast %mul3A_24 : i32 to index
      %get3A_1026 = tpu.vector_load %arg7[%get3A_1024, %get3A_1025] {strides = array<i32>} : memref<32x2048xf32, #tpu.memory_space<vmem>>, vector<16xf32>,
      %mul3A_1027 = arith.mulf %get3A_1026, %add3A_1022 : vector<16xf32>
      %add3A_1028 = arith.addf %add3A_983, %mul3A_1027 : vector<16xf32>
      %get3A_1029 = arith.constant 20 : i32
      %get3A_1030 = arith.index_cast %get3A_1029 : i32 to index
      %get3A_1031 = arith.constant 0 : index
      %get3A_1032 = tpu.vector_load %arg9[%get3A_1030, %get3A_1031] {strides = array<i32>} : memref<32x16xf32, #tpu.memory_space<vmem>>, vector<16xf32>,
      %mul3A_1033 = arith.mulf %get3A_1026, %get3A_1032 : vector<16xf32>
      %add3A_1034 = arith.addf %add3A_989, %mul3A_1033 : vector<16xf32>
      %broadcast_in_dim3A_1035 = arith.constant 21 : i32
      %broadcast_in_dim3A_1036 = vector.broadcast %broadcast_in_dim3A_1035 : i32 to vector<16xi32>
      %gather3A_1037 = tpu.vector_load_idx %arg7[%broadcast_in_dim3A_1036, %get3A_27] : memref<32x2048xf32, #tpu.memory_space<vmem>>[vector<16xi32>, vector<16xi32>], vector<16xf32>,
      %gather3A_1038 = tpu.vector_load_idx %arg7[%broadcast_in_dim3A_1036, %get3A_31] : memref<32x2048xf32, #tpu.memory_space<vmem>>[vector<16xi32>, vector<16xi32>], vector<16xf32>,
      %gather3A_1039 = tpu.vector_load_idx %arg7[%broadcast_in_dim3A_1036, %get3A_35] : memref<32x2048xf32, #tpu.memory_space<vmem>>[vector<16xi32>, vector<16xi32>], vector<16xf32>,
      %gather3A_1040 = tpu.vector_load_idx %arg7[%broadcast_in_dim3A_1036, %get3A_39] : memref<32x2048xf32, #tpu.memory_space<vmem>>[vector<16xi32>, vector<16xi32>], vector<16xf32>,
      %gather3A_1041 = tpu.vector_load_idx %arg7[%broadcast_in_dim3A_1036, %get3A_43] : memref<32x2048xf32, #tpu.memory_space<vmem>>[vector<16xi32>, vector<16xi32>], vector<16xf32>,
      %gather3A_1042 = tpu.vector_load_idx %arg7[%broadcast_in_dim3A_1036, %get3A_47] : memref<32x2048xf32, #tpu.memory_space<vmem>>[vector<16xi32>, vector<16xi32>], vector<16xf32>,
      %gather3A_1043 = tpu.vector_load_idx %arg7[%broadcast_in_dim3A_1036, %get3A_51] : memref<32x2048xf32, #tpu.memory_space<vmem>>[vector<16xi32>, vector<16xi32>], vector<16xf32>,
      %gather3A_1044 = tpu.vector_load_idx %arg7[%broadcast_in_dim3A_1036, %get3A_55] : memref<32x2048xf32, #tpu.memory_space<vmem>>[vector<16xi32>, vector<16xi32>], vector<16xf32>,
      %gather3A_1045 = tpu.vector_load_idx %arg7[%broadcast_in_dim3A_1036, %get3A_59] : memref<32x2048xf32, #tpu.memory_space<vmem>>[vector<16xi32>, vector<16xi32>], vector<16xf32>,
      %gather3A_1046 = tpu.vector_load_idx %arg7[%broadcast_in_dim3A_1036, %get3A_63] : memref<32x2048xf32, #tpu.memory_space<vmem>>[vector<16xi32>, vector<16xi32>], vector<16xf32>,
      %gather3A_1047 = tpu.vector_load_idx %arg7[%broadcast_in_dim3A_1036, %get3A_67] : memref<32x2048xf32, #tpu.memory_space<vmem>>[vector<16xi32>, vector<16xi32>], vector<16xf32>,
      %gather3A_1048 = tpu.vector_load_idx %arg7[%broadcast_in_dim3A_1036, %get3A_71] : memref<32x2048xf32, #tpu.memory_space<vmem>>[vector<16xi32>, vector<16xi32>], vector<16xf32>,
      %gather3A_1049 = tpu.vector_load_idx %arg7[%broadcast_in_dim3A_1036, %get3A_75] : memref<32x2048xf32, #tpu.memory_space<vmem>>[vector<16xi32>, vector<16xi32>], vector<16xf32>,
      %gather3A_1050 = tpu.vector_load_idx %arg7[%broadcast_in_dim3A_1036, %get3A_79] : memref<32x2048xf32, #tpu.memory_space<vmem>>[vector<16xi32>, vector<16xi32>], vector<16xf32>,
      %gather3A_1051 = tpu.vector_load_idx %arg7[%broadcast_in_dim3A_1036, %get3A_83] : memref<32x2048xf32, #tpu.memory_space<vmem>>[vector<16xi32>, vector<16xi32>], vector<16xf32>,
      %gather3A_1052 = tpu.vector_load_idx %arg7[%broadcast_in_dim3A_1036, %get3A_87] : memref<32x2048xf32, #tpu.memory_space<vmem>>[vector<16xi32>, vector<16xi32>], vector<16xf32>,
      %add3A_1053 = arith.addf %gather3A_1037, %gather3A_1038 : vector<16xf32>
      %add3A_1054 = arith.addf %gather3A_1039, %gather3A_1040 : vector<16xf32>
      %add3A_1055 = arith.addf %gather3A_1041, %gather3A_1042 : vector<16xf32>
      %add3A_1056 = arith.addf %gather3A_1043, %gather3A_1044 : vector<16xf32>
      %add3A_1057 = arith.addf %gather3A_1045, %gather3A_1046 : vector<16xf32>
      %add3A_1058 = arith.addf %gather3A_1047, %gather3A_1048 : vector<16xf32>
      %add3A_1059 = arith.addf %gather3A_1049, %gather3A_1050 : vector<16xf32>
      %add3A_1060 = arith.addf %gather3A_1051, %gather3A_1052 : vector<16xf32>
      %add3A_1061 = arith.addf %add3A_1053, %add3A_1054 : vector<16xf32>
      %add3A_1062 = arith.addf %add3A_1055, %add3A_1056 : vector<16xf32>
      %add3A_1063 = arith.addf %add3A_1057, %add3A_1058 : vector<16xf32>
      %add3A_1064 = arith.addf %add3A_1059, %add3A_1060 : vector<16xf32>
      %add3A_1065 = arith.addf %add3A_1061, %add3A_1062 : vector<16xf32>
      %add3A_1066 = arith.addf %add3A_1063, %add3A_1064 : vector<16xf32>
      %add3A_1067 = arith.addf %add3A_1065, %add3A_1066 : vector<16xf32>
      %get3A_1068 = arith.constant 21 : i32
      %get3A_1069 = arith.index_cast %get3A_1068 : i32 to index
      %get3A_1070 = arith.index_cast %mul3A_24 : i32 to index
      %get3A_1071 = tpu.vector_load %arg7[%get3A_1069, %get3A_1070] {strides = array<i32>} : memref<32x2048xf32, #tpu.memory_space<vmem>>, vector<16xf32>,
      %mul3A_1072 = arith.mulf %get3A_1071, %add3A_1067 : vector<16xf32>
      %add3A_1073 = arith.addf %add3A_1028, %mul3A_1072 : vector<16xf32>
      %get3A_1074 = arith.constant 21 : i32
      %get3A_1075 = arith.index_cast %get3A_1074 : i32 to index
      %get3A_1076 = arith.constant 0 : index
      %get3A_1077 = tpu.vector_load %arg9[%get3A_1075, %get3A_1076] {strides = array<i32>} : memref<32x16xf32, #tpu.memory_space<vmem>>, vector<16xf32>,
      %mul3A_1078 = arith.mulf %get3A_1071, %get3A_1077 : vector<16xf32>
      %add3A_1079 = arith.addf %add3A_1034, %mul3A_1078 : vector<16xf32>
      %broadcast_in_dim3A_1080 = arith.constant 22 : i32
      %broadcast_in_dim3A_1081 = vector.broadcast %broadcast_in_dim3A_1080 : i32 to vector<16xi32>
      %gather3A_1082 = tpu.vector_load_idx %arg7[%broadcast_in_dim3A_1081, %get3A_27] : memref<32x2048xf32, #tpu.memory_space<vmem>>[vector<16xi32>, vector<16xi32>], vector<16xf32>,
      %gather3A_1083 = tpu.vector_load_idx %arg7[%broadcast_in_dim3A_1081, %get3A_31] : memref<32x2048xf32, #tpu.memory_space<vmem>>[vector<16xi32>, vector<16xi32>], vector<16xf32>,
      %gather3A_1084 = tpu.vector_load_idx %arg7[%broadcast_in_dim3A_1081, %get3A_35] : memref<32x2048xf32, #tpu.memory_space<vmem>>[vector<16xi32>, vector<16xi32>], vector<16xf32>,
      %gather3A_1085 = tpu.vector_load_idx %arg7[%broadcast_in_dim3A_1081, %get3A_39] : memref<32x2048xf32, #tpu.memory_space<vmem>>[vector<16xi32>, vector<16xi32>], vector<16xf32>,
      %gather3A_1086 = tpu.vector_load_idx %arg7[%broadcast_in_dim3A_1081, %get3A_43] : memref<32x2048xf32, #tpu.memory_space<vmem>>[vector<16xi32>, vector<16xi32>], vector<16xf32>,
      %gather3A_1087 = tpu.vector_load_idx %arg7[%broadcast_in_dim3A_1081, %get3A_47] : memref<32x2048xf32, #tpu.memory_space<vmem>>[vector<16xi32>, vector<16xi32>], vector<16xf32>,
      %gather3A_1088 = tpu.vector_load_idx %arg7[%broadcast_in_dim3A_1081, %get3A_51] : memref<32x2048xf32, #tpu.memory_space<vmem>>[vector<16xi32>, vector<16xi32>], vector<16xf32>,
      %gather3A_1089 = tpu.vector_load_idx %arg7[%broadcast_in_dim3A_1081, %get3A_55] : memref<32x2048xf32, #tpu.memory_space<vmem>>[vector<16xi32>, vector<16xi32>], vector<16xf32>,
      %gather3A_1090 = tpu.vector_load_idx %arg7[%broadcast_in_dim3A_1081, %get3A_59] : memref<32x2048xf32, #tpu.memory_space<vmem>>[vector<16xi32>, vector<16xi32>], vector<16xf32>,
      %gather3A_1091 = tpu.vector_load_idx %arg7[%broadcast_in_dim3A_1081, %get3A_63] : memref<32x2048xf32, #tpu.memory_space<vmem>>[vector<16xi32>, vector<16xi32>], vector<16xf32>,
      %gather3A_1092 = tpu.vector_load_idx %arg7[%broadcast_in_dim3A_1081, %get3A_67] : memref<32x2048xf32, #tpu.memory_space<vmem>>[vector<16xi32>, vector<16xi32>], vector<16xf32>,
      %gather3A_1093 = tpu.vector_load_idx %arg7[%broadcast_in_dim3A_1081, %get3A_71] : memref<32x2048xf32, #tpu.memory_space<vmem>>[vector<16xi32>, vector<16xi32>], vector<16xf32>,
      %gather3A_1094 = tpu.vector_load_idx %arg7[%broadcast_in_dim3A_1081, %get3A_75] : memref<32x2048xf32, #tpu.memory_space<vmem>>[vector<16xi32>, vector<16xi32>], vector<16xf32>,
      %gather3A_1095 = tpu.vector_load_idx %arg7[%broadcast_in_dim3A_1081, %get3A_79] : memref<32x2048xf32, #tpu.memory_space<vmem>>[vector<16xi32>, vector<16xi32>], vector<16xf32>,
      %gather3A_1096 = tpu.vector_load_idx %arg7[%broadcast_in_dim3A_1081, %get3A_83] : memref<32x2048xf32, #tpu.memory_space<vmem>>[vector<16xi32>, vector<16xi32>], vector<16xf32>,
      %gather3A_1097 = tpu.vector_load_idx %arg7[%broadcast_in_dim3A_1081, %get3A_87] : memref<32x2048xf32, #tpu.memory_space<vmem>>[vector<16xi32>, vector<16xi32>], vector<16xf32>,
      %add3A_1098 = arith.addf %gather3A_1082, %gather3A_1083 : vector<16xf32>
      %add3A_1099 = arith.addf %gather3A_1084, %gather3A_1085 : vector<16xf32>
      %add3A_1100 = arith.addf %gather3A_1086, %gather3A_1087 : vector<16xf32>
      %add3A_1101 = arith.addf %gather3A_1088, %gather3A_1089 : vector<16xf32>
      %add3A_1102 = arith.addf %gather3A_1090, %gather3A_1091 : vector<16xf32>
      %add3A_1103 = arith.addf %gather3A_1092, %gather3A_1093 : vector<16xf32>
      %add3A_1104 = arith.addf %gather3A_1094, %gather3A_1095 : vector<16xf32>
      %add3A_1105 = arith.addf %gather3A_1096, %gather3A_1097 : vector<16xf32>
      %add3A_1106 = arith.addf %add3A_1098, %add3A_1099 : vector<16xf32>
      %add3A_1107 = arith.addf %add3A_1100, %add3A_1101 : vector<16xf32>
      %add3A_1108 = arith.addf %add3A_1102, %add3A_1103 : vector<16xf32>
      %add3A_1109 = arith.addf %add3A_1104, %add3A_1105 : vector<16xf32>
      %add3A_1110 = arith.addf %add3A_1106, %add3A_1107 : vector<16xf32>
      %add3A_1111 = arith.addf %add3A_1108, %add3A_1109 : vector<16xf32>
      %add3A_1112 = arith.addf %add3A_1110, %add3A_1111 : vector<16xf32>
      %get3A_1113 = arith.constant 22 : i32
      %get3A_1114 = arith.index_cast %get3A_1113 : i32 to index
      %get3A_1115 = arith.index_cast %mul3A_24 : i32 to index
      %get3A_1116 = tpu.vector_load %arg7[%get3A_1114, %get3A_1115] {strides = array<i32>} : memref<32x2048xf32, #tpu.memory_space<vmem>>, vector<16xf32>,
      %mul3A_1117 = arith.mulf %get3A_1116, %add3A_1112 : vector<16xf32>
      %add3A_1118 = arith.addf %add3A_1073, %mul3A_1117 : vector<16xf32>
      %get3A_1119 = arith.constant 22 : i32
      %get3A_1120 = arith.index_cast %get3A_1119 : i32 to index
      %get3A_1121 = arith.constant 0 : index
      %get3A_1122 = tpu.vector_load %arg9[%get3A_1120, %get3A_1121] {strides = array<i32>} : memref<32x16xf32, #tpu.memory_space<vmem>>, vector<16xf32>,
      %mul3A_1123 = arith.mulf %get3A_1116, %get3A_1122 : vector<16xf32>
      %add3A_1124 = arith.addf %add3A_1079, %mul3A_1123 : vector<16xf32>
      %broadcast_in_dim3A_1125 = arith.constant 23 : i32
      %broadcast_in_dim3A_1126 = vector.broadcast %broadcast_in_dim3A_1125 : i32 to vector<16xi32>
      %gather3A_1127 = tpu.vector_load_idx %arg7[%broadcast_in_dim3A_1126, %get3A_27] : memref<32x2048xf32, #tpu.memory_space<vmem>>[vector<16xi32>, vector<16xi32>], vector<16xf32>,
      %gather3A_1128 = tpu.vector_load_idx %arg7[%broadcast_in_dim3A_1126, %get3A_31] : memref<32x2048xf32, #tpu.memory_space<vmem>>[vector<16xi32>, vector<16xi32>], vector<16xf32>,
      %gather3A_1129 = tpu.vector_load_idx %arg7[%broadcast_in_dim3A_1126, %get3A_35] : memref<32x2048xf32, #tpu.memory_space<vmem>>[vector<16xi32>, vector<16xi32>], vector<16xf32>,
      %gather3A_1130 = tpu.vector_load_idx %arg7[%broadcast_in_dim3A_1126, %get3A_39] : memref<32x2048xf32, #tpu.memory_space<vmem>>[vector<16xi32>, vector<16xi32>], vector<16xf32>,
      %gather3A_1131 = tpu.vector_load_idx %arg7[%broadcast_in_dim3A_1126, %get3A_43] : memref<32x2048xf32, #tpu.memory_space<vmem>>[vector<16xi32>, vector<16xi32>], vector<16xf32>,
      %gather3A_1132 = tpu.vector_load_idx %arg7[%broadcast_in_dim3A_1126, %get3A_47] : memref<32x2048xf32, #tpu.memory_space<vmem>>[vector<16xi32>, vector<16xi32>], vector<16xf32>,
      %gather3A_1133 = tpu.vector_load_idx %arg7[%broadcast_in_dim3A_1126, %get3A_51] : memref<32x2048xf32, #tpu.memory_space<vmem>>[vector<16xi32>, vector<16xi32>], vector<16xf32>,
      %gather3A_1134 = tpu.vector_load_idx %arg7[%broadcast_in_dim3A_1126, %get3A_55] : memref<32x2048xf32, #tpu.memory_space<vmem>>[vector<16xi32>, vector<16xi32>], vector<16xf32>,
      %gather3A_1135 = tpu.vector_load_idx %arg7[%broadcast_in_dim3A_1126, %get3A_59] : memref<32x2048xf32, #tpu.memory_space<vmem>>[vector<16xi32>, vector<16xi32>], vector<16xf32>,
      %gather3A_1136 = tpu.vector_load_idx %arg7[%broadcast_in_dim3A_1126, %get3A_63] : memref<32x2048xf32, #tpu.memory_space<vmem>>[vector<16xi32>, vector<16xi32>], vector<16xf32>,
      %gather3A_1137 = tpu.vector_load_idx %arg7[%broadcast_in_dim3A_1126, %get3A_67] : memref<32x2048xf32, #tpu.memory_space<vmem>>[vector<16xi32>, vector<16xi32>], vector<16xf32>,
      %gather3A_1138 = tpu.vector_load_idx %arg7[%broadcast_in_dim3A_1126, %get3A_71] : memref<32x2048xf32, #tpu.memory_space<vmem>>[vector<16xi32>, vector<16xi32>], vector<16xf32>,
      %gather3A_1139 = tpu.vector_load_idx %arg7[%broadcast_in_dim3A_1126, %get3A_75] : memref<32x2048xf32, #tpu.memory_space<vmem>>[vector<16xi32>, vector<16xi32>], vector<16xf32>,
      %gather3A_1140 = tpu.vector_load_idx %arg7[%broadcast_in_dim3A_1126, %get3A_79] : memref<32x2048xf32, #tpu.memory_space<vmem>>[vector<16xi32>, vector<16xi32>], vector<16xf32>,
      %gather3A_1141 = tpu.vector_load_idx %arg7[%broadcast_in_dim3A_1126, %get3A_83] : memref<32x2048xf32, #tpu.memory_space<vmem>>[vector<16xi32>, vector<16xi32>], vector<16xf32>,
      %gather3A_1142 = tpu.vector_load_idx %arg7[%broadcast_in_dim3A_1126, %get3A_87] : memref<32x2048xf32, #tpu.memory_space<vmem>>[vector<16xi32>, vector<16xi32>], vector<16xf32>,
      %add3A_1143 = arith.addf %gather3A_1127, %gather3A_1128 : vector<16xf32>
      %add3A_1144 = arith.addf %gather3A_1129, %gather3A_1130 : vector<16xf32>
      %add3A_1145 = arith.addf %gather3A_1131, %gather3A_1132 : vector<16xf32>
      %add3A_1146 = arith.addf %gather3A_1133, %gather3A_1134 : vector<16xf32>
      %add3A_1147 = arith.addf %gather3A_1135, %gather3A_1136 : vector<16xf32>
      %add3A_1148 = arith.addf %gather3A_1137, %gather3A_1138 : vector<16xf32>
      %add3A_1149 = arith.addf %gather3A_1139, %gather3A_1140 : vector<16xf32>
      %add3A_1150 = arith.addf %gather3A_1141, %gather3A_1142 : vector<16xf32>
      %add3A_1151 = arith.addf %add3A_1143, %add3A_1144 : vector<16xf32>
      %add3A_1152 = arith.addf %add3A_1145, %add3A_1146 : vector<16xf32>
      %add3A_1153 = arith.addf %add3A_1147, %add3A_1148 : vector<16xf32>
      %add3A_1154 = arith.addf %add3A_1149, %add3A_1150 : vector<16xf32>
      %add3A_1155 = arith.addf %add3A_1151, %add3A_1152 : vector<16xf32>
      %add3A_1156 = arith.addf %add3A_1153, %add3A_1154 : vector<16xf32>
      %add3A_1157 = arith.addf %add3A_1155, %add3A_1156 : vector<16xf32>
      %get3A_1158 = arith.constant 23 : i32
      %get3A_1159 = arith.index_cast %get3A_1158 : i32 to index
      %get3A_1160 = arith.index_cast %mul3A_24 : i32 to index
      %get3A_1161 = tpu.vector_load %arg7[%get3A_1159, %get3A_1160] {strides = array<i32>} : memref<32x2048xf32, #tpu.memory_space<vmem>>, vector<16xf32>,
      %mul3A_1162 = arith.mulf %get3A_1161, %add3A_1157 : vector<16xf32>
      %add3A_1163 = arith.addf %add3A_1118, %mul3A_1162 : vector<16xf32>
      %get3A_1164 = arith.constant 23 : i32
      %get3A_1165 = arith.index_cast %get3A_1164 : i32 to index
      %get3A_1166 = arith.constant 0 : index
      %get3A_1167 = tpu.vector_load %arg9[%get3A_1165, %get3A_1166] {strides = array<i32>} : memref<32x16xf32, #tpu.memory_space<vmem>>, vector<16xf32>,
      %mul3A_1168 = arith.mulf %get3A_1161, %get3A_1167 : vector<16xf32>
      %add3A_1169 = arith.addf %add3A_1124, %mul3A_1168 : vector<16xf32>
      %broadcast_in_dim3A_1170 = arith.constant 24 : i32
      %broadcast_in_dim3A_1171 = vector.broadcast %broadcast_in_dim3A_1170 : i32 to vector<16xi32>
      %gather3A_1172 = tpu.vector_load_idx %arg7[%broadcast_in_dim3A_1171, %get3A_27] : memref<32x2048xf32, #tpu.memory_space<vmem>>[vector<16xi32>, vector<16xi32>], vector<16xf32>,
      %gather3A_1173 = tpu.vector_load_idx %arg7[%broadcast_in_dim3A_1171, %get3A_31] : memref<32x2048xf32, #tpu.memory_space<vmem>>[vector<16xi32>, vector<16xi32>], vector<16xf32>,
      %gather3A_1174 = tpu.vector_load_idx %arg7[%broadcast_in_dim3A_1171, %get3A_35] : memref<32x2048xf32, #tpu.memory_space<vmem>>[vector<16xi32>, vector<16xi32>], vector<16xf32>,
      %gather3A_1175 = tpu.vector_load_idx %arg7[%broadcast_in_dim3A_1171, %get3A_39] : memref<32x2048xf32, #tpu.memory_space<vmem>>[vector<16xi32>, vector<16xi32>], vector<16xf32>,
      %gather3A_1176 = tpu.vector_load_idx %arg7[%broadcast_in_dim3A_1171, %get3A_43] : memref<32x2048xf32, #tpu.memory_space<vmem>>[vector<16xi32>, vector<16xi32>], vector<16xf32>,
      %gather3A_1177 = tpu.vector_load_idx %arg7[%broadcast_in_dim3A_1171, %get3A_47] : memref<32x2048xf32, #tpu.memory_space<vmem>>[vector<16xi32>, vector<16xi32>], vector<16xf32>,
      %gather3A_1178 = tpu.vector_load_idx %arg7[%broadcast_in_dim3A_1171, %get3A_51] : memref<32x2048xf32, #tpu.memory_space<vmem>>[vector<16xi32>, vector<16xi32>], vector<16xf32>,
      %gather3A_1179 = tpu.vector_load_idx %arg7[%broadcast_in_dim3A_1171, %get3A_55] : memref<32x2048xf32, #tpu.memory_space<vmem>>[vector<16xi32>, vector<16xi32>], vector<16xf32>,
      %gather3A_1180 = tpu.vector_load_idx %arg7[%broadcast_in_dim3A_1171, %get3A_59] : memref<32x2048xf32, #tpu.memory_space<vmem>>[vector<16xi32>, vector<16xi32>], vector<16xf32>,
      %gather3A_1181 = tpu.vector_load_idx %arg7[%broadcast_in_dim3A_1171, %get3A_63] : memref<32x2048xf32, #tpu.memory_space<vmem>>[vector<16xi32>, vector<16xi32>], vector<16xf32>,
      %gather3A_1182 = tpu.vector_load_idx %arg7[%broadcast_in_dim3A_1171, %get3A_67] : memref<32x2048xf32, #tpu.memory_space<vmem>>[vector<16xi32>, vector<16xi32>], vector<16xf32>,
      %gather3A_1183 = tpu.vector_load_idx %arg7[%broadcast_in_dim3A_1171, %get3A_71] : memref<32x2048xf32, #tpu.memory_space<vmem>>[vector<16xi32>, vector<16xi32>], vector<16xf32>,
      %gather3A_1184 = tpu.vector_load_idx %arg7[%broadcast_in_dim3A_1171, %get3A_75] : memref<32x2048xf32, #tpu.memory_space<vmem>>[vector<16xi32>, vector<16xi32>], vector<16xf32>,
      %gather3A_1185 = tpu.vector_load_idx %arg7[%broadcast_in_dim3A_1171, %get3A_79] : memref<32x2048xf32, #tpu.memory_space<vmem>>[vector<16xi32>, vector<16xi32>], vector<16xf32>,
      %gather3A_1186 = tpu.vector_load_idx %arg7[%broadcast_in_dim3A_1171, %get3A_83] : memref<32x2048xf32, #tpu.memory_space<vmem>>[vector<16xi32>, vector<16xi32>], vector<16xf32>,
      %gather3A_1187 = tpu.vector_load_idx %arg7[%broadcast_in_dim3A_1171, %get3A_87] : memref<32x2048xf32, #tpu.memory_space<vmem>>[vector<16xi32>, vector<16xi32>], vector<16xf32>,
      %add3A_1188 = arith.addf %gather3A_1172, %gather3A_1173 : vector<16xf32>
      %add3A_1189 = arith.addf %gather3A_1174, %gather3A_1175 : vector<16xf32>
      %add3A_1190 = arith.addf %gather3A_1176, %gather3A_1177 : vector<16xf32>
      %add3A_1191 = arith.addf %gather3A_1178, %gather3A_1179 : vector<16xf32>
      %add3A_1192 = arith.addf %gather3A_1180, %gather3A_1181 : vector<16xf32>
      %add3A_1193 = arith.addf %gather3A_1182, %gather3A_1183 : vector<16xf32>
      %add3A_1194 = arith.addf %gather3A_1184, %gather3A_1185 : vector<16xf32>
      %add3A_1195 = arith.addf %gather3A_1186, %gather3A_1187 : vector<16xf32>
      %add3A_1196 = arith.addf %add3A_1188, %add3A_1189 : vector<16xf32>
      %add3A_1197 = arith.addf %add3A_1190, %add3A_1191 : vector<16xf32>
      %add3A_1198 = arith.addf %add3A_1192, %add3A_1193 : vector<16xf32>
      %add3A_1199 = arith.addf %add3A_1194, %add3A_1195 : vector<16xf32>
      %add3A_1200 = arith.addf %add3A_1196, %add3A_1197 : vector<16xf32>
      %add3A_1201 = arith.addf %add3A_1198, %add3A_1199 : vector<16xf32>
      %add3A_1202 = arith.addf %add3A_1200, %add3A_1201 : vector<16xf32>
      %get3A_1203 = arith.constant 24 : i32
      %get3A_1204 = arith.index_cast %get3A_1203 : i32 to index
      %get3A_1205 = arith.index_cast %mul3A_24 : i32 to index
      %get3A_1206 = tpu.vector_load %arg7[%get3A_1204, %get3A_1205] {strides = array<i32>} : memref<32x2048xf32, #tpu.memory_space<vmem>>, vector<16xf32>,
      %mul3A_1207 = arith.mulf %get3A_1206, %add3A_1202 : vector<16xf32>
      %add3A_1208 = arith.addf %add3A_1163, %mul3A_1207 : vector<16xf32>
      %get3A_1209 = arith.constant 24 : i32
      %get3A_1210 = arith.index_cast %get3A_1209 : i32 to index
      %get3A_1211 = arith.constant 0 : index
      %get3A_1212 = tpu.vector_load %arg9[%get3A_1210, %get3A_1211] {strides = array<i32>} : memref<32x16xf32, #tpu.memory_space<vmem>>, vector<16xf32>,
      %mul3A_1213 = arith.mulf %get3A_1206, %get3A_1212 : vector<16xf32>
      %add3A_1214 = arith.addf %add3A_1169, %mul3A_1213 : vector<16xf32>
      %broadcast_in_dim3A_1215 = arith.constant 25 : i32
      %broadcast_in_dim3A_1216 = vector.broadcast %broadcast_in_dim3A_1215 : i32 to vector<16xi32>
      %gather3A_1217 = tpu.vector_load_idx %arg7[%broadcast_in_dim3A_1216, %get3A_27] : memref<32x2048xf32, #tpu.memory_space<vmem>>[vector<16xi32>, vector<16xi32>], vector<16xf32>,
      %gather3A_1218 = tpu.vector_load_idx %arg7[%broadcast_in_dim3A_1216, %get3A_31] : memref<32x2048xf32, #tpu.memory_space<vmem>>[vector<16xi32>, vector<16xi32>], vector<16xf32>,
      %gather3A_1219 = tpu.vector_load_idx %arg7[%broadcast_in_dim3A_1216, %get3A_35] : memref<32x2048xf32, #tpu.memory_space<vmem>>[vector<16xi32>, vector<16xi32>], vector<16xf32>,
      %gather3A_1220 = tpu.vector_load_idx %arg7[%broadcast_in_dim3A_1216, %get3A_39] : memref<32x2048xf32, #tpu.memory_space<vmem>>[vector<16xi32>, vector<16xi32>], vector<16xf32>,
      %gather3A_1221 = tpu.vector_load_idx %arg7[%broadcast_in_dim3A_1216, %get3A_43] : memref<32x2048xf32, #tpu.memory_space<vmem>>[vector<16xi32>, vector<16xi32>], vector<16xf32>,
      %gather3A_1222 = tpu.vector_load_idx %arg7[%broadcast_in_dim3A_1216, %get3A_47] : memref<32x2048xf32, #tpu.memory_space<vmem>>[vector<16xi32>, vector<16xi32>], vector<16xf32>,
      %gather3A_1223 = tpu.vector_load_idx %arg7[%broadcast_in_dim3A_1216, %get3A_51] : memref<32x2048xf32, #tpu.memory_space<vmem>>[vector<16xi32>, vector<16xi32>], vector<16xf32>,
      %gather3A_1224 = tpu.vector_load_idx %arg7[%broadcast_in_dim3A_1216, %get3A_55] : memref<32x2048xf32, #tpu.memory_space<vmem>>[vector<16xi32>, vector<16xi32>], vector<16xf32>,
      %gather3A_1225 = tpu.vector_load_idx %arg7[%broadcast_in_dim3A_1216, %get3A_59] : memref<32x2048xf32, #tpu.memory_space<vmem>>[vector<16xi32>, vector<16xi32>], vector<16xf32>,
      %gather3A_1226 = tpu.vector_load_idx %arg7[%broadcast_in_dim3A_1216, %get3A_63] : memref<32x2048xf32, #tpu.memory_space<vmem>>[vector<16xi32>, vector<16xi32>], vector<16xf32>,
      %gather3A_1227 = tpu.vector_load_idx %arg7[%broadcast_in_dim3A_1216, %get3A_67] : memref<32x2048xf32, #tpu.memory_space<vmem>>[vector<16xi32>, vector<16xi32>], vector<16xf32>,
      %gather3A_1228 = tpu.vector_load_idx %arg7[%broadcast_in_dim3A_1216, %get3A_71] : memref<32x2048xf32, #tpu.memory_space<vmem>>[vector<16xi32>, vector<16xi32>], vector<16xf32>,
      %gather3A_1229 = tpu.vector_load_idx %arg7[%broadcast_in_dim3A_1216, %get3A_75] : memref<32x2048xf32, #tpu.memory_space<vmem>>[vector<16xi32>, vector<16xi32>], vector<16xf32>,
      %gather3A_1230 = tpu.vector_load_idx %arg7[%broadcast_in_dim3A_1216, %get3A_79] : memref<32x2048xf32, #tpu.memory_space<vmem>>[vector<16xi32>, vector<16xi32>], vector<16xf32>,
      %gather3A_1231 = tpu.vector_load_idx %arg7[%broadcast_in_dim3A_1216, %get3A_83] : memref<32x2048xf32, #tpu.memory_space<vmem>>[vector<16xi32>, vector<16xi32>], vector<16xf32>,
      %gather3A_1232 = tpu.vector_load_idx %arg7[%broadcast_in_dim3A_1216, %get3A_87] : memref<32x2048xf32, #tpu.memory_space<vmem>>[vector<16xi32>, vector<16xi32>], vector<16xf32>,
      %add3A_1233 = arith.addf %gather3A_1217, %gather3A_1218 : vector<16xf32>
      %add3A_1234 = arith.addf %gather3A_1219, %gather3A_1220 : vector<16xf32>
      %add3A_1235 = arith.addf %gather3A_1221, %gather3A_1222 : vector<16xf32>
      %add3A_1236 = arith.addf %gather3A_1223, %gather3A_1224 : vector<16xf32>
      %add3A_1237 = arith.addf %gather3A_1225, %gather3A_1226 : vector<16xf32>
      %add3A_1238 = arith.addf %gather3A_1227, %gather3A_1228 : vector<16xf32>
      %add3A_1239 = arith.addf %gather3A_1229, %gather3A_1230 : vector<16xf32>
      %add3A_1240 = arith.addf %gather3A_1231, %gather3A_1232 : vector<16xf32>
      %add3A_1241 = arith.addf %add3A_1233, %add3A_1234 : vector<16xf32>
      %add3A_1242 = arith.addf %add3A_1235, %add3A_1236 : vector<16xf32>
      %add3A_1243 = arith.addf %add3A_1237, %add3A_1238 : vector<16xf32>
      %add3A_1244 = arith.addf %add3A_1239, %add3A_1240 : vector<16xf32>
      %add3A_1245 = arith.addf %add3A_1241, %add3A_1242 : vector<16xf32>
      %add3A_1246 = arith.addf %add3A_1243, %add3A_1244 : vector<16xf32>
      %add3A_1247 = arith.addf %add3A_1245, %add3A_1246 : vector<16xf32>
      %get3A_1248 = arith.constant 25 : i32
      %get3A_1249 = arith.index_cast %get3A_1248 : i32 to index
      %get3A_1250 = arith.index_cast %mul3A_24 : i32 to index
      %get3A_1251 = tpu.vector_load %arg7[%get3A_1249, %get3A_1250] {strides = array<i32>} : memref<32x2048xf32, #tpu.memory_space<vmem>>, vector<16xf32>,
      %mul3A_1252 = arith.mulf %get3A_1251, %add3A_1247 : vector<16xf32>
      %add3A_1253 = arith.addf %add3A_1208, %mul3A_1252 : vector<16xf32>
      %get3A_1254 = arith.constant 25 : i32
      %get3A_1255 = arith.index_cast %get3A_1254 : i32 to index
      %get3A_1256 = arith.constant 0 : index
      %get3A_1257 = tpu.vector_load %arg9[%get3A_1255, %get3A_1256] {strides = array<i32>} : memref<32x16xf32, #tpu.memory_space<vmem>>, vector<16xf32>,
      %mul3A_1258 = arith.mulf %get3A_1251, %get3A_1257 : vector<16xf32>
      %add3A_1259 = arith.addf %add3A_1214, %mul3A_1258 : vector<16xf32>
      %broadcast_in_dim3A_1260 = arith.constant 26 : i32
      %broadcast_in_dim3A_1261 = vector.broadcast %broadcast_in_dim3A_1260 : i32 to vector<16xi32>
      %gather3A_1262 = tpu.vector_load_idx %arg7[%broadcast_in_dim3A_1261, %get3A_27] : memref<32x2048xf32, #tpu.memory_space<vmem>>[vector<16xi32>, vector<16xi32>], vector<16xf32>,
      %gather3A_1263 = tpu.vector_load_idx %arg7[%broadcast_in_dim3A_1261, %get3A_31] : memref<32x2048xf32, #tpu.memory_space<vmem>>[vector<16xi32>, vector<16xi32>], vector<16xf32>,
      %gather3A_1264 = tpu.vector_load_idx %arg7[%broadcast_in_dim3A_1261, %get3A_35] : memref<32x2048xf32, #tpu.memory_space<vmem>>[vector<16xi32>, vector<16xi32>], vector<16xf32>,
      %gather3A_1265 = tpu.vector_load_idx %arg7[%broadcast_in_dim3A_1261, %get3A_39] : memref<32x2048xf32, #tpu.memory_space<vmem>>[vector<16xi32>, vector<16xi32>], vector<16xf32>,
      %gather3A_1266 = tpu.vector_load_idx %arg7[%broadcast_in_dim3A_1261, %get3A_43] : memref<32x2048xf32, #tpu.memory_space<vmem>>[vector<16xi32>, vector<16xi32>], vector<16xf32>,
      %gather3A_1267 = tpu.vector_load_idx %arg7[%broadcast_in_dim3A_1261, %get3A_47] : memref<32x2048xf32, #tpu.memory_space<vmem>>[vector<16xi32>, vector<16xi32>], vector<16xf32>,
      %gather3A_1268 = tpu.vector_load_idx %arg7[%broadcast_in_dim3A_1261, %get3A_51] : memref<32x2048xf32, #tpu.memory_space<vmem>>[vector<16xi32>, vector<16xi32>], vector<16xf32>,
      %gather3A_1269 = tpu.vector_load_idx %arg7[%broadcast_in_dim3A_1261, %get3A_55] : memref<32x2048xf32, #tpu.memory_space<vmem>>[vector<16xi32>, vector<16xi32>], vector<16xf32>,
      %gather3A_1270 = tpu.vector_load_idx %arg7[%broadcast_in_dim3A_1261, %get3A_59] : memref<32x2048xf32, #tpu.memory_space<vmem>>[vector<16xi32>, vector<16xi32>], vector<16xf32>,
      %gather3A_1271 = tpu.vector_load_idx %arg7[%broadcast_in_dim3A_1261, %get3A_63] : memref<32x2048xf32, #tpu.memory_space<vmem>>[vector<16xi32>, vector<16xi32>], vector<16xf32>,
      %gather3A_1272 = tpu.vector_load_idx %arg7[%broadcast_in_dim3A_1261, %get3A_67] : memref<32x2048xf32, #tpu.memory_space<vmem>>[vector<16xi32>, vector<16xi32>], vector<16xf32>,
      %gather3A_1273 = tpu.vector_load_idx %arg7[%broadcast_in_dim3A_1261, %get3A_71] : memref<32x2048xf32, #tpu.memory_space<vmem>>[vector<16xi32>, vector<16xi32>], vector<16xf32>,
      %gather3A_1274 = tpu.vector_load_idx %arg7[%broadcast_in_dim3A_1261, %get3A_75] : memref<32x2048xf32, #tpu.memory_space<vmem>>[vector<16xi32>, vector<16xi32>], vector<16xf32>,
      %gather3A_1275 = tpu.vector_load_idx %arg7[%broadcast_in_dim3A_1261, %get3A_79] : memref<32x2048xf32, #tpu.memory_space<vmem>>[vector<16xi32>, vector<16xi32>], vector<16xf32>,
      %gather3A_1276 = tpu.vector_load_idx %arg7[%broadcast_in_dim3A_1261, %get3A_83] : memref<32x2048xf32, #tpu.memory_space<vmem>>[vector<16xi32>, vector<16xi32>], vector<16xf32>,
      %gather3A_1277 = tpu.vector_load_idx %arg7[%broadcast_in_dim3A_1261, %get3A_87] : memref<32x2048xf32, #tpu.memory_space<vmem>>[vector<16xi32>, vector<16xi32>], vector<16xf32>,
      %add3A_1278 = arith.addf %gather3A_1262, %gather3A_1263 : vector<16xf32>
      %add3A_1279 = arith.addf %gather3A_1264, %gather3A_1265 : vector<16xf32>
      %add3A_1280 = arith.addf %gather3A_1266, %gather3A_1267 : vector<16xf32>
      %add3A_1281 = arith.addf %gather3A_1268, %gather3A_1269 : vector<16xf32>
      %add3A_1282 = arith.addf %gather3A_1270, %gather3A_1271 : vector<16xf32>
      %add3A_1283 = arith.addf %gather3A_1272, %gather3A_1273 : vector<16xf32>
      %add3A_1284 = arith.addf %gather3A_1274, %gather3A_1275 : vector<16xf32>
      %add3A_1285 = arith.addf %gather3A_1276, %gather3A_1277 : vector<16xf32>
      %add3A_1286 = arith.addf %add3A_1278, %add3A_1279 : vector<16xf32>
      %add3A_1287 = arith.addf %add3A_1280, %add3A_1281 : vector<16xf32>
      %add3A_1288 = arith.addf %add3A_1282, %add3A_1283 : vector<16xf32>
      %add3A_1289 = arith.addf %add3A_1284, %add3A_1285 : vector<16xf32>
      %add3A_1290 = arith.addf %add3A_1286, %add3A_1287 : vector<16xf32>
      %add3A_1291 = arith.addf %add3A_1288, %add3A_1289 : vector<16xf32>
      %add3A_1292 = arith.addf %add3A_1290, %add3A_1291 : vector<16xf32>
      %get3A_1293 = arith.constant 26 : i32
      %get3A_1294 = arith.index_cast %get3A_1293 : i32 to index
      %get3A_1295 = arith.index_cast %mul3A_24 : i32 to index
      %get3A_1296 = tpu.vector_load %arg7[%get3A_1294, %get3A_1295] {strides = array<i32>} : memref<32x2048xf32, #tpu.memory_space<vmem>>, vector<16xf32>,
      %mul3A_1297 = arith.mulf %get3A_1296, %add3A_1292 : vector<16xf32>
      %add3A_1298 = arith.addf %add3A_1253, %mul3A_1297 : vector<16xf32>
      %get3A_1299 = arith.constant 26 : i32
      %get3A_1300 = arith.index_cast %get3A_1299 : i32 to index
      %get3A_1301 = arith.constant 0 : index
      %get3A_1302 = tpu.vector_load %arg9[%get3A_1300, %get3A_1301] {strides = array<i32>} : memref<32x16xf32, #tpu.memory_space<vmem>>, vector<16xf32>,
      %mul3A_1303 = arith.mulf %get3A_1296, %get3A_1302 : vector<16xf32>
      %add3A_1304 = arith.addf %add3A_1259, %mul3A_1303 : vector<16xf32>
      %broadcast_in_dim3A_1305 = arith.constant 27 : i32
      %broadcast_in_dim3A_1306 = vector.broadcast %broadcast_in_dim3A_1305 : i32 to vector<16xi32>
      %gather3A_1307 = tpu.vector_load_idx %arg7[%broadcast_in_dim3A_1306, %get3A_27] : memref<32x2048xf32, #tpu.memory_space<vmem>>[vector<16xi32>, vector<16xi32>], vector<16xf32>,
      %gather3A_1308 = tpu.vector_load_idx %arg7[%broadcast_in_dim3A_1306, %get3A_31] : memref<32x2048xf32, #tpu.memory_space<vmem>>[vector<16xi32>, vector<16xi32>], vector<16xf32>,
      %gather3A_1309 = tpu.vector_load_idx %arg7[%broadcast_in_dim3A_1306, %get3A_35] : memref<32x2048xf32, #tpu.memory_space<vmem>>[vector<16xi32>, vector<16xi32>], vector<16xf32>,
      %gather3A_1310 = tpu.vector_load_idx %arg7[%broadcast_in_dim3A_1306, %get3A_39] : memref<32x2048xf32, #tpu.memory_space<vmem>>[vector<16xi32>, vector<16xi32>], vector<16xf32>,
      %gather3A_1311 = tpu.vector_load_idx %arg7[%broadcast_in_dim3A_1306, %get3A_43] : memref<32x2048xf32, #tpu.memory_space<vmem>>[vector<16xi32>, vector<16xi32>], vector<16xf32>,
      %gather3A_1312 = tpu.vector_load_idx %arg7[%broadcast_in_dim3A_1306, %get3A_47] : memref<32x2048xf32, #tpu.memory_space<vmem>>[vector<16xi32>, vector<16xi32>], vector<16xf32>,
      %gather3A_1313 = tpu.vector_load_idx %arg7[%broadcast_in_dim3A_1306, %get3A_51] : memref<32x2048xf32, #tpu.memory_space<vmem>>[vector<16xi32>, vector<16xi32>], vector<16xf32>,
      %gather3A_1314 = tpu.vector_load_idx %arg7[%broadcast_in_dim3A_1306, %get3A_55] : memref<32x2048xf32, #tpu.memory_space<vmem>>[vector<16xi32>, vector<16xi32>], vector<16xf32>,
      %gather3A_1315 = tpu.vector_load_idx %arg7[%broadcast_in_dim3A_1306, %get3A_59] : memref<32x2048xf32, #tpu.memory_space<vmem>>[vector<16xi32>, vector<16xi32>], vector<16xf32>,
      %gather3A_1316 = tpu.vector_load_idx %arg7[%broadcast_in_dim3A_1306, %get3A_63] : memref<32x2048xf32, #tpu.memory_space<vmem>>[vector<16xi32>, vector<16xi32>], vector<16xf32>,
      %gather3A_1317 = tpu.vector_load_idx %arg7[%broadcast_in_dim3A_1306, %get3A_67] : memref<32x2048xf32, #tpu.memory_space<vmem>>[vector<16xi32>, vector<16xi32>], vector<16xf32>,
      %gather3A_1318 = tpu.vector_load_idx %arg7[%broadcast_in_dim3A_1306, %get3A_71] : memref<32x2048xf32, #tpu.memory_space<vmem>>[vector<16xi32>, vector<16xi32>], vector<16xf32>,
      %gather3A_1319 = tpu.vector_load_idx %arg7[%broadcast_in_dim3A_1306, %get3A_75] : memref<32x2048xf32, #tpu.memory_space<vmem>>[vector<16xi32>, vector<16xi32>], vector<16xf32>,
      %gather3A_1320 = tpu.vector_load_idx %arg7[%broadcast_in_dim3A_1306, %get3A_79] : memref<32x2048xf32, #tpu.memory_space<vmem>>[vector<16xi32>, vector<16xi32>], vector<16xf32>,
      %gather3A_1321 = tpu.vector_load_idx %arg7[%broadcast_in_dim3A_1306, %get3A_83] : memref<32x2048xf32, #tpu.memory_space<vmem>>[vector<16xi32>, vector<16xi32>], vector<16xf32>,
      %gather3A_1322 = tpu.vector_load_idx %arg7[%broadcast_in_dim3A_1306, %get3A_87] : memref<32x2048xf32, #tpu.memory_space<vmem>>[vector<16xi32>, vector<16xi32>], vector<16xf32>,
      %add3A_1323 = arith.addf %gather3A_1307, %gather3A_1308 : vector<16xf32>
      %add3A_1324 = arith.addf %gather3A_1309, %gather3A_1310 : vector<16xf32>
      %add3A_1325 = arith.addf %gather3A_1311, %gather3A_1312 : vector<16xf32>
      %add3A_1326 = arith.addf %gather3A_1313, %gather3A_1314 : vector<16xf32>
      %add3A_1327 = arith.addf %gather3A_1315, %gather3A_1316 : vector<16xf32>
      %add3A_1328 = arith.addf %gather3A_1317, %gather3A_1318 : vector<16xf32>
      %add3A_1329 = arith.addf %gather3A_1319, %gather3A_1320 : vector<16xf32>
      %add3A_1330 = arith.addf %gather3A_1321, %gather3A_1322 : vector<16xf32>
      %add3A_1331 = arith.addf %add3A_1323, %add3A_1324 : vector<16xf32>
      %add3A_1332 = arith.addf %add3A_1325, %add3A_1326 : vector<16xf32>
      %add3A_1333 = arith.addf %add3A_1327, %add3A_1328 : vector<16xf32>
      %add3A_1334 = arith.addf %add3A_1329, %add3A_1330 : vector<16xf32>
      %add3A_1335 = arith.addf %add3A_1331, %add3A_1332 : vector<16xf32>
      %add3A_1336 = arith.addf %add3A_1333, %add3A_1334 : vector<16xf32>
      %add3A_1337 = arith.addf %add3A_1335, %add3A_1336 : vector<16xf32>
      %get3A_1338 = arith.constant 27 : i32
      %get3A_1339 = arith.index_cast %get3A_1338 : i32 to index
      %get3A_1340 = arith.index_cast %mul3A_24 : i32 to index
      %get3A_1341 = tpu.vector_load %arg7[%get3A_1339, %get3A_1340] {strides = array<i32>} : memref<32x2048xf32, #tpu.memory_space<vmem>>, vector<16xf32>,
      %mul3A_1342 = arith.mulf %get3A_1341, %add3A_1337 : vector<16xf32>
      %add3A_1343 = arith.addf %add3A_1298, %mul3A_1342 : vector<16xf32>
      %get3A_1344 = arith.constant 27 : i32
      %get3A_1345 = arith.index_cast %get3A_1344 : i32 to index
      %get3A_1346 = arith.constant 0 : index
      %get3A_1347 = tpu.vector_load %arg9[%get3A_1345, %get3A_1346] {strides = array<i32>} : memref<32x16xf32, #tpu.memory_space<vmem>>, vector<16xf32>,
      %mul3A_1348 = arith.mulf %get3A_1341, %get3A_1347 : vector<16xf32>
      %add3A_1349 = arith.addf %add3A_1304, %mul3A_1348 : vector<16xf32>
      %broadcast_in_dim3A_1350 = arith.constant 28 : i32
      %broadcast_in_dim3A_1351 = vector.broadcast %broadcast_in_dim3A_1350 : i32 to vector<16xi32>
      %gather3A_1352 = tpu.vector_load_idx %arg7[%broadcast_in_dim3A_1351, %get3A_27] : memref<32x2048xf32, #tpu.memory_space<vmem>>[vector<16xi32>, vector<16xi32>], vector<16xf32>,
      %gather3A_1353 = tpu.vector_load_idx %arg7[%broadcast_in_dim3A_1351, %get3A_31] : memref<32x2048xf32, #tpu.memory_space<vmem>>[vector<16xi32>, vector<16xi32>], vector<16xf32>,
      %gather3A_1354 = tpu.vector_load_idx %arg7[%broadcast_in_dim3A_1351, %get3A_35] : memref<32x2048xf32, #tpu.memory_space<vmem>>[vector<16xi32>, vector<16xi32>], vector<16xf32>,
      %gather3A_1355 = tpu.vector_load_idx %arg7[%broadcast_in_dim3A_1351, %get3A_39] : memref<32x2048xf32, #tpu.memory_space<vmem>>[vector<16xi32>, vector<16xi32>], vector<16xf32>,
      %gather3A_1356 = tpu.vector_load_idx %arg7[%broadcast_in_dim3A_1351, %get3A_43] : memref<32x2048xf32, #tpu.memory_space<vmem>>[vector<16xi32>, vector<16xi32>], vector<16xf32>,
      %gather3A_1357 = tpu.vector_load_idx %arg7[%broadcast_in_dim3A_1351, %get3A_47] : memref<32x2048xf32, #tpu.memory_space<vmem>>[vector<16xi32>, vector<16xi32>], vector<16xf32>,
      %gather3A_1358 = tpu.vector_load_idx %arg7[%broadcast_in_dim3A_1351, %get3A_51] : memref<32x2048xf32, #tpu.memory_space<vmem>>[vector<16xi32>, vector<16xi32>], vector<16xf32>,
      %gather3A_1359 = tpu.vector_load_idx %arg7[%broadcast_in_dim3A_1351, %get3A_55] : memref<32x2048xf32, #tpu.memory_space<vmem>>[vector<16xi32>, vector<16xi32>], vector<16xf32>,
      %gather3A_1360 = tpu.vector_load_idx %arg7[%broadcast_in_dim3A_1351, %get3A_59] : memref<32x2048xf32, #tpu.memory_space<vmem>>[vector<16xi32>, vector<16xi32>], vector<16xf32>,
      %gather3A_1361 = tpu.vector_load_idx %arg7[%broadcast_in_dim3A_1351, %get3A_63] : memref<32x2048xf32, #tpu.memory_space<vmem>>[vector<16xi32>, vector<16xi32>], vector<16xf32>,
      %gather3A_1362 = tpu.vector_load_idx %arg7[%broadcast_in_dim3A_1351, %get3A_67] : memref<32x2048xf32, #tpu.memory_space<vmem>>[vector<16xi32>, vector<16xi32>], vector<16xf32>,
      %gather3A_1363 = tpu.vector_load_idx %arg7[%broadcast_in_dim3A_1351, %get3A_71] : memref<32x2048xf32, #tpu.memory_space<vmem>>[vector<16xi32>, vector<16xi32>], vector<16xf32>,
      %gather3A_1364 = tpu.vector_load_idx %arg7[%broadcast_in_dim3A_1351, %get3A_75] : memref<32x2048xf32, #tpu.memory_space<vmem>>[vector<16xi32>, vector<16xi32>], vector<16xf32>,
      %gather3A_1365 = tpu.vector_load_idx %arg7[%broadcast_in_dim3A_1351, %get3A_79] : memref<32x2048xf32, #tpu.memory_space<vmem>>[vector<16xi32>, vector<16xi32>], vector<16xf32>,
      %gather3A_1366 = tpu.vector_load_idx %arg7[%broadcast_in_dim3A_1351, %get3A_83] : memref<32x2048xf32, #tpu.memory_space<vmem>>[vector<16xi32>, vector<16xi32>], vector<16xf32>,
      %gather3A_1367 = tpu.vector_load_idx %arg7[%broadcast_in_dim3A_1351, %get3A_87] : memref<32x2048xf32, #tpu.memory_space<vmem>>[vector<16xi32>, vector<16xi32>], vector<16xf32>,
      %add3A_1368 = arith.addf %gather3A_1352, %gather3A_1353 : vector<16xf32>
      %add3A_1369 = arith.addf %gather3A_1354, %gather3A_1355 : vector<16xf32>
      %add3A_1370 = arith.addf %gather3A_1356, %gather3A_1357 : vector<16xf32>
      %add3A_1371 = arith.addf %gather3A_1358, %gather3A_1359 : vector<16xf32>
      %add3A_1372 = arith.addf %gather3A_1360, %gather3A_1361 : vector<16xf32>
      %add3A_1373 = arith.addf %gather3A_1362, %gather3A_1363 : vector<16xf32>
      %add3A_1374 = arith.addf %gather3A_1364, %gather3A_1365 : vector<16xf32>
      %add3A_1375 = arith.addf %gather3A_1366, %gather3A_1367 : vector<16xf32>
      %add3A_1376 = arith.addf %add3A_1368, %add3A_1369 : vector<16xf32>
      %add3A_1377 = arith.addf %add3A_1370, %add3A_1371 : vector<16xf32>
      %add3A_1378 = arith.addf %add3A_1372, %add3A_1373 : vector<16xf32>
      %add3A_1379 = arith.addf %add3A_1374, %add3A_1375 : vector<16xf32>
      %add3A_1380 = arith.addf %add3A_1376, %add3A_1377 : vector<16xf32>
      %add3A_1381 = arith.addf %add3A_1378, %add3A_1379 : vector<16xf32>
      %add3A_1382 = arith.addf %add3A_1380, %add3A_1381 : vector<16xf32>
      %get3A_1383 = arith.constant 28 : i32
      %get3A_1384 = arith.index_cast %get3A_1383 : i32 to index
      %get3A_1385 = arith.index_cast %mul3A_24 : i32 to index
      %get3A_1386 = tpu.vector_load %arg7[%get3A_1384, %get3A_1385] {strides = array<i32>} : memref<32x2048xf32, #tpu.memory_space<vmem>>, vector<16xf32>,
      %mul3A_1387 = arith.mulf %get3A_1386, %add3A_1382 : vector<16xf32>
      %add3A_1388 = arith.addf %add3A_1343, %mul3A_1387 : vector<16xf32>
      %get3A_1389 = arith.constant 28 : i32
      %get3A_1390 = arith.index_cast %get3A_1389 : i32 to index
      %get3A_1391 = arith.constant 0 : index
      %get3A_1392 = tpu.vector_load %arg9[%get3A_1390, %get3A_1391] {strides = array<i32>} : memref<32x16xf32, #tpu.memory_space<vmem>>, vector<16xf32>,
      %mul3A_1393 = arith.mulf %get3A_1386, %get3A_1392 : vector<16xf32>
      %add3A_1394 = arith.addf %add3A_1349, %mul3A_1393 : vector<16xf32>
      %broadcast_in_dim3A_1395 = arith.constant 29 : i32
      %broadcast_in_dim3A_1396 = vector.broadcast %broadcast_in_dim3A_1395 : i32 to vector<16xi32>
      %gather3A_1397 = tpu.vector_load_idx %arg7[%broadcast_in_dim3A_1396, %get3A_27] : memref<32x2048xf32, #tpu.memory_space<vmem>>[vector<16xi32>, vector<16xi32>], vector<16xf32>,
      %gather3A_1398 = tpu.vector_load_idx %arg7[%broadcast_in_dim3A_1396, %get3A_31] : memref<32x2048xf32, #tpu.memory_space<vmem>>[vector<16xi32>, vector<16xi32>], vector<16xf32>,
      %gather3A_1399 = tpu.vector_load_idx %arg7[%broadcast_in_dim3A_1396, %get3A_35] : memref<32x2048xf32, #tpu.memory_space<vmem>>[vector<16xi32>, vector<16xi32>], vector<16xf32>,
      %gather3A_1400 = tpu.vector_load_idx %arg7[%broadcast_in_dim3A_1396, %get3A_39] : memref<32x2048xf32, #tpu.memory_space<vmem>>[vector<16xi32>, vector<16xi32>], vector<16xf32>,
      %gather3A_1401 = tpu.vector_load_idx %arg7[%broadcast_in_dim3A_1396, %get3A_43] : memref<32x2048xf32, #tpu.memory_space<vmem>>[vector<16xi32>, vector<16xi32>], vector<16xf32>,
      %gather3A_1402 = tpu.vector_load_idx %arg7[%broadcast_in_dim3A_1396, %get3A_47] : memref<32x2048xf32, #tpu.memory_space<vmem>>[vector<16xi32>, vector<16xi32>], vector<16xf32>,
      %gather3A_1403 = tpu.vector_load_idx %arg7[%broadcast_in_dim3A_1396, %get3A_51] : memref<32x2048xf32, #tpu.memory_space<vmem>>[vector<16xi32>, vector<16xi32>], vector<16xf32>,
      %gather3A_1404 = tpu.vector_load_idx %arg7[%broadcast_in_dim3A_1396, %get3A_55] : memref<32x2048xf32, #tpu.memory_space<vmem>>[vector<16xi32>, vector<16xi32>], vector<16xf32>,
      %gather3A_1405 = tpu.vector_load_idx %arg7[%broadcast_in_dim3A_1396, %get3A_59] : memref<32x2048xf32, #tpu.memory_space<vmem>>[vector<16xi32>, vector<16xi32>], vector<16xf32>,
      %gather3A_1406 = tpu.vector_load_idx %arg7[%broadcast_in_dim3A_1396, %get3A_63] : memref<32x2048xf32, #tpu.memory_space<vmem>>[vector<16xi32>, vector<16xi32>], vector<16xf32>,
      %gather3A_1407 = tpu.vector_load_idx %arg7[%broadcast_in_dim3A_1396, %get3A_67] : memref<32x2048xf32, #tpu.memory_space<vmem>>[vector<16xi32>, vector<16xi32>], vector<16xf32>,
      %gather3A_1408 = tpu.vector_load_idx %arg7[%broadcast_in_dim3A_1396, %get3A_71] : memref<32x2048xf32, #tpu.memory_space<vmem>>[vector<16xi32>, vector<16xi32>], vector<16xf32>,
      %gather3A_1409 = tpu.vector_load_idx %arg7[%broadcast_in_dim3A_1396, %get3A_75] : memref<32x2048xf32, #tpu.memory_space<vmem>>[vector<16xi32>, vector<16xi32>], vector<16xf32>,
      %gather3A_1410 = tpu.vector_load_idx %arg7[%broadcast_in_dim3A_1396, %get3A_79] : memref<32x2048xf32, #tpu.memory_space<vmem>>[vector<16xi32>, vector<16xi32>], vector<16xf32>,
      %gather3A_1411 = tpu.vector_load_idx %arg7[%broadcast_in_dim3A_1396, %get3A_83] : memref<32x2048xf32, #tpu.memory_space<vmem>>[vector<16xi32>, vector<16xi32>], vector<16xf32>,
      %gather3A_1412 = tpu.vector_load_idx %arg7[%broadcast_in_dim3A_1396, %get3A_87] : memref<32x2048xf32, #tpu.memory_space<vmem>>[vector<16xi32>, vector<16xi32>], vector<16xf32>,
      %add3A_1413 = arith.addf %gather3A_1397, %gather3A_1398 : vector<16xf32>
      %add3A_1414 = arith.addf %gather3A_1399, %gather3A_1400 : vector<16xf32>
      %add3A_1415 = arith.addf %gather3A_1401, %gather3A_1402 : vector<16xf32>
      %add3A_1416 = arith.addf %gather3A_1403, %gather3A_1404 : vector<16xf32>
      %add3A_1417 = arith.addf %gather3A_1405, %gather3A_1406 : vector<16xf32>
      %add3A_1418 = arith.addf %gather3A_1407, %gather3A_1408 : vector<16xf32>
      %add3A_1419 = arith.addf %gather3A_1409, %gather3A_1410 : vector<16xf32>
      %add3A_1420 = arith.addf %gather3A_1411, %gather3A_1412 : vector<16xf32>
      %add3A_1421 = arith.addf %add3A_1413, %add3A_1414 : vector<16xf32>
      %add3A_1422 = arith.addf %add3A_1415, %add3A_1416 : vector<16xf32>
      %add3A_1423 = arith.addf %add3A_1417, %add3A_1418 : vector<16xf32>
      %add3A_1424 = arith.addf %add3A_1419, %add3A_1420 : vector<16xf32>
      %add3A_1425 = arith.addf %add3A_1421, %add3A_1422 : vector<16xf32>
      %add3A_1426 = arith.addf %add3A_1423, %add3A_1424 : vector<16xf32>
      %add3A_1427 = arith.addf %add3A_1425, %add3A_1426 : vector<16xf32>
      %get3A_1428 = arith.constant 29 : i32
      %get3A_1429 = arith.index_cast %get3A_1428 : i32 to index
      %get3A_1430 = arith.index_cast %mul3A_24 : i32 to index
      %get3A_1431 = tpu.vector_load %arg7[%get3A_1429, %get3A_1430] {strides = array<i32>} : memref<32x2048xf32, #tpu.memory_space<vmem>>, vector<16xf32>,
      %mul3A_1432 = arith.mulf %get3A_1431, %add3A_1427 : vector<16xf32>
      %add3A_1433 = arith.addf %add3A_1388, %mul3A_1432 : vector<16xf32>
      %get3A_1434 = arith.constant 29 : i32
      %get3A_1435 = arith.index_cast %get3A_1434 : i32 to index
      %get3A_1436 = arith.constant 0 : index
      %get3A_1437 = tpu.vector_load %arg9[%get3A_1435, %get3A_1436] {strides = array<i32>} : memref<32x16xf32, #tpu.memory_space<vmem>>, vector<16xf32>,
      %mul3A_1438 = arith.mulf %get3A_1431, %get3A_1437 : vector<16xf32>
      %add3A_1439 = arith.addf %add3A_1394, %mul3A_1438 : vector<16xf32>
      %broadcast_in_dim3A_1440 = arith.constant 30 : i32
      %broadcast_in_dim3A_1441 = vector.broadcast %broadcast_in_dim3A_1440 : i32 to vector<16xi32>
      %gather3A_1442 = tpu.vector_load_idx %arg7[%broadcast_in_dim3A_1441, %get3A_27] : memref<32x2048xf32, #tpu.memory_space<vmem>>[vector<16xi32>, vector<16xi32>], vector<16xf32>,
      %gather3A_1443 = tpu.vector_load_idx %arg7[%broadcast_in_dim3A_1441, %get3A_31] : memref<32x2048xf32, #tpu.memory_space<vmem>>[vector<16xi32>, vector<16xi32>], vector<16xf32>,
      %gather3A_1444 = tpu.vector_load_idx %arg7[%broadcast_in_dim3A_1441, %get3A_35] : memref<32x2048xf32, #tpu.memory_space<vmem>>[vector<16xi32>, vector<16xi32>], vector<16xf32>,
      %gather3A_1445 = tpu.vector_load_idx %arg7[%broadcast_in_dim3A_1441, %get3A_39] : memref<32x2048xf32, #tpu.memory_space<vmem>>[vector<16xi32>, vector<16xi32>], vector<16xf32>,
      %gather3A_1446 = tpu.vector_load_idx %arg7[%broadcast_in_dim3A_1441, %get3A_43] : memref<32x2048xf32, #tpu.memory_space<vmem>>[vector<16xi32>, vector<16xi32>], vector<16xf32>,
      %gather3A_1447 = tpu.vector_load_idx %arg7[%broadcast_in_dim3A_1441, %get3A_47] : memref<32x2048xf32, #tpu.memory_space<vmem>>[vector<16xi32>, vector<16xi32>], vector<16xf32>,
      %gather3A_1448 = tpu.vector_load_idx %arg7[%broadcast_in_dim3A_1441, %get3A_51] : memref<32x2048xf32, #tpu.memory_space<vmem>>[vector<16xi32>, vector<16xi32>], vector<16xf32>,
      %gather3A_1449 = tpu.vector_load_idx %arg7[%broadcast_in_dim3A_1441, %get3A_55] : memref<32x2048xf32, #tpu.memory_space<vmem>>[vector<16xi32>, vector<16xi32>], vector<16xf32>,
      %gather3A_1450 = tpu.vector_load_idx %arg7[%broadcast_in_dim3A_1441, %get3A_59] : memref<32x2048xf32, #tpu.memory_space<vmem>>[vector<16xi32>, vector<16xi32>], vector<16xf32>,
      %gather3A_1451 = tpu.vector_load_idx %arg7[%broadcast_in_dim3A_1441, %get3A_63] : memref<32x2048xf32, #tpu.memory_space<vmem>>[vector<16xi32>, vector<16xi32>], vector<16xf32>,
      %gather3A_1452 = tpu.vector_load_idx %arg7[%broadcast_in_dim3A_1441, %get3A_67] : memref<32x2048xf32, #tpu.memory_space<vmem>>[vector<16xi32>, vector<16xi32>], vector<16xf32>,
      %gather3A_1453 = tpu.vector_load_idx %arg7[%broadcast_in_dim3A_1441, %get3A_71] : memref<32x2048xf32, #tpu.memory_space<vmem>>[vector<16xi32>, vector<16xi32>], vector<16xf32>,
      %gather3A_1454 = tpu.vector_load_idx %arg7[%broadcast_in_dim3A_1441, %get3A_75] : memref<32x2048xf32, #tpu.memory_space<vmem>>[vector<16xi32>, vector<16xi32>], vector<16xf32>,
      %gather3A_1455 = tpu.vector_load_idx %arg7[%broadcast_in_dim3A_1441, %get3A_79] : memref<32x2048xf32, #tpu.memory_space<vmem>>[vector<16xi32>, vector<16xi32>], vector<16xf32>,
      %gather3A_1456 = tpu.vector_load_idx %arg7[%broadcast_in_dim3A_1441, %get3A_83] : memref<32x2048xf32, #tpu.memory_space<vmem>>[vector<16xi32>, vector<16xi32>], vector<16xf32>,
      %gather3A_1457 = tpu.vector_load_idx %arg7[%broadcast_in_dim3A_1441, %get3A_87] : memref<32x2048xf32, #tpu.memory_space<vmem>>[vector<16xi32>, vector<16xi32>], vector<16xf32>,
      %add3A_1458 = arith.addf %gather3A_1442, %gather3A_1443 : vector<16xf32>
      %add3A_1459 = arith.addf %gather3A_1444, %gather3A_1445 : vector<16xf32>
      %add3A_1460 = arith.addf %gather3A_1446, %gather3A_1447 : vector<16xf32>
      %add3A_1461 = arith.addf %gather3A_1448, %gather3A_1449 : vector<16xf32>
      %add3A_1462 = arith.addf %gather3A_1450, %gather3A_1451 : vector<16xf32>
      %add3A_1463 = arith.addf %gather3A_1452, %gather3A_1453 : vector<16xf32>
      %add3A_1464 = arith.addf %gather3A_1454, %gather3A_1455 : vector<16xf32>
      %add3A_1465 = arith.addf %gather3A_1456, %gather3A_1457 : vector<16xf32>
      %add3A_1466 = arith.addf %add3A_1458, %add3A_1459 : vector<16xf32>
      %add3A_1467 = arith.addf %add3A_1460, %add3A_1461 : vector<16xf32>
      %add3A_1468 = arith.addf %add3A_1462, %add3A_1463 : vector<16xf32>
      %add3A_1469 = arith.addf %add3A_1464, %add3A_1465 : vector<16xf32>
      %add3A_1470 = arith.addf %add3A_1466, %add3A_1467 : vector<16xf32>
      %add3A_1471 = arith.addf %add3A_1468, %add3A_1469 : vector<16xf32>
      %add3A_1472 = arith.addf %add3A_1470, %add3A_1471 : vector<16xf32>
      %get3A_1473 = arith.constant 30 : i32
      %get3A_1474 = arith.index_cast %get3A_1473 : i32 to index
      %get3A_1475 = arith.index_cast %mul3A_24 : i32 to index
      %get3A_1476 = tpu.vector_load %arg7[%get3A_1474, %get3A_1475] {strides = array<i32>} : memref<32x2048xf32, #tpu.memory_space<vmem>>, vector<16xf32>,
      %mul3A_1477 = arith.mulf %get3A_1476, %add3A_1472 : vector<16xf32>
      %add3A_1478 = arith.addf %add3A_1433, %mul3A_1477 : vector<16xf32>
      %get3A_1479 = arith.constant 30 : i32
      %get3A_1480 = arith.index_cast %get3A_1479 : i32 to index
      %get3A_1481 = arith.constant 0 : index
      %get3A_1482 = tpu.vector_load %arg9[%get3A_1480, %get3A_1481] {strides = array<i32>} : memref<32x16xf32, #tpu.memory_space<vmem>>, vector<16xf32>,
      %mul3A_1483 = arith.mulf %get3A_1476, %get3A_1482 : vector<16xf32>
      %add3A_1484 = arith.addf %add3A_1439, %mul3A_1483 : vector<16xf32>
      %broadcast_in_dim3A_1485 = arith.constant 31 : i32
      %broadcast_in_dim3A_1486 = vector.broadcast %broadcast_in_dim3A_1485 : i32 to vector<16xi32>
      %gather3A_1487 = tpu.vector_load_idx %arg7[%broadcast_in_dim3A_1486, %get3A_27] : memref<32x2048xf32, #tpu.memory_space<vmem>>[vector<16xi32>, vector<16xi32>], vector<16xf32>,
      %gather3A_1488 = tpu.vector_load_idx %arg7[%broadcast_in_dim3A_1486, %get3A_31] : memref<32x2048xf32, #tpu.memory_space<vmem>>[vector<16xi32>, vector<16xi32>], vector<16xf32>,
      %gather3A_1489 = tpu.vector_load_idx %arg7[%broadcast_in_dim3A_1486, %get3A_35] : memref<32x2048xf32, #tpu.memory_space<vmem>>[vector<16xi32>, vector<16xi32>], vector<16xf32>,
      %gather3A_1490 = tpu.vector_load_idx %arg7[%broadcast_in_dim3A_1486, %get3A_39] : memref<32x2048xf32, #tpu.memory_space<vmem>>[vector<16xi32>, vector<16xi32>], vector<16xf32>,
      %gather3A_1491 = tpu.vector_load_idx %arg7[%broadcast_in_dim3A_1486, %get3A_43] : memref<32x2048xf32, #tpu.memory_space<vmem>>[vector<16xi32>, vector<16xi32>], vector<16xf32>,
      %gather3A_1492 = tpu.vector_load_idx %arg7[%broadcast_in_dim3A_1486, %get3A_47] : memref<32x2048xf32, #tpu.memory_space<vmem>>[vector<16xi32>, vector<16xi32>], vector<16xf32>,
      %gather3A_1493 = tpu.vector_load_idx %arg7[%broadcast_in_dim3A_1486, %get3A_51] : memref<32x2048xf32, #tpu.memory_space<vmem>>[vector<16xi32>, vector<16xi32>], vector<16xf32>,
      %gather3A_1494 = tpu.vector_load_idx %arg7[%broadcast_in_dim3A_1486, %get3A_55] : memref<32x2048xf32, #tpu.memory_space<vmem>>[vector<16xi32>, vector<16xi32>], vector<16xf32>,
      %gather3A_1495 = tpu.vector_load_idx %arg7[%broadcast_in_dim3A_1486, %get3A_59] : memref<32x2048xf32, #tpu.memory_space<vmem>>[vector<16xi32>, vector<16xi32>], vector<16xf32>,
      %gather3A_1496 = tpu.vector_load_idx %arg7[%broadcast_in_dim3A_1486, %get3A_63] : memref<32x2048xf32, #tpu.memory_space<vmem>>[vector<16xi32>, vector<16xi32>], vector<16xf32>,
      %gather3A_1497 = tpu.vector_load_idx %arg7[%broadcast_in_dim3A_1486, %get3A_67] : memref<32x2048xf32, #tpu.memory_space<vmem>>[vector<16xi32>, vector<16xi32>], vector<16xf32>,
      %gather3A_1498 = tpu.vector_load_idx %arg7[%broadcast_in_dim3A_1486, %get3A_71] : memref<32x2048xf32, #tpu.memory_space<vmem>>[vector<16xi32>, vector<16xi32>], vector<16xf32>,
      %gather3A_1499 = tpu.vector_load_idx %arg7[%broadcast_in_dim3A_1486, %get3A_75] : memref<32x2048xf32, #tpu.memory_space<vmem>>[vector<16xi32>, vector<16xi32>], vector<16xf32>,
      %gather3A_1500 = tpu.vector_load_idx %arg7[%broadcast_in_dim3A_1486, %get3A_79] : memref<32x2048xf32, #tpu.memory_space<vmem>>[vector<16xi32>, vector<16xi32>], vector<16xf32>,
      %gather3A_1501 = tpu.vector_load_idx %arg7[%broadcast_in_dim3A_1486, %get3A_83] : memref<32x2048xf32, #tpu.memory_space<vmem>>[vector<16xi32>, vector<16xi32>], vector<16xf32>,
      %gather3A_1502 = tpu.vector_load_idx %arg7[%broadcast_in_dim3A_1486, %get3A_87] : memref<32x2048xf32, #tpu.memory_space<vmem>>[vector<16xi32>, vector<16xi32>], vector<16xf32>,
      %add3A_1503 = arith.addf %gather3A_1487, %gather3A_1488 : vector<16xf32>
      %add3A_1504 = arith.addf %gather3A_1489, %gather3A_1490 : vector<16xf32>
      %add3A_1505 = arith.addf %gather3A_1491, %gather3A_1492 : vector<16xf32>
      %add3A_1506 = arith.addf %gather3A_1493, %gather3A_1494 : vector<16xf32>
      %add3A_1507 = arith.addf %gather3A_1495, %gather3A_1496 : vector<16xf32>
      %add3A_1508 = arith.addf %gather3A_1497, %gather3A_1498 : vector<16xf32>
      %add3A_1509 = arith.addf %gather3A_1499, %gather3A_1500 : vector<16xf32>
      %add3A_1510 = arith.addf %gather3A_1501, %gather3A_1502 : vector<16xf32>
      %add3A_1511 = arith.addf %add3A_1503, %add3A_1504 : vector<16xf32>
      %add3A_1512 = arith.addf %add3A_1505, %add3A_1506 : vector<16xf32>
      %add3A_1513 = arith.addf %add3A_1507, %add3A_1508 : vector<16xf32>
      %add3A_1514 = arith.addf %add3A_1509, %add3A_1510 : vector<16xf32>
      %add3A_1515 = arith.addf %add3A_1511, %add3A_1512 : vector<16xf32>
      %add3A_1516 = arith.addf %add3A_1513, %add3A_1514 : vector<16xf32>
      %add3A_1517 = arith.addf %add3A_1515, %add3A_1516 : vector<16xf32>
      %get3A_1518 = arith.constant 31 : i32
      %get3A_1519 = arith.index_cast %get3A_1518 : i32 to index
      %get3A_1520 = arith.index_cast %mul3A_24 : i32 to index
      %get3A_1521 = tpu.vector_load %arg7[%get3A_1519, %get3A_1520] {strides = array<i32>} : memref<32x2048xf32, #tpu.memory_space<vmem>>, vector<16xf32>,
      %mul3A_1522 = arith.mulf %get3A_1521, %add3A_1517 : vector<16xf32>
      %add3A_1523 = arith.addf %add3A_1478, %mul3A_1522 : vector<16xf32>
      %get3A_1524 = arith.constant 31 : i32
      %get3A_1525 = arith.index_cast %get3A_1524 : i32 to index
      %get3A_1526 = arith.constant 0 : index
      %get3A_1527 = tpu.vector_load %arg9[%get3A_1525, %get3A_1526] {strides = array<i32>} : memref<32x16xf32, #tpu.memory_space<vmem>>, vector<16xf32>,
      %mul3A_1528 = arith.mulf %get3A_1521, %get3A_1527 : vector<16xf32>
      %add3A_1529 = arith.addf %add3A_1484, %mul3A_1528 : vector<16xf32>
      %swap3A = arith.index_cast %mul3A_24 : i32 to index
      %swap3A_1530 = tpu.vector_load %arg10[%swap3A] {strides = array<i32>} : memref<2048xf32, #tpu.memory_space<vmem>>, vector<16xf32>,
      tpu.vector_store %arg10[%swap3A], %add3A_1529 {strides = array<i32>} : memref<2048xf32, #tpu.memory_space<vmem>>, vector<16xf32>,
      %swap3A_1531 = arith.index_cast %mul3A_24 : i32 to index
      %swap3A_1532 = tpu.vector_load %arg11[%swap3A_1531] {strides = array<i32>} : memref<2048xf32, #tpu.memory_space<vmem>>, vector<16xf32>,
      tpu.vector_store %arg11[%swap3A_1531], %add3A_1523 {strides = array<i32>} : memref<2048xf32, #tpu.memory_space<vmem>>, vector<16xf32>,
    }
    %scan3A_21 = arith.constant 128 : i32
    "tpu.region"() ({
      %run_scoped3A = tpu.sem_alloc : memref<!tpu.dma_semaphore, #tpu.memory_space<semaphore_mem>>
      %dma_start3A = arith.constant 0 : i32
      %dma_start3A_22 = tpu.memref_slice %arg5[%add3A, %dma_start3A] : memref<32x2048xf32, #tpu.memory_space<hbm>> -> memref<1x2048xf32, #tpu.memory_space<hbm>>
      %dma_start3A_23 = tpu.memref_squeeze %dma_start3A_22 : memref<1x2048xf32, #tpu.memory_space<hbm>> -> memref<2048xf32, #tpu.memory_space<hbm>>
      %dma_start3A_24 = arith.constant 0 : i32
      %dma_start3A_25 = tpu.memref_slice %arg5[%add3A, %dma_start3A_24] : memref<32x2048xf32, #tpu.memory_space<hbm>> -> memref<1x2048xf32, #tpu.memory_space<hbm>>
      %dma_start3A_26 = tpu.memref_squeeze %dma_start3A_25 : memref<1x2048xf32, #tpu.memory_space<hbm>> -> memref<2048xf32, #tpu.memory_space<hbm>>
      tpu.enqueue_dma source(%arg10 : memref<2048xf32, #tpu.memory_space<vmem>>) target(%dma_start3A_26 : memref<2048xf32, #tpu.memory_space<hbm>>) target_semaphore(%run_scoped3A : memref<!tpu.dma_semaphore, #tpu.memory_space<semaphore_mem>>)
      %dma_wait3A = arith.constant 0 : i32
      %dma_wait3A_27 = tpu.memref_slice %arg5[%add3A, %dma_wait3A] : memref<32x2048xf32, #tpu.memory_space<hbm>> -> memref<1x2048xf32, #tpu.memory_space<hbm>>
      %dma_wait3A_28 = tpu.memref_squeeze %dma_wait3A_27 : memref<1x2048xf32, #tpu.memory_space<hbm>> -> memref<2048xf32, #tpu.memory_space<hbm>>
      %dma_wait3A_29 = arith.constant 0 : i32
      %dma_wait3A_30 = tpu.memref_slice %arg5[%add3A, %dma_wait3A_29] : memref<32x2048xf32, #tpu.memory_space<hbm>> -> memref<1x2048xf32, #tpu.memory_space<hbm>>
      %dma_wait3A_31 = tpu.memref_squeeze %dma_wait3A_30 : memref<1x2048xf32, #tpu.memory_space<hbm>> -> memref<2048xf32, #tpu.memory_space<hbm>>
      tpu.wait_dma2 semaphore(%run_scoped3A : memref<!tpu.dma_semaphore, #tpu.memory_space<semaphore_mem>>) src(%arg10 : memref<2048xf32, #tpu.memory_space<vmem>>) dst(%dma_wait3A_31 : memref<2048xf32, #tpu.memory_space<hbm>>)
      tpu.yield
    }) : () -> ()
    "tpu.region"() ({
      %run_scoped3A = tpu.sem_alloc : memref<!tpu.dma_semaphore, #tpu.memory_space<semaphore_mem>>
      %dma_start3A = arith.constant 0 : i32
      %dma_start3A_22 = tpu.memref_slice %arg6[%add3A, %dma_start3A] : memref<32x2048xf32, #tpu.memory_space<hbm>> -> memref<1x2048xf32, #tpu.memory_space<hbm>>
      %dma_start3A_23 = tpu.memref_squeeze %dma_start3A_22 : memref<1x2048xf32, #tpu.memory_space<hbm>> -> memref<2048xf32, #tpu.memory_space<hbm>>
      %dma_start3A_24 = arith.constant 0 : i32
      %dma_start3A_25 = tpu.memref_slice %arg6[%add3A, %dma_start3A_24] : memref<32x2048xf32, #tpu.memory_space<hbm>> -> memref<1x2048xf32, #tpu.memory_space<hbm>>
      %dma_start3A_26 = tpu.memref_squeeze %dma_start3A_25 : memref<1x2048xf32, #tpu.memory_space<hbm>> -> memref<2048xf32, #tpu.memory_space<hbm>>
      tpu.enqueue_dma source(%arg11 : memref<2048xf32, #tpu.memory_space<vmem>>) target(%dma_start3A_26 : memref<2048xf32, #tpu.memory_space<hbm>>) target_semaphore(%run_scoped3A : memref<!tpu.dma_semaphore, #tpu.memory_space<semaphore_mem>>)
      %dma_wait3A = arith.constant 0 : i32
      %dma_wait3A_27 = tpu.memref_slice %arg6[%add3A, %dma_wait3A] : memref<32x2048xf32, #tpu.memory_space<hbm>> -> memref<1x2048xf32, #tpu.memory_space<hbm>>
      %dma_wait3A_28 = tpu.memref_squeeze %dma_wait3A_27 : memref<1x2048xf32, #tpu.memory_space<hbm>> -> memref<2048xf32, #tpu.memory_space<hbm>>
      %dma_wait3A_29 = arith.constant 0 : i32
      %dma_wait3A_30 = tpu.memref_slice %arg6[%add3A, %dma_wait3A_29] : memref<32x2048xf32, #tpu.memory_space<hbm>> -> memref<1x2048xf32, #tpu.memory_space<hbm>>
      %dma_wait3A_31 = tpu.memref_squeeze %dma_wait3A_30 : memref<1x2048xf32, #tpu.memory_space<hbm>> -> memref<2048xf32, #tpu.memory_space<hbm>>
      tpu.wait_dma2 semaphore(%run_scoped3A : memref<!tpu.dma_semaphore, #tpu.memory_space<semaphore_mem>>) src(%arg11 : memref<2048xf32, #tpu.memory_space<vmem>>) dst(%dma_wait3A_31 : memref<2048xf32, #tpu.memory_space<hbm>>)
      tpu.yield
    }) : () -> ()
    return
  }
}

module attributes {stable_mosaic.version = 14 : i64} {
  func.func @_tc_body(%arg0: memref<8x4x2048xf32, #tpu.memory_space<vmem>>, %arg1: memref<8x4x2048xf32, #tpu.memory_space<vmem>>, %arg2: memref<2x8x2048xf32, #tpu.memory_space<vmem>>, %arg3: memref<2x8x1xf32, #tpu.memory_space<vmem>>, %arg4: memref<8x2048xf32, #tpu.memory_space<vmem>>, %arg5: memref<2xf32, #tpu.memory_space<smem>>, %arg6: memref<8x2048xf32, #tpu.memory_space<vmem>>) attributes {dimension_semantics = [], scalar_prefetch = 0 : i64, scratch_operands = 0 : i64, tpu.core_type = #tpu.core_type<tc>} {
    %get3A = arith.constant 0 : index
    %get3A_0 = memref.load %arg5[%get3A] : memref<2xf32, #tpu.memory_space<smem>>
    %jit3A = arith.constant -5.000000e-01 : f32
    %jit3A_1 = arith.constant 3.000000e+00 : f32
    %max3A = arith.maximumf %jit3A, %get3A_0 : f32
    %min3A = arith.minimumf %jit3A_1, %max3A : f32
    %get3A_2 = arith.constant 1 : index
    %get3A_3 = memref.load %arg5[%get3A_2] : memref<2xf32, #tpu.memory_space<smem>>
    %jit3A_4 = arith.constant 0.000000e+00 : f32
    %jit3A_5 = arith.constant 1.000000e+01 : f32
    %max3A_6 = arith.maximumf %jit3A_4, %get3A_3 : f32
    %min3A_7 = arith.minimumf %jit3A_5, %max3A_6 : f32
    %get3A_8 = arith.constant 0 : index
    %get3A_9 = arith.constant 0 : index
    %get3A_10 = arith.constant 0 : index
    %get3A_11 = vector.load %arg0[%get3A_8, %get3A_9, %get3A_10] : memref<8x4x2048xf32, #tpu.memory_space<vmem>>, vector<8x4x2048xf32>
    %reduce_sum3A = arith.constant dense<0.000000e+00> : vector<8x2048xf32>
    %reduce_sum3A_12 = vector.multi_reduction <add>, %get3A_11, %reduce_sum3A [1] : vector<8x4x2048xf32> to vector<8x2048xf32>
    %get3A_13 = arith.constant 0 : index
    %get3A_14 = arith.constant 0 : index
    %get3A_15 = arith.constant 0 : index
    %get3A_16 = vector.load %arg1[%get3A_13, %get3A_14, %get3A_15] : memref<8x4x2048xf32, #tpu.memory_space<vmem>>, vector<8x4x2048xf32>
    %reduce_sum3A_17 = arith.constant dense<0.000000e+00> : vector<8x2048xf32>
    %reduce_sum3A_18 = vector.multi_reduction <add>, %get3A_16, %reduce_sum3A_17 [1] : vector<8x4x2048xf32> to vector<8x2048xf32>
    %get3A_19 = arith.constant 0 : index
    %get3A_20 = arith.constant 0 : index
    %get3A_21 = arith.constant 0 : index
    %get3A_22 = vector.load %arg2[%get3A_19, %get3A_20, %get3A_21] : memref<2x8x2048xf32, #tpu.memory_space<vmem>>, vector<1x8x2048xf32>
    %get3A_23 = vector.shape_cast %get3A_22 : vector<1x8x2048xf32> to vector<8x2048xf32>
    %get3A_24 = arith.constant 0 : index
    %get3A_25 = arith.constant 0 : index
    %get3A_26 = arith.constant 0 : index
    %get3A_27 = vector.load %arg3[%get3A_24, %get3A_25, %get3A_26] : memref<2x8x1xf32, #tpu.memory_space<vmem>>, vector<1x8x1xf32>
    %get3A_28 = vector.shape_cast %get3A_27 : vector<1x8x1xf32> to vector<8x1xf32>
    %sub3A = vector.broadcast %get3A_28 : vector<8x1xf32> to vector<8x2048xf32>
    %sub3A_29 = arith.subf %get3A_23, %sub3A : vector<8x2048xf32>
    %get3A_30 = arith.constant 1 : index
    %get3A_31 = arith.constant 0 : index
    %get3A_32 = arith.constant 0 : index
    %get3A_33 = vector.load %arg2[%get3A_30, %get3A_31, %get3A_32] : memref<2x8x2048xf32, #tpu.memory_space<vmem>>, vector<1x8x2048xf32>
    %get3A_34 = vector.shape_cast %get3A_33 : vector<1x8x2048xf32> to vector<8x2048xf32>
    %get3A_35 = arith.constant 1 : index
    %get3A_36 = arith.constant 0 : index
    %get3A_37 = arith.constant 0 : index
    %get3A_38 = vector.load %arg3[%get3A_35, %get3A_36, %get3A_37] : memref<2x8x1xf32, #tpu.memory_space<vmem>>, vector<1x8x1xf32>
    %get3A_39 = vector.shape_cast %get3A_38 : vector<1x8x1xf32> to vector<8x1xf32>
    %sub3A_40 = vector.broadcast %get3A_39 : vector<8x1xf32> to vector<8x2048xf32>
    %sub3A_41 = arith.subf %get3A_34, %sub3A_40 : vector<8x2048xf32>
    %mul3A = arith.mulf %sub3A_29, %sub3A_29 : vector<8x2048xf32>
    %mul3A_42 = arith.mulf %sub3A_41, %sub3A_41 : vector<8x2048xf32>
    %add3A = arith.addf %mul3A, %mul3A_42 : vector<8x2048xf32>
    %sqrt3A = math.sqrt %add3A : vector<8x2048xf32>
    %mul3A_43 = vector.broadcast %min3A : f32 to vector<8x2048xf32>
    %mul3A_44 = arith.mulf %mul3A_43, %reduce_sum3A_18 : vector<8x2048xf32>
    %add3A_45 = arith.addf %reduce_sum3A_12, %mul3A_44 : vector<8x2048xf32>
    %mul3A_46 = vector.broadcast %min3A_7 : f32 to vector<8x2048xf32>
    %mul3A_47 = arith.mulf %mul3A_46, %sqrt3A : vector<8x2048xf32>
    %sub3A_48 = arith.subf %add3A_45, %mul3A_47 : vector<8x2048xf32>
    %get3A_49 = arith.constant 0 : index
    %get3A_50 = arith.constant 0 : index
    %get3A_51 = vector.load %arg4[%get3A_49, %get3A_50] : memref<8x2048xf32, #tpu.memory_space<vmem>>, vector<8x2048xf32>
    %ne3A = arith.constant 0.000000e+00 : f32
    %ne3A_52 = vector.broadcast %ne3A : f32 to vector<8x2048xf32>
    %ne3A_53 = arith.cmpf one, %get3A_51, %ne3A_52 : vector<8x2048xf32>
    %jit3A_54 = arith.constant -1.000000e+09 : f32
    %broadcast_in_dim3A = vector.broadcast %jit3A_54 : f32 to vector<8x2048xf32>
    %select_n3A = arith.select %ne3A_53, %broadcast_in_dim3A, %sub3A_48 : vector<8x2048xi1>, vector<8x2048xf32>
    %reduce_max3A = arith.constant dense<0xFF800000> : vector<8xf32>
    %reduce_max3A_55 = vector.multi_reduction <maximumf>, %select_n3A, %reduce_max3A [1] : vector<8x2048xf32> to vector<8xf32>
    %broadcast_in_dim3A_56 = vector.shape_cast %reduce_max3A_55 : vector<8xf32> to vector<8x1xf32>
    %sub3A_57 = vector.broadcast %broadcast_in_dim3A_56 : vector<8x1xf32> to vector<8x2048xf32>
    %sub3A_58 = arith.subf %select_n3A, %sub3A_57 : vector<8x2048xf32>
    %exp3A = math.exp %sub3A_58 : vector<8x2048xf32>
    %reduce_sum3A_59 = arith.constant dense<0.000000e+00> : vector<8xf32>
    %reduce_sum3A_60 = vector.multi_reduction <add>, %exp3A, %reduce_sum3A_59 [1] : vector<8x2048xf32> to vector<8xf32>
    %broadcast_in_dim3A_61 = vector.shape_cast %reduce_sum3A_60 : vector<8xf32> to vector<8x1xf32>
    %log3A = math.log %broadcast_in_dim3A_61 : vector<8x1xf32>
    %sub3A_62 = vector.broadcast %log3A : vector<8x1xf32> to vector<8x2048xf32>
    %sub3A_63 = arith.subf %sub3A_58, %sub3A_62 : vector<8x2048xf32>
    %swap3A = arith.constant 0 : index
    %swap3A_64 = arith.constant 0 : index
    %swap3A_65 = vector.load %arg6[%swap3A, %swap3A_64] : memref<8x2048xf32, #tpu.memory_space<vmem>>, vector<8x2048xf32>
    tpu.vector_store %arg6[%swap3A, %swap3A_64], %sub3A_63 {strides = array<i32>} : memref<8x2048xf32, #tpu.memory_space<vmem>>, vector<8x2048xf32>,
    return
  }
}

</mosaic_0001>

<sc_bundles>
// kernel: kernel.4.cloned.1.call-start
scs
__scs_entry_jumppad:
0x0: {  	(pc) =	sbr.rel $0x88, $3  }
0x1: {  	(tag) =	ssettag $0x0;
	lr =	simm.s32 $0x1  }
0x2: {  	[smem:$0x3F99] =	sst lr;
	_ =	strace $0xD0000000  }
0x3: {  	_ = 	snop  }
0x4: {  	_ = 	snop  }
0x5: {  	_ = 	snop  }
0x6: {  	_ = 	snop  }
0x7: {  	_ = 	snop  }
__scs_overlays_trampoline_lowered:
0x8: {  	[smem:$0x3FA8] =	sst s0  }
0x9: {  	[smem:$0x3FA9] =	sst s1  }
0xa: {  	[smem:$0x3FAA] =	sst s2  }
0xb: {  	[smem:$0x3FAB] =	sst s3  }
0xc: {  	[smem:$0x3FAC] =	sst s4  }
0xd: {  	[smem:$0x3FAD] =	sst s5  }
0xe: {  	[smem:$0x3FAE] =	sst s6  }
0xf: {  	[smem:$0x3FAF] =	sst s7  }
0x10: {  	[smem:$0x3FB0] =	sst s8  }
0x11: {  	[smem:$0x3FB1] =	sst s9;
	s0 =	simm.s32 @!p0 $0x0  }
0x12: {  	s1 =	sld [smem:$0x3F97];
	s0 =	simm.s32 @p0 $0x1  }
0x13: {  	[smem:$0x3FB2] =	sst s0;
	s0 =	simm.s32 @!p1 $0x0  }
0x14: {  	s2 =	sld [smem:$0x3F96];
	s0 =	simm.s32 @p1 $0x1  }
0x15: {  	[smem:$0x3FB3] =	sst s0;
	s0 =	simm.s32 @!p2 $0x0  }
0x16: {  	s3 =	sld [smem:$0x3FDB];
	s0 =	simm.s32 @p2 $0x1  }
0x17: {  	s4 =	simm.s32 $0x1BF5;
	[smem:$0x3FB5] =	sst s0  }
0x18: {  	s0 =	sld [smem:$0x3F98];
	_ =	swait.ge [sflag:s4], $0x0  }
0x19: {  	s7 =	sld [smem:$0x3F99]  }
0x1a: {  	s8 =	sadd.s32 $0xFFFFE003, lr  }
0x1b: {  	s9 =	sadd.s32 $0xFFFFFEF7, lr;
	s5 =	simm.s32 $0xFFFFFFFF;
	p2 =	slt.u32 s8, $0xFFFFF086  }
0x1c: {  	p1 =	slt.u32 s9, $0xF7A;
	s5 =	simm.s32 @!p2 $0x0  }
0x1d: {  	s5 =	simm.s32 @p1 $0x1;
	p0 =	seq.s32 s7, s2  }
0x1e: {  	s7 =	smul.u32 @!p0 $0xF7A, s2;
	p2 =	seq.s32 @!p0 s5, $0x0  }
0x1f: {  	s9 =	smul.u32 $0xF7A, s1;
	s8 =	simm.s32 @!p0 $0x1BF5;
	p2 =	por !p2, p0  }
0x20: {  	[sflag:s8] =	ssyncset.s32 @!p0 $0xFFFFF086;
	s6 =	sadd.s32 @!p0 s3, s7;
	s7 =	simm.s32 @!p0 $0x108  }
0x21: {  	s3 =	sadd.s32 s3, s9;
	s6 =	sadd.s32 @!p0 $0x88, s6;
	s7 =	simm.s32 @p2 $0x1082  }
0x22: {  	[simem:s7], [sflag:s8] =	dma.local @!p0 [hbm:s6], $0xF7A  }
0x23: {  	s9 =	sor.u32 $0xD0000000, s2;
	s6 =	simm.s32 $0x108;
	_ =	swait.ge @!p0 [sflag:s8], $0x0  }
0x24: {  	s3 =	sadd.s32 $0x88, s3;
	s6 =	simm.s32 @!p1 $0x1082;
	[sflag:s4] =	ssyncset.s32 $0xFFFFF086  }
0x25: {  	[simem:s6], [sflag:s4] =	dma.local [hbm:s3], $0xF7A  }
0x26: {  	[smem:$0x3F99] =	sst s1;
	(tag) =	ssettag s2;
	_ =	strace s9  }
0x27: {  	s1 =	sld [smem:$0x3FA9]  }
0x28: {  	s2 =	sld [smem:$0x3FAA]  }
0x29: {  	s4 =	sld [smem:$0x3FAC]  }
0x2a: {  	p0 =	seq.s32 s5, $0x0;
	s5 =	sld [smem:$0x3FAD]  }
0x2b: {  	s6 =	sld [smem:$0x3FAE]  }
0x2c: {  	s7 =	sld [smem:$0x3FAF]  }
0x2d: {  	s3 =	simm.s32 $0x108;
	s8 =	sld [smem:$0x3FB0]  }
0x2e: {  	s3 =	simm.s32 @!p0 $0x1082;
	s9 =	sld [smem:$0x3FB1]  }
0x2f: {  	lr =	sadd.s32 s0, s3;
	s0 =	sld [smem:$0x3FA8]  }
0x30: {  	s3 =	sld [smem:$0x3FAB]  }
0x31: {  	[smem:$0x3FB4] =	sst s10  }
0x32: {  	s10 =	sld [smem:$0x3FB2];
	_ =	sdelay $0x3  }
0x33: {  	p0 =	seq.s32 s10, $0x1;
	s10 =	sld [smem:$0x3FB4];
	_ =	sdelay $0x3  }
0x34: {  	[smem:$0x3FB4] =	sst s10  }
0x35: {  	s10 =	sld [smem:$0x3FB3];
	_ =	sdelay $0x3  }
0x36: {  	p1 =	seq.s32 s10, $0x1;
	s10 =	sld [smem:$0x3FB4];
	_ =	sdelay $0x3  }
0x37: {  	[smem:$0x3FB4] =	sst s10  }
0x38: {  	s10 =	sld [smem:$0x3FB5]  }
0x39: {  	_ = 	snop;
	(pc) =	sbr.ind lr, $3  }
0x3a: {  	_ = 	snop  }
0x3b: {  	_ = 	snop  }
0x3c: {  	p2 =	seq.s32 s10, $0x1;
	s10 =	sld [smem:$0x3FB4]  }
0x3d: {  	_ =	shalt  }
0x3e: {  	_ =	shalt  }
0x3f: {  	_ =	shalt  }
0x40: {  	_ =	shalt  }
0x41: {  	_ =	shalt  }
0x42: {  	_ =	shalt  }
0x43: {  	_ =	shalt  }
0x44: {  	_ =	shalt  }
0x45: {  	_ =	shalt  }
0x46: {  	_ =	shalt  }
0x47: {  	_ =	shalt  }
0x48: {  	_ =	shalt  }
0x49: {  	_ =	shalt  }
0x4a: {  	_ =	shalt  }
0x4b: {  	_ =	shalt  }
0x4c: {  	_ =	shalt  }
0x4d: {  	_ =	shalt  }
0x4e: {  	_ =	shalt  }
0x4f: {  	_ =	shalt  }
0x50: {  	_ =	shalt  }
0x51: {  	_ =	shalt  }
0x52: {  	_ =	shalt  }
0x53: {  	_ =	shalt  }
0x54: {  	_ =	shalt  }
0x55: {  	_ =	shalt  }
0x56: {  	_ =	shalt  }
0x57: {  	_ =	shalt  }
0x58: {  	_ =	shalt  }
0x59: {  	_ =	shalt  }
0x5a: {  	_ =	shalt  }
0x5b: {  	_ =	shalt  }
0x5c: {  	_ =	shalt  }
0x5d: {  	_ =	shalt  }
0x5e: {  	_ =	shalt  }
0x5f: {  	_ =	shalt  }
0x60: {  	_ =	shalt  }
0x61: {  	_ =	shalt  }
0x62: {  	_ =	shalt  }
0x63: {  	_ =	shalt  }
0x64: {  	_ =	shalt  }
0x65: {  	_ =	shalt  }
0x66: {  	_ =	shalt  }
0x67: {  	_ =	shalt  }
0x68: {  	_ =	shalt  }
0x69: {  	_ =	shalt  }
0x6a: {  	_ =	shalt  }
0x6b: {  	_ =	shalt  }
0x6c: {  	_ =	shalt  }
0x6d: {  	_ =	shalt  }
0x6e: {  	_ =	shalt  }
0x6f: {  	_ =	shalt  }
0x70: {  	_ =	shalt  }
0x71: {  	_ =	shalt  }
0x72: {  	_ =	shalt  }
0x73: {  	_ =	shalt  }
0x74: {  	_ =	shalt  }
0x75: {  	_ =	shalt  }
0x76: {  	_ =	shalt  }
0x77: {  	_ =	shalt  }
0x78: {  	_ =	shalt  }
0x79: {  	_ =	shalt  }
0x7a: {  	_ =	shalt  }
0x7b: {  	_ =	shalt  }
0x7c: {  	_ =	shalt  }
0x7d: {  	_ =	shalt  }
0x7e: {  	_ =	shalt  }
0x7f: {  	_ =	shalt  }
0x80: {  	_ =	shalt  }
0x81: {  	_ =	shalt  }
0x82: {  	_ =	shalt  }
0x83: {  	_ =	shalt  }
0x84: {  	_ =	shalt  }
0x85: {  	_ =	shalt  }
0x86: {  	_ =	shalt  }
0x87: {  	_ =	shalt  }
.Lfunc_end0:
.L_simem_size_0:
called_computation_lowered:
.L_overlay_start_0:
0x88: {  	s2 =	sld [smem:$0x3FD9]  }
0x89: {  	s3 =	sld [smem:$0x3FFE];
	_ =	sdelay $0x1  }
0x8a: {  	s1 =	srdreg.scid  }
0x8b: {  	s0 =	sand.u32 $0x1, s1  }
0x8c: {  	s17 =	sshll.u32 s0, $0xA;
	s2 =	sadd.s32 s3, s2  }
0x8d: {  	s2 =	sadd.s32 s2, s17  }
0x8e: {  	[smem:$0x3FC0] =	sst s2  }
0x8f: {  	_ = 	snop  }
0x90: {  	s2 =	sld [smem:$0x3FC7];
	(tm) =	ssettm $0x1  }
0x91: {  	s18 =	sld [smem:$0x3FFB];
	_ =	sdelay $0x3  }
0x92: {  	_ =	strace s18  }
0x93: {  	s3 =	sld [smem:$0x3FFC];
	_ =	sdelay $0x3  }
0x94: {  	_ =	strace s3  }
0x95: {  	s3 =	sld [smem:$0x3FFD];
	_ =	sdelay $0x3  }
0x96: {  	_ =	strace s3  }
0x97: {  	_ =	strace $0x8FFFFFFF  }
0x98: {  	s19 =	sld [smem:$0x3FDB];
	_ =	sdelay $0x1  }
0x99: {  	s4 =	simm.s32 $_scs_section_size  }
0x9a: {  	s5 =	simm.s32 $_size__tile_overlayer_lowered;
	s6 =	simm.s32 $_tile_overlayer_lowered  }
0x9b: {  	s22 =	simm.s32 $0x1BFF;
	s21 =	sshll.u32 s6, $0x1;
	s3 =	sadd.s32 s4, s19  }
0x9c: {  	s7 =	simm.s32 $0x0;
	s20 =	sshll.u32 s5, $0x1;
	s5 =	sadd.s32 s21, s3  }
0x9d: {  	[timem:s7], [sflag:s22] =	dma.local [hbm:s5], s20  }
0x9e: {  	_ =	swait.ge [sflag:s22], s20  }
0x9f: {  	s4 =	ssub.s32 $0x0, s20;
	[sflag:s22] =	ssyncset.done $0x0  }
0xa0: {  	[sflag:s22] =	ssyncadd.s32 s4;
	_ =	sdelay $0x1  }
0xa1: {  	s23 =	simm.s32 $0x1B8B  }
0xa2: {  	_ =	swait.ge [sflag:s23], $0x1  }
0xa3: {  	[sflag:s23] =	ssyncset.done $0x0  }
0xa4: {  	s25 =	simm.s32 $0x1B8E;
	s24 =	sld [smem:$0x3FFE];
	[sflag:s23] =	ssyncadd.s32 $0xFFFFFFFF  }
0xa5: {  	s26 =	simm.s32 $execute0_lowered;
	[smem:$0x3FD2] =	sst s25  }
0xa6: {  	s5 =	sshll.u32 s26, $0x1;
	_ =	strace $0x80000046;
	[dreg:$0x1] =	wrdreg $0xFFFFFFFF  }
0xa7: {  	s28 =	simm.s32 $_size_execute0_lowered;
	s3 =	sadd.s32 s3, s5;
	[dreg:$0x0] =	wrdreg $0x0  }
0xa8: {  	s5 =	sshll.u32 s28, $0x1;
	[dreg:$0x2] =	wrdreg s3  }
0xa9: {  	[dreg:$0x3] =	wrdreg s5  }
0xaa: {  	[dreg:$0x4] =	wrdreg $0xC0  }
0xab: {  	_ =	task [dreg:s7], $0x5FFFF  }
0xac: {  	[dreg:$0x1] =	wrdreg $0xFFFFFFFF  }
0xad: {  	[dreg:$0x0] =	wrdreg $0x60  }
0xae: {  	[dreg:$0x2] =	wrdreg s24  }
0xaf: {  	[dreg:$0x3] =	wrdreg s2  }
0xb0: {  	[dreg:$0x4] =	wrdreg $0x9  }
0xb1: {  	_ =	task.clear_ibuf [dreg:s7], $0x5FFFF;
	_ =	strace $0x90000046  }
0xb2: {  	s29 =	simm.s32 $0x9;
	_ =	strace $0x80000048  }
0xb3: {  	_ =	swait.ge [sflag:s29], $0x1  }
0xb4: {  	[sflag:s29] =	ssyncadd.s32 $0xFFFFFFFF  }
0xb5: {  	_ =	strace $0x90000048  }
0xb6: {  	_ =	sfence  }
0xb7: {  	s30 =	sld [smem:$0x0];
	_ =	sdelay $0x2  }
0xb8: {  	s31 =	sshll.u32 s1, $0xD;
	s1 =	sshrl.u32 s1, $0x2  }
0xb9: {  	s3 =	sand.u32 $0x4000, s31;
	s1 =	sadd.s32 s1, s30  }
0xba: {  	s0 =	sor.u32 s3, s0;
	s1 =	sshll.u32 s1, $0x11  }
0xbb: {  	s0 =	sor.u32 s1, s0  }
0xbc: {  	s0 =	sadd.s32 $0x8F2B, s0  }
0xbd: {  	[sflag:s0] =	ssyncadd.remote.s32 $0x1  }
0xbe: {  	_ =	sfence.sel $0xFFFF  }
0xbf: {  	[dreg:$0x0] =	wrdreg $0xFFFFFFFF;
	(pc) =	sbr.abs _section_cstart, $3  }
0xc0: {  	[dreg:$0x1] =	wrdreg $0xFFFFFFFF  }
0xc1: {  	_ =	task.clear_ibuf [dreg:s7], $0x2FFFF;
	_ =	strace $0x9FFFFFFF  }
0xc2: {  	(tm) =	ssettm $0x7FFFFFFF  }
0xc3: {  	_ =	shalt  }
tec
execute0_lowered:
.L_overlay_start_1:
0x0: {  	(tag) =	ssettag $0x1  }
0x1: {  	s3 =	rddreg [dreg:$0x0]  }
0x2: {  	s4 =	rddreg [dreg:$0x1]  }
0x3: {  	s0 =	rddreg [dreg:$0x2]  }
0x4: {  	s5 =	srdreg.scid;
	s1 =	stileid.u32;
	s2 =	simm.s32 $0x0  }
0x5: {  	s11 =	simm.s32 $0x18000;
	s12 =	simm.s32 $0x80;
	s13 =	simm.s32 $0x400  }
0x6: {  	s14 =	simm.s32 $0x19000;
	s15 =	simm.s32 $0x19800;
	s16 =	simm.s32 $0x0  }
0x7: {  	s5 =	sand.u32 $0x1, s5;
	s6 =	sshll.u32 s1, $0x1;
	[smem:$0x7FF] =	sst s2  }
0x8: {  	s9 =	sshll.u32 s1, $0x9;
	s28 =	sshll.u32 s1, $0xB;
	s6 =	sor.u32 s5, s6  }
0x9: {  	_ =	strace $0x80000047;
	s5 =	ssub.s32 $0x2, s5;
	s30 =	sand.u32 $0x7000, s28  }
0xa: {  	s7 =	sshll.u32 s6, $0xD;
	s8 =	sshll.u32 s6, $0x9;
	s6 =	sshll.u32 s6, $0x4  }
0xb: {  	s29 =	sshrl.u32 s5, $0x1;
	s4 =	sadd.s32 s4, s30;
	s7 =	sadd.s32 s7, s3  }
0xc: {  	s8 =	sadd.s32 s8, s3;
	s6 =	sor.u32 s9, s6;
	s31 =	ssub.s32 s5, s29  }
0xd: {  	s9 =	simm.s32 $0x1;
	s6 =	sand.u32 $0x1870, s6;
	s5 =	sadd.s32 $0x41000, s8  }
0xe: {  	s8 =	smax.u32 s31, $0x1;
	s10 =	sadd.s32 s6, s3;
	s3 =	sadd.s32 $0x1000, s7  }
0xf: {  	s6 =	sadd.s32 $0x45000, s10;
	s7 =	sadd.s32 $0x47000, s10;
	s10 =	simm.s32 $0x10000  }
.LBB2_1:
0x10: {  	[tilespmem:s2], [sflag:$0x1] =	stream.linear.gather [hbm4b:s3+s2], $0x10000, $0x38;
	[tilespmem:$0x1A000] =	vst v63  }
0x11: {  	_ =	swait.ge [sflag:s9], $0x10000  }
0x12: {  	[sflag:s9] =	ssyncset.done $0x0  }
0x13: {  	[sflag:s9] =	ssyncadd.s32 $0xFFFF0000  }
0x14: {  	[tilespmem:s10], [sflag:$0x1] =	stream.linear.gather [hbm4b:s4+s2], $0x8000, $0x38;
	[tilespmem:$0x1A000] =	vst v63  }
0x15: {  	_ =	swait.ge [sflag:s9], $0x8000  }
0x16: {  	[sflag:s9] =	ssyncset.done $0x0  }
0x17: {  	[sflag:s9] =	ssyncadd.s32 $0xFFFF8000  }
0x18: {  	[tilespmem:s11], [sflag:$0x1] =	stream.linear.gather [hbm4b:s5+s2], $0x1000, $0x38;
	[tilespmem:$0x1A000] =	vst v63  }
0x19: {  	s17 =	simm.s32 $0x19800;
	_ =	swait.ge [sflag:s9], $0x1000  }
0x1a: {  	s18 =	simm.s32 $0x19000;
	s19 =	simm.s32 $0x0;
	[sflag:s9] =	ssyncset.done $0x0  }
0x1b: {  	s20 =	simm.s32 $0x0;
	s21 =	simm.s32 $0x0;
	[sflag:s9] =	ssyncadd.s32 $0xFFFFF000  }
.LBB2_2:
0x1c: {  	s22 =	sand.u32 $0x70, s21;
	s23 =	sand.u32 $0x3C00, s20  }
0x1d: {  	s22 =	sor.u32 s22, s23  }
0x1e: {  	v0 =	vld [tilespmem:s22+$0x10000]  }
0x1f: {  	v1 =	vld [tilespmem:s22+$0x10080]  }
0x20: {  	v2 =	vld [tilespmem:s22+$0x10100]  }
0x21: {  	v3 =	vld [tilespmem:s22+$0x10180]  }
0x22: {  	v4 =	vld [tilespmem:s22+$0x10200]  }
0x23: {  	v6 =	vld [tilespmem:s22+$0x10280]  }
0x24: {  	v7 =	vld [tilespmem:s22+$0x10300]  }
0x25: {  	v11 =	vld [tilespmem:s22+$0x14000]  }
0x26: {  	v23 =	vld [tilespmem:s22+$0x14080]  }
0x27: {  	v28 =	vld [tilespmem:s22+$0x14100]  }
0x28: {  	v32 =	vld [tilespmem:s22+$0x14180];
	v5 =	vshll.u32 v0, $0x3  }
0x29: {  	v14 =	vld [tilespmem:s22+$0x14200];
	v0 =	vand.u32 $0x7F, v0;
	v20 =	vshll.u32 v1, $0x3;
	v1 =	vand.u32 $0x7F, v1  }
0x2a: {  	s31 =	sand.u32 $0x7, s19;
	v16 =	vld [tilespmem:s22+$0x14280];
	v8 =	vshll.u32 v2, $0x3;
	v2 =	vand.u32 $0x7F, v2;
	v10 =	vand.u32 $0x7F, v3  }
0x2b: {  	s23 =	sshll.u32 s31, $0x4;
	v3 =	vshll.u32 v3, $0x3;
	v22 =	vshll.u32 v4, $0x3;
	v12 =	vand.u32 $0x7F, v4  }
0x2c: {  	s23 =	sadd.s32 s23, s20;
	v24 =	vand.u32 $0x7F, v6;
	v25 =	vshll.u32 v6, $0x3;
	v26 =	vshll.u32 v7, $0x3  }
0x2d: {  	s24 =	sor.u32 $0x380, s23;
	v27 =	vand.u32 $0x7F, v7;
	v31 =	vshll.u32 v11, $0x3;
	v33 =	vand.u32 $0x7F, v11  }
0x2e: {  	v9 =	vld [tilespmem:s24+$0x10000];
	v34 =	vshll.u32 v23, $0x3;
	v36 =	vshll.u32 v28, $0x3;
	v37 =	vshll.u32 v32, $0x3  }
0x2f: {  	v39 =	vshll.u32 v14, $0x3;
	v57 =	vshll.u32 v16, $0x3;
	v5 =	vand.u32 $0xFFFFFC00, v5  }
0x30: {  	v21 =	vand.u32 $0xFFFFFC00, v8;
	v3 =	vand.u32 $0xFFFFFC00, v3;
	v13 =	vand.u32 $0xFFFFFC00, v22  }
0x31: {  	v6 =	vand.u32 $0xFFFFFC00, v26;
	v52 =	vor.u32 v0, v5;
	v5 =	vand.u32 $0xFFFFFC00, v20  }
0x32: {  	v44 =	vor.u32 v2, v21;
	v48 =	vor.u32 v10, v3;
	v50 =	vor.u32 v12, v13  }
0x33: {  	v49 =	vor.u32 v27, v6;
	v29 =	vshll.u32 v9, $0x3;
	v35 =	vor.u32 $0x80, v52  }
0x34: {  	v30 =	vand.u32 $0x7F, v9;
	v9 =	vand.u32 $0xFFFFFC00, v31;
	v17 =	vor.u32 $0x80, v44  }
0x35: {  	v10 =	vand.u32 $0x7F, v23;
	v13 =	vand.u32 $0x7F, v28;
	v21 =	vor.u32 $0x80, v50  }
0x36: {  	v18 =	vld [tilespmem:s22+$0x14300];
	s23 =	sor.u32 $0x4380, s23;
	v12 =	vand.u32 $0x7F, v32;
	v51 =	vor.u32 v1, v5;
	v53 =	vor.u32 $0x80, v49  }
0x37: {  	v20 =	vld [tilespmem:s23+$0x10000];
	v5 =	vand.u32 $0xFFFFFC00, v25;
	v47 =	vor.u32 v33, v9;
	v15 =	vor.u32 $0x80, v51  }
0x38: {  	v9 =	vand.u32 $0xFFFFFC00, v34;
	v45 =	vor.u32 v24, v5;
	v59 =	vor.u32 $0x80, v47;
	v38 =	vld.idx.msk [tilespmem:v35+s2+$0x0], $0xffff  }
0x39: {  	v5 =	vand.u32 $0xFFFFFC00, v29;
	v43 =	vor.u32 v10, v9;
	v29 =	vor.u32 $0x100, v52;
	v55 =	vld.idx.msk [tilespmem:v17+s2+$0x0], $0xffff  }
0x3a: {  	v10 =	vand.u32 $0xFFFFFC00, v36;
	v46 =	vor.u32 v30, v5;
	v30 =	vor.u32 $0x100, v51;
	v61 =	vld.idx.msk [tilespmem:v21+s2+$0x0], $0xffff  }
0x3b: {  	v42 =	vor.u32 v13, v10;
	v13 =	vand.u32 $0xFFFFFC00, v37;
	v56 =	vor.u32 $0x80, v46;
	v6 =	vld.idx.msk [tilespmem:v53+s2+$0x0], $0xffff  }
0x3c: {  	v60 =	vand.u32 $0x7F, v16;
	v41 =	vor.u32 v12, v13;
	v5 =	vor.u32 $0x80, v42;
	v40 =	vld.idx.msk [tilespmem:v15+s2+$0x0], $0xffff  }
0x3d: {  	v12 =	vand.u32 $0xFFFFFC00, v39;
	v13 =	vand.u32 $0xFFFFFC00, v57;
	v39 =	vor.u32 $0x100, v46;
	v26 =	vld.idx.msk [tilespmem:v59+s2+$0x0], $0xffff  }
0x3e: {  	v24 =	vor.u32 v60, v13;
	v7 =	vor.u32 $0x80, v41;
	v34 =	vld.idx.msk [tilespmem:v29+s2+$0x0], $0xffff  }
0x3f: {  	v27 =	vor.u32 $0x80, v24;
	v36 =	vld.idx.msk [tilespmem:v30+s2+$0x0], $0xffff  }
0x40: {  	v31 =	vor.u32 $0x100, v44;
	v9 =	vld.idx.msk [tilespmem:v56+s2+$0x0], $0xffff  }
0x41: {  	v33 =	vor.u32 $0x100, v50;
	v59 =	vld.idx.msk [tilespmem:v5+s2+$0x0], $0xffff  }
0x42: {  	v35 =	vor.u32 $0x100, v45;
	v5 =	vld.idx.msk [tilespmem:v39+s2+$0x0], $0xffff  }
0x43: {  	v54 =	vand.u32 $0x7F, v14;
	v53 =	vor.u32 $0x100, v47;
	v56 =	vld.idx.msk [tilespmem:v7+s2+$0x0], $0xffff  }
0x44: {  	v25 =	vor.u32 v54, v12;
	v39 =	vor.u32 $0x180, v49;
	v54 =	vld.idx.msk [tilespmem:v27+s2+$0x0], $0xffff  }
0x45: {  	v29 =	vor.u32 $0x180, v51;
	[tilespmem:$0x1E740] =	vst v38;
	v38 =	vld.idx.msk [tilespmem:v31+s2+$0x0], $0xffff  }
0x46: {  	[tilespmem:$0x1E760] =	vst v55;
	v55 =	vld.idx.msk [tilespmem:v33+s2+$0x0], $0xffff;
	v33 =	vor.u32 $0x180, v48  }
0x47: {  	v60 =	vld.idx.msk [tilespmem:v35+s2+$0x0], $0xffff;
	v35 =	vor.u32 $0x180, v50  }
0x48: {  	v7 =	vld.idx.msk [tilespmem:v53+s2+$0x0], $0xffff;
	v27 =	vor.u32 $0x180, v52;
	[tilespmem:$0x1E7E0] =	vst v36  }
0x49: {  	v53 =	vor.u32 $0x180, v46;
	[tilespmem:$0x1E840] =	vst v5;
	v5 =	vld.idx.msk [tilespmem:v39+s2+$0x0], $0xffff  }
0x4a: {  	[tilespmem:$0x1E7F0] =	vst v38;
	v38 =	vld.idx.msk [tilespmem:v29+s2+$0x0], $0xffff;
	v29 =	vor.u32 $0x200, v52  }
0x4b: {  	[tilespmem:$0x1E810] =	vst v55;
	v55 =	vld.idx.msk [tilespmem:v33+s2+$0x0], $0xffff;
	v33 =	vor.u32 $0x200, v44  }
0x4c: {  	v39 =	vor.u32 $0x200, v45;
	[tilespmem:$0x1E820] =	vst v60;
	v60 =	vld.idx.msk [tilespmem:v35+s2+$0x0], $0xffff  }
0x4d: {  	[tilespmem:$0x1E7B0] =	vst v9;
	v36 =	vld.idx.msk [tilespmem:v27+s2+$0x0], $0xffff  }
0x4e: {  	v8 =	vshll.u32 v20, $0x3;
	v9 =	vor.u32 $0x100, v24;
	[tilespmem:$0x1E850] =	vst v7;
	v7 =	vld.idx.msk [tilespmem:v53+s2+$0x0], $0xffff  }
0x4f: {  	v11 =	vand.u32 $0x7F, v20;
	v15 =	vand.u32 $0xFFFFFC00, v8;
	[tilespmem:$0x1E8E0] =	vst v38;
	v38 =	vld.idx.msk [tilespmem:v29+s2+$0x0], $0xffff  }
0x50: {  	v15 =	vor.u32 v11, v15;
	[tilespmem:$0x1E780] =	vst v61;
	v61 =	vor.u32 $0x100, v42;
	v53 =	vld.idx.msk [tilespmem:v33+s2+$0x0], $0xffff  }
0x51: {  	v27 =	vor.u32 $0x180, v15;
	[tilespmem:$0x1E910] =	vst v60;
	v60 =	vld.idx.msk [tilespmem:v39+s2+$0x0], $0xffff  }
0x52: {  	v63 =	vshll.u32 v18, $0x3;
	v35 =	vor.u32 $0x200, v48  }
0x53: {  	v18 =	vand.u32 $0x7F, v18;
	v14 =	vand.u32 $0xFFFFFC00, v63;
	v30 =	vld.idx.msk [tilespmem:v9+s2+$0x0], $0xffff;
	v9 =	vor.u32 $0x180, v25;
	[tilespmem:$0x1E8D0] =	vst v36  }
0x54: {  	v23 =	vor.u32 v18, v14;
	[tilespmem:$0x1E9D0] =	vst v38;
	v38 =	vor.u32 $0x200, v47  }
0x55: {  	v13 =	vld.idx.msk [tilespmem:v61+s2+$0x0], $0xffff;
	[tilespmem:$0x1E9F0] =	vst v53;
	v53 =	vor.u32 $0x200, v23  }
0x56: {  	v36 =	vld.idx.msk [tilespmem:v27+s2+$0x0], $0xffff;
	[tilespmem:$0x1EA20] =	vst v60;
	v60 =	vor.u32 $0x280, v51  }
0x57: {  	[tilespmem:$0x1E900] =	vst v55;
	v55 =	vld.idx.msk [tilespmem:v35+s2+$0x0], $0xffff  }
0x58: {  	[tilespmem:$0x1E8A0] =	vst v30;
	v30 =	vld.idx.msk [tilespmem:v9+s2+$0x0], $0xffff  }
0x59: {  	v61 =	vor.u32 $0x180, v43;
	v9 =	vld.idx.msk [tilespmem:v38+s2+$0x0], $0xffff  }
0x5a: {  	v38 =	vld.idx.msk [tilespmem:v53+s2+$0x0], $0xffff  }
0x5b: {  	v53 =	vor.u32 $0x280, v48;
	v60 =	vld.idx.msk [tilespmem:v60+s2+$0x0], $0xffff;
	_ =	sdelay $0x1  }
0x5c: {  	[tilespmem:$0x1E870] =	vst v13  }
0x5d: {  	v13 =	vld.idx.msk [tilespmem:v61+s2+$0x0], $0xffff;
	[tilespmem:$0x1E9C0] =	vst v36;
	v36 =	vor.u32 $0x200, v49  }
0x5e: {  	[tilespmem:$0x1EA00] =	vst v55;
	v55 =	vor.u32 $0x200, v15  }
0x5f: {  	[tilespmem:$0x1EA60] =	vst v60;
	v60 =	vor.u32 $0x280, v49;
	v53 =	vld.idx.msk [tilespmem:v53+s2+$0x0], $0xffff;
	_ =	sdelay $0x2  }
0x60: {  	[tilespmem:$0x1E960] =	vst v13;
	v13 =	vld.idx.msk [tilespmem:v36+s2+$0x0], $0xffff  }
0x61: {  	v36 =	vld.idx.msk [tilespmem:v55+s2+$0x0], $0xffff;
	v55 =	vor.u32 $0x280, v50  }
0x62: {  	[tilespmem:$0x1EA80] =	vst v53;
	v53 =	vor.u32 $0x280, v47;
	v60 =	vld.idx.msk [tilespmem:v60+s2+$0x0], $0xffff;
	_ =	sdelay $0x3  }
0x63: {  	v55 =	vld.idx.msk [tilespmem:v55+s2+$0x0], $0xffff  }
0x64: {  	[tilespmem:$0x1EAB0] =	vst v60;
	v60 =	vor.u32 $0x280, v41;
	v53 =	vld.idx.msk [tilespmem:v53+s2+$0x0], $0xffff;
	_ =	sdelay $0x3  }
0x65: {  	[tilespmem:$0x1EA90] =	vst v55;
	v55 =	vor.u32 $0x280, v43  }
0x66: {  	[tilespmem:$0x1EAD0] =	vst v53;
	v53 =	vor.u32 $0x280, v24;
	v60 =	vld.idx.msk [tilespmem:v60+s2+$0x0], $0xffff;
	_ =	sdelay $0x3  }
0x67: {  	v55 =	vld.idx.msk [tilespmem:v55+s2+$0x0], $0xffff  }
0x68: {  	[tilespmem:$0x1EB00] =	vst v60;
	v60 =	vor.u32 $0x300, v52;
	v53 =	vld.idx.msk [tilespmem:v53+s2+$0x0], $0xffff;
	_ =	sdelay $0x1  }
0x69: {  	v19 =	vor.u32 $0x80, v48  }
0x6a: {  	v28 =	vor.u32 $0x80, v23  }
0x6b: {  	[tilespmem:$0x1EAE0] =	vst v55;
	v55 =	vor.u32 $0x280, v23  }
0x6c: {  	[tilespmem:$0x1EB20] =	vst v53;
	v53 =	vor.u32 $0x300, v44;
	v60 =	vld.idx.msk [tilespmem:v60+s2+$0x0], $0xffff  }
0x6d: {  	v62 =	vor.u32 $0x80, v43  }
0x6e: {  	v37 =	vor.u32 $0x100, v49;
	v58 =	vld.idx.msk [tilespmem:v19+s2+$0x0], $0xffff  }
0x6f: {  	v10 =	vor.u32 $0x80, v25;
	v12 =	vld.idx.msk [tilespmem:v28+s2+$0x0], $0xffff  }
0x70: {  	v57 =	vor.u32 $0x100, v43;
	v55 =	vld.idx.msk [tilespmem:v55+s2+$0x0], $0xffff  }
0x71: {  	[tilespmem:$0x1EB50] =	vst v60;
	v60 =	vor.u32 $0x300, v45;
	v53 =	vld.idx.msk [tilespmem:v53+s2+$0x0], $0xffff  }
0x72: {  	v32 =	vor.u32 $0x100, v48;
	v63 =	vld.idx.msk [tilespmem:v62+s2+$0x0], $0xffff  }
0x73: {  	v62 =	vld.idx.msk [tilespmem:v37+s2+$0x0], $0xffff;
	v37 =	vor.u32 $0x180, v45;
	[tilespmem:$0x1E770] =	vst v58  }
0x74: {  	[tilespmem:$0x1E7A0] =	vst v6;
	v58 =	vld.idx.msk [tilespmem:v10+s2+$0x0], $0xffff;
	v6 =	vor.u32 $0x100, v25  }
0x75: {  	v10 =	vld.idx.msk [tilespmem:v57+s2+$0x0], $0xffff;
	[tilespmem:$0x1EB30] =	vst v55;
	v55 =	vor.u32 $0x300, v48  }
0x76: {  	[tilespmem:$0x1EB70] =	vst v53;
	v53 =	vor.u32 $0x300, v46;
	v60 =	vld.idx.msk [tilespmem:v60+s2+$0x0], $0xffff  }
0x77: {  	v31 =	vor.u32 $0x180, v44;
	[tilespmem:$0x1E750] =	vst v40;
	v40 =	vld.idx.msk [tilespmem:v32+s2+$0x0], $0xffff  }
0x78: {  	v57 =	vor.u32 $0x180, v47;
	[tilespmem:$0x1E830] =	vst v62;
	v62 =	vld.idx.msk [tilespmem:v37+s2+$0x0], $0xffff  }
0x79: {  	v37 =	vor.u32 $0x200, v50;
	v28 =	vld.idx.msk [tilespmem:v6+s2+$0x0], $0xffff  }
0x7a: {  	v6 =	vor.u32 $0x180, v41;
	v55 =	vld.idx.msk [tilespmem:v55+s2+$0x0], $0xffff  }
0x7b: {  	[tilespmem:$0x1EBA0] =	vst v60;
	v60 =	vor.u32 $0x300, v42;
	v53 =	vld.idx.msk [tilespmem:v53+s2+$0x0], $0xffff  }
0x7c: {  	[tilespmem:$0x1E800] =	vst v40;
	v40 =	vld.idx.msk [tilespmem:v31+s2+$0x0], $0xffff;
	v31 =	vor.u32 $0x200, v51  }
0x7d: {  	[tilespmem:$0x1E860] =	vst v10;
	v10 =	vld.idx.msk [tilespmem:v57+s2+$0x0], $0xffff;
	v39 =	vor.u32 $0x200, v43  }
0x7e: {  	v1 =	vor.u32 $0x200, v25;
	v57 =	vld.idx.msk [tilespmem:v37+s2+$0x0], $0xffff;
	[tilespmem:$0x1E890] =	vst v28  }
0x7f: {  	v28 =	vld.idx.msk [tilespmem:v6+s2+$0x0], $0xffff;
	[tilespmem:$0x1EB80] =	vst v55;
	v55 =	vor.u32 $0x300, v47  }
0x80: {  	[tilespmem:$0x1EBC0] =	vst v53;
	v53 =	vor.u32 $0x300, v25;
	v60 =	vld.idx.msk [tilespmem:v60+s2+$0x0], $0xffff  }
0x81: {  	[tilespmem:$0x1E8F0] =	vst v40;
	v40 =	vld.idx.msk [tilespmem:v31+s2+$0x0], $0xffff  }
0x82: {  	v37 =	vor.u32 $0x200, v46;
	v6 =	vld.idx.msk [tilespmem:v39+s2+$0x0], $0xffff  }
0x83: {  	v39 =	vld.idx.msk [tilespmem:v1+s2+$0x0], $0xffff;
	v1 =	vor.u32 $0x380, v52  }
0x84: {  	v2 =	vor.u32 $0x200, v24;
	v55 =	vld.idx.msk [tilespmem:v55+s2+$0x0], $0xffff  }
0x85: {  	[tilespmem:$0x1EBF0] =	vst v60;
	v60 =	vld.idx.msk [tilespmem:v53+s2+$0x0], $0xffff;
	v53 =	vor.u32 $0x380, v51  }
0x86: {  	[tilespmem:$0x1E9E0] =	vst v40;
	v40 =	vor.u32 $0x200, v42  }
0x87: {  	v0 =	vor.u32 $0x200, v41;
	[tilespmem:$0x1E950] =	vst v10;
	v10 =	vld.idx.msk [tilespmem:v37+s2+$0x0], $0xffff  }
0x88: {  	v1 =	vld.idx.msk [tilespmem:v1+s2+$0x0], $0xffff  }
0x89: {  	v37 =	vld.idx.msk [tilespmem:v2+s2+$0x0], $0xffff;
	[tilespmem:$0x1EBD0] =	vst v55;
	v55 =	vor.u32 $0x300, v24  }
0x8a: {  	v53 =	vld.idx.msk [tilespmem:v53+s2+$0x0], $0xffff  }
0x8b: {  	[tilespmem:$0x1E940] =	vst v7;
	v2 =	vor.u32 $0x380, v48;
	v7 =	vld.idx.msk [tilespmem:v40+s2+$0x0], $0xffff  }
0x8c: {  	v40 =	vld.idx.msk [tilespmem:v0+s2+$0x0], $0xffff;
	v0 =	vor.u32 $0x380, v50  }
0x8d: {  	[tilespmem:$0x1EC10] =	vst v1;
	v1 =	vor.u32 $0x380, v45  }
0x8e: {  	[tilespmem:$0x1EC00] =	vst v60;
	v60 =	vld.idx.msk [tilespmem:v55+s2+$0x0], $0xffff;
	v55 =	vor.u32 $0x380, v44  }
0x8f: {  	[tilespmem:$0x1EC20] =	vst v53;
	v53 =	vor.u32 $0x380, v49  }
0x90: {  	v2 =	vld.idx.msk [tilespmem:v2+s2+$0x0], $0xffff  }
0x91: {  	v0 =	vld.idx.msk [tilespmem:v0+s2+$0x0], $0xffff  }
0x92: {  	v1 =	vld.idx.msk [tilespmem:v1+s2+$0x0], $0xffff  }
0x93: {  	v55 =	vld.idx.msk [tilespmem:v55+s2+$0x0], $0xffff  }
0x94: {  	v53 =	vld.idx.msk [tilespmem:v53+s2+$0x0], $0xffff  }
0x95: {  	[tilespmem:$0x1EC40] =	vst v2;
	v2 =	vor.u32 $0x380, v47  }
0x96: {  	[tilespmem:$0x1EC50] =	vst v0;
	v0 =	vor.u32 $0x380, v43  }
0x97: {  	[tilespmem:$0x1EC60] =	vst v1;
	v1 =	vor.u32 $0x380, v42  }
0x98: {  	[tilespmem:$0x1EC30] =	vst v55;
	v55 =	vor.u32 $0x380, v46  }
0x99: {  	[tilespmem:$0x1EC70] =	vst v53;
	v53 =	vor.u32 $0x380, v41  }
0x9a: {  	v2 =	vld.idx.msk [tilespmem:v2+s2+$0x0], $0xffff  }
0x9b: {  	v0 =	vld.idx.msk [tilespmem:v0+s2+$0x0], $0xffff  }
0x9c: {  	v1 =	vld.idx.msk [tilespmem:v1+s2+$0x0], $0xffff  }
0x9d: {  	v55 =	vld.idx.msk [tilespmem:v55+s2+$0x0], $0xffff  }
0x9e: {  	v53 =	vld.idx.msk [tilespmem:v53+s2+$0x0], $0xffff  }
0x9f: {  	[tilespmem:$0x1EC90] =	vst v2;
	v2 =	vor.u32 $0x380, v24  }
0xa0: {  	[tilespmem:$0x1ECA0] =	vst v0;
	v0 =	vor.u32 $0x380, v23  }
0xa1: {  	[tilespmem:$0x1ECB0] =	vst v1;
	v1 =	vor.u32 $0x380, v15  }
0xa2: {  	[tilespmem:$0x1EC80] =	vst v55;
	v55 =	vor.u32 $0x380, v25  }
0xa3: {  	[tilespmem:$0x1ECC0] =	vst v53;
	v53 =	vadd.s32 $0x4000, v52  }
0xa4: {  	v2 =	vld.idx.msk [tilespmem:v2+s2+$0x0], $0xffff  }
0xa5: {  	v0 =	vld.idx.msk [tilespmem:v0+s2+$0x0], $0xffff  }
0xa6: {  	v1 =	vld.idx.msk [tilespmem:v1+s2+$0x0], $0xffff  }
0xa7: {  	v55 =	vld.idx.msk [tilespmem:v55+s2+$0x0], $0xffff  }
0xa8: {  	v53 =	vld.idx.msk [tilespmem:v53+s2+$0x0], $0xffff  }
0xa9: {  	[tilespmem:$0x1ECE0] =	vst v2;
	v2 =	vadd.s32 $0x4000, v44  }
0xaa: {  	[tilespmem:$0x1ECF0] =	vst v0;
	v0 =	vadd.s32 $0x4000, v48  }
0xab: {  	[tilespmem:$0x1ED00] =	vst v1;
	v1 =	vadd.s32 $0x4000, v50  }
0xac: {  	[tilespmem:$0x1ECD0] =	vst v55;
	v55 =	vadd.s32 $0x4000, v51  }
0xad: {  	[tilespmem:$0x1ED10] =	vst v53;
	v53 =	vadd.s32 $0x4000, v45  }
0xae: {  	v2 =	vld.idx.msk [tilespmem:v2+s2+$0x0], $0xffff  }
0xaf: {  	v0 =	vld.idx.msk [tilespmem:v0+s2+$0x0], $0xffff  }
0xb0: {  	v1 =	vld.idx.msk [tilespmem:v1+s2+$0x0], $0xffff  }
0xb1: {  	v55 =	vld.idx.msk [tilespmem:v55+s2+$0x0], $0xffff  }
0xb2: {  	v53 =	vld.idx.msk [tilespmem:v53+s2+$0x0], $0xffff  }
0xb3: {  	[tilespmem:$0x1ED30] =	vst v2;
	v2 =	vadd.s32 $0x4000, v46  }
0xb4: {  	[tilespmem:$0x1ED40] =	vst v0;
	v0 =	vadd.s32 $0x4000, v47  }
0xb5: {  	[tilespmem:$0x1ED50] =	vst v1;
	v1 =	vadd.s32 $0x4000, v43  }
0xb6: {  	[tilespmem:$0x1ED20] =	vst v55;
	v55 =	vadd.s32 $0x4000, v49  }
0xb7: {  	[tilespmem:$0x1ED60] =	vst v53;
	v53 =	vadd.s32 $0x4000, v42  }
0xb8: {  	v2 =	vld.idx.msk [tilespmem:v2+s2+$0x0], $0xffff  }
0xb9: {  	v0 =	vld.idx.msk [tilespmem:v0+s2+$0x0], $0xffff  }
0xba: {  	v1 =	vld.idx.msk [tilespmem:v1+s2+$0x0], $0xffff  }
0xbb: {  	v55 =	vld.idx.msk [tilespmem:v55+s2+$0x0], $0xffff  }
0xbc: {  	v53 =	vld.idx.msk [tilespmem:v53+s2+$0x0], $0xffff  }
0xbd: {  	[tilespmem:$0x1ED80] =	vst v2;
	v2 =	vadd.s32 $0x4000, v25  }
0xbe: {  	[tilespmem:$0x1ED90] =	vst v0;
	v0 =	vadd.s32 $0x4000, v24  }
0xbf: {  	[tilespmem:$0x1EDA0] =	vst v1;
	v1 =	vadd.s32 $0x4000, v23  }
0xc0: {  	[tilespmem:$0x1ED70] =	vst v55;
	v55 =	vadd.s32 $0x4000, v41  }
0xc1: {  	[tilespmem:$0x1EDB0] =	vst v53;
	v53 =	vadd.s32 $0x4000, v15  }
0xc2: {  	v2 =	vld.idx.msk [tilespmem:v2+s2+$0x0], $0xffff  }
0xc3: {  	v0 =	vld.idx.msk [tilespmem:v0+s2+$0x0], $0xffff  }
0xc4: {  	v1 =	vld.idx.msk [tilespmem:v1+s2+$0x0], $0xffff  }
0xc5: {  	v55 =	vld.idx.msk [tilespmem:v55+s2+$0x0], $0xffff  }
0xc6: {  	v53 =	vld.idx.msk [tilespmem:v53+s2+$0x0], $0xffff  }
0xc7: {  	[tilespmem:$0x1EDD0] =	vst v2;
	v2 =	vadd.s32 $0x4080, v51  }
0xc8: {  	[tilespmem:$0x1EDE0] =	vst v0;
	v0 =	vadd.s32 $0x4080, v44  }
0xc9: {  	[tilespmem:$0x1EDF0] =	vst v1;
	v1 =	vadd.s32 $0x4080, v48  }
0xca: {  	[tilespmem:$0x1EDC0] =	vst v55;
	v55 =	vadd.s32 $0x4080, v52  }
0xcb: {  	[tilespmem:$0x1EE00] =	vst v53;
	v53 =	vadd.s32 $0x4080, v50  }
0xcc: {  	v2 =	vld.idx.msk [tilespmem:v2+s2+$0x0], $0xffff  }
0xcd: {  	v0 =	vld.idx.msk [tilespmem:v0+s2+$0x0], $0xffff  }
0xce: {  	v1 =	vld.idx.msk [tilespmem:v1+s2+$0x0], $0xffff  }
0xcf: {  	v55 =	vld.idx.msk [tilespmem:v55+s2+$0x0], $0xffff  }
0xd0: {  	v53 =	vld.idx.msk [tilespmem:v53+s2+$0x0], $0xffff  }
0xd1: {  	[tilespmem:$0x1EE20] =	vst v2;
	v2 =	vadd.s32 $0x4080, v49  }
0xd2: {  	[tilespmem:$0x1EE30] =	vst v0;
	v0 =	vadd.s32 $0x4080, v46  }
0xd3: {  	[tilespmem:$0x1EE40] =	vst v1;
	v1 =	vadd.s32 $0x4080, v47  }
0xd4: {  	[tilespmem:$0x1EE10] =	vst v55;
	v55 =	vadd.s32 $0x4080, v45  }
0xd5: {  	[tilespmem:$0x1EE50] =	vst v53;
	v53 =	vadd.s32 $0x4080, v43  }
0xd6: {  	v2 =	vld.idx.msk [tilespmem:v2+s2+$0x0], $0xffff  }
0xd7: {  	v0 =	vld.idx.msk [tilespmem:v0+s2+$0x0], $0xffff  }
0xd8: {  	v1 =	vld.idx.msk [tilespmem:v1+s2+$0x0], $0xffff  }
0xd9: {  	v55 =	vld.idx.msk [tilespmem:v55+s2+$0x0], $0xffff  }
0xda: {  	v53 =	vld.idx.msk [tilespmem:v53+s2+$0x0], $0xffff  }
0xdb: {  	[tilespmem:$0x1EE70] =	vst v2;
	v2 =	vadd.s32 $0x4080, v41  }
0xdc: {  	[tilespmem:$0x1EE80] =	vst v0;
	v0 =	vadd.s32 $0x4080, v25  }
0xdd: {  	[tilespmem:$0x1EE90] =	vst v1;
	v1 =	vadd.s32 $0x4080, v24  }
0xde: {  	[tilespmem:$0x1EE60] =	vst v55;
	v55 =	vadd.s32 $0x4080, v42  }
0xdf: {  	v16 =	vld [tilespmem:s22+$0x80];
	[tilespmem:$0x1EEA0] =	vst v53;
	v53 =	vadd.s32 $0x4080, v23  }
0xe0: {  	v2 =	vld.idx.msk [tilespmem:v2+s2+$0x0], $0xffff  }
0xe1: {  	v0 =	vld.idx.msk [tilespmem:v0+s2+$0x0], $0xffff  }
0xe2: {  	v1 =	vld.idx.msk [tilespmem:v1+s2+$0x0], $0xffff  }
0xe3: {  	v22 =	vor.u32 $0x80, v45;
	v55 =	vld.idx.msk [tilespmem:v55+s2+$0x0], $0xffff  }
0xe4: {  	v53 =	vld.idx.msk [tilespmem:v53+s2+$0x0], $0xffff  }
0xe5: {  	v3 =	vld.idx.msk [tilespmem:v50+s2+$0x0], $0xffff;
	[tilespmem:$0x1EEC0] =	vst v2;
	v2 =	vadd.s32 $0x4100, v52  }
0xe6: {  	v19 =	vld.idx.msk [tilespmem:v48+s2+$0x0], $0xffff;
	[tilespmem:$0x1EED0] =	vst v0;
	v0 =	vadd.s32 $0x4100, v51  }
0xe7: {  	v17 =	vld [tilespmem:s22+$0x100];
	[tilespmem:$0x1EEE0] =	vst v1;
	v1 =	vadd.s32 $0x4100, v44  }
0xe8: {  	v4 =	vld.idx.msk [tilespmem:v22+s2+$0x0], $0xffff;
	[tilespmem:$0x1EEB0] =	vst v55;
	v55 =	vadd.s32 $0x4080, v15  }
0xe9: {  	v20 =	vld.idx.msk [tilespmem:v46+s2+$0x0], $0xffff;
	[tilespmem:$0x1EEF0] =	vst v53;
	v53 =	vadd.s32 $0x4100, v48  }
0xea: {  	v2 =	vld.idx.msk [tilespmem:v2+s2+$0x0], $0xffff  }
0xeb: {  	v11 =	vor.u32 $0x100, v23;
	v0 =	vld.idx.msk [tilespmem:v0+s2+$0x0], $0xffff  }
0xec: {  	v1 =	vld.idx.msk [tilespmem:v1+s2+$0x0], $0xffff  }
0xed: {  	v18 =	vor.u32 $0x80, v15;
	v55 =	vld.idx.msk [tilespmem:v55+s2+$0x0], $0xffff  }
0xee: {  	v14 =	vor.u32 $0x100, v15;
	[tilespmem:$0x1E7D0] =	vst v34;
	v53 =	vld.idx.msk [tilespmem:v53+s2+$0x0], $0xffff  }
0xef: {  	v21 =	vld.idx.msk [tilespmem:v41+s2+$0x0], $0xffff;
	[tilespmem:$0x1EF10] =	vst v2;
	v2 =	vadd.s32 $0x4100, v45  }
0xf0: {  	v32 =	vld.idx.msk [tilespmem:v11+s2+$0x0], $0xffff;
	[tilespmem:$0x1EF20] =	vst v0;
	v0 =	vadd.s32 $0x4100, v49  }
0xf1: {  	v22 =	vld.idx.msk [tilespmem:v15+s2+$0x0], $0xffff;
	[tilespmem:$0x1EF30] =	vst v1;
	v1 =	vadd.s32 $0x4100, v46  }
0xf2: {  	v8 =	vld.idx.msk [tilespmem:v18+s2+$0x0], $0xffff;
	[tilespmem:$0x1EF00] =	vst v55;
	v55 =	vadd.s32 $0x4100, v50  }
0xf3: {  	v34 =	vld.idx.msk [tilespmem:v14+s2+$0x0], $0xffff;
	[tilespmem:$0x1EF40] =	vst v53;
	v53 =	vadd.s32 $0x4100, v47  }
0xf4: {  	v2 =	vld.idx.msk [tilespmem:v2+s2+$0x0], $0xffff  }
0xf5: {  	[tilespmem:$0x1E790] =	vst v4;
	v4 =	vor.u32 $0x100, v41;
	v0 =	vld.idx.msk [tilespmem:v0+s2+$0x0], $0xffff  }
0xf6: {  	[tilespmem:$0x1E7C0] =	vst v26;
	v1 =	vld.idx.msk [tilespmem:v1+s2+$0x0], $0xffff  }
0xf7: {  	[tilespmem:$0x1E920] =	vst v62;
	v55 =	vld.idx.msk [tilespmem:v55+s2+$0x0], $0xffff  }
0xf8: {  	[tilespmem:$0x1EA10] =	vst v57;
	v57 =	vor.u32 $0x280, v52;
	v53 =	vld.idx.msk [tilespmem:v53+s2+$0x0], $0xffff  }
0xf9: {  	v18 =	vld [tilespmem:s22+$0x180];
	[tilespmem:$0x1EF60] =	vst v2;
	v2 =	vadd.s32 $0x4100, v42  }
0xfa: {  	v26 =	vld.idx.msk [tilespmem:v4+s2+$0x0], $0xffff;
	[tilespmem:$0x1EF70] =	vst v0;
	v0 =	vadd.s32 $0x4100, v41  }
0xfb: {  	v62 =	vld [tilespmem:$0x18180];
	[tilespmem:$0x1EF80] =	vst v1;
	v1 =	vadd.s32 $0x4100, v25  }
0xfc: {  	v61 =	vld [tilespmem:$0x18100];
	[tilespmem:$0x1EF50] =	vst v55;
	v55 =	vadd.s32 $0x4100, v43  }
0xfd: {  	v57 =	vld.idx.msk [tilespmem:v57+s2+$0x0], $0xffff;
	[tilespmem:$0x1EF90] =	vst v53;
	v53 =	vadd.s32 $0x4100, v24  }
0xfe: {  	v11 =	vor.u32 $0x180, v24;
	[tilespmem:$0x1E8B0] =	vst v32;
	v2 =	vld.idx.msk [tilespmem:v2+s2+$0x0], $0xffff  }
0xff: {  	[tilespmem:$0x1E8C0] =	vst v34;
	v0 =	vld.idx.msk [tilespmem:v0+s2+$0x0], $0xffff  }
0x100: {  	v14 =	vor.u32 $0x180, v23;
	[tilespmem:$0x1EA40] =	vst v62;
	v1 =	vld.idx.msk [tilespmem:v1+s2+$0x0], $0xffff  }
0x101: {  	[tilespmem:$0x1EA30] =	vst v61;
	v61 =	vor.u32 $0x280, v44;
	v55 =	vld.idx.msk [tilespmem:v55+s2+$0x0], $0xffff  }
0x102: {  	[tilespmem:$0x1EA50] =	vst v57;
	v57 =	vor.u32 $0x280, v45;
	v53 =	vld.idx.msk [tilespmem:v53+s2+$0x0], $0xffff  }
0x103: {  	v32 =	vld.idx.msk [tilespmem:v11+s2+$0x0], $0xffff;
	[tilespmem:$0x1EFB0] =	vst v2;
	v2 =	vadd.s32 $0x4100, v15  }
0x104: {  	v11 =	vld [tilespmem:s22+$0x0];
	[tilespmem:$0x1EFC0] =	vst v0;
	v0 =	vadd.s32 $0x4180, v52  }
0x105: {  	v34 =	vld.idx.msk [tilespmem:v14+s2+$0x0], $0xffff;
	[tilespmem:$0x1EFD0] =	vst v1;
	v1 =	vadd.s32 $0x4180, v51  }
0x106: {  	v62 =	vld.idx.msk [tilespmem:v61+s2+$0x0], $0xffff;
	[tilespmem:$0x1EFA0] =	vst v55;
	v55 =	vadd.s32 $0x4100, v23  }
0x107: {  	v57 =	vld.idx.msk [tilespmem:v57+s2+$0x0], $0xffff;
	[tilespmem:$0x1EFE0] =	vst v53;
	v53 =	vadd.s32 $0x4180, v44  }
0x108: {  	v2 =	vld.idx.msk [tilespmem:v2+s2+$0x0], $0xffff  }
0x109: {  	v0 =	vld.idx.msk [tilespmem:v0+s2+$0x0], $0xffff  }
0x10a: {  	[tilespmem:$0x1E930] =	vst v5;
	v1 =	vld.idx.msk [tilespmem:v1+s2+$0x0], $0xffff  }
0x10b: {  	v61 =	vor.u32 $0x280, v46;
	[tilespmem:$0x1EA70] =	vst v62;
	v55 =	vld.idx.msk [tilespmem:v55+s2+$0x0], $0xffff  }
0x10c: {  	[tilespmem:$0x1EAA0] =	vst v57;
	v57 =	vor.u32 $0x280, v42;
	v53 =	vld.idx.msk [tilespmem:v53+s2+$0x0], $0xffff  }
0x10d: {  	v14 =	vld [tilespmem:$0x18000];
	[tilespmem:$0x1F000] =	vst v2;
	v2 =	vadd.s32 $0x4180, v50  }
0x10e: {  	v5 =	vld [tilespmem:$0x18080];
	[tilespmem:$0x1F010] =	vst v0;
	v0 =	vadd.s32 $0x4180, v45  }
0x10f: {  	v35 =	vld.idx.msk [tilespmem:v52+s2+$0x0], $0xffff;
	[tilespmem:$0x1F020] =	vst v1;
	v1 =	vadd.s32 $0x4180, v49  }
0x110: {  	v62 =	vld.idx.msk [tilespmem:v61+s2+$0x0], $0xffff;
	[tilespmem:$0x1EFF0] =	vst v55;
	v55 =	vadd.s32 $0x4180, v48  }
0x111: {  	v57 =	vld.idx.msk [tilespmem:v57+s2+$0x0], $0xffff;
	[tilespmem:$0x1F030] =	vst v53;
	v53 =	vadd.s32 $0x4180, v46  }
0x112: {  	v2 =	vld.idx.msk [tilespmem:v2+s2+$0x0], $0xffff  }
0x113: {  	v0 =	vld.idx.msk [tilespmem:v0+s2+$0x0], $0xffff  }
0x114: {  	v1 =	vld.idx.msk [tilespmem:v1+s2+$0x0], $0xffff  }
0x115: {  	v61 =	vor.u32 $0x280, v25;
	[tilespmem:$0x1EAC0] =	vst v62;
	v55 =	vld.idx.msk [tilespmem:v55+s2+$0x0], $0xffff  }
0x116: {  	[tilespmem:$0x1EAF0] =	vst v57;
	v57 =	vor.u32 $0x280, v15;
	v53 =	vld.idx.msk [tilespmem:v53+s2+$0x0], $0xffff  }
0x117: {  	v27 =	vld.idx.msk [tilespmem:v51+s2+$0x0], $0xffff;
	[tilespmem:$0x1F050] =	vst v2;
	v2 =	vadd.s32 $0x4180, v43  }
0x118: {  	v29 =	vld.idx.msk [tilespmem:v45+s2+$0x0], $0xffff;
	[tilespmem:$0x1F060] =	vst v0;
	v0 =	vadd.s32 $0x4180, v42  }
0x119: {  	v33 =	vld.idx.msk [tilespmem:v24+s2+$0x0], $0xffff;
	[tilespmem:$0x1F070] =	vst v1;
	v1 =	vadd.s32 $0x4180, v41  }
0x11a: {  	v62 =	vld.idx.msk [tilespmem:v61+s2+$0x0], $0xffff;
	[tilespmem:$0x1F040] =	vst v55;
	v55 =	vadd.s32 $0x4180, v47  }
0x11b: {  	v57 =	vld.idx.msk [tilespmem:v57+s2+$0x0], $0xffff;
	[tilespmem:$0x1F080] =	vst v53;
	v53 =	vadd.s32 $0x4180, v25  }
0x11c: {  	v2 =	vld.idx.msk [tilespmem:v2+s2+$0x0], $0xffff  }
0x11d: {  	v4 =	vor.u32 $0x180, v42;
	v0 =	vld.idx.msk [tilespmem:v0+s2+$0x0], $0xffff  }
0x11e: {  	[tilespmem:$0x1E880] =	vst v26;
	v1 =	vld.idx.msk [tilespmem:v1+s2+$0x0], $0xffff  }
0x11f: {  	v61 =	vor.u32 $0x300, v51;
	[tilespmem:$0x1EB10] =	vst v62;
	v55 =	vld.idx.msk [tilespmem:v55+s2+$0x0], $0xffff  }
0x120: {  	[tilespmem:$0x1EB40] =	vst v57;
	v57 =	vor.u32 $0x300, v50;
	v53 =	vld.idx.msk [tilespmem:v53+s2+$0x0], $0xffff  }
0x121: {  	v31 =	vld.idx.msk [tilespmem:v43+s2+$0x0], $0xffff;
	[tilespmem:$0x1F0A0] =	vst v2;
	v2 =	vadd.s32 $0x4180, v23  }
0x122: {  	v26 =	vld.idx.msk [tilespmem:v4+s2+$0x0], $0xffff;
	[tilespmem:$0x1F0B0] =	vst v0;
	v0 =	vadd.s32 $0x4180, v15  }
0x123: {  	v4 =	vld.idx.msk [tilespmem:v47+s2+$0x0], $0xffff;
	[tilespmem:$0x1F0C0] =	vst v1;
	v1 =	vadd.s32 $0x4200, v52  }
0x124: {  	v62 =	vld.idx.msk [tilespmem:v61+s2+$0x0], $0xffff;
	[tilespmem:$0x1F090] =	vst v55;
	v55 =	vadd.s32 $0x4180, v24  }
0x125: {  	v57 =	vld.idx.msk [tilespmem:v57+s2+$0x0], $0xffff;
	[tilespmem:$0x1F0D0] =	vst v53;
	v53 =	vadd.s32 $0x4200, v51  }
0x126: {  	[tilespmem:$0x1E9A0] =	vst v32;
	v2 =	vld.idx.msk [tilespmem:v2+s2+$0x0], $0xffff  }
0x127: {  	[tilespmem:$0x1E9B0] =	vst v34;
	v0 =	vld.idx.msk [tilespmem:v0+s2+$0x0], $0xffff  }
0x128: {  	[tilespmem:$0x1E980] =	vst v28;
	v1 =	vld.idx.msk [tilespmem:v1+s2+$0x0], $0xffff  }
0x129: {  	v61 =	vor.u32 $0x300, v49;
	[tilespmem:$0x1EB60] =	vst v62;
	v55 =	vld.idx.msk [tilespmem:v55+s2+$0x0], $0xffff  }
0x12a: {  	[tilespmem:$0x1EB90] =	vst v57;
	v57 =	vor.u32 $0x300, v43;
	v53 =	vld.idx.msk [tilespmem:v53+s2+$0x0], $0xffff  }
0x12b: {  	v32 =	vld.idx.msk [tilespmem:v42+s2+$0x0], $0xffff;
	[tilespmem:$0x1F0F0] =	vst v2;
	v2 =	vadd.s32 $0x4200, v48  }
0x12c: {  	v34 =	vld.idx.msk [tilespmem:v25+s2+$0x0], $0xffff;
	[tilespmem:$0x1F100] =	vst v0;
	v0 =	vadd.s32 $0x4200, v50  }
0x12d: {  	v28 =	vld.idx.msk [tilespmem:v44+s2+$0x0], $0xffff;
	[tilespmem:$0x1F110] =	vst v1;
	v1 =	vadd.s32 $0x4200, v45  }
0x12e: {  	v62 =	vld.idx.msk [tilespmem:v61+s2+$0x0], $0xffff;
	[tilespmem:$0x1F0E0] =	vst v55;
	v55 =	vadd.s32 $0x4200, v44  }
0x12f: {  	v57 =	vld.idx.msk [tilespmem:v57+s2+$0x0], $0xffff;
	[tilespmem:$0x1F120] =	vst v53;
	v53 =	vadd.s32 $0x4200, v49  }
0x130: {  	v2 =	vld.idx.msk [tilespmem:v2+s2+$0x0], $0xffff  }
0x131: {  	[tilespmem:$0x1E970] =	vst v26;
	v0 =	vld.idx.msk [tilespmem:v0+s2+$0x0], $0xffff  }
0x132: {  	[tilespmem:$0x1E990] =	vst v30;
	v61 =	vor.u32 $0x300, v41;
	v1 =	vld.idx.msk [tilespmem:v1+s2+$0x0], $0xffff  }
0x133: {  	[tilespmem:$0x1EBB0] =	vst v62;
	v62 =	vor.u32 $0x300, v23;
	v55 =	vld.idx.msk [tilespmem:v55+s2+$0x0], $0xffff  }
0x134: {  	[tilespmem:$0x1EBE0] =	vst v57;
	v57 =	vor.u32 $0x300, v15;
	v53 =	vld.idx.msk [tilespmem:v53+s2+$0x0], $0xffff  }
0x135: {  	v26 =	vld.idx.msk [tilespmem:v23+s2+$0x0], $0xffff;
	[tilespmem:$0x1F140] =	vst v2;
	v2 =	vadd.s32 $0x4200, v47  }
0x136: {  	v30 =	vld.idx.msk [tilespmem:v49+s2+$0x0], $0xffff;
	[tilespmem:$0x1F150] =	vst v0;
	v0 =	vadd.s32 $0x4200, v43  }
0x137: {  	v61 =	vld.idx.msk [tilespmem:v61+s2+$0x0], $0xffff;
	[tilespmem:$0x1F160] =	vst v1;
	v1 =	vadd.s32 $0x4200, v42  }
0x138: {  	v62 =	vld.idx.msk [tilespmem:v62+s2+$0x0], $0xffff;
	[tilespmem:$0x1F130] =	vst v55  }
0x139: {  	v57 =	vld.idx.msk [tilespmem:v57+s2+$0x0], $0xffff;
	[tilespmem:$0x1F170] =	vst v53  }
0x13a: {  	v2 =	vld.idx.msk [tilespmem:v2+s2+$0x0], $0xffff  }
0x13b: {  	v0 =	vld.idx.msk [tilespmem:v0+s2+$0x0], $0xffff  }
0x13c: {  	v1 =	vld.idx.msk [tilespmem:v1+s2+$0x0], $0xffff;
	_ =	sdelay $0x2  }
0x13d: {  	[tilespmem:$0x1F190] =	vst v2;
	v2 =	vadd.s32 $0x4200, v24  }
0x13e: {  	[tilespmem:$0x1F1A0] =	vst v0;
	v0 =	vadd.s32 $0x4200, v23  }
0x13f: {  	[tilespmem:$0x1F1B0] =	vst v1;
	v1 =	vadd.s32 $0x4200, v15;
	_ =	sdelay $0x2  }
0x140: {  	v2 =	vld.idx.msk [tilespmem:v2+s2+$0x0], $0xffff  }
0x141: {  	v0 =	vld.idx.msk [tilespmem:v0+s2+$0x0], $0xffff  }
0x142: {  	v1 =	vld.idx.msk [tilespmem:v1+s2+$0x0], $0xffff;
	_ =	sdelay $0x2  }
0x143: {  	[tilespmem:$0x1F1E0] =	vst v2;
	v2 =	vadd.s32 $0x4280, v44  }
0x144: {  	[tilespmem:$0x1F1F0] =	vst v0;
	v0 =	vadd.s32 $0x4280, v48  }
0x145: {  	[tilespmem:$0x1F200] =	vst v1;
	v1 =	vadd.s32 $0x4280, v50;
	_ =	sdelay $0x2  }
0x146: {  	v2 =	vld.idx.msk [tilespmem:v2+s2+$0x0], $0xffff  }
0x147: {  	v0 =	vld.idx.msk [tilespmem:v0+s2+$0x0], $0xffff  }
0x148: {  	v1 =	vld.idx.msk [tilespmem:v1+s2+$0x0], $0xffff  }
0x149: {  	v55 =	vadd.s32 $0x4200, v46  }
0x14a: {  	v53 =	vadd.s32 $0x4200, v41  }
0x14b: {  	[tilespmem:$0x1F230] =	vst v2;
	v2 =	vadd.s32 $0x4280, v46  }
0x14c: {  	[tilespmem:$0x1F240] =	vst v0;
	v0 =	vadd.s32 $0x4280, v47  }
0x14d: {  	[tilespmem:$0x1F250] =	vst v1;
	v1 =	vadd.s32 $0x4280, v43  }
0x14e: {  	v55 =	vld.idx.msk [tilespmem:v55+s2+$0x0], $0xffff  }
0x14f: {  	v53 =	vld.idx.msk [tilespmem:v53+s2+$0x0], $0xffff  }
0x150: {  	v2 =	vld.idx.msk [tilespmem:v2+s2+$0x0], $0xffff  }
0x151: {  	v0 =	vld.idx.msk [tilespmem:v0+s2+$0x0], $0xffff  }
0x152: {  	v1 =	vld.idx.msk [tilespmem:v1+s2+$0x0], $0xffff  }
0x153: {  	[tilespmem:$0x1F180] =	vst v55;
	v55 =	vadd.s32 $0x4200, v25  }
0x154: {  	[tilespmem:$0x1F1C0] =	vst v53;
	v53 =	vadd.s32 $0x4280, v52  }
0x155: {  	[tilespmem:$0x1F280] =	vst v2;
	v2 =	vadd.s32 $0x4280, v25  }
0x156: {  	[tilespmem:$0x1F290] =	vst v0;
	v0 =	vadd.s32 $0x4280, v24  }
0x157: {  	[tilespmem:$0x1F2A0] =	vst v1;
	v1 =	vadd.s32 $0x4280, v23  }
0x158: {  	v55 =	vld.idx.msk [tilespmem:v55+s2+$0x0], $0xffff  }
0x159: {  	v53 =	vld.idx.msk [tilespmem:v53+s2+$0x0], $0xffff  }
0x15a: {  	v2 =	vld.idx.msk [tilespmem:v2+s2+$0x0], $0xffff  }
0x15b: {  	v0 =	vld.idx.msk [tilespmem:v0+s2+$0x0], $0xffff  }
0x15c: {  	v1 =	vld.idx.msk [tilespmem:v1+s2+$0x0], $0xffff  }
0x15d: {  	[tilespmem:$0x1F1D0] =	vst v55;
	v55 =	vadd.s32 $0x4280, v51  }
0x15e: {  	[tilespmem:$0x1F210] =	vst v53;
	v53 =	vadd.s32 $0x4280, v45  }
0x15f: {  	[tilespmem:$0x1F2D0] =	vst v2;
	v2 =	vadd.s32 $0x4300, v51  }
0x160: {  	[tilespmem:$0x1F2E0] =	vst v0;
	v0 =	vadd.s32 $0x4300, v44  }
0x161: {  	[tilespmem:$0x1F2F0] =	vst v1;
	v1 =	vadd.s32 $0x4300, v48  }
0x162: {  	v55 =	vld.idx.msk [tilespmem:v55+s2+$0x0], $0xffff  }
0x163: {  	v53 =	vld.idx.msk [tilespmem:v53+s2+$0x0], $0xffff  }
0x164: {  	v2 =	vld.idx.msk [tilespmem:v2+s2+$0x0], $0xffff  }
0x165: {  	v0 =	vld.idx.msk [tilespmem:v0+s2+$0x0], $0xffff  }
0x166: {  	v1 =	vld.idx.msk [tilespmem:v1+s2+$0x0], $0xffff  }
0x167: {  	[tilespmem:$0x1F220] =	vst v55;
	v55 =	vadd.s32 $0x4280, v49  }
0x168: {  	[tilespmem:$0x1F260] =	vst v53;
	v53 =	vadd.s32 $0x4280, v42  }
0x169: {  	[tilespmem:$0x1F320] =	vst v2;
	v2 =	vadd.s32 $0x4300, v49  }
0x16a: {  	[tilespmem:$0x1F330] =	vst v0;
	v0 =	vadd.s32 $0x4300, v46  }
0x16b: {  	[tilespmem:$0x1F340] =	vst v1;
	v1 =	vadd.s32 $0x4300, v47  }
0x16c: {  	v55 =	vld.idx.msk [tilespmem:v55+s2+$0x0], $0xffff  }
0x16d: {  	v53 =	vld.idx.msk [tilespmem:v53+s2+$0x0], $0xffff  }
0x16e: {  	v2 =	vld.idx.msk [tilespmem:v2+s2+$0x0], $0xffff  }
0x16f: {  	v0 =	vld.idx.msk [tilespmem:v0+s2+$0x0], $0xffff  }
0x170: {  	v1 =	vld.idx.msk [tilespmem:v1+s2+$0x0], $0xffff  }
0x171: {  	[tilespmem:$0x1F270] =	vst v55;
	v55 =	vadd.s32 $0x4280, v41  }
0x172: {  	[tilespmem:$0x1F2B0] =	vst v53;
	v53 =	vadd.s32 $0x4280, v15  }
0x173: {  	[tilespmem:$0x1F370] =	vst v2;
	v2 =	vadd.s32 $0x4300, v41  }
0x174: {  	[tilespmem:$0x1F380] =	vst v0;
	v0 =	vadd.s32 $0x4300, v25  }
0x175: {  	[tilespmem:$0x1F390] =	vst v1;
	v1 =	vadd.s32 $0x4300, v24  }
0x176: {  	v55 =	vld.idx.msk [tilespmem:v55+s2+$0x0], $0xffff  }
0x177: {  	v53 =	vld.idx.msk [tilespmem:v53+s2+$0x0], $0xffff  }
0x178: {  	v2 =	vld.idx.msk [tilespmem:v2+s2+$0x0], $0xffff  }
0x179: {  	v27 =	vadd.f32 v27, v35;
	v0 =	vld.idx.msk [tilespmem:v0+s2+$0x0], $0xffff  }
0x17a: {  	v35 =	vadd.f32 v31, v4;
	v21 =	vadd.f32 v21, v32;
	v1 =	vld.idx.msk [tilespmem:v1+s2+$0x0], $0xffff  }
0x17b: {  	v4 =	vadd.f32 v33, v34;
	v19 =	vadd.f32 v19, v28;
	v33 =	vld [tilespmem:$0x1E740];
	[tilespmem:$0x1F2C0] =	vst v55;
	v55 =	vadd.s32 $0x4300, v52  }
0x17c: {  	v28 =	vadd.f32 v29, v3;
	v20 =	vadd.f32 v20, v30;
	v34 =	vld [tilespmem:$0x1E750];
	[tilespmem:$0x1F300] =	vst v53;
	v53 =	vadd.s32 $0x4300, v50  }
0x17d: {  	v21 =	vadd.f32 v21, v35;
	v35 =	vld [tilespmem:$0x1E760];
	[tilespmem:$0x1F3C0] =	vst v2;
	v2 =	vadd.s32 $0x4380, v52  }
0x17e: {  	v20 =	vadd.f32 v20, v28;
	v28 =	vld [tilespmem:$0x1E770];
	[tilespmem:$0x1F3D0] =	vst v0;
	v0 =	vadd.s32 $0x4380, v51  }
0x17f: {  	v29 =	vld [tilespmem:$0x1E780];
	[tilespmem:$0x1F3E0] =	vst v1;
	v1 =	vadd.s32 $0x4380, v44  }
0x180: {  	v55 =	vld.idx.msk [tilespmem:v55+s2+$0x0], $0xffff  }
0x181: {  	v53 =	vld.idx.msk [tilespmem:v53+s2+$0x0], $0xffff  }
0x182: {  	v2 =	vld.idx.msk [tilespmem:v2+s2+$0x0], $0xffff  }
0x183: {  	v30 =	vadd.s32 $0x8080, v49;
	v0 =	vld.idx.msk [tilespmem:v0+s2+$0x0], $0xffff  }
0x184: {  	v1 =	vld.idx.msk [tilespmem:v1+s2+$0x0], $0xffff  }
0x185: {  	v31 =	vld [tilespmem:$0x1E790];
	[tilespmem:$0x1F310] =	vst v55;
	v55 =	vadd.s32 $0x4300, v45  }
0x186: {  	v32 =	vld [tilespmem:$0x1E7A0];
	[tilespmem:$0x1F350] =	vst v53;
	v53 =	vadd.s32 $0x4300, v43  }
0x187: {  	v19 =	vadd.f32 v19, v27;
	v27 =	vadd.f32 v34, v33;
	v33 =	vld [tilespmem:$0x1E7B0];
	[tilespmem:$0x1F410] =	vst v2;
	v2 =	vadd.s32 $0x4380, v45  }
0x188: {  	v34 =	vld.idx.msk [tilespmem:v30+s2+$0x0], $0xffff;
	[tilespmem:$0x1F420] =	vst v0;
	v0 =	vadd.s32 $0x4380, v49  }
0x189: {  	v28 =	vadd.f32 v28, v35;
	v35 =	vld [tilespmem:$0x1E7C0];
	[tilespmem:$0x1F430] =	vst v1;
	v1 =	vadd.s32 $0x4380, v46  }
0x18a: {  	v22 =	vadd.f32 v22, v26;
	v55 =	vld.idx.msk [tilespmem:v55+s2+$0x0], $0xffff  }
0x18b: {  	v58 =	vadd.f32 v54, v58;
	v53 =	vld.idx.msk [tilespmem:v53+s2+$0x0], $0xffff  }
0x18c: {  	v22 =	vadd.f32 v22, v4;
	v4 =	vadd.f32 v56, v59;
	v30 =	vadd.s32 $0x8080, v41;
	v2 =	vld.idx.msk [tilespmem:v2+s2+$0x0], $0xffff  }
0x18d: {  	v59 =	vadd.f32 v8, v12;
	v19 =	vadd.f32 v20, v19;
	v0 =	vld.idx.msk [tilespmem:v0+s2+$0x0], $0xffff  }
0x18e: {  	v29 =	vadd.f32 v31, v29;
	v31 =	vadd.f32 v33, v32;
	v1 =	vld.idx.msk [tilespmem:v1+s2+$0x0], $0xffff  }
0x18f: {  	v27 =	vadd.f32 v28, v27;
	v63 =	vadd.f32 v63, v35;
	[tilespmem:$0x1F360] =	vst v55;
	v55 =	vadd.s32 $0x4300, v42  }
0x190: {  	v32 =	vadd.f32 v22, v21;
	v28 =	vadd.f32 v31, v29;
	[tilespmem:$0x1F3A0] =	vst v53;
	v53 =	vadd.s32 $0x4300, v23  }
0x191: {  	v29 =	vadd.f32 v4, v63;
	v63 =	vadd.f32 v59, v58;
	v58 =	vld.idx.msk [tilespmem:v30+s2+$0x0], $0xffff;
	[tilespmem:$0x1F460] =	vst v2;
	v2 =	vadd.s32 $0x4380, v42  }
0x192: {  	v31 =	vld [tilespmem:$0x1E7D0];
	[tilespmem:$0x1F470] =	vst v0;
	v0 =	vadd.s32 $0x4380, v41  }
0x193: {  	v19 =	vadd.f32 v32, v19;
	v32 =	vld [tilespmem:$0x1E7E0];
	[tilespmem:$0x1F480] =	vst v1;
	v1 =	vadd.s32 $0x4380, v25  }
0x194: {  	v55 =	vld.idx.msk [tilespmem:v55+s2+$0x0], $0xffff  }
0x195: {  	v53 =	vld.idx.msk [tilespmem:v53+s2+$0x0], $0xffff  }
0x196: {  	v59 =	vadd.s32 $0x8100, v51;
	v2 =	vld.idx.msk [tilespmem:v2+s2+$0x0], $0xffff  }
0x197: {  	[tilespmem:$0x1F650] =	vst v34;
	v33 =	vadd.s32 $0x8100, v52;
	v34 =	vadd.f32 v28, v27;
	v35 =	vadd.f32 v63, v29;
	v0 =	vld.idx.msk [tilespmem:v0+s2+$0x0], $0xffff  }
0x198: {  	v1 =	vld.idx.msk [tilespmem:v1+s2+$0x0], $0xffff  }
0x199: {  	v30 =	vadd.f32 v35, v34;
	v34 =	vld [tilespmem:$0x1E800];
	[tilespmem:$0x1F3B0] =	vst v55;
	v55 =	vadd.s32 $0x4300, v15  }
0x19a: {  	v35 =	vld [tilespmem:$0x1E810];
	[tilespmem:$0x1F3F0] =	vst v53;
	v53 =	vadd.s32 $0x4380, v48  }
0x19b: {  	v22 =	vmul.f32 v14, v11;
	v19 =	vmul.f32 v19, v11;
	v11 =	vld.idx.msk [tilespmem:v59+s2+$0x0], $0xffff;
	[tilespmem:$0x1F4B0] =	vst v2;
	v2 =	vadd.s32 $0x4380, v15  }
0x19c: {  	v20 =	vmul.f32 v30, v16;
	v16 =	vmul.f32 v5, v16;
	v5 =	vld.idx.msk [tilespmem:v33+s2+$0x0], $0xffff;
	[tilespmem:$0x1F4C0] =	vst v0;
	v0 =	vadd.s32 $0x8000, v52  }
0x19d: {  	v33 =	vld [tilespmem:$0x1E7F0];
	[tilespmem:$0x1F4D0] =	vst v1;
	v1 =	vadd.s32 $0x8000, v51  }
0x19e: {  	v55 =	vld.idx.msk [tilespmem:v55+s2+$0x0], $0xffff  }
0x19f: {  	v53 =	vld.idx.msk [tilespmem:v53+s2+$0x0], $0xffff  }
0x1a0: {  	v2 =	vld.idx.msk [tilespmem:v2+s2+$0x0], $0xffff  }
0x1a1: {  	v0 =	vld.idx.msk [tilespmem:v0+s2+$0x0], $0xffff  }
0x1a2: {  	v1 =	vld.idx.msk [tilespmem:v1+s2+$0x0], $0xffff  }
0x1a3: {  	v59 =	vld [tilespmem:$0x1E820];
	[tilespmem:$0x1F400] =	vst v55;
	v55 =	vadd.s32 $0x4380, v50  }
0x1a4: {  	v27 =	vadd.f32 v32, v31;
	v31 =	vld [tilespmem:$0x1E850];
	[tilespmem:$0x1F440] =	vst v53;
	v53 =	vadd.s32 $0x4380, v47  }
0x1a5: {  	v32 =	vld [tilespmem:$0x1E860];
	[tilespmem:$0x1F500] =	vst v2;
	v2 =	vadd.s32 $0x8000, v50  }
0x1a6: {  	v28 =	vadd.f32 v34, v33;
	v33 =	vld [tilespmem:$0x1E870];
	[tilespmem:$0x1F510] =	vst v0;
	v0 =	vadd.s32 $0x8000, v45  }
0x1a7: {  	v34 =	vld [tilespmem:$0x1E880];
	[tilespmem:$0x1F520] =	vst v1;
	v1 =	vadd.s32 $0x8000, v49  }
0x1a8: {  	v26 =	vadd.s32 $0x8080, v46;
	v55 =	vld.idx.msk [tilespmem:v55+s2+$0x0], $0xffff  }
0x1a9: {  	v53 =	vld.idx.msk [tilespmem:v53+s2+$0x0], $0xffff  }
0x1aa: {  	v2 =	vld.idx.msk [tilespmem:v2+s2+$0x0], $0xffff  }
0x1ab: {  	v0 =	vld.idx.msk [tilespmem:v0+s2+$0x0], $0xffff  }
0x1ac: {  	v1 =	vld.idx.msk [tilespmem:v1+s2+$0x0], $0xffff  }
0x1ad: {  	v56 =	vld.idx.msk [tilespmem:v26+s2+$0x0], $0xffff;
	[tilespmem:$0x1F450] =	vst v55;
	v55 =	vadd.s32 $0x4380, v43  }
0x1ae: {  	v14 =	vld [tilespmem:$0x1E830];
	[tilespmem:$0x1F490] =	vst v53;
	v53 =	vadd.s32 $0x4380, v24  }
0x1af: {  	v30 =	vld [tilespmem:$0x1E840];
	[tilespmem:$0x1F550] =	vst v2;
	v2 =	vadd.s32 $0x8000, v43  }
0x1b0: {  	v29 =	vadd.f32 v59, v35;
	v35 =	vld [tilespmem:$0x1E890];
	[tilespmem:$0x1F560] =	vst v0;
	v0 =	vadd.s32 $0x8000, v42  }
0x1b1: {  	v31 =	vadd.f32 v32, v31;
	v32 =	vadd.f32 v34, v33;
	v33 =	vld [tilespmem:$0x1E8A0];
	[tilespmem:$0x1F570] =	vst v1;
	v1 =	vadd.s32 $0x8000, v41  }
0x1b2: {  	v55 =	vld.idx.msk [tilespmem:v55+s2+$0x0], $0xffff  }
0x1b3: {  	v26 =	vadd.s32 $0x8080, v25;
	v53 =	vld.idx.msk [tilespmem:v53+s2+$0x0], $0xffff  }
0x1b4: {  	v21 =	vadd.s32 $0x8100, v45;
	v2 =	vld.idx.msk [tilespmem:v2+s2+$0x0], $0xffff  }
0x1b5: {  	v0 =	vld.idx.msk [tilespmem:v0+s2+$0x0], $0xffff  }
0x1b6: {  	v1 =	vld.idx.msk [tilespmem:v1+s2+$0x0], $0xffff  }
0x1b7: {  	v30 =	vadd.f32 v30, v14;
	[tilespmem:$0x1F4A0] =	vst v55;
	v55 =	vadd.s32 $0x4380, v23  }
0x1b8: {  	v63 =	vld.idx.msk [tilespmem:v26+s2+$0x0], $0xffff;
	[tilespmem:$0x1F4E0] =	vst v53;
	v53 =	vadd.s32 $0x8000, v44  }
0x1b9: {  	v27 =	vadd.f32 v28, v27;
	v28 =	vadd.f32 v30, v29;
	v29 =	vld.idx.msk [tilespmem:v21+s2+$0x0], $0xffff;
	[tilespmem:$0x1F5A0] =	vst v2;
	v2 =	vadd.s32 $0x8000, v23  }
0x1ba: {  	v34 =	vld [tilespmem:$0x1E8B0];
	[tilespmem:$0x1F5B0] =	vst v0;
	v0 =	vadd.s32 $0x8000, v15  }
0x1bb: {  	v33 =	vadd.f32 v33, v35;
	v35 =	vld [tilespmem:$0x1E8C0];
	[tilespmem:$0x1F5C0] =	vst v1;
	v1 =	vadd.s32 $0x8080, v52  }
0x1bc: {  	v26 =	vadd.s32 $0x8100, v49;
	v55 =	vld.idx.msk [tilespmem:v55+s2+$0x0], $0xffff  }
0x1bd: {  	v53 =	vld.idx.msk [tilespmem:v53+s2+$0x0], $0xffff  }
0x1be: {  	v2 =	vld.idx.msk [tilespmem:v2+s2+$0x0], $0xffff  }
0x1bf: {  	v0 =	vld.idx.msk [tilespmem:v0+s2+$0x0], $0xffff  }
0x1c0: {  	v19 =	vadd.f32 $0.0e+00, v19;
	v21 =	vadd.s32 $0x8100, v42;
	[tilespmem:$0x1F6A0] =	vst v29;
	v1 =	vld.idx.msk [tilespmem:v1+s2+$0x0], $0xffff  }
0x1c1: {  	v30 =	vld.idx.msk [tilespmem:v26+s2+$0x0], $0xffff;
	[tilespmem:$0x1F4F0] =	vst v55;
	v55 =	vadd.s32 $0x8000, v48  }
0x1c2: {  	v19 =	vadd.f32 v20, v19;
	v20 =	vadd.f32 v28, v27;
	v27 =	vld [tilespmem:$0x1E8D0];
	[tilespmem:$0x1F530] =	vst v53;
	v53 =	vadd.s32 $0x8000, v46  }
0x1c3: {  	v28 =	vld [tilespmem:$0x1E8E0];
	[tilespmem:$0x1F5F0] =	vst v2;
	v2 =	vadd.s32 $0x8080, v48  }
0x1c4: {  	v29 =	vld [tilespmem:$0x1E8F0];
	[tilespmem:$0x1F600] =	vst v0;
	v0 =	vadd.s32 $0x8080, v50  }
0x1c5: {  	v34 =	vadd.f32 v35, v34;
	v35 =	vadd.f32 v32, v31;
	v31 =	vld.idx.msk [tilespmem:v21+s2+$0x0], $0xffff;
	[tilespmem:$0x1F610] =	vst v1;
	v1 =	vadd.s32 $0x8080, v45  }
0x1c6: {  	v55 =	vld.idx.msk [tilespmem:v55+s2+$0x0], $0xffff  }
0x1c7: {  	v26 =	vadd.s32 $0x8100, v41;
	v53 =	vld.idx.msk [tilespmem:v53+s2+$0x0], $0xffff  }
0x1c8: {  	v2 =	vld.idx.msk [tilespmem:v2+s2+$0x0], $0xffff  }
0x1c9: {  	[tilespmem:$0x1F6B0] =	vst v30;
	v0 =	vld.idx.msk [tilespmem:v0+s2+$0x0], $0xffff  }
0x1ca: {  	v21 =	vadd.s32 $0x8100, v15;
	[tilespmem:$0x1F6F0] =	vst v31;
	v1 =	vld.idx.msk [tilespmem:v1+s2+$0x0], $0xffff  }
0x1cb: {  	v30 =	vld [tilespmem:$0x1E900];
	[tilespmem:$0x1F540] =	vst v55;
	v55 =	vadd.s32 $0x8000, v47  }
0x1cc: {  	v26 =	vld.idx.msk [tilespmem:v26+s2+$0x0], $0xffff;
	[tilespmem:$0x1F580] =	vst v53;
	v53 =	vadd.s32 $0x8000, v25  }
0x1cd: {  	v32 =	vld [tilespmem:$0x1E910];
	[tilespmem:$0x1F620] =	vst v2;
	v2 =	vadd.s32 $0x8080, v47  }
0x1ce: {  	v31 =	vld [tilespmem:$0x1E950];
	[tilespmem:$0x1F630] =	vst v0;
	v0 =	vadd.s32 $0x8080, v43  }
0x1cf: {  	v21 =	vld.idx.msk [tilespmem:v21+s2+$0x0], $0xffff;
	[tilespmem:$0x1F640] =	vst v1;
	v1 =	vadd.s32 $0x8080, v42  }
0x1d0: {  	v4 =	vadd.s32 $0x8080, v15;
	v55 =	vld.idx.msk [tilespmem:v55+s2+$0x0], $0xffff  }
0x1d1: {  	v53 =	vld.idx.msk [tilespmem:v53+s2+$0x0], $0xffff  }
0x1d2: {  	v8 =	vld.idx.msk [tilespmem:v2+s2+$0x0], $0xffff  }
0x1d3: {  	v12 =	vld.idx.msk [tilespmem:v0+s2+$0x0], $0xffff  }
0x1d4: {  	v2 =	vadd.s32 $0x8080, v24;
	v54 =	vld.idx.msk [tilespmem:v1+s2+$0x0], $0xffff  }
0x1d5: {  	v0 =	vadd.s32 $0x8080, v23;
	v1 =	vld.idx.msk [tilespmem:v4+s2+$0x0], $0xffff  }
0x1d6: {  	v22 =	vadd.f32 $0.0e+00, v22;
	v4 =	vadd.f32 v34, v33;
	v33 =	vld [tilespmem:$0x1E920]  }
0x1d7: {  	v34 =	vld [tilespmem:$0x1E930]  }
0x1d8: {  	v16 =	vadd.f32 v16, v22;
	v22 =	vadd.f32 v4, v35;
	v35 =	vld [tilespmem:$0x1E940]  }
0x1d9: {  	[tilespmem:$0x1F590] =	vst v55;
	v55 =	vadd.s32 $0x8000, v24;
	v2 =	vld.idx.msk [tilespmem:v2+s2+$0x0], $0xffff  }
0x1da: {  	v27 =	vadd.f32 v28, v27;
	[tilespmem:$0x1F5D0] =	vst v53;
	v53 =	vadd.s32 $0x8080, v51;
	v0 =	vld.idx.msk [tilespmem:v0+s2+$0x0], $0xffff  }
0x1db: {  	v28 =	vadd.f32 v30, v29;
	v29 =	vadd.f32 v33, v32;
	v32 =	vld [tilespmem:$0x1E960]  }
0x1dc: {  	[tilespmem:$0x1F680] =	vst v1;
	v1 =	vadd.s32 $0x8100, v50;
	v33 =	vld [tilespmem:$0x1E970]  }
0x1dd: {  	v30 =	vadd.f32 v35, v34;
	v34 =	vld [tilespmem:$0x1E980]  }
0x1de: {  	v55 =	vld.idx.msk [tilespmem:v55+s2+$0x0], $0xffff  }
0x1df: {  	v53 =	vld.idx.msk [tilespmem:v53+s2+$0x0], $0xffff  }
0x1e0: {  	v35 =	vld [tilespmem:$0x1E990];
	[tilespmem:$0x1F660] =	vst v2;
	v2 =	vadd.s32 $0x8100, v44  }
0x1e1: {  	[tilespmem:$0x1F670] =	vst v0;
	v0 =	vadd.s32 $0x8100, v48;
	v1 =	vld.idx.msk [tilespmem:v1+s2+$0x0], $0xffff  }
0x1e2: {  	v31 =	vadd.f32 v32, v31;
	v32 =	vadd.f32 v34, v33;
	v33 =	vld [tilespmem:$0x1E9A0]  }
0x1e3: {  	[tilespmem:$0x1F700] =	vst v26;
	v26 =	vadd.s32 $0x8180, v52;
	v27 =	vadd.f32 v28, v27;
	v28 =	vadd.f32 v30, v29;
	v30 =	vld [tilespmem:$0x1E9D0]  }
0x1e4: {  	v34 =	vld [tilespmem:$0x1E9B0]  }
0x1e5: {  	v14 =	vld.idx.msk [tilespmem:v2+s2+$0x0], $0xffff;
	v2 =	vadd.s32 $0x8100, v46  }
0x1e6: {  	v59 =	vld.idx.msk [tilespmem:v0+s2+$0x0], $0xffff;
	[tilespmem:$0x1F690] =	vst v1;
	v1 =	vadd.s32 $0x8100, v43  }
0x1e7: {  	v0 =	vadd.s32 $0x8100, v47;
	v33 =	vadd.f32 v33, v35;
	v35 =	vld [tilespmem:$0x1E9C0]  }
0x1e8: {  	v20 =	vadd.f32 v22, v20;
	v22 =	vadd.f32 v28, v27;
	v28 =	vld.idx.msk [tilespmem:v26+s2+$0x0], $0xffff  }
0x1e9: {  	v29 =	vadd.f32 v32, v31;
	v31 =	vld [tilespmem:$0x1E9E0]  }
0x1ea: {  	[tilespmem:$0x1F5E0] =	vst v55;
	v55 =	vadd.s32 $0x8080, v44;
	v2 =	vld.idx.msk [tilespmem:v2+s2+$0x0], $0xffff  }
0x1eb: {  	v1 =	vld.idx.msk [tilespmem:v1+s2+$0x0], $0xffff  }
0x1ec: {  	v0 =	vld.idx.msk [tilespmem:v0+s2+$0x0], $0xffff;
	v4 =	vadd.f32 v35, v34  }
0x1ed: {  	v32 =	vld [tilespmem:$0x1E9F0]  }
0x1ee: {  	v39 =	vadd.f32 v37, v39;
	v26 =	vadd.s32 $0x8180, v45;
	[tilespmem:$0x1F750] =	vst v28;
	v35 =	vadd.f32 v4, v33;
	v33 =	vld [tilespmem:$0x1EA00]  }
0x1ef: {  	v55 =	vld.idx.msk [tilespmem:v55+s2+$0x0], $0xffff;
	v28 =	vadd.f32 v31, v30;
	v31 =	vadd.f32 v10, v13;
	[tilespmem:$0x1F6C0] =	vst v2;
	v2 =	vadd.s32 $0x8100, v25  }
0x1f0: {  	v13 =	vadd.f32 v36, v38;
	v34 =	vld [tilespmem:$0x1EA10];
	[tilespmem:$0x1F6E0] =	vst v1;
	v1 =	vadd.s32 $0x8100, v23;
	v27 =	vadd.f32 v35, v29  }
0x1f1: {  	[tilespmem:$0x1F6D0] =	vst v0;
	v0 =	vadd.s32 $0x8100, v24;
	v35 =	vld [tilespmem:$0x1EA20]  }
0x1f2: {  	v4 =	vadd.f32 v13, v39;
	v13 =	vadd.f32 v27, v22;
	v22 =	vld [tilespmem:s22+$0x200]  }
0x1f3: {  	v36 =	vadd.s32 $0x8180, v23;
	v29 =	vadd.f32 v33, v32;
	v32 =	vadd.f32 v6, v9;
	v9 =	vld.idx.msk [tilespmem:v26+s2+$0x0], $0xffff  }
0x1f4: {  	v20 =	vmul.f32 v20, v17;
	v2 =	vld.idx.msk [tilespmem:v2+s2+$0x0], $0xffff  }
0x1f5: {  	v1 =	vld.idx.msk [tilespmem:v1+s2+$0x0], $0xffff  }
0x1f6: {  	v19 =	vadd.f32 v20, v19;
	v0 =	vld.idx.msk [tilespmem:v0+s2+$0x0], $0xffff;
	v20 =	vmul.f32 v13, v18;
	v13 =	vadd.s32 $0x8200, v52  }
0x1f7: {  	v30 =	vadd.f32 v35, v34;
	v35 =	vadd.s32 $0x8180, v43;
	v34 =	vld [tilespmem:$0x1EA30]  }
0x1f8: {  	v28 =	vadd.f32 v29, v28;
	v29 =	vld.idx.msk [tilespmem:v36+s2+$0x0], $0xffff  }
0x1f9: {  	v36 =	vld [tilespmem:$0x1EAB0]  }
0x1fa: {  	v39 =	vadd.f32 v20, v19;
	v20 =	vld [tilespmem:$0x1EA40];
	[tilespmem:$0x1F730] =	vst v1;
	v1 =	vadd.s32 $0x8180, v48  }
0x1fb: {  	[tilespmem:$0x1F740] =	vst v21;
	v21 =	vadd.s32 $0x8180, v50;
	v13 =	vld.idx.msk [tilespmem:v13+s2+$0x0], $0xffff  }
0x1fc: {  	v35 =	vld.idx.msk [tilespmem:v35+s2+$0x0], $0xffff  }
0x1fd: {  	[tilespmem:$0x1F710] =	vst v2;
	v17 =	vmul.f32 v34, v17;
	v34 =	vld [tilespmem:$0x1EA90]  }
0x1fe: {  	v2 =	vadd.s32 $0x8180, v51;
	[tilespmem:$0x1F7D0] =	vst v29;
	v29 =	vld [tilespmem:$0x1EAF0]  }
0x1ff: {  	[tilespmem:$0x1F720] =	vst v0;
	v0 =	vadd.s32 $0x8180, v44;
	v6 =	vld.idx.msk [tilespmem:v1+s2+$0x0], $0xffff  }
0x200: {  	v1 =	vadd.f32 v40, v7;
	v7 =	vld.idx.msk [tilespmem:v21+s2+$0x0], $0xffff  }
0x201: {  	v21 =	vadd.s32 $0x8180, v47;
	v40 =	vadd.f32 v31, v30;
	v30 =	vld [tilespmem:$0x1EA50]  }
0x202: {  	v31 =	vld [tilespmem:$0x1EA60]  }
0x203: {  	v2 =	vld.idx.msk [tilespmem:v2+s2+$0x0], $0xffff  }
0x204: {  	v33 =	vadd.s32 $0x8180, v24;
	v18 =	vmul.f32 v20, v18;
	v16 =	vadd.f32 v17, v16;
	v0 =	vld.idx.msk [tilespmem:v0+s2+$0x0], $0xffff  }
0x205: {  	[tilespmem:$0x1F780] =	vst v35;
	v35 =	vld [tilespmem:$0x1EAA0];
	v1 =	vadd.f32 v1, v32  }
0x206: {  	v16 =	vadd.f32 v18, v16;
	v28 =	vadd.f32 v40, v28;
	v40 =	vld.idx.msk [tilespmem:v21+s2+$0x0], $0xffff  }
0x207: {  	v32 =	vadd.s32 $0x8180, v25;
	v1 =	vadd.f32 v4, v1;
	v18 =	vadd.f32 v31, v30;
	v30 =	vld [tilespmem:$0x1EB00]  }
0x208: {  	v31 =	vld [tilespmem:$0x1EB10]  }
0x209: {  	[tilespmem:$0x1F760] =	vst v2;
	v2 =	vadd.s32 $0x8180, v49;
	v1 =	vadd.f32 v1, v28;
	v28 =	vld.idx.msk [tilespmem:v33+s2+$0x0], $0xffff  }
0x20a: {  	[tilespmem:$0x1F770] =	vst v0;
	v0 =	vadd.s32 $0x8180, v46;
	v33 =	vld [tilespmem:$0x1EA80]  }
0x20b: {  	v26 =	vadd.f32 v35, v34;
	v34 =	vld [tilespmem:$0x1EB40]  }
0x20c: {  	v27 =	vld.idx.msk [tilespmem:v32+s2+$0x0], $0xffff  }
0x20d: {  	v32 =	vld [tilespmem:$0x1EA70]  }
0x20e: {  	v1 =	vmul.f32 v1, v22;
	v10 =	vld.idx.msk [tilespmem:v2+s2+$0x0], $0xffff;
	v2 =	vadd.s32 $0x8180, v42  }
0x20f: {  	v37 =	vld.idx.msk [tilespmem:v0+s2+$0x0], $0xffff  }
0x210: {  	v1 =	vadd.f32 v1, v39;
	v39 =	vld [tilespmem:$0x1EAD0]  }
0x211: {  	v0 =	vadd.s32 $0x8180, v41;
	v29 =	vadd.f32 v30, v29;
	v30 =	vld [tilespmem:$0x1EBA0]  }
0x212: {  	v17 =	vadd.s32 $0x8200, v48;
	v21 =	vadd.f32 v33, v32;
	v33 =	vld [tilespmem:$0x1EB30]  }
0x213: {  	v38 =	vadd.s32 $0x8180, v15;
	v2 =	vld.idx.msk [tilespmem:v2+s2+$0x0], $0xffff  }
0x214: {  	[tilespmem:$0x1F7C0] =	vst v28;
	v28 =	vld [tilespmem:$0x1EAE0]  }
0x215: {  	v20 =	vadd.s32 $0x8200, v44;
	v32 =	vld [tilespmem:$0x1EB20]  }
0x216: {  	v0 =	vld.idx.msk [tilespmem:v0+s2+$0x0], $0xffff  }
0x217: {  	v35 =	vadd.f32 v34, v33;
	v33 =	vld.idx.msk [tilespmem:v17+s2+$0x0], $0xffff  }
0x218: {  	v17 =	vadd.s32 $0x8200, v46;
	[tilespmem:$0x1F790] =	vst v2;
	v2 =	vld.idx.msk [tilespmem:v38+s2+$0x0], $0xffff  }
0x219: {  	v19 =	vadd.s32 $0x8200, v51;
	v38 =	vld [tilespmem:$0x1EAC0]  }
0x21a: {  	v28 =	vadd.f32 v28, v39;
	v39 =	vld.idx.msk [tilespmem:v20+s2+$0x0], $0xffff  }
0x21b: {  	v34 =	vld [tilespmem:$0x1EB50];
	[tilespmem:$0x1F7A0] =	vst v0;
	v0 =	vadd.s32 $0x8200, v45  }
0x21c: {  	[tilespmem:$0x1F7F0] =	vst v33;
	v33 =	vld [tilespmem:$0x1EBD0]  }
0x21d: {  	v4 =	vadd.f32 v57, v62;
	v57 =	vld.idx.msk [tilespmem:v17+s2+$0x0], $0xffff  }
0x21e: {  	[tilespmem:$0x1F7B0] =	vst v27;
	v27 =	vadd.f32 v38, v36;
	v38 =	vld.idx.msk [tilespmem:v19+s2+$0x0], $0xffff  }
0x21f: {  	v36 =	vld [tilespmem:$0x1EB70]  }
0x220: {  	v0 =	vld.idx.msk [tilespmem:v0+s2+$0x0], $0xffff  }
0x221: {  	v19 =	vadd.f32 v32, v31;
	v31 =	vld [tilespmem:$0x1EBB0]  }
0x222: {  	[tilespmem:$0x1F7E0] =	vst v2;
	v2 =	vadd.s32 $0x8200, v50;
	v32 =	vld [tilespmem:$0x1EBC0]  }
0x223: {  	v18 =	vadd.f32 v21, v18;
	v19 =	vadd.f32 v35, v19;
	v35 =	vld [tilespmem:$0x1EB60]  }
0x224: {  	v21 =	vadd.f32 v27, v26;
	v26 =	vadd.f32 v29, v28;
	v28 =	vld [tilespmem:$0x1EB80]  }
0x225: {  	v29 =	vld [tilespmem:$0x1EB90]  }
0x226: {  	v19 =	vadd.f32 v19, v26;
	v26 =	vld [tilespmem:$0x1EC50]  }
0x227: {  	v2 =	vld.idx.msk [tilespmem:v2+s2+$0x0], $0xffff  }
0x228: {  	[tilespmem:$0x1F810] =	vst v0;
	v0 =	vadd.s32 $0x8200, v43;
	v27 =	vadd.f32 v35, v34;
	v34 =	vld [tilespmem:$0x1EBE0]  }
0x229: {  	v20 =	vadd.s32 $0x8200, v49;
	v28 =	vadd.f32 v28, v36;
	v35 =	vld [tilespmem:$0x1EBF0]  }
0x22a: {  	v29 =	vadd.f32 v30, v29;
	v30 =	vadd.f32 v32, v31;
	v31 =	vld [tilespmem:$0x18200];
	v32 =	vadd.s32 $0x8200, v42  }
0x22b: {  	v36 =	vld [tilespmem:$0x1EC00]  }
0x22c: {  	v27 =	vadd.f32 v28, v27;
	v28 =	vadd.f32 v30, v29;
	v29 =	vld [tilespmem:$0x1EC80]  }
0x22d: {  	v17 =	vadd.s32 $0x8200, v25;
	v62 =	vld.idx.msk [tilespmem:v0+s2+$0x0], $0xffff  }
0x22e: {  	v33 =	vadd.f32 v34, v33;
	v34 =	vadd.f32 v61, v35;
	v61 =	vld.idx.msk [tilespmem:v20+s2+$0x0], $0xffff  }
0x22f: {  	v30 =	vld.idx.msk [tilespmem:v32+s2+$0x0], $0xffff  }
0x230: {  	[tilespmem:$0x1F800] =	vst v2;
	v2 =	vadd.s32 $0x8200, v47;
	v22 =	vmul.f32 v31, v22;
	v31 =	vadd.f32 v28, v27;
	v27 =	vld [tilespmem:$0x1EC60]  }
0x231: {  	v0 =	vadd.s32 $0x8200, v24;
	v35 =	vadd.f32 v60, v36;
	v28 =	vld [tilespmem:$0x1EC70]  }
0x232: {  	v34 =	vadd.f32 v34, v33;
	v33 =	vld.idx.msk [tilespmem:v17+s2+$0x0], $0xffff  }
0x233: {  	v36 =	vadd.f32 v4, v35;
	v35 =	vld [tilespmem:$0x1EC20]  }
0x234: {  	v20 =	vadd.s32 $0x8200, v41;
	v16 =	vadd.f32 v22, v16;
	v22 =	vld [tilespmem:$0x1EC40]  }
0x235: {  	v60 =	vld.idx.msk [tilespmem:v2+s2+$0x0], $0xffff  }
0x236: {  	v0 =	vld.idx.msk [tilespmem:v0+s2+$0x0], $0xffff  }
0x237: {  	v2 =	vadd.f32 v36, v34;
	v34 =	vld [tilespmem:$0x1EC10]  }
0x238: {  	v36 =	vld [tilespmem:$0x1EC30]  }
0x239: {  	v32 =	vld.idx.msk [tilespmem:v20+s2+$0x0], $0xffff  }
0x23a: {  	v20 =	vld [tilespmem:s22+$0x280]  }
0x23b: {  	v18 =	vadd.f32 v21, v18;
	[tilespmem:$0x1F820] =	vst v30;
	v30 =	vld [tilespmem:$0x1EC90]  }
0x23c: {  	v17 =	vadd.s32 $0x8200, v23;
	v26 =	vadd.f32 v27, v26;
	v27 =	vadd.f32 v29, v28;
	v29 =	vld [tilespmem:$0x18280]  }
0x23d: {  	v2 =	vadd.f32 v2, v31;
	v31 =	vld [tilespmem:$0x1ECA0]  }
0x23e: {  	v18 =	vadd.f32 v19, v18;
	[tilespmem:$0x1F840] =	vst v33;
	v33 =	vld [tilespmem:$0x1ECC0]  }
0x23f: {  	[tilespmem:$0x1F850] =	vst v0;
	v0 =	vadd.s32 $0x8280, v52;
	v19 =	vadd.f32 v35, v34;
	v22 =	vadd.f32 v22, v36;
	v34 =	vld [tilespmem:$0x1ECD0]  }
0x240: {  	[tilespmem:$0x1F830] =	vst v32;
	v32 =	vld [tilespmem:$0x1ECB0]  }
0x241: {  	v21 =	vadd.s32 $0x8200, v15;
	v19 =	vadd.f32 v22, v19;
	v22 =	vld.idx.msk [tilespmem:v17+s2+$0x0], $0xffff  }
0x242: {  	v35 =	vld [tilespmem:$0x1ECE0]  }
0x243: {  	v36 =	vld [tilespmem:$0x1ECF0];
	v17 =	vadd.s32 $0x8280, v48  }
0x244: {  	v0 =	vld.idx.msk [tilespmem:v0+s2+$0x0], $0xffff  }
0x245: {  	v28 =	vadd.f32 v31, v30;
	v31 =	vadd.f32 v33, v32;
	v33 =	vld [tilespmem:s22+$0x300]  }
0x246: {  	[tilespmem:$0x1F860] =	vst v22;
	v22 =	vadd.f32 v27, v26;
	v27 =	vld.idx.msk [tilespmem:v21+s2+$0x0], $0xffff;
	v21 =	vadd.s32 $0x8280, v50  }
0x247: {  	v18 =	vmul.f32 v18, v20;
	v29 =	vmul.f32 v29, v20;
	v32 =	vadd.f32 v35, v34;
	v35 =	vld [tilespmem:$0x1ED00]  }
0x248: {  	v17 =	vld.idx.msk [tilespmem:v17+s2+$0x0], $0xffff;
	v26 =	vadd.f32 v31, v28  }
0x249: {  	v30 =	vadd.s32 $0x8280, v51;
	v28 =	vadd.f32 v18, v1;
	v1 =	vadd.f32 v29, v16;
	v29 =	vld [tilespmem:$0x1ED60]  }
0x24a: {  	v31 =	vadd.f32 v22, v19;
	v22 =	vld [tilespmem:$0x1ED20]  }
0x24b: {  	v19 =	vld.idx.msk [tilespmem:v21+s2+$0x0], $0xffff  }
0x24c: {  	v34 =	vadd.s32 $0x8280, v44;
	v36 =	vadd.f32 v35, v36;
	v21 =	vld [tilespmem:$0x1ED10]  }
0x24d: {  	v2 =	vmul.f32 v2, v33;
	[tilespmem:$0x1F870] =	vst v27;
	v27 =	vld [tilespmem:$0x1ED40]  }
0x24e: {  	v36 =	vadd.f32 v36, v32;
	v32 =	vld.idx.msk [tilespmem:v30+s2+$0x0], $0xffff  }
0x24f: {  	[tilespmem:$0x1F880] =	vst v0;
	v0 =	vadd.f32 v2, v28;
	v28 =	vld [tilespmem:$0x1ED50]  }
0x250: {  	v30 =	vld [tilespmem:$0x1ED70]  }
0x251: {  	v35 =	vadd.f32 v36, v26;
	v36 =	vld.idx.msk [tilespmem:v34+s2+$0x0], $0xffff  }
0x252: {  	v26 =	vld [tilespmem:$0x1ED30]  }
0x253: {  	v34 =	vld [tilespmem:$0x1EDA0]  }
0x254: {  	[tilespmem:$0x1F8C0] =	vst v19;
	v19 =	vld [tilespmem:$0x18300]  }
0x255: {  	v2 =	vadd.f32 v35, v31;
	v31 =	vld [tilespmem:$0x1ED80]  }
0x256: {  	[tilespmem:$0x1F890] =	vst v32;
	v32 =	vld [tilespmem:$0x1ED90]  }
0x257: {  	v35 =	vld [tilespmem:$0x1EDB0]  }
0x258: {  	[tilespmem:$0x1F8A0] =	vst v36;
	v36 =	vld [tilespmem:$0x1EDC0]  }
0x259: {  	v20 =	vadd.s32 $0x8280, v45;
	v18 =	vadd.f32 v27, v26;
	v27 =	vld [tilespmem:s24+$0x0]  }
0x25a: {  	[tilespmem:$0x1F8B0] =	vst v17;
	v17 =	vadd.f32 v22, v21;
	v26 =	vadd.f32 v31, v30;
	v31 =	vld [tilespmem:$0x1EDD0]  }
0x25b: {  	v22 =	vadd.f32 v29, v28;
	v29 =	vadd.f32 v34, v32;
	v32 =	vld [tilespmem:$0x1EDE0]  }
0x25c: {  	v34 =	vld [tilespmem:$0x1EDF0]  }
0x25d: {  	v16 =	vadd.s32 $0x8280, v49;
	v30 =	vadd.f32 v36, v35;
	v35 =	vld [tilespmem:$0x1EE00]  }
0x25e: {  	v20 =	vld.idx.msk [tilespmem:v20+s2+$0x0], $0xffff  }
0x25f: {  	v19 =	vmul.f32 v19, v33;
	v33 =	vld [tilespmem:$0x1EE70];
	v2 =	vmul.f32 v2, v27  }
0x260: {  	v21 =	vadd.s32 $0x8280, v46;
	v17 =	vadd.f32 v18, v17;
	v18 =	vadd.f32 v26, v22;
	v22 =	vld [tilespmem:$0x18380]  }
0x261: {  	v26 =	vld [tilespmem:$0x1EE20];
	v0 =	vadd.f32 v2, v0;
	v2 =	vadd.s32 $0x8280, v23  }
0x262: {  	v31 =	vadd.f32 v32, v31;
	v32 =	vadd.s32 $0x8280, v41;
	v36 =	vadd.f32 v35, v34;
	v34 =	vld.idx.msk [tilespmem:v16+s2+$0x0], $0xffff  }
0x263: {  	[tilespmem:$0x1F8D0] =	vst v20;
	v20 =	vadd.s32 $0x8280, v43;
	v35 =	vadd.f32 v30, v29;
	v29 =	vld [tilespmem:$0x1EE40]  }
0x264: {  	v28 =	vadd.s32 $0x8280, v47;
	v30 =	vld [tilespmem:$0x1EE50]  }
0x265: {  	v16 =	vadd.s32 $0x8280, v42;
	v36 =	vadd.f32 v36, v31;
	v31 =	vld.idx.msk [tilespmem:v21+s2+$0x0], $0xffff  }
0x266: {  	v2 =	vld.idx.msk [tilespmem:v2+s2+$0x0], $0xffff  }
0x267: {  	v32 =	vld.idx.msk [tilespmem:v32+s2+$0x0], $0xffff  }
0x268: {  	v35 =	vadd.f32 v36, v35;
	v36 =	vld.idx.msk [tilespmem:v20+s2+$0x0], $0xffff  }
0x269: {  	[tilespmem:$0x1F8E0] =	vst v34;
	v34 =	vld.idx.msk [tilespmem:v28+s2+$0x0], $0xffff  }
0x26a: {  	v1 =	vadd.f32 v19, v1;
	v19 =	vld.idx.msk [tilespmem:v16+s2+$0x0], $0xffff  }
0x26b: {  	v17 =	vadd.f32 v18, v17;
	v16 =	vmul.f32 v22, v27;
	v22 =	vld [tilespmem:$0x1EE10]  }
0x26c: {  	v27 =	vld [tilespmem:$0x1EE30]  }
0x26d: {  	v28 =	vadd.s32 $0x8280, v25;
	v17 =	vadd.f32 v35, v17;
	v35 =	vld [tilespmem:$0x1EE90]  }
0x26e: {  	[tilespmem:$0x1F8F0] =	vst v31;
	v31 =	vld [tilespmem:$0x1EE60]  }
0x26f: {  	[tilespmem:$0x1F930] =	vst v32;
	v32 =	vld [tilespmem:$0x1EED0]  }
0x270: {  	[tilespmem:$0x1F910] =	vst v36;
	v36 =	vld [tilespmem:$0x1EEA0]  }
0x271: {  	[tilespmem:$0x1F900] =	vst v34;
	v34 =	vld [tilespmem:$0x1EE80]  }
0x272: {  	v28 =	vld.idx.msk [tilespmem:v28+s2+$0x0], $0xffff  }
0x273: {  	v20 =	vadd.s32 $0x8280, v24;
	v18 =	vadd.f32 v26, v22;
	v26 =	vadd.f32 v31, v30;
	v30 =	vld [tilespmem:$0x1EEB0]  }
0x274: {  	[tilespmem:$0x1F960] =	vst v2;
	v2 =	vadd.s32 $0x8300, v44;
	v31 =	vld [tilespmem:$0x1EEC0]  }
0x275: {  	v22 =	vadd.f32 v29, v27;
	v29 =	vadd.f32 v36, v35;
	v35 =	vld [tilespmem:$0x1EEF0]  }
0x276: {  	v21 =	vadd.s32 $0x8280, v15;
	v36 =	vld [tilespmem:$0x1EF00]  }
0x277: {  	[tilespmem:$0x1F920] =	vst v19;
	v19 =	vld [tilespmem:s22+$0x4000]  }
0x278: {  	v27 =	vadd.f32 v34, v33;
	v34 =	vld.idx.msk [tilespmem:v20+s2+$0x0], $0xffff  }
0x279: {  	v2 =	vld.idx.msk [tilespmem:v2+s2+$0x0], $0xffff;
	[tilespmem:$0x1F940] =	vst v28;
	v28 =	vadd.s32 $0x8300, v52  }
0x27a: {  	v33 =	vld [tilespmem:$0x1EEE0];
	v20 =	vadd.s32 $0x8300, v51;
	v30 =	vadd.f32 v31, v30  }
0x27b: {  	v4 =	vadd.f32 v36, v35;
	v36 =	vld.idx.msk [tilespmem:v21+s2+$0x0], $0xffff  }
0x27c: {  	v29 =	vadd.f32 v30, v29;
	v30 =	vld [tilespmem:$0x1EF30]  }
0x27d: {  	[tilespmem:$0x1F950] =	vst v34;
	v34 =	vld [tilespmem:$0x18400]  }
0x27e: {  	v21 =	vld.idx.msk [tilespmem:v28+s2+$0x0], $0xffff  }
0x27f: {  	v18 =	vadd.f32 v22, v18;
	v22 =	vld.idx.msk [tilespmem:v20+s2+$0x0], $0xffff  }
0x280: {  	v31 =	vadd.f32 v33, v32;
	v28 =	vld [tilespmem:$0x1EF10]  }
0x281: {  	v33 =	vadd.f32 v27, v26;
	v32 =	vld [tilespmem:$0x1EF50]  }
0x282: {  	v17 =	vmul.f32 v17, v19;
	v27 =	vadd.s32 $0x8300, v48;
	v35 =	vadd.f32 v4, v31;
	v31 =	vld [tilespmem:$0x1EF40]  }
0x283: {  	v1 =	vadd.f32 v16, v1;
	v16 =	vadd.f32 v33, v18;
	v33 =	vld [tilespmem:$0x1EF60]  }
0x284: {  	v0 =	vadd.f32 v17, v0;
	v17 =	vadd.f32 v35, v29;
	v29 =	vld [tilespmem:$0x1EF20]  }
0x285: {  	v35 =	vld [tilespmem:$0x1EF80]  }
0x286: {  	[tilespmem:$0x1F9A0] =	vst v2;
	v2 =	vmul.f32 v34, v19;
	v34 =	vld [tilespmem:$0x1EF70]  }
0x287: {  	v27 =	vld.idx.msk [tilespmem:v27+s2+$0x0], $0xffff  }
0x288: {  	[tilespmem:$0x1F980] =	vst v21;
	v21 =	vadd.f32 v31, v30;
	v30 =	vld [tilespmem:$0x1EFB0]  }
0x289: {  	v31 =	vld [tilespmem:$0x1EFC0]  }
0x28a: {  	v19 =	vadd.f32 v33, v32;
	v32 =	vld [tilespmem:$0x1EFD0]  }
0x28b: {  	v33 =	vld [tilespmem:$0x1EFE0]  }
0x28c: {  	v20 =	vadd.f32 v29, v28;
	v28 =	vld [tilespmem:$0x1EF90]  }
0x28d: {  	v18 =	vadd.s32 $0x8300, v50;
	v29 =	vld [tilespmem:$0x1EFA0]  }
0x28e: {  	[tilespmem:$0x1F970] =	vst v36;
	v36 =	vadd.f32 v35, v34;
	v34 =	vld [tilespmem:$0x1EFF0]  }
0x28f: {  	v35 =	vld [tilespmem:$0x1F000]  }
0x290: {  	[tilespmem:$0x1F990] =	vst v22;
	v22 =	vld [tilespmem:$0x1F030];
	v20 =	vadd.f32 v21, v20  }
0x291: {  	[tilespmem:$0x1F9B0] =	vst v27;
	v27 =	vadd.f32 v31, v30;
	v30 =	vadd.f32 v33, v32;
	v32 =	vld [tilespmem:$0x18480]  }
0x292: {  	v19 =	vadd.f32 v36, v19;
	v36 =	vld.idx.msk [tilespmem:v18+s2+$0x0], $0xffff;
	v26 =	vadd.f32 v29, v28;
	v29 =	vadd.s32 $0x8300, v45  }
0x293: {  	v33 =	vadd.s32 $0x8300, v49;
	v28 =	vld [tilespmem:s22+$0x4080]  }
0x294: {  	v18 =	vadd.s32 $0x8300, v46;
	v19 =	vadd.f32 v19, v20;
	v20 =	vld [tilespmem:$0x1F020];
	v31 =	vadd.f32 v35, v34  }
0x295: {  	v4 =	vadd.f32 v27, v26;
	v26 =	vld [tilespmem:s22+$0x4100]  }
0x296: {  	v30 =	vadd.f32 v31, v30;
	v31 =	vadd.f32 v17, v16;
	v16 =	vld [tilespmem:$0x18500]  }
0x297: {  	v35 =	vld.idx.msk [tilespmem:v29+s2+$0x0], $0xffff  }
0x298: {  	v27 =	vadd.s32 $0x8300, v47;
	[tilespmem:$0x1F9C0] =	vst v36;
	v36 =	vmul.f32 v32, v28;
	v32 =	vld.idx.msk [tilespmem:v33+s2+$0x0], $0xffff  }
0x299: {  	v33 =	vld.idx.msk [tilespmem:v18+s2+$0x0], $0xffff  }
0x29a: {  	v21 =	vadd.s32 $0x8300, v42;
	v29 =	vld [tilespmem:$0x1F050]  }
0x29b: {  	v17 =	vadd.s32 $0x8300, v43;
	v34 =	vadd.f32 v30, v4;
	v30 =	vld [tilespmem:$0x1F060]  }
0x29c: {  	v1 =	vadd.f32 v2, v1;
	v2 =	vmul.f32 v31, v28;
	v31 =	vld [tilespmem:$0x1F070]  }
0x29d: {  	v19 =	vadd.f32 v34, v19;
	v34 =	vld.idx.msk [tilespmem:v27+s2+$0x0], $0xffff  }
0x29e: {  	v28 =	vadd.s32 $0x8300, v41;
	v1 =	vadd.f32 v36, v1;
	v36 =	vld [tilespmem:$0x1F010]  }
0x29f: {  	v27 =	vld.idx.msk [tilespmem:v21+s2+$0x0], $0xffff  }
0x2a0: {  	[tilespmem:$0x1F9D0] =	vst v35;
	v35 =	vld.idx.msk [tilespmem:v17+s2+$0x0], $0xffff  }
0x2a1: {  	v16 =	vmul.f32 v16, v26;
	v19 =	vmul.f32 v19, v26;
	v26 =	vld [tilespmem:$0x1F040]  }
0x2a2: {  	v0 =	vadd.f32 v2, v0;
	v2 =	vadd.s32 $0x8300, v24;
	[tilespmem:$0x1F9E0] =	vst v32;
	v32 =	vld [tilespmem:$0x1F080]  }
0x2a3: {  	[tilespmem:$0x1F9F0] =	vst v33;
	v33 =	vld.idx.msk [tilespmem:v28+s2+$0x0], $0xffff  }
0x2a4: {  	v18 =	vadd.s32 $0x8300, v25;
	[tilespmem:$0x1FA00] =	vst v34;
	v34 =	vld [tilespmem:$0x1F090]  }
0x2a5: {  	[tilespmem:$0x1FA10] =	vst v35;
	v35 =	vld [tilespmem:$0x1F0A0]  }
0x2a6: {  	v20 =	vadd.f32 v20, v36;
	v36 =	vld [tilespmem:$0x1F0B0]  }
0x2a7: {  	v2 =	vld.idx.msk [tilespmem:v2+s2+$0x0], $0xffff  }
0x2a8: {  	v22 =	vadd.f32 v26, v22;
	v26 =	vadd.f32 v30, v29;
	v30 =	vld [tilespmem:$0x1F0C0]  }
0x2a9: {  	v28 =	vadd.s32 $0x8380, v52;
	[tilespmem:$0x1FA20] =	vst v27;
	v27 =	vadd.f32 v32, v31;
	v31 =	vld.idx.msk [tilespmem:v18+s2+$0x0], $0xffff  }
0x2aa: {  	v21 =	vadd.s32 $0x8300, v15;
	v29 =	vadd.f32 v35, v34;
	v34 =	vld [tilespmem:$0x1F0F0]  }
0x2ab: {  	v17 =	vadd.s32 $0x8300, v23;
	v35 =	vld [tilespmem:$0x1F100]  }
0x2ac: {  	v18 =	vadd.s32 $0x8380, v51;
	v32 =	vld [tilespmem:$0x1F0D0]  }
0x2ad: {  	[tilespmem:$0x1FA30] =	vst v33;
	v33 =	vld [tilespmem:$0x1F0E0]  }
0x2ae: {  	v28 =	vld.idx.msk [tilespmem:v28+s2+$0x0], $0xffff  }
0x2af: {  	v21 =	vld.idx.msk [tilespmem:v21+s2+$0x0], $0xffff;
	[tilespmem:$0x1FA50] =	vst v2;
	v2 =	vadd.s32 $0x8380, v44;
	v30 =	vadd.f32 v30, v36  }
0x2b0: {  	v36 =	vadd.f32 v35, v34;
	v34 =	vld.idx.msk [tilespmem:v17+s2+$0x0], $0xffff  }
0x2b1: {  	v17 =	vadd.s32 $0x8380, v48;
	v35 =	vadd.f32 v30, v29;
	v29 =	vld.idx.msk [tilespmem:v18+s2+$0x0], $0xffff  }
0x2b2: {  	[tilespmem:$0x1FA40] =	vst v31;
	v31 =	vadd.f32 v33, v32;
	v32 =	vld [tilespmem:$0x1F130]  }
0x2b3: {  	v20 =	vadd.f32 v22, v20;
	v33 =	vadd.f32 v27, v26;
	[tilespmem:$0x1FA80] =	vst v28;
	v28 =	vld [tilespmem:$0x1F180]  }
0x2b4: {  	v2 =	vld.idx.msk [tilespmem:v2+s2+$0x0], $0xffff  }
0x2b5: {  	v0 =	vadd.f32 v19, v0;
	v19 =	vadd.f32 v33, v20;
	v33 =	vld [tilespmem:$0x1F140]  }
0x2b6: {  	[tilespmem:$0x1FA90] =	vst v29;
	v29 =	vld.idx.msk [tilespmem:v17+s2+$0x0], $0xffff  }
0x2b7: {  	v30 =	vld [tilespmem:$0x1F110];
	v36 =	vadd.f32 v36, v31  }
0x2b8: {  	[tilespmem:$0x1FA70] =	vst v21;
	v31 =	vld [tilespmem:$0x1F120]  }
0x2b9: {  	[tilespmem:$0x1FAA0] =	vst v2;
	v20 =	vadd.f32 v36, v35;
	v35 =	vld [tilespmem:$0x1F160]  }
0x2ba: {  	v36 =	vld [tilespmem:$0x1F170];
	[tilespmem:$0x1FA60] =	vst v34  }
0x2bb: {  	v21 =	vadd.s32 $0x8380, v50;
	v34 =	vld [tilespmem:$0x1F150];
	[tilespmem:$0x1FAB0] =	vst v29  }
0x2bc: {  	v3 =	vld [tilespmem:$0x1F190]  }
0x2bd: {  	v22 =	vadd.f32 v31, v30;
	v30 =	vld [tilespmem:$0x1F1A0]  }
0x2be: {  	v31 =	vld [tilespmem:$0x1F1B0]  }
0x2bf: {  	v26 =	vadd.f32 v33, v32;
	v2 =	vadd.s32 $0x8380, v46;
	v32 =	vld [tilespmem:$0x1F1C0]  }
0x2c0: {  	v17 =	vadd.s32 $0x8380, v47;
	v33 =	vld.idx.msk [tilespmem:v21+s2+$0x0], $0xffff  }
0x2c1: {  	v27 =	vadd.f32 v35, v34;
	v34 =	vld [tilespmem:$0x1F1D0]  }
0x2c2: {  	v1 =	vadd.f32 v16, v1;
	v16 =	vadd.s32 $0x8380, v45;
	v35 =	vld [tilespmem:$0x1F1E0]  }
0x2c3: {  	v18 =	vadd.s32 $0x8380, v49;
	v28 =	vadd.f32 v28, v36;
	v36 =	vld [tilespmem:$0x1F1F0]  }
0x2c4: {  	v2 =	vld.idx.msk [tilespmem:v2+s2+$0x0], $0xffff  }
0x2c5: {  	v22 =	vadd.f32 v26, v22;
	v26 =	vld.idx.msk [tilespmem:v17+s2+$0x0], $0xffff  }
0x2c6: {  	v29 =	vadd.f32 v30, v3;
	v30 =	vadd.f32 v32, v31;
	v31 =	vld [tilespmem:$0x1F200]  }
0x2c7: {  	v32 =	vld.idx.msk [tilespmem:v16+s2+$0x0], $0xffff  }
0x2c8: {  	v21 =	vadd.f32 v35, v34;
	v35 =	vld.idx.msk [tilespmem:v18+s2+$0x0], $0xffff  }
0x2c9: {  	v34 =	vadd.f32 v28, v27;
	v27 =	vld [tilespmem:$0x1F210]  }
0x2ca: {  	[tilespmem:$0x1FAC0] =	vst v33;
	v33 =	vadd.s32 $0x8380, v43;
	v28 =	vld [tilespmem:$0x1F220]  }
0x2cb: {  	[tilespmem:$0x1FAF0] =	vst v2;
	v2 =	vadd.f32 v20, v19;
	v19 =	vadd.f32 v34, v22;
	v34 =	vld [tilespmem:$0x1F270]  }
0x2cc: {  	v31 =	vadd.f32 v31, v36;
	v36 =	vadd.f32 v30, v29;
	v29 =	vld [tilespmem:$0x1F230]  }
0x2cd: {  	v30 =	vld [tilespmem:$0x1F240]  }
0x2ce: {  	[tilespmem:$0x1FAD0] =	vst v32;
	v32 =	vld [tilespmem:$0x1F260]  }
0x2cf: {  	v18 =	vadd.s32 $0x8380, v42;
	v33 =	vld.idx.msk [tilespmem:v33+s2+$0x0], $0xffff  }
0x2d0: {  	[tilespmem:$0x1FAE0] =	vst v35;
	v35 =	vld [tilespmem:$0x1F280]  }
0x2d1: {  	v20 =	vadd.f32 v28, v27;
	v28 =	vld [tilespmem:$0x1F2A0];
	v21 =	vadd.f32 v31, v21  }
0x2d2: {  	v31 =	vld [tilespmem:$0x1F250]  }
0x2d3: {  	v17 =	vadd.f32 v21, v36;
	v36 =	vld [tilespmem:$0x1F290]  }
0x2d4: {  	[tilespmem:$0x1FB00] =	vst v26;
	v26 =	vadd.f32 v30, v29;
	v29 =	vld.idx.msk [tilespmem:v18+s2+$0x0], $0xffff  }
0x2d5: {  	v30 =	vld [tilespmem:$0x1F2B0]  }
0x2d6: {  	[tilespmem:$0x1FB10] =	vst v33;
	v33 =	vld [tilespmem:$0x1F2E0]  }
0x2d7: {  	v16 =	vadd.f32 v35, v34;
	v34 =	vld [tilespmem:$0x1F2F0]  }
0x2d8: {  	v35 =	vld [tilespmem:$0x1F300]  }
0x2d9: {  	v22 =	vadd.s32 $0x8380, v41;
	v27 =	vadd.f32 v32, v31;
	v31 =	vld [tilespmem:$0x1F2C0]  }
0x2da: {  	v32 =	vld [tilespmem:$0x1F2D0]  }
0x2db: {  	v8 =	vadd.f32 v12, v8;
	v12 =	vadd.f32 v58, v54;
	v54 =	vld [tilespmem:$0x1F670]  }
0x2dc: {  	v21 =	vld [tilespmem:s22+$0x4180];
	v20 =	vadd.f32 v26, v20  }
0x2dd: {  	v26 =	vld [tilespmem:s22+$0x4200];
	v28 =	vadd.f32 v28, v36;
	v16 =	vadd.f32 v16, v27  }
0x2de: {  	v27 =	vld.idx.msk [tilespmem:v22+s2+$0x0], $0xffff;
	v36 =	vadd.f32 v35, v34;
	v35 =	vadd.s32 $0x8380, v15;
	v18 =	vadd.f32 v31, v30  }
0x2df: {  	[tilespmem:$0x1FB20] =	vst v29;
	v29 =	vadd.f32 v33, v32;
	v30 =	vld [tilespmem:$0x18580];
	v31 =	vadd.s32 $0x8380, v25  }
0x2e0: {  	v33 =	vadd.s32 $0x8380, v24;
	v18 =	vadd.f32 v18, v28;
	v28 =	vld [tilespmem:$0x18600]  }
0x2e1: {  	v22 =	vadd.s32 $0x8380, v23;
	v34 =	vadd.f32 v36, v29;
	v36 =	vadd.f32 v17, v19;
	v17 =	vld [tilespmem:s22+$0x4280]  }
0x2e2: {  	v16 =	vadd.f32 v16, v20;
	v20 =	vadd.s32 $0xC000, v51;
	v29 =	vld [tilespmem:$0x1F330]  }
0x2e3: {  	v35 =	vld.idx.msk [tilespmem:v35+s2+$0x0], $0xffff  }
0x2e4: {  	[tilespmem:$0x1FB30] =	vst v27;
	v19 =	vadd.s32 $0xC000, v52;
	v27 =	vld.idx.msk [tilespmem:v31+s2+$0x0], $0xffff  }
0x2e5: {  	v32 =	vadd.s32 $0xC000, v44;
	v31 =	vld.idx.msk [tilespmem:v33+s2+$0x0], $0xffff  }
0x2e6: {  	v33 =	vld.idx.msk [tilespmem:v22+s2+$0x0], $0xffff  }
0x2e7: {  	v22 =	vld.idx.msk [tilespmem:v20+s2+$0x0], $0xffff  }
0x2e8: {  	v2 =	vmul.f32 v2, v21;
	v21 =	vmul.f32 v30, v21;
	v30 =	vld [tilespmem:$0x1F340]  }
0x2e9: {  	v19 =	vld.idx.msk [tilespmem:v19+s2+$0x0], $0xffff  }
0x2ea: {  	v0 =	vadd.f32 v2, v0;
	v2 =	vmul.f32 v36, v26;
	v36 =	vmul.f32 v28, v26;
	v26 =	vld.idx.msk [tilespmem:v32+s2+$0x0], $0xffff  }
0x2eb: {  	v18 =	vadd.f32 v34, v18;
	v34 =	vadd.s32 $0xC000, v48;
	v28 =	vld [tilespmem:$0x1F320]  }
0x2ec: {  	v1 =	vadd.f32 v21, v1;
	v32 =	vld [tilespmem:$0x1F350]  }
0x2ed: {  	[tilespmem:$0x1FB70] =	vst v35;
	v35 =	vld [tilespmem:$0x1F380]  }
0x2ee: {  	v1 =	vadd.f32 v36, v1;
	v36 =	vld [tilespmem:$0x1F390]  }
0x2ef: {  	[tilespmem:$0x1FB40] =	vst v27;
	v27 =	vld [tilespmem:$0x1F310]  }
0x2f0: {  	v0 =	vadd.f32 v2, v0;
	v2 =	vadd.s32 $0xC000, v50;
	[tilespmem:$0x1FB50] =	vst v31;
	v31 =	vld.idx.msk [tilespmem:v34+s2+$0x0], $0xffff  }
0x2f1: {  	[tilespmem:$0x1FB60] =	vst v33;
	v33 =	vld [tilespmem:$0x1F360]  }
0x2f2: {  	v34 =	vld [tilespmem:$0x1F370]  }
0x2f3: {  	[tilespmem:$0x1FB90] =	vst v22;
	v22 =	vadd.f32 v30, v29;
	v29 =	vld [tilespmem:$0x1F3B0]  }
0x2f4: {  	v30 =	vld [tilespmem:$0x1F3C0]  }
0x2f5: {  	v2 =	vld.idx.msk [tilespmem:v2+s2+$0x0], $0xffff  }
0x2f6: {  	v16 =	vadd.f32 v18, v16;
	[tilespmem:$0x1FB80] =	vst v19;
	v21 =	vadd.f32 v28, v27;
	v28 =	vld [tilespmem:$0x1F3A0]  }
0x2f7: {  	v19 =	vadd.s32 $0xC000, v45;
	[tilespmem:$0x1FBA0] =	vst v26;
	v26 =	vadd.f32 v33, v32;
	v32 =	vld [tilespmem:$0x1F3D0]  }
0x2f8: {  	v16 =	vmul.f32 v16, v17;
	v33 =	vld [tilespmem:$0x1F3E0]  }
0x2f9: {  	v20 =	vadd.s32 $0xC000, v49;
	v27 =	vadd.f32 v35, v34;
	v34 =	vld [tilespmem:$0x1F3F0]  }
0x2fa: {  	v0 =	vadd.f32 v16, v0;
	v16 =	vadd.s32 $0xC000, v46;
	v35 =	vld [tilespmem:$0x1F400]  }
0x2fb: {  	v18 =	vadd.s32 $0xC000, v47;
	v29 =	vadd.f32 v30, v29;
	v30 =	vld [tilespmem:$0x1F450]  }
0x2fc: {  	[tilespmem:$0x1FBB0] =	vst v31;
	v31 =	vld.idx.msk [tilespmem:v19+s2+$0x0], $0xffff  }
0x2fd: {  	[tilespmem:$0x1FBC0] =	vst v2;
	v2 =	vadd.s32 $0xC000, v43;
	v21 =	vadd.f32 v22, v21;
	v22 =	vadd.f32 v27, v26;
	v27 =	vld [tilespmem:$0x1F420]  }
0x2fe: {  	v19 =	vadd.f32 v33, v32;
	v33 =	vld.idx.msk [tilespmem:v20+s2+$0x0], $0xffff  }
0x2ff: {  	v28 =	vadd.f32 v28, v36;
	v36 =	vadd.f32 v35, v34;
	v34 =	vld.idx.msk [tilespmem:v16+s2+$0x0], $0xffff  }
0x300: {  	v35 =	vld.idx.msk [tilespmem:v18+s2+$0x0], $0xffff  }
0x301: {  	v32 =	vld [tilespmem:$0x1F470]  }
0x302: {  	v2 =	vld.idx.msk [tilespmem:v2+s2+$0x0], $0xffff  }
0x303: {  	v19 =	vadd.f32 v36, v19;
	v36 =	vld [tilespmem:$0x1F410]  }
0x304: {  	v26 =	vadd.f32 v29, v28;
	v28 =	vld [tilespmem:$0x1F430]  }
0x305: {  	v29 =	vld [tilespmem:$0x1F440]  }
0x306: {  	[tilespmem:$0x1FBD0] =	vst v31;
	v31 =	vld [tilespmem:$0x1F460]  }
0x307: {  	v16 =	vadd.s32 $0xC000, v41;
	[tilespmem:$0x1FBE0] =	vst v33;
	v33 =	vld [tilespmem:$0x1F480]  }
0x308: {  	[tilespmem:$0x1FBF0] =	vst v34;
	v34 =	vld [tilespmem:$0x1F490]  }
0x309: {  	[tilespmem:$0x1FC00] =	vst v35;
	v35 =	vld [tilespmem:$0x1F4A0]  }
0x30a: {  	v3 =	vld [tilespmem:$0x1F4F0];
	v20 =	vadd.s32 $0xC000, v42  }
0x30b: {  	v4 =	vld [tilespmem:$0x1FB20]  }
0x30c: {  	v16 =	vld.idx.msk [tilespmem:v16+s2+$0x0], $0xffff;
	[tilespmem:$0x1FC10] =	vst v2;
	v2 =	vadd.s32 $0xC000, v24;
	v27 =	vadd.f32 v27, v36  }
0x30d: {  	v18 =	vadd.s32 $0xC000, v25;
	v28 =	vadd.f32 v29, v28;
	v29 =	vadd.f32 v31, v30;
	v36 =	vld [tilespmem:$0x1F4B0]  }
0x30e: {  	v30 =	vadd.f32 v33, v32;
	v33 =	vadd.f32 v35, v34;
	v34 =	vld [tilespmem:$0x1F4C0]  }
0x30f: {  	v35 =	vld.idx.msk [tilespmem:v20+s2+$0x0], $0xffff  }
0x310: {  	v31 =	vld [tilespmem:$0x18680]  }
0x311: {  	v2 =	vld.idx.msk [tilespmem:v2+s2+$0x0], $0xffff  }
0x312: {  	v27 =	vadd.f32 v28, v27;
	v28 =	vadd.f32 v30, v29;
	v30 =	vld.idx.msk [tilespmem:v18+s2+$0x0], $0xffff  }
0x313: {  	v32 =	vadd.s32 $0xC000, v23;
	v34 =	vadd.f32 v34, v36;
	v36 =	vld [tilespmem:$0x1F4D0]  }
0x314: {  	[tilespmem:$0x1FC20] =	vst v35;
	v35 =	vld [tilespmem:$0x1F4E0]  }
0x315: {  	v17 =	vmul.f32 v31, v17;
	v31 =	vld [tilespmem:$0x1F510]  }
0x316: {  	v20 =	vadd.s32 $0xC000, v15;
	v29 =	vld [tilespmem:$0x1F590]  }
0x317: {  	v28 =	vadd.f32 v28, v27;
	v27 =	vld [tilespmem:$0x1F570]  }
0x318: {  	v19 =	vadd.f32 v19, v26;
	v26 =	vld.idx.msk [tilespmem:v32+s2+$0x0], $0xffff  }
0x319: {  	v35 =	vadd.f32 v35, v36;
	v36 =	vld [tilespmem:$0x1F500]  }
0x31a: {  	v32 =	vld [tilespmem:$0x1F520]  }
0x31b: {  	[tilespmem:$0x1FC40] =	vst v30;
	v30 =	vld.idx.msk [tilespmem:v20+s2+$0x0], $0xffff  }
0x31c: {  	[tilespmem:$0x1FC50] =	vst v2;
	v2 =	vadd.s32 $0xC080, v51;
	v20 =	vld [tilespmem:s22+$0x4300]  }
0x31d: {  	v21 =	vadd.f32 v22, v21;
	v34 =	vadd.f32 v34, v33;
	v33 =	vld [tilespmem:$0x1F530]  }
0x31e: {  	v1 =	vadd.f32 v17, v1;
	[tilespmem:$0x1FC60] =	vst v26;
	v26 =	vld [tilespmem:$0x1F560];
	v36 =	vadd.f32 v36, v3  }
0x31f: {  	[tilespmem:$0x1FC30] =	vst v16;
	v16 =	vadd.s32 $0xC080, v52;
	v17 =	vadd.f32 v19, v21;
	v19 =	vadd.f32 v32, v31;
	v31 =	vld [tilespmem:$0x1F5B0]  }
0x320: {  	v32 =	vld [tilespmem:$0x1F5C0];
	v36 =	vadd.f32 v36, v35  }
0x321: {  	v2 =	vld.idx.msk [tilespmem:v2+s2+$0x0], $0xffff  }
0x322: {  	v18 =	vadd.f32 v36, v34;
	v34 =	vld [tilespmem:$0x1F540]  }
0x323: {  	[tilespmem:$0x1FC70] =	vst v30;
	v30 =	vld [tilespmem:$0x1F5A0]  }
0x324: {  	v36 =	vld.idx.msk [tilespmem:v16+s2+$0x0], $0xffff;
	v16 =	vadd.s32 $0xC080, v44  }
0x325: {  	v35 =	vld [tilespmem:$0x1F550]  }
0x326: {  	v18 =	vadd.f32 v18, v28;
	v28 =	vld [tilespmem:$0x1F580]  }
0x327: {  	v22 =	vadd.f32 v34, v33;
	v33 =	vld [tilespmem:$0x1F5D0]  }
0x328: {  	v34 =	vld [tilespmem:$0x1F5E0]  }
0x329: {  	v21 =	vadd.s32 $0xC080, v48;
	v19 =	vadd.f32 v22, v19;
	v22 =	vld.idx.msk [tilespmem:v16+s2+$0x0], $0xffff  }
0x32a: {  	v3 =	vld [tilespmem:$0x1F5F0];
	v26 =	vadd.f32 v26, v35;
	v16 =	vadd.s32 $0xC080, v46  }
0x32b: {  	v35 =	vld [tilespmem:$0x1F600];
	v27 =	vadd.f32 v28, v27;
	v28 =	vadd.f32 v30, v29;
	v30 =	vadd.s32 $0xC080, v45  }
0x32c: {  	v29 =	vld [tilespmem:$0x18700]  }
0x32d: {  	v31 =	vadd.f32 v32, v31;
	v32 =	vadd.f32 v34, v33;
	v33 =	vld [tilespmem:s23+$0x0]  }
0x32e: {  	v34 =	vadd.s32 $0xC080, v49;
	[tilespmem:$0x1FC90] =	vst v22;
	v22 =	vadd.f32 v27, v26;
	v27 =	vld.idx.msk [tilespmem:v21+s2+$0x0], $0xffff  }
0x32f: {  	[tilespmem:$0x1FC80] =	vst v2;
	v2 =	vadd.s32 $0xC080, v50;
	v26 =	vadd.f32 v31, v28;
	v28 =	vld.idx.msk [tilespmem:v16+s2+$0x0], $0xffff  }
0x330: {  	v21 =	vadd.s32 $0xC080, v47;
	v31 =	vadd.f32 v22, v19;
	v22 =	vld.idx.msk [tilespmem:v30+s2+$0x0], $0xffff  }
0x331: {  	v30 =	vld [tilespmem:$0x1F610]  }
0x332: {  	v35 =	vadd.f32 v35, v3;
	v19 =	vld [tilespmem:$0x18780]  }
0x333: {  	v29 =	vmul.f32 v29, v20;
	v34 =	vld.idx.msk [tilespmem:v34+s2+$0x0], $0xffff  }
0x334: {  	v17 =	vmul.f32 v17, v20;
	[tilespmem:$0x1FCA0] =	vst v27;
	v27 =	vadd.f32 v35, v32;
	v35 =	vld.idx.msk [tilespmem:v2+s2+$0x0], $0xffff  }
0x335: {  	v1 =	vadd.f32 v29, v1;
	v29 =	vld.idx.msk [tilespmem:v21+s2+$0x0], $0xffff  }
0x336: {  	v0 =	vadd.f32 v17, v0;
	v32 =	vld [tilespmem:$0x1F630]  }
0x337: {  	v2 =	vadd.s32 $0xC080, v42;
	v27 =	vadd.f32 v27, v26;
	v17 =	vadd.f32 v53, v30;
	v53 =	vld [tilespmem:$0x1F640]  }
0x338: {  	v18 =	vmul.f32 v18, v33;
	v19 =	vmul.f32 v19, v33;
	v33 =	vld [tilespmem:$0x1F710]  }
0x339: {  	v16 =	vadd.f32 v27, v31;
	v31 =	vld [tilespmem:$0x1F620]  }
0x33a: {  	v27 =	vld [tilespmem:s22+$0x8000]  }
0x33b: {  	v20 =	vadd.s32 $0xC080, v43;
	v1 =	vadd.f32 v19, v1;
	v19 =	vld [tilespmem:s22+$0x8080]  }
0x33c: {  	v2 =	vld.idx.msk [tilespmem:v2+s2+$0x0], $0xffff  }
0x33d: {  	[tilespmem:$0x1FCD0] =	vst v29;
	v29 =	vld [tilespmem:$0x1F6E0]  }
0x33e: {  	[tilespmem:$0x1FCB0] =	vst v22;
	v22 =	vadd.f32 v53, v32;
	v32 =	vld [tilespmem:$0x1F660]  }
0x33f: {  	v0 =	vadd.f32 v18, v0;
	v18 =	vadd.f32 v31, v55;
	v55 =	vld [tilespmem:$0x1F650]  }
0x340: {  	v21 =	vadd.s32 $0xC080, v41;
	v31 =	vld.idx.msk [tilespmem:v20+s2+$0x0], $0xffff  }
0x341: {  	[tilespmem:$0x1FCF0] =	vst v2;
	v2 =	vadd.s32 $0xC080, v23;
	v17 =	vadd.f32 v18, v17;
	v18 =	vadd.f32 v11, v5;
	v11 =	vld [tilespmem:$0x1F6C0]  }
0x342: {  	v5 =	vld [tilespmem:$0x1FB30]  }
0x343: {  	v53 =	vadd.f32 v32, v63;
	v63 =	vld [tilespmem:$0x18800]  }
0x344: {  	v26 =	vadd.f32 v56, v55;
	v55 =	vld [tilespmem:$0x1F680]  }
0x345: {  	[tilespmem:$0x1FCE0] =	vst v31;
	v31 =	vld.idx.msk [tilespmem:v21+s2+$0x0], $0xffff  }
0x346: {  	[tilespmem:$0x1FCC0] =	vst v28;
	v28 =	vadd.s32 $0xC080, v25;
	v2 =	vld.idx.msk [tilespmem:v2+s2+$0x0], $0xffff  }
0x347: {  	v16 =	vmul.f32 v16, v27;
	v58 =	vadd.f32 v26, v22;
	v22 =	vadd.f32 v59, v14;
	v59 =	vld [tilespmem:$0x1F690]  }
0x348: {  	v20 =	vadd.s32 $0xC080, v24;
	v14 =	vld [tilespmem:$0x1F6D0]  }
0x349: {  	v0 =	vadd.f32 v16, v0;
	v16 =	vmul.f32 v63, v27;
	v63 =	vld [tilespmem:$0x1F6A0];
	v18 =	vadd.f32 v22, v18  }
0x34a: {  	v32 =	vadd.s32 $0xC080, v15;
	v22 =	vadd.f32 v37, v10;
	v37 =	vld [tilespmem:$0x1F790];
	v56 =	vadd.f32 v55, v54  }
0x34b: {  	[tilespmem:$0x1FD00] =	vst v31;
	v31 =	vld [tilespmem:$0x1F6F0]  }
0x34c: {  	v8 =	vadd.f32 v12, v8;
	v12 =	vadd.f32 v56, v53;
	v53 =	vld.idx.msk [tilespmem:v28+s2+$0x0], $0xffff  }
0x34d: {  	v56 =	vld.idx.msk [tilespmem:v20+s2+$0x0], $0xffff  }
0x34e: {  	v17 =	vadd.f32 v58, v17;
	v58 =	vadd.s32 $0xC100, v51;
	v29 =	vadd.f32 v29, v14;
	v14 =	vld [tilespmem:$0x18880]  }
0x34f: {  	v26 =	vadd.f32 v63, v59;
	v63 =	vld.idx.msk [tilespmem:v32+s2+$0x0], $0xffff  }
0x350: {  	v54 =	vadd.s32 $0xC100, v52;
	v32 =	vld [tilespmem:$0x1F700]  }
0x351: {  	[tilespmem:$0x1FD30] =	vst v2;
	v2 =	vadd.s32 $0xC100, v44;
	v59 =	vld [tilespmem:$0x1F740];
	v55 =	vadd.f32 v12, v8  }
0x352: {  	v8 =	vld [tilespmem:$0x1F6B0]  }
0x353: {  	v28 =	vadd.s32 $0xC100, v50;
	v17 =	vadd.f32 v55, v17;
	v55 =	vld.idx.msk [tilespmem:v58+s2+$0x0], $0xffff  }
0x354: {  	v58 =	vld [tilespmem:$0x1F730]  }
0x355: {  	v30 =	vld.idx.msk [tilespmem:v54+s2+$0x0], $0xffff  }
0x356: {  	v2 =	vld.idx.msk [tilespmem:v2+s2+$0x0], $0xffff;
	[tilespmem:$0x1FD10] =	vst v53  }
0x357: {  	[tilespmem:$0x1FD20] =	vst v56;
	v53 =	vld [tilespmem:$0x1F720];
	v56 =	vadd.s32 $0xC100, v45  }
0x358: {  	[tilespmem:$0x1FD50] =	vst v55;
	v55 =	vld.idx.msk [tilespmem:v28+s2+$0x0], $0xffff  }
0x359: {  	v21 =	vadd.s32 $0xC100, v48;
	v12 =	vadd.f32 v11, v8;
	v8 =	vadd.f32 v59, v58;
	v58 =	vld [tilespmem:$0x1F750]  }
0x35a: {  	v59 =	vld [tilespmem:$0x1F760]  }
0x35b: {  	v11 =	vadd.s32 $0xC100, v49;
	v12 =	vadd.f32 v12, v26;
	v28 =	vld [tilespmem:s22+$0x8100]  }
0x35c: {  	v54 =	vadd.f32 v53, v33;
	v56 =	vld.idx.msk [tilespmem:v56+s2+$0x0], $0xffff  }
0x35d: {  	v1 =	vadd.f32 v16, v1;
	v16 =	vadd.f32 v12, v18;
	v12 =	vld [tilespmem:$0x1F780]  }
0x35e: {  	v53 =	vadd.f32 v8, v54;
	v54 =	vld.idx.msk [tilespmem:v21+s2+$0x0], $0xffff  }
0x35f: {  	[tilespmem:$0x1FD40] =	vst v30;
	v33 =	vadd.s32 $0xC100, v46;
	v8 =	vld [tilespmem:$0x1F770]  }
0x360: {  	v30 =	vadd.f32 v32, v31;
	[tilespmem:$0x1FD60] =	vst v2;
	v2 =	vld.idx.msk [tilespmem:v11+s2+$0x0], $0xffff  }
0x361: {  	[tilespmem:$0x1FD80] =	vst v55;
	v55 =	vld [tilespmem:$0x1F7C0]  }
0x362: {  	v17 =	vmul.f32 v17, v19;
	v29 =	vadd.f32 v30, v29;
	v20 =	vadd.f32 v59, v58;
	v58 =	vld [tilespmem:$0x1F7D0]  }
0x363: {  	v10 =	vadd.s32 $0xC100, v42;
	v59 =	vld [tilespmem:$0x1F7E0]  }
0x364: {  	v0 =	vadd.f32 v17, v0;
	v17 =	vadd.f32 v53, v29;
	v29 =	vadd.s32 $0xC100, v43;
	v11 =	vld.idx.msk [tilespmem:v33+s2+$0x0], $0xffff  }
0x365: {  	[tilespmem:$0x1FDA0] =	vst v2;
	v2 =	vmul.f32 v14, v19;
	v14 =	vadd.f32 v12, v40;
	v40 =	vld [tilespmem:$0x1F7A0]  }
0x366: {  	v18 =	vadd.s32 $0xC100, v47;
	[tilespmem:$0x1FD70] =	vst v54;
	v54 =	vld [tilespmem:$0x1F7B0]  }
0x367: {  	v19 =	vadd.f32 v9, v7;
	v9 =	vld [tilespmem:$0x18900]  }
0x368: {  	v21 =	vadd.f32 v6, v8;
	v7 =	vld.idx.msk [tilespmem:v10+s2+$0x0], $0xffff  }
0x369: {  	v8 =	vadd.f32 v59, v58;
	v58 =	vld.idx.msk [tilespmem:v29+s2+$0x0], $0xffff  }
0x36a: {  	v20 =	vadd.f32 v21, v20;
	v19 =	vadd.f32 v22, v19;
	v29 =	vld [tilespmem:$0x1FAA0]  }
0x36b: {  	v12 =	vadd.s32 $0xC100, v41;
	[tilespmem:$0x1FDB0] =	vst v11;
	v11 =	vld.idx.msk [tilespmem:v18+s2+$0x0], $0xffff  }
0x36c: {  	v19 =	vadd.f32 v19, v20;
	v20 =	vadd.f32 v38, v13;
	v13 =	vld [tilespmem:$0x1F7F0]  }
0x36d: {  	v38 =	vld [tilespmem:$0x1F800]  }
0x36e: {  	[tilespmem:$0x1FD90] =	vst v56;
	v53 =	vadd.f32 v40, v37;
	v56 =	vadd.f32 v55, v54;
	v37 =	vld [tilespmem:s22+$0x8180]  }
0x36f: {  	v40 =	vadd.s32 $0xC100, v25;
	v54 =	vld [tilespmem:$0x18980]  }
0x370: {  	v6 =	vmul.f32 v9, v28;
	v9 =	vld.idx.msk [tilespmem:v12+s2+$0x0], $0xffff;
	v14 =	vadd.f32 v53, v14;
	v31 =	vadd.f32 v8, v56  }
0x371: {  	v55 =	vadd.s32 $0xC100, v24;
	v53 =	vadd.f32 v17, v16;
	[tilespmem:$0x1FDD0] =	vst v58;
	v58 =	vld [tilespmem:$0x1F830]  }
0x372: {  	v10 =	vadd.s32 $0xC180, v52;
	v56 =	vadd.f32 v31, v14;
	v14 =	vadd.f32 v13, v39;
	v39 =	vld [tilespmem:$0x1F810]  }
0x373: {  	v1 =	vadd.f32 v2, v1;
	v2 =	vmul.f32 v53, v28;
	v53 =	vadd.f32 v57, v61;
	v57 =	vld [tilespmem:$0x1F820]  }
0x374: {  	v31 =	vld [tilespmem:$0x1FAB0]  }
0x375: {  	v8 =	vadd.s32 $0xC100, v15;
	[tilespmem:$0x1FDC0] =	vst v11;
	v11 =	vld.idx.msk [tilespmem:v40+s2+$0x0], $0xffff  }
0x376: {  	v12 =	vld.idx.msk [tilespmem:v55+s2+$0x0], $0xffff  }
0x377: {  	v17 =	vadd.s32 $0xC180, v44;
	v19 =	vadd.f32 v56, v19;
	v56 =	vadd.f32 v62, v60;
	v60 =	vld.idx.msk [tilespmem:v10+s2+$0x0], $0xffff  }
0x378: {  	v59 =	vadd.s32 $0xC100, v23;
	v62 =	vld [tilespmem:$0x1F840]  }
0x379: {  	v21 =	vadd.s32 $0xC180, v48;
	v10 =	vld [tilespmem:$0x1F860]  }
0x37a: {  	v16 =	vmul.f32 v54, v37;
	v54 =	vld.idx.msk [tilespmem:v8+s2+$0x0], $0xffff  }
0x37b: {  	v8 =	vld [tilespmem:$0x1F850]  }
0x37c: {  	v27 =	vld.idx.msk [tilespmem:v17+s2+$0x0], $0xffff  }
0x37d: {  	v19 =	vmul.f32 v19, v37;
	v37 =	vld.idx.msk [tilespmem:v59+s2+$0x0], $0xffff  }
0x37e: {  	v0 =	vadd.f32 v2, v0;
	v2 =	vadd.s32 $0xC180, v51;
	v40 =	vadd.f32 v39, v38;
	v39 =	vld.idx.msk [tilespmem:v21+s2+$0x0], $0xffff  }
0x37f: {  	v55 =	vadd.s32 $0xC180, v50;
	v59 =	vadd.f32 v58, v57;
	v57 =	vld [tilespmem:$0x1F8A0]  }
0x380: {  	v58 =	vld [tilespmem:$0x1F8B0]  }
0x381: {  	v32 =	vadd.f32 v31, v29;
	v29 =	vld [tilespmem:$0x1FC00]  }
0x382: {  	v61 =	vadd.s32 $0xC180, v45;
	[tilespmem:$0x1FE00] =	vst v11;
	v11 =	vld [tilespmem:$0x1F870]  }
0x383: {  	v2 =	vld.idx.msk [tilespmem:v2+s2+$0x0], $0xffff  }
0x384: {  	v20 =	vadd.f32 v14, v20;
	v14 =	vadd.f32 v53, v40;
	v53 =	vld.idx.msk [tilespmem:v55+s2+$0x0], $0xffff  }
0x385: {  	v1 =	vadd.f32 v6, v1;
	v55 =	vld [tilespmem:$0x1F880]  }
0x386: {  	[tilespmem:$0x1FE40] =	vst v60;
	v60 =	vld [tilespmem:$0x1F8D0]  }
0x387: {  	v1 =	vadd.f32 v16, v1;
	v16 =	vadd.s32 $0xC180, v43;
	[tilespmem:$0x1FE30] =	vst v54;
	v54 =	vld.idx.msk [tilespmem:v61+s2+$0x0], $0xffff  }
0x388: {  	v33 =	vadd.s32 $0xC180, v46;
	[tilespmem:$0x1FDF0] =	vst v9;
	v9 =	vadd.f32 v8, v62;
	v62 =	vld [tilespmem:$0x1F8E0]  }
0x389: {  	v8 =	vld [tilespmem:$0x1F8F0]  }
0x38a: {  	v13 =	vadd.s32 $0xC180, v49;
	[tilespmem:$0x1FE20] =	vst v37;
	v37 =	vadd.f32 v59, v56;
	v56 =	vld [tilespmem:$0x1F890]  }
0x38b: {  	v59 =	vld [tilespmem:$0x1F8C0]  }
0x38c: {  	v40 =	vadd.s32 $0xC180, v47;
	v26 =	vadd.f32 v58, v57;
	v58 =	vld.idx.msk [tilespmem:v16+s2+$0x0], $0xffff  }
0x38d: {  	[tilespmem:$0x1FE10] =	vst v12;
	v12 =	vadd.f32 v11, v10;
	v10 =	vld.idx.msk [tilespmem:v33+s2+$0x0], $0xffff  }
0x38e: {  	v33 =	vld [tilespmem:$0x1F920]  }
0x38f: {  	[tilespmem:$0x1FE50] =	vst v2;
	v2 =	vld.idx.msk [tilespmem:v13+s2+$0x0], $0xffff  }
0x390: {  	v13 =	vld [tilespmem:$0x1F910]  }
0x391: {  	[tilespmem:$0x1FE70] =	vst v39;
	v39 =	vld.idx.msk [tilespmem:v40+s2+$0x0], $0xffff  }
0x392: {  	v40 =	vld [tilespmem:$0x1F940]  }
0x393: {  	[tilespmem:$0x1FE80] =	vst v53;
	v53 =	vld [tilespmem:$0x1F950]  }
0x394: {  	v18 =	vadd.s32 $0xC180, v42;
	v38 =	vadd.f32 v12, v9;
	v12 =	vld [tilespmem:$0x1F900]  }
0x395: {  	v0 =	vadd.f32 v19, v0;
	v11 =	vadd.s32 $0xC180, v25;
	v22 =	vadd.f32 v56, v55;
	v55 =	vld [tilespmem:$0x1F960]  }
0x396: {  	v19 =	vadd.f32 v14, v20;
	v9 =	vadd.f32 v8, v62;
	v56 =	vld [tilespmem:$0x1F970]  }
0x397: {  	v61 =	vadd.f32 v60, v59;
	v20 =	vadd.f32 v38, v37;
	v37 =	vld [tilespmem:$0x1F930]  }
0x398: {  	[tilespmem:$0x1FED0] =	vst v58;
	v58 =	vld [tilespmem:$0x1FA20]  }
0x399: {  	v60 =	vadd.f32 v9, v61;
	v61 =	vld.idx.msk [tilespmem:v18+s2+$0x0], $0xffff  }
0x39a: {  	v9 =	vld.idx.msk [tilespmem:v11+s2+$0x0], $0xffff  }
0x39b: {  	[tilespmem:$0x1FEB0] =	vst v10;
	v10 =	vld [tilespmem:$0x1F980]  }
0x39c: {  	v11 =	vld [tilespmem:$0x1F990]  }
0x39d: {  	v22 =	vadd.f32 v26, v22;
	v26 =	vld [tilespmem:$0x1FA80]  }
0x39e: {  	[tilespmem:$0x1FEC0] =	vst v39;
	v39 =	vld [tilespmem:$0x1F9E0]  }
0x39f: {  	[tilespmem:$0x1FE90] =	vst v54;
	v54 =	vadd.f32 v53, v40;
	v40 =	vld [tilespmem:$0x1F9F0]  }
0x3a0: {  	v14 =	vadd.f32 v13, v12;
	v12 =	vld [tilespmem:$0x1F9A0]  }
0x3a1: {  	v62 =	vadd.s32 $0xC180, v23;
	v13 =	vld [tilespmem:$0x1F9B0]  }
0x3a2: {  	v57 =	vadd.f32 v56, v55;
	v55 =	vld [tilespmem:$0x1FA10]  }
0x3a3: {  	v38 =	vadd.f32 v37, v33;
	v33 =	vld [tilespmem:$0x1F9C0]  }
0x3a4: {  	v37 =	vld [tilespmem:$0x1F9D0]  }
0x3a5: {  	[tilespmem:$0x1FEA0] =	vst v2;
	v2 =	vadd.s32 $0xC180, v41;
	v21 =	vadd.f32 v57, v54;
	v54 =	vld [tilespmem:$0x1FA00]  }
0x3a6: {  	v59 =	vadd.s32 $0xC180, v24;
	v57 =	vld.idx.msk [tilespmem:v62+s2+$0x0], $0xffff  }
0x3a7: {  	[tilespmem:$0x1FEE0] =	vst v61;
	v61 =	vld [tilespmem:$0x1FA40]  }
0x3a8: {  	v62 =	vld [tilespmem:$0x1FA50]  }
0x3a9: {  	[tilespmem:$0x1FF00] =	vst v9;
	v9 =	vld [tilespmem:$0x18A00]  }
0x3aa: {  	v2 =	vld.idx.msk [tilespmem:v2+s2+$0x0], $0xffff  }
0x3ab: {  	v8 =	vadd.f32 v38, v14;
	v38 =	vld.idx.msk [tilespmem:v59+s2+$0x0], $0xffff  }
0x3ac: {  	v59 =	vld [tilespmem:$0x1FA30]  }
0x3ad: {  	v53 =	vadd.f32 v40, v39;
	v39 =	vadd.s32 $0xC200, v44;
	v14 =	vadd.f32 v13, v12;
	v12 =	vld [tilespmem:$0x1FA70]  }
0x3ae: {  	v17 =	vadd.f32 v21, v8;
	v21 =	vld [tilespmem:s22+$0x8200]  }
0x3af: {  	[tilespmem:$0x1FE60] =	vst v27;
	v27 =	vadd.f32 v37, v33;
	v33 =	vld [tilespmem:$0x1FAC0]  }
0x3b0: {  	[tilespmem:$0x1FEF0] =	vst v2;
	v2 =	vadd.f32 v20, v19;
	v20 =	vadd.f32 v11, v10;
	v11 =	vld [tilespmem:$0x1FA60]  }
0x3b1: {  	v16 =	vadd.f32 v53, v27;
	v53 =	vld [tilespmem:$0x18A80]  }
0x3b2: {  	v8 =	vadd.f32 v62, v61;
	v61 =	vld.idx.msk [tilespmem:v39+s2+$0x0], $0xffff  }
0x3b3: {  	v37 =	vadd.s32 $0xC200, v51;
	v27 =	vld [tilespmem:$0x1FA90]  }
0x3b4: {  	v19 =	vadd.f32 v60, v22;
	v39 =	vld [tilespmem:$0x1FAE0]  }
0x3b5: {  	v56 =	vadd.f32 v55, v54;
	v54 =	vadd.s32 $0xC200, v48;
	v20 =	vadd.f32 v14, v20;
	v14 =	vld [tilespmem:s22+$0x8280]  }
0x3b6: {  	[tilespmem:$0x1FDE0] =	vst v7;
	v7 =	vadd.s32 $0xC200, v47;
	v55 =	vadd.f32 v17, v19;
	v17 =	vld [tilespmem:s22+$0x8300]  }
0x3b7: {  	v2 =	vmul.f32 v2, v21;
	v21 =	vmul.f32 v9, v21;
	v9 =	vld [tilespmem:$0x1FB60]  }
0x3b8: {  	v60 =	vadd.f32 v59, v58;
	v59 =	vld.idx.msk [tilespmem:v37+s2+$0x0], $0xffff  }
0x3b9: {  	v22 =	vadd.s32 $0xC180, v15;
	v37 =	vld [tilespmem:$0x1FAD0]  }
0x3ba: {  	v10 =	vadd.s32 $0xC200, v52;
	v6 =	vld.idx.msk [tilespmem:v54+s2+$0x0], $0xffff  }
0x3bb: {  	v54 =	vld.idx.msk [tilespmem:v7+s2+$0x0], $0xffff  }
0x3bc: {  	v18 =	vadd.f32 v60, v56;
	v56 =	vadd.s32 $0xC200, v50;
	v7 =	vld [tilespmem:$0x1FB50]  }
0x3bd: {  	v58 =	vadd.s32 $0xC200, v45;
	v16 =	vadd.f32 v16, v20;
	v20 =	vld [tilespmem:$0x1FDF0]  }
0x3be: {  	[tilespmem:$0x1FF10] =	vst v38;
	v60 =	vadd.s32 $0xC200, v49;
	v38 =	vld.idx.msk [tilespmem:v22+s2+$0x0], $0xffff  }
0x3bf: {  	[tilespmem:$0x1FF20] =	vst v57;
	v62 =	vadd.s32 $0xC200, v46;
	v57 =	vld.idx.msk [tilespmem:v10+s2+$0x0], $0xffff  }
0x3c0: {  	v13 =	vadd.f32 v12, v11;
	[tilespmem:$0x1FF60] =	vst v61;
	v61 =	vld [tilespmem:$0x1FC60]  }
0x3c1: {  	v30 =	vadd.s32 $0xC200, v41;
	v11 =	vld.idx.msk [tilespmem:v56+s2+$0x0], $0xffff  }
0x3c2: {  	v40 =	vadd.f32 v13, v8;
	v13 =	vld.idx.msk [tilespmem:v58+s2+$0x0], $0xffff  }
0x3c3: {  	v0 =	vadd.f32 v2, v0;
	v22 =	vld.idx.msk [tilespmem:v60+s2+$0x0], $0xffff  }
0x3c4: {  	v1 =	vadd.f32 v21, v1;
	v21 =	vadd.f32 v27, v26;
	v2 =	vmul.f32 v55, v14;
	v55 =	vld.idx.msk [tilespmem:v62+s2+$0x0], $0xffff  }
0x3c5: {  	v58 =	vld [tilespmem:$0x1FB10]  }
0x3c6: {  	v21 =	vadd.f32 v32, v21;
	v32 =	vld.idx.msk [tilespmem:v30+s2+$0x0], $0xffff  }
0x3c7: {  	v30 =	vld [tilespmem:$0x1FC10]  }
0x3c8: {  	v12 =	vadd.s32 $0xC200, v43;
	v60 =	vld [tilespmem:$0x1FC50]  }
0x3c9: {  	v18 =	vadd.f32 v40, v18;
	v40 =	vld [tilespmem:$0x1FAF0]  }
0x3ca: {  	[tilespmem:$0x1FF70] =	vst v6;
	v6 =	vld [tilespmem:$0x1FB40]  }
0x3cb: {  	[tilespmem:$0x1FFC0] =	vst v54;
	v54 =	vld [tilespmem:$0x1FBE0]  }
0x3cc: {  	[tilespmem:$0x1FF40] =	vst v57;
	v57 =	vld [tilespmem:$0x1FB00]  }
0x3cd: {  	v10 =	vmul.f32 v53, v14;
	v14 =	vadd.s32 $0xC200, v42;
	v62 =	vld.idx.msk [tilespmem:v12+s2+$0x0], $0xffff  }
0x3ce: {  	v31 =	vadd.s32 $0xC280, v52;
	[tilespmem:$0x1FF30] =	vst v38;
	v38 =	vadd.f32 v37, v33;
	v33 =	vld [tilespmem:$0x1FB80]  }
0x3cf: {  	v37 =	vld [tilespmem:$0x1FB90]  }
0x3d0: {  	v16 =	vadd.f32 v18, v16;
	v18 =	vld [tilespmem:$0x1FC70]  }
0x3d1: {  	v56 =	vadd.s32 $0xC200, v25;
	[tilespmem:$0x1FF80] =	vst v11;
	v11 =	vadd.f32 v10, v1;
	v10 =	vld [tilespmem:$0x1FB70]  }
0x3d2: {  	[tilespmem:$0x1FF90] =	vst v13;
	v13 =	vld.idx.msk [tilespmem:v14+s2+$0x0], $0xffff  }
0x3d3: {  	[tilespmem:$0x1FFE0] =	vst v32;
	v32 =	vadd.f32 v30, v29;
	v29 =	vld.idx.msk [tilespmem:v31+s2+$0x0], $0xffff  }
0x3d4: {  	v53 =	vadd.f32 v40, v39;
	v39 =	vld [tilespmem:$0x1FBB0]  }
0x3d5: {  	[tilespmem:$0x1FF50] =	vst v59;
	v40 =	vld [tilespmem:$0x1FBC0]  }
0x3d6: {  	[tilespmem:$0x1FFB0] =	vst v55;
	v55 =	vadd.s32 $0xC200, v24;
	v59 =	vadd.f32 v58, v57;
	v58 =	vld.idx.msk [tilespmem:v56+s2+$0x0], $0xffff  }
0x3d7: {  	v8 =	vadd.f32 v7, v6;
	v7 =	vadd.f32 v37, v33;
	v33 =	vld [tilespmem:$0x1FC20]  }
0x3d8: {  	v37 =	vld [tilespmem:$0x1FC30]  }
0x3d9: {  	v0 =	vadd.f32 v2, v0;
	v16 =	vmul.f32 v16, v17;
	v26 =	vadd.f32 v53, v38;
	v38 =	vld [tilespmem:$0x1FBA0]  }
0x3da: {  	v53 =	vld [tilespmem:$0x1FBD0]  }
0x3db: {  	v28 =	vadd.f32 v16, v0;
	v0 =	vadd.f32 v5, v4;
	v56 =	vld.idx.msk [tilespmem:v55+s2+$0x0], $0xffff  }
0x3dc: {  	v55 =	vld [tilespmem:$0x1FBF0]  }
0x3dd: {  	[tilespmem:$0x1FFA0] =	vst v22;
	v14 =	vadd.s32 $0xC200, v23;
	v22 =	vadd.f32 v0, v59;
	v59 =	vld [tilespmem:$0x1FC40]  }
0x3de: {  	v27 =	vadd.s32 $0xC200, v15;
	v0 =	vadd.f32 v18, v61;
	v61 =	vld [tilespmem:$0x1FCD0]  }
0x3df: {  	v12 =	vadd.f32 v10, v9;
	v18 =	vld [tilespmem:$0x1FDD0]  }
0x3e0: {  	v31 =	vadd.f32 v26, v21;
	v21 =	vld [tilespmem:$0x1FE00]  }
0x3e1: {  	v16 =	vadd.f32 v12, v8;
	v8 =	vld [tilespmem:$0x18B00]  }
0x3e2: {  	v5 =	vadd.f32 v53, v40;
	v53 =	vld.idx.msk [tilespmem:v14+s2+$0x0], $0xffff  }
0x3e3: {  	v9 =	vadd.s32 $0xC280, v51;
	v40 =	vld.idx.msk [tilespmem:v27+s2+$0x0], $0xffff  }
0x3e4: {  	v19 =	vadd.s32 $0xC280, v50;
	v6 =	vadd.f32 v39, v38;
	v38 =	vadd.f32 v37, v33;
	v33 =	vld [tilespmem:$0x1FC80]  }
0x3e5: {  	v37 =	vld [tilespmem:$0x1FC90]  }
0x3e6: {  	v39 =	vld [tilespmem:$0x1FCB0]  }
0x3e7: {  	v27 =	vld [tilespmem:s22+$0xC000]  }
0x3e8: {  	v10 =	vadd.s32 $0xC280, v44;
	v1 =	vadd.f32 v60, v59;
	v59 =	vld.idx.msk [tilespmem:v9+s2+$0x0], $0xffff  }
0x3e9: {  	v57 =	vadd.f32 v55, v54;
	v54 =	vld.idx.msk [tilespmem:v19+s2+$0x0], $0xffff  }
0x3ea: {  	v60 =	vld [tilespmem:$0x1FCC0]  }
0x3eb: {  	v19 =	vld [tilespmem:$0x1FDE0]  }
0x3ec: {  	v3 =	vadd.f32 v38, v32;
	v38 =	vld [tilespmem:$0x1FCA0]  }
0x3ed: {  	v4 =	vadd.f32 v57, v5;
	v57 =	vld.idx.msk [tilespmem:v10+s2+$0x0], $0xffff  }
0x3ee: {  	v55 =	vadd.s32 $0xC280, v48;
	v30 =	vmul.f32 v8, v17;
	v8 =	vld [tilespmem:s22+$0x8380]  }
0x3ef: {  	v6 =	vadd.f32 v6, v7;
	v5 =	vld [tilespmem:$0x1FCE0]  }
0x3f0: {  	[tilespmem:$0x1FFD0] =	vst v13;
	v32 =	vadd.f32 v16, v22;
	v13 =	vadd.f32 v30, v11;
	v11 =	vld [tilespmem:$0x18B80]  }
0x3f1: {  	v1 =	vadd.f32 v0, v1;
	v30 =	vld [tilespmem:$0x1FCF0]  }
0x3f2: {  	v16 =	vadd.s32 $0xC280, v46;
	v4 =	vadd.f32 v4, v6;
	v6 =	vadd.f32 v32, v31;
	v31 =	vld [tilespmem:$0x1FD00]  }
0x3f3: {  	v14 =	vadd.s32 $0xC280, v47;
	v1 =	vadd.f32 v1, v3;
	v55 =	vld.idx.msk [tilespmem:v55+s2+$0x0], $0xffff  }
0x3f4: {  	v22 =	vadd.f32 v60, v34;
	v34 =	vld [tilespmem:$0x1FD20]  }
0x3f5: {  	v12 =	vadd.f32 v1, v4;
	v4 =	vadd.f32 v33, v36;
	v33 =	vld [tilespmem:$0x1FD10]  }
0x3f6: {  	v9 =	vadd.f32 v38, v37;
	v38 =	vld [tilespmem:$0x1FD30]  }
0x3f7: {  	v37 =	vld.idx.msk [tilespmem:v16+s2+$0x0], $0xffff  }
0x3f8: {  	v36 =	vld.idx.msk [tilespmem:v14+s2+$0x0], $0xffff  }
0x3f9: {  	v3 =	vadd.s32 $0xC280, v45;
	v10 =	vadd.f32 v39, v35;
	v16 =	vld [tilespmem:$0x1FDC0]  }
0x3fa: {  	v35 =	vadd.s32 $0xC280, v43;
	v26 =	vadd.f32 v5, v61;
	v61 =	vld [tilespmem:$0x18C00]  }
0x3fb: {  	v10 =	vadd.f32 v22, v10;
	v22 =	vld [tilespmem:s22+$0xC080]  }
0x3fc: {  	v7 =	vadd.s32 $0xC280, v49;
	v5 =	vld [tilespmem:$0x1FDA0]  }
0x3fd: {  	v60 =	vadd.s32 $0xC280, v42;
	v9 =	vadd.f32 v9, v4;
	v4 =	vld [tilespmem:$0x1FD90]  }
0x3fe: {  	[tilespmem:$0x1FFF0] =	vst v29;
	v29 =	vadd.s32 $0xC280, v41;
	v39 =	vld.idx.msk [tilespmem:v3+s2+$0x0], $0xffff  }
0x3ff: {  	v35 =	vld.idx.msk [tilespmem:v35+s2+$0x0], $0xffff  }
0x400: {  	v32 =	vadd.f32 v31, v30;
	v31 =	vld [tilespmem:$0x1FD40]  }
0x401: {  	v63 =	vadd.f32 v63, v38;
	v38 =	vld.idx.msk [tilespmem:v7+s2+$0x0], $0xffff  }
0x402: {  	v6 =	vmul.f32 v6, v8;
	v0 =	vadd.f32 v34, v33;
	v34 =	vld.idx.msk [tilespmem:v60+s2+$0x0], $0xffff  }
0x403: {  	v33 =	vld.idx.msk [tilespmem:v29+s2+$0x0], $0xffff  }
0x404: {  	v6 =	vadd.f32 v6, v28;
	v30 =	vmul.f32 v12, v27;
	v17 =	vadd.f32 v32, v26;
	v32 =	vld [tilespmem:$0x1FD50]  }
0x405: {  	v60 =	vld [tilespmem:$0x1FD60]  }
0x406: {  	v14 =	vadd.f32 v30, v6;
	v6 =	vld [tilespmem:$0x1FDB0]  }
0x407: {  	v8 =	vmul.f32 v11, v8;
	v9 =	vadd.f32 v10, v9;
	v10 =	vadd.s32 $0xC280, v25;
	v29 =	vld [tilespmem:$0x1FE10]  }
0x408: {  	v3 =	vadd.f32 v18, v16;
	v16 =	vld [tilespmem:$0x1FEA0]  }
0x409: {  	v8 =	vadd.f32 v8, v13;
	v12 =	vmul.f32 v61, v27;
	v0 =	vadd.f32 v63, v0;
	v63 =	vld [tilespmem:$0x1FD80]  }
0x40a: {  	v61 =	vld [tilespmem:$0x1FD70]  }
0x40b: {  	v2 =	vadd.f32 v20, v19;
	v20 =	vadd.f32 v12, v8;
	v8 =	vld [tilespmem:$0x1FE70]  }
0x40c: {  	v11 =	vadd.s32 $0xC280, v24;
	v0 =	vadd.f32 v0, v17;
	v30 =	vld.idx.msk [tilespmem:v10+s2+$0x0], $0xffff  }
0x40d: {  	v26 =	vadd.s32 $0xC280, v15;
	v13 =	vadd.f32 v32, v31;
	v31 =	vld [tilespmem:$0x1FE20]  }
0x40e: {  	v7 =	vadd.f32 v0, v9;
	v9 =	vadd.s32 $0xC280, v23;
	v27 =	vadd.f32 v4, v63;
	v63 =	vld [tilespmem:$0x18C80]  }
0x40f: {  	v32 =	vld [tilespmem:$0x1FE30]  }
0x410: {  	v10 =	vld [tilespmem:$0x1FE80];
	v17 =	vadd.f32 v61, v60;
	v61 =	vadd.s32 $0xC300, v48  }
0x411: {  	v1 =	vadd.f32 v29, v21;
	v21 =	vld.idx.msk [tilespmem:v11+s2+$0x0], $0xffff  }
0x412: {  	v2 =	vadd.f32 v2, v3;
	v12 =	vadd.s32 $0xC300, v49;
	v18 =	vld.idx.msk [tilespmem:v26+s2+$0x0], $0xffff  }
0x413: {  	v28 =	vadd.f32 v6, v5;
	v7 =	vmul.f32 v7, v22;
	v19 =	vld.idx.msk [tilespmem:v9+s2+$0x0], $0xffff;
	v26 =	vmul.f32 v63, v22  }
0x414: {  	v6 =	vadd.s32 $0xC300, v52;
	v13 =	vadd.f32 v17, v13;
	v0 =	vadd.f32 v32, v31;
	v63 =	vld [tilespmem:$0x1FE50]  }
0x415: {  	v9 =	vadd.f32 v7, v14;
	v7 =	vadd.f32 v26, v20;
	v20 =	vld.idx.msk [tilespmem:v61+s2+$0x0], $0xffff  }
0x416: {  	v60 =	vadd.f32 v28, v27;
	v0 =	vadd.f32 v0, v1;
	v61 =	vld [tilespmem:$0x1FE40]  }
0x417: {  	v11 =	vld [tilespmem:$0x1FE90]  }
0x418: {  	v5 =	vadd.s32 $0xC300, v51;
	v12 =	vld.idx.msk [tilespmem:v12+s2+$0x0], $0xffff;
	v60 =	vadd.f32 v60, v13;
	v0 =	vadd.f32 v0, v2  }
0x419: {  	v32 =	vld.idx.msk [tilespmem:v6+s2+$0x0], $0xffff  }
0x41a: {  	v4 =	vadd.s32 $0xC300, v44;
	v6 =	vadd.f32 v0, v60;
	v60 =	vld [tilespmem:$0x1FEC0]  }
0x41b: {  	v14 =	vadd.f32 v63, v61;
	v61 =	vld [tilespmem:$0x1FED0]  }
0x41c: {  	v28 =	vld [tilespmem:$0x1FEB0]  }
0x41d: {  	v31 =	vld.idx.msk [tilespmem:v5+s2+$0x0], $0xffff  }
0x41e: {  	v27 =	vadd.f32 v11, v10;
	v11 =	vld [tilespmem:$0x1FF00]  }
0x41f: {  	v29 =	vld.idx.msk [tilespmem:v4+s2+$0x0], $0xffff  }
0x420: {  	v3 =	vadd.f32 v61, v60;
	v60 =	vld [tilespmem:$0x1FF10]  }
0x421: {  	v4 =	vld [tilespmem:$0x1FE60]  }
0x422: {  	v5 =	vadd.s32 $0xC300, v50;
	v10 =	vld [tilespmem:$0x1FEF0]  }
0x423: {  	v13 =	vadd.s32 $0xC300, v45;
	v22 =	vld [tilespmem:s22+$0xC100]  }
0x424: {  	v61 =	vld [tilespmem:$0x1FF20]  }
0x425: {  	v39 =	vadd.f32 v39, v54;
	v54 =	vadd.s32 $0xC380, v43;
	v1 =	vadd.f32 v60, v11;
	v60 =	vld [tilespmem:$0x1FF30]  }
0x426: {  	v17 =	vadd.f32 v8, v4;
	v8 =	vld [tilespmem:$0x1FEE0]  }
0x427: {  	v28 =	vadd.f32 v28, v16;
	v16 =	vld.idx.msk [tilespmem:v5+s2+$0x0], $0xffff  }
0x428: {  	v5 =	vadd.s32 $0xC300, v43;
	v13 =	vld.idx.msk [tilespmem:v13+s2+$0x0], $0xffff  }
0x429: {  	v18 =	vadd.f32 v18, v19;
	v63 =	vld [tilespmem:$0x18D00];
	v14 =	vadd.f32 v17, v14  }
0x42a: {  	v19 =	vld.idx.msk [tilespmem:v54+s2+$0x0], $0xffff;
	v4 =	vadd.s32 $0xC300, v47;
	v0 =	vadd.f32 v60, v61;
	v61 =	vadd.f32 v28, v27  }
0x42b: {  	v2 =	vadd.f32 v10, v8;
	v60 =	vld [tilespmem:$0x1FF40]  }
0x42c: {  	v14 =	vadd.f32 v61, v14;
	v61 =	vld [tilespmem:$0x1FF50]  }
0x42d: {  	v8 =	vld.idx.msk [tilespmem:v5+s2+$0x0], $0xffff;
	v5 =	vadd.s32 $0xC300, v41;
	v2 =	vadd.f32 v2, v3;
	v0 =	vadd.f32 v0, v1  }
0x42e: {  	v26 =	vadd.s32 $0xC300, v46;
	v17 =	vld [tilespmem:$0x18D80];
	v28 =	vmul.f32 v63, v22  }
0x42f: {  	v10 =	vld.idx.msk [tilespmem:v4+s2+$0x0], $0xffff;
	v0 =	vadd.f32 v0, v2  }
0x430: {  	v27 =	vmul.f32 v6, v22;
	v6 =	vadd.f32 v28, v7;
	v28 =	vld [tilespmem:$0x1FF80]  }
0x431: {  	v3 =	vadd.f32 v0, v14;
	v14 =	vadd.f32 v61, v60;
	v60 =	vld [tilespmem:$0x1FF90]  }
0x432: {  	v5 =	vld.idx.msk [tilespmem:v5+s2+$0x0], $0xffff  }
0x433: {  	v11 =	vld.idx.msk [tilespmem:v26+s2+$0x0], $0xffff;
	v26 =	vadd.s32 $0xC300, v24  }
0x434: {  	v63 =	vld [tilespmem:$0x1FF60]  }
0x435: {  	v22 =	vadd.s32 $0xC300, v42;
	v61 =	vld [tilespmem:$0x1FFA0]  }
0x436: {  	v28 =	vadd.f32 v60, v28;
	v60 =	vld [tilespmem:$0x1FFB0]  }
0x437: {  	v4 =	vadd.f32 v27, v9;
	v27 =	vld [tilespmem:$0x1FF70]  }
0x438: {  	v26 =	vld.idx.msk [tilespmem:v26+s2+$0x0], $0xffff;
	v9 =	vadd.s32 $0xC300, v25  }
0x439: {  	v7 =	vld [tilespmem:s22+$0xC180];
	v1 =	vadd.s32 $0xC300, v23  }
0x43a: {  	v22 =	vld.idx.msk [tilespmem:v22+s2+$0x0], $0xffff  }
0x43b: {  	v0 =	vadd.f32 v60, v61;
	v61 =	vld [tilespmem:$0x1FFC0]  }
0x43c: {  	v23 =	vadd.s32 $0xC380, v23;
	v27 =	vadd.f32 v27, v63;
	v63 =	vld [tilespmem:s22+$0xC200]  }
0x43d: {  	v56 =	vadd.f32 v56, v58;
	v40 =	vadd.f32 v40, v53;
	v2 =	vadd.s32 $0xC300, v15;
	v9 =	vld.idx.msk [tilespmem:v9+s2+$0x0], $0xffff  }
0x43e: {  	v52 =	vadd.s32 $0xC380, v52;
	v1 =	vld.idx.msk [tilespmem:v1+s2+$0x0], $0xffff  }
0x43f: {  	v40 =	vadd.f32 v40, v56;
	v37 =	vadd.f32 v37, v38;
	v48 =	vadd.s32 $0xC380, v48;
	v60 =	vld [tilespmem:$0x1FFD0]  }
0x440: {  	v58 =	vadd.s32 $0xC380, v50;
	v35 =	vadd.f32 v35, v36;
	v62 =	vadd.f32 v62, v61;
	v61 =	vld [tilespmem:$0x1FFE0]  }
0x441: {  	v33 =	vadd.f32 v33, v34;
	v37 =	vadd.f32 v37, v39;
	v43 =	vld.idx.msk [tilespmem:v23+s2+$0x0], $0xffff;
	v3 =	vmul.f32 v3, v7  }
0x442: {  	v49 =	vadd.s32 $0xC380, v49;
	v21 =	vadd.f32 v21, v30;
	v14 =	vadd.f32 v27, v14;
	v2 =	vld.idx.msk [tilespmem:v2+s2+$0x0], $0xffff  }
0x443: {  	v27 =	vadd.s32 $0xC380, v51;
	v3 =	vadd.f32 v3, v4;
	v4 =	vmul.f32 v17, v7;
	v17 =	vld.idx.msk [tilespmem:v52+s2+$0x0], $0xffff  }
0x444: {  	v33 =	vadd.f32 v33, v35;
	v52 =	vld.idx.msk [tilespmem:v48+s2+$0x0], $0xffff;
	v0 =	vadd.f32 v0, v28;
	v28 =	vadd.s32 $0xC380, v44  }
0x445: {  	v18 =	vadd.f32 v18, v21;
	v24 =	vadd.s32 $0xC380, v24;
	v7 =	vld.idx.msk [tilespmem:v58+s2+$0x0], $0xffff;
	v60 =	vadd.f32 v61, v60  }
0x446: {  	v31 =	vadd.f32 v31, v32;
	v20 =	vadd.f32 v20, v29;
	v15 =	vadd.s32 $0xC380, v15;
	v61 =	vld [tilespmem:$0x1FFF0]  }
0x447: {  	v18 =	vadd.f32 v18, v33;
	v58 =	vld.idx.msk [tilespmem:v49+s2+$0x0], $0xffff;
	v53 =	vadd.f32 v60, v62;
	v60 =	vadd.s32 $0xC380, v45  }
0x448: {  	v13 =	vadd.f32 v13, v16;
	v8 =	vadd.f32 v8, v10;
	v51 =	vadd.s32 $0xC380, v46;
	v27 =	vld.idx.msk [tilespmem:v27+s2+$0x0], $0xffff  }
0x449: {  	v0 =	vadd.f32 v0, v14;
	v28 =	vld.idx.msk [tilespmem:v28+s2+$0x0], $0xffff;
	v14 =	vadd.f32 v40, v53;
	v53 =	vadd.s32 $0xC380, v47  }
0x44a: {  	v11 =	vadd.f32 v11, v12;
	v62 =	vadd.f32 v55, v57;
	v57 =	vadd.s32 $0xC380, v42;
	v42 =	vld.idx.msk [tilespmem:v24+s2+$0x0], $0xffff  }
0x44b: {  	v5 =	vadd.f32 v5, v22;
	v45 =	vld.idx.msk [tilespmem:v15+s2+$0x0], $0xffff;
	v44 =	vadd.f32 v59, v61;
	v59 =	vadd.s32 $0xC380, v41  }
0x44c: {  	v9 =	vadd.f32 v26, v9;
	v1 =	vadd.f32 v2, v1;
	v61 =	vadd.s32 $0xC380, v25;
	v56 =	vld.idx.msk [tilespmem:v60+s2+$0x0], $0xffff  }
0x44d: {  	v11 =	vadd.f32 v11, v13;
	v55 =	vadd.f32 v62, v44;
	v60 =	vld.idx.msk [tilespmem:v51+s2+$0x0], $0xffff  }
0x44e: {  	v5 =	vadd.f32 v5, v8;
	v1 =	vadd.f32 v1, v9;
	v36 =	vld.idx.msk [tilespmem:v53+s2+$0x0], $0xffff  }
0x44f: {  	v48 =	vadd.f32 v27, v17;
	v62 =	vadd.f32 v37, v55;
	v37 =	vld.idx.msk [tilespmem:v57+s2+$0x0], $0xffff  }
0x450: {  	v49 =	vadd.f32 v52, v28;
	v41 =	vadd.f32 v20, v31;
	v38 =	vld.idx.msk [tilespmem:v59+s2+$0x0], $0xffff  }
0x451: {  	v4 =	vadd.f32 v4, v6;
	v1 =	vadd.f32 v1, v5;
	v40 =	vld.idx.msk [tilespmem:v61+s2+$0x0], $0xffff  }
0x452: {  	v46 =	vld [tilespmem:$0x18E00];
	v54 =	vadd.f32 v49, v48;
	v11 =	vadd.f32 v11, v41  }
0x453: {  	v50 =	vld [tilespmem:$0x18E80];
	v0 =	vadd.f32 v14, v0;
	v8 =	vadd.f32 v45, v43  }
0x454: {  	v47 =	vld [tilespmem:s22+$0xC280];
	v1 =	vadd.f32 v1, v11;
	v7 =	vadd.f32 v56, v7  }
0x455: {  	v52 =	vld [tilespmem:$0x18F00];
	v6 =	vadd.f32 v60, v58;
	v19 =	vadd.f32 v19, v36  }
0x456: {  	v51 =	vld [tilespmem:s22+$0xC300];
	v0 =	vmul.f32 v0, v63;
	v10 =	vadd.f32 v38, v37;
	v2 =	vadd.f32 v42, v40  }
0x457: {  	v53 =	vmul.f32 v46, v63;
	v55 =	vld [tilespmem:s22+$0xC380];
	v44 =	vadd.f32 v18, v62;
	v6 =	vadd.f32 v6, v7  }
0x458: {  	v56 =	vld [tilespmem:$0x18F80];
	v10 =	vadd.f32 v10, v19;
	v2 =	vadd.f32 v8, v2  }
0x459: {  	v57 =	vmul.f32 v50, v47;
	v0 =	vadd.f32 v0, v3;
	v4 =	vadd.f32 v53, v4  }
0x45a: {  	v3 =	vmul.f32 v44, v47;
	v58 =	vadd.f32 v6, v54;
	v2 =	vadd.f32 v2, v10  }
0x45b: {  	v59 =	vmul.f32 v52, v51;
	v4 =	vadd.f32 v57, v4  }
0x45c: {  	v1 =	vmul.f32 v1, v51;
	v0 =	vadd.f32 v3, v0;
	v2 =	vadd.f32 v2, v58  }
0x45d: {  	p0 =	sne.s32 s21, $0x7F0;
	v60 =	vadd.f32 v59, v4;
	v61 =	vmul.f32 v56, v55  }
.Ltmp0:
0x45e: {  	v0 =	vadd.f32 v1, v0;
	v62 =	vmul.f32 v2, v55;
	(pc) =	sbr.rel @p0 .LBB2_2-.Ltmp0, $4  }
0x45f: {  	v63 =	vadd.f32 v61, v60  }
0x460: {  	v0 =	vadd.f32 v62, v0  }
0x461: {  	s19 =	sadd.s32 $0x1, s19;
	s21 =	sadd.s32 $0x10, s21;
	[tilespmem:s18+$0x0] =	vst v63  }
0x462: {  	s20 =	sadd.s32 $0x80, s20;
	s18 =	sadd.s32 $0x10, s18;
	[tilespmem:s17+$0x0] =	vst v0;
	s17 =	sadd.s32 $0x10, s17  }
0x463: {  	[hbm4b:s6+s12] =	stream.strided.scatter [tilespmem:s14], [sflag:$0x1], $0x800, s13, s12, $0x38;
	[tilespmem:$0x1A000] =	vst v63  }
0x464: {  	s16 =	sadd.s32 $0x1, s16;
	_ =	swait.ge [sflag:s9], $0x800  }
0x465: {  	p0 =	sne.s32 s16, s8;
	[sflag:s9] =	ssyncset.done $0x0  }
.Ltmp1:
0x466: {  	[sflag:s9] =	ssyncadd.s32 $0xFFFFF800;
	(pc) =	sbr.rel @p0 .LBB2_1-.Ltmp1, $4  }
0x467: {  	[hbm4b:s7+s12] =	stream.strided.scatter [tilespmem:s15], [sflag:$0x1], $0x800, s13, s12, $0x38;
	[tilespmem:$0x1A000] =	vst v63  }
0x468: {  	_ =	swait.ge [sflag:s9], $0x800  }
0x469: {  	[sflag:s9] =	ssyncset.done $0x0  }
0x46a: {  	[sflag:s9] =	ssyncadd.s32 $0xFFFFF800  }
0x46b: {  	_ =	sfence.sel $0x180000  }
0x46c: {  	[bflag:$0x0] =	sbarrier.arrive $0xFFFF  }
0x46d: {  	p0 =	sne.s32 s1, $0x0;
	_ =	strace $0x90000047  }
0x46e: {  	s0 =	sadd.s32 @!p0 $0x100000, s0;
	[bflag:$0x2] =	sbarrier.arrive $0xFFFF  }
0x46f: {  	[sflag:s0] =	ssyncadd.tile.s32 @!p0 $0x1;
	_ =	shalt  }
.Lfunc_end2:
_tile_overlayer_lowered:
.L_overlay_start_2:
0x470: {  	(tag) =	ssettag $0x2  }
0x471: {  	s0 =	rddreg [dreg:$0x0];
	s2 =	stileid.u32  }
0x472: {  	s1 =	rddreg [dreg:$0x1];
	p0 =	sne.s32 s2, $0x0  }
0x473: {  	s3 =	rddreg [dreg:$0x2];
	[bflag:$0x3] =	sbarrier.arrive $0xFFFF;
	s2 =	simm.s32 @!p0 $0x1C01  }
0x474: {  	[timem:s3], [sflag:s2] =	dma.local @!p0 [hbm:s0], s1  }
0x475: {  	s0 =	simm.s32 @!p0 $0x1  }
0x476: {  	_ =	swait.ge @!p0 [sflag:s0], s1  }
0x477: {  	s1 =	ssub.s32 @!p0 $0x0, s1;
	[sflag:s0] =	ssyncset.done @!p0 $0x0  }
0x478: {  	[sflag:s0] =	ssyncadd.s32 @!p0 s1  }
0x479: {  	[bflag:$0x3] =	sbarrier.arrive $0xFFFF  }
0x47a: {  	_ =	shalt  }

</sc_bundles>
